<compile_context>
chip_gen: v7x
topology: tpu7x:2x2x1
jax: 0.10.2.dev20260603
libtpu: 0.0.44.dev20260713+nightly
codegen_flags: <defaults>
</compile_context>

<pallas_src>
import functools

import jax
import jax.numpy as jnp
from jax import lax
from jax.experimental import pallas as pl
from jax.experimental.pallas import tpu as pltpu
from jax.experimental.pallas import tpu_sc as plsc

_ROWS = 4096
_COLS = 2048
_N = _ROWS * _COLS
_K = max(1, int(_N * 0.01))

_NC = 2
_NS = 16
_NW = _NC * _NS
_PER_TILE = _N // _NW
_CHUNK = 16384
_NCHUNK = _PER_TILE // _CHUNK
_NBUF = 4
_UNROLL = 8

_SHIFT = 16
_NBINS = 1 << (31 - _SHIFT)
_NB_BITS = 31 - _SHIFT

_CAP = 1024

_MASK31 = 0x7FFFFFFF

_mesh = plsc.VectorSubcoreMesh(core_axis_name="c", subcore_axis_name="s")
_sc_params = pltpu.CompilerParams(needs_layout_passes=False)

_NBLK = 32
_RB = _ROWS // _NBLK


def _ring_sweep(x_hbm, base, bufs, sems, process_buf, carry_init=0):

    def start(c, slot):
        pltpu.async_copy(
            x_hbm.at[pl.ds(base + c * _CHUNK, _CHUNK)], bufs[slot], sems[slot]
        )

    for c in range(_NBUF - 1):
        start(c, c)

    def group(g, carry):
        for b in range(_NBUF):
            c = g * _NBUF + b
            pltpu.make_async_copy(
                x_hbm.at[pl.ds(base + c * _CHUNK, _CHUNK)], bufs[b], sems[b]
            ).wait()
            nxt = c + _NBUF - 1

            @pl.when(nxt < _NCHUNK)
            def _prefetch():
                start(nxt, (b + _NBUF - 1) % _NBUF)

            carry = process_buf(bufs[b], base + c * _CHUNK, carry)
        return carry

    return lax.fori_loop(0, _NCHUNK // _NBUF, group, carry_init)


@functools.partial(
    pl.kernel,
    out_type=jax.ShapeDtypeStruct((_NW, _NBINS), jnp.int32),
    mesh=_mesh,
    compiler_params=_sc_params,
    scratch_types=[
        pltpu.VMEM((_NBINS,), jnp.int32),
        [pltpu.VMEM((_CHUNK,), jnp.float32)] * _NBUF,
        [pltpu.SemaphoreType.DMA] * _NBUF,
    ],
)
def _sc_hist(x_hbm, out_hbm, hist_v, bufs, sems):
    wid = lax.axis_index("s") * _NC + lax.axis_index("c")
    zero16 = jnp.zeros((16,), jnp.int32)
    one16 = jnp.ones((16,), jnp.int32)

    def zstep(j, c):
        for s in range(_UNROLL):
            hist_v[pl.ds((j * _UNROLL + s) * 16, 16)] = zero16
        return c

    lax.fori_loop(0, _NBINS // (16 * _UNROLL), zstep, 0)

    def process(buf, cbase, carry):
        def vec_step(j, cc):
            bns = []
            for s in range(_UNROLL):
                v = buf[pl.ds((j * _UNROLL + s) * 16, 16)]
                u = plsc.bitcast(v, jnp.int32) & _MASK31
                bns.append(lax.shift_right_logical(u, _SHIFT))
            for bn in bns:
                plsc.addupdate_scatter(hist_v, [bn], one16)
            return cc

        lax.fori_loop(0, _CHUNK // (16 * _UNROLL), vec_step, 0)
        return carry

    _ring_sweep(x_hbm, wid * _PER_TILE, bufs, sems, process)
    pltpu.sync_copy(hist_v, out_hbm.at[wid])


def _tc_scan_body(h_ref, o_ref):
    hs = jnp.sum(h_ref[...], axis=0, keepdims=True)
    iota = lax.broadcasted_iota(jnp.int32, (1, _NBINS), 1)

    def step(j, t):
        cand = t | (jnp.int32(1) << (jnp.int32(_NB_BITS - 1) - j))
        cnt = jnp.sum(jnp.where(iota >= cand, hs, 0))
        return jnp.where(cnt >= _K, cand, t)

    bstar = lax.fori_loop(0, _NB_BITS, step, jnp.int32(0))
    above = jnp.sum(jnp.where(iota > bstar, hs, 0))
    r = jnp.int32(_K) - above
    lane = lax.broadcasted_iota(jnp.int32, (1, 128), 1)
    o_ref[...] = jnp.where(lane < 16, bstar, r).reshape(128)


def _tc_scan(hists):
    return pl.pallas_call(
        _tc_scan_body,
        out_shape=jax.ShapeDtypeStruct((128,), jnp.int32),
    )(hists)


@functools.partial(
    pl.kernel,
    out_type=(
        jax.ShapeDtypeStruct((_NW, _CAP), jnp.int32),
        jax.ShapeDtypeStruct((_NW, _CAP), jnp.int32),
    ),
    mesh=_mesh,
    compiler_params=_sc_params,
    scratch_types=[
        pltpu.VMEM((_CAP,), jnp.int32),
        pltpu.VMEM((_CAP,), jnp.int32),
        pltpu.VMEM((16,), jnp.int32),
        [pltpu.VMEM((_CHUNK,), jnp.float32)] * _NBUF,
        [pltpu.SemaphoreType.DMA] * _NBUF,
    ],
)
def _sc_compact(x_hbm, info_hbm, outv_hbm, outi_hbm, val_v, idx_v, info_v, bufs, sems):
    wid = lax.axis_index("s") * _NC + lax.axis_index("c")
    pltpu.sync_copy(info_hbm.at[pl.ds(0, 16)], info_v)
    bstar = info_v[...]
    neg16 = jnp.full((16,), -1, jnp.int32)
    lane = jnp.arange(16, dtype=jnp.int32)

    def istep(j, c):
        for s in range(_UNROLL):
            val_v[pl.ds((j * _UNROLL + s) * 16, 16)] = neg16
        return c

    lax.fori_loop(0, _CAP // (16 * _UNROLL), istep, 0)

    def process(buf, cbase, off):
        def vec_step(j, off):
            us, ms, gs = [], [], []
            for s in range(_UNROLL):
                o = (j * _UNROLL + s) * 16
                v = buf[pl.ds(o, 16)]
                u = plsc.bitcast(v, jnp.int32) & _MASK31
                us.append(u)
                ms.append(lax.shift_right_logical(u, _SHIFT) == bstar)
                gs.append(cbase + o + lane)
            css = [plsc.cumsum(m.astype(jnp.int32)) for m in ms]
            pcs = [plsc.all_reduce_population_count(m) for m in ms]
            offs = [off]
            for s in range(_UNROLL - 1):
                offs.append(offs[-1] + pcs[s])
            for s in range(_UNROLL):
                pos = offs[s] + css[s] - 1
                okm = ms[s] & (pos < _CAP)
                plsc.store_scatter(val_v, [pos], us[s], mask=okm)
                plsc.store_scatter(idx_v, [pos], gs[s], mask=okm)
            return offs[-1] + pcs[-1]

        return lax.fori_loop(0, _CHUNK // (16 * _UNROLL), vec_step, off)

    _ring_sweep(
        x_hbm, wid * _PER_TILE, bufs, sems, process,
        carry_init=jnp.zeros((16,), jnp.int32),
    )
    pltpu.sync_copy(val_v, outv_hbm.at[wid])
    pltpu.sync_copy(idx_v, outi_hbm.at[wid])


def _tc_mask_body(info_ref, x_ref, cv_ref, ci_ref, o_ref, t_ref):
    i = pl.program_id(0)

    @pl.when(i == 0)
    def _search():
        r = info_ref[16]
        cu = cv_ref[...]
        ci = ci_ref[...]

        def step(j, t):
            cand = t | (jnp.int32(1) << (jnp.int32(_SHIFT - 1) - j))
            cnt = jnp.sum((cu >= cand).astype(jnp.int32))
            return jnp.where(cnt >= r, cand, t)

        t = lax.fori_loop(
            0, _SHIFT, step, lax.shift_left(info_ref[0], jnp.int32(_SHIFT))
        )
        d = r - jnp.sum((cu > t).astype(jnp.int32))
        tie = cu == t

        def istep(j, c):
            cand = c | (jnp.int32(1) << (jnp.int32(23) - j))
            cnt = jnp.sum((tie & (ci < cand)).astype(jnp.int32))
            return jnp.where(cnt <= d - 1, cand, c)

        t_ref[0] = t
        t_ref[1] = lax.fori_loop(0, 24, istep, jnp.int32(0))

    t = t_ref[0]
    cutoff = t_ref[1]
    xb = x_ref[...]
    ub = lax.bitcast_convert_type(xb, jnp.int32) & _MASK31
    flat = (
        i * (_RB * _COLS)
        + lax.broadcasted_iota(jnp.int32, (_RB, _COLS), 0) * _COLS
        + lax.broadcasted_iota(jnp.int32, (_RB, _COLS), 1)
    )
    keep = (ub > t) | ((ub == t) & (flat <= cutoff))
    o_ref[...] = jnp.where(keep, xb, jnp.float32(0.0))


def _tc_mask(info, flat2d, cv, ci):
    return pl.pallas_call(
        _tc_mask_body,
        grid=(_NBLK,),
        in_specs=[
            pl.BlockSpec(memory_space=pltpu.SMEM),
            pl.BlockSpec((_RB, _COLS), lambda i: (i, 0)),
            pl.BlockSpec((_NW, _CAP), lambda i: (0, 0)),
            pl.BlockSpec((_NW, _CAP), lambda i: (0, 0)),
        ],
        out_specs=pl.BlockSpec((_RB, _COLS), lambda i: (i, 0)),
        out_shape=jax.ShapeDtypeStruct((_ROWS, _COLS), jnp.float32),
        scratch_shapes=[pltpu.SMEM((2,), jnp.int32)],
    )(info, flat2d, cv, ci)


def kernel(x):
    flat = x.reshape(-1)
    hists = _sc_hist(flat)
    info = _tc_scan(hists)
    cv, ci = _sc_compact(flat, info)
    out = _tc_mask(info, x.reshape(_ROWS, _COLS), cv, ci)
    return out.reshape(x.shape)

# --- scband reference (transcript-rebuilt; emitter-appended) ---
"""Pipeline reference for scband-top-kcompressor-33440615367098 (READ-ONLY COPY).

The authoritative reference and input builder live on the scoring server;
editing this copy changes nothing except your own understanding.
"""

import jax, jax.numpy as jnp
import numpy as np

COMPRESSION_RATIO = 0.01

def setup_inputs(seed: int = 0) -> dict:
    key = jax.random.key(seed)
    x = jax.random.normal(key, (2, 2048, 2048), dtype=jnp.float32)
    return {"x": x}

def reference(x):
    numel = int(np.prod(x.shape))
    k = max(1, int(numel * COMPRESSION_RATIO))
    flat = x.reshape(-1)
    abs_x = jnp.abs(flat)
    _, topk_indices = jax.lax.top_k(abs_x, k)
    mask = jnp.zeros_like(abs_x).at[topk_indices].set(1.0)
    compressed_x = (flat * mask).reshape(x.shape)
    return compressed_x

if __name__ == "__main__":
    import jax
    _d = setup_inputs()
    print(jax.jit(kernel)(*tuple(_d.values())))

</pallas_src>

<mosaic_0001>
#map = affine_map<(d0, d1) -> (0)>
#map1 = affine_map<(d0, d1) -> (0, 0)>
module attributes {stable_mosaic.version = 14 : i64} {
  func.func @_sc_hist(%arg0: i32, %arg1: i32, %arg2: memref<8388608xf32, #tpu.memory_space<hbm>>, %arg3: memref<32x32768xi32, #tpu.memory_space<hbm>>, %arg4: memref<32768xi32, #tpu.memory_space<vmem>>, %arg5: memref<16384xf32, #tpu.memory_space<vmem>>, %arg6: memref<16384xf32, #tpu.memory_space<vmem>>, %arg7: memref<16384xf32, #tpu.memory_space<vmem>>, %arg8: memref<16384xf32, #tpu.memory_space<vmem>>, %arg9: memref<!tpu.dma_semaphore, #tpu.memory_space<semaphore_mem>>, %arg10: memref<!tpu.dma_semaphore, #tpu.memory_space<semaphore_mem>>, %arg11: memref<!tpu.dma_semaphore, #tpu.memory_space<semaphore_mem>>, %arg12: memref<!tpu.dma_semaphore, #tpu.memory_space<semaphore_mem>>) attributes {dimension_semantics = [#tpu.dimension_semantics<core_parallel>, #tpu.dimension_semantics<subcore_parallel>], iteration_bounds = array<i64: 2, 16>, scalar_prefetch = 0 : i64, scratch_operands = 9 : i64, tpu.core_type = #tpu.core_type<sc_vector_subcore>, window_params = [{transform_indices = #map}, {transform_indices = #map1}]} {
    %mul3A = arith.constant 2 : i32
    %mul3A_0 = arith.muli %arg1, %mul3A : i32
    %add3A = arith.addi %mul3A_0, %arg0 : i32
    %broadcast_in_dim3A = arith.constant 0 : i32
    %broadcast_in_dim3A_1 = vector.broadcast %broadcast_in_dim3A : i32 to vector<16xi32>
    %broadcast_in_dim3A_2 = arith.constant 1 : i32
    %broadcast_in_dim3A_3 = vector.broadcast %broadcast_in_dim3A_2 : i32 to vector<16xi32>
    %scan3A = arith.constant 0 : i32
    %scan3A_4 = arith.constant 0 : i32
    %scan3A_5 = arith.constant 256 : i32
    %scan3A_6 = arith.addi %scan3A_4, %scan3A_5 : i32
    %scan3A_7 = arith.constant 1 : i32
    scf.for %scan3A_28 = %scan3A_4 to %scan3A_6 step %scan3A_7  : i32 {
      %mul3A_29 = arith.constant 8 : i32
      %mul3A_30 = arith.muli %scan3A_28, %mul3A_29 : i32
      %add3A_31 = arith.constant 0 : i32
      %add3A_32 = arith.addi %mul3A_30, %add3A_31 : i32
      %mul3A_33 = arith.constant 16 : i32
      %mul3A_34 = arith.muli %add3A_32, %mul3A_33 : i32
      %swap3A = arith.index_cast %mul3A_34 : i32 to index
      %swap3A_35 = tpu.vector_load %arg4[%swap3A] {strides = array<i32>} : memref<32768xi32, #tpu.memory_space<vmem>>, vector<16xi32>,
      tpu.vector_store %arg4[%swap3A], %broadcast_in_dim3A_1 {strides = array<i32>} : memref<32768xi32, #tpu.memory_space<vmem>>, vector<16xi32>,
      %mul3A_36 = arith.constant 8 : i32
      %mul3A_37 = arith.muli %scan3A_28, %mul3A_36 : i32
      %add3A_38 = arith.constant 1 : i32
      %add3A_39 = arith.addi %mul3A_37, %add3A_38 : i32
      %mul3A_40 = arith.constant 16 : i32
      %mul3A_41 = arith.muli %add3A_39, %mul3A_40 : i32
      %swap3A_42 = arith.index_cast %mul3A_41 : i32 to index
      %swap3A_43 = tpu.vector_load %arg4[%swap3A_42] {strides = array<i32>} : memref<32768xi32, #tpu.memory_space<vmem>>, vector<16xi32>,
      tpu.vector_store %arg4[%swap3A_42], %broadcast_in_dim3A_1 {strides = array<i32>} : memref<32768xi32, #tpu.memory_space<vmem>>, vector<16xi32>,
      %mul3A_44 = arith.constant 8 : i32
      %mul3A_45 = arith.muli %scan3A_28, %mul3A_44 : i32
      %add3A_46 = arith.constant 2 : i32
      %add3A_47 = arith.addi %mul3A_45, %add3A_46 : i32
      %mul3A_48 = arith.constant 16 : i32
      %mul3A_49 = arith.muli %add3A_47, %mul3A_48 : i32
      %swap3A_50 = arith.index_cast %mul3A_49 : i32 to index
      %swap3A_51 = tpu.vector_load %arg4[%swap3A_50] {strides = array<i32>} : memref<32768xi32, #tpu.memory_space<vmem>>, vector<16xi32>,
      tpu.vector_store %arg4[%swap3A_50], %broadcast_in_dim3A_1 {strides = array<i32>} : memref<32768xi32, #tpu.memory_space<vmem>>, vector<16xi32>,
      %mul3A_52 = arith.constant 8 : i32
      %mul3A_53 = arith.muli %scan3A_28, %mul3A_52 : i32
      %add3A_54 = arith.constant 3 : i32
      %add3A_55 = arith.addi %mul3A_53, %add3A_54 : i32
      %mul3A_56 = arith.constant 16 : i32
      %mul3A_57 = arith.muli %add3A_55, %mul3A_56 : i32
      %swap3A_58 = arith.index_cast %mul3A_57 : i32 to index
      %swap3A_59 = tpu.vector_load %arg4[%swap3A_58] {strides = array<i32>} : memref<32768xi32, #tpu.memory_space<vmem>>, vector<16xi32>,
      tpu.vector_store %arg4[%swap3A_58], %broadcast_in_dim3A_1 {strides = array<i32>} : memref<32768xi32, #tpu.memory_space<vmem>>, vector<16xi32>,
      %mul3A_60 = arith.constant 8 : i32
      %mul3A_61 = arith.muli %scan3A_28, %mul3A_60 : i32
      %add3A_62 = arith.constant 4 : i32
      %add3A_63 = arith.addi %mul3A_61, %add3A_62 : i32
      %mul3A_64 = arith.constant 16 : i32
      %mul3A_65 = arith.muli %add3A_63, %mul3A_64 : i32
      %swap3A_66 = arith.index_cast %mul3A_65 : i32 to index
      %swap3A_67 = tpu.vector_load %arg4[%swap3A_66] {strides = array<i32>} : memref<32768xi32, #tpu.memory_space<vmem>>, vector<16xi32>,
      tpu.vector_store %arg4[%swap3A_66], %broadcast_in_dim3A_1 {strides = array<i32>} : memref<32768xi32, #tpu.memory_space<vmem>>, vector<16xi32>,
      %mul3A_68 = arith.constant 8 : i32
      %mul3A_69 = arith.muli %scan3A_28, %mul3A_68 : i32
      %add3A_70 = arith.constant 5 : i32
      %add3A_71 = arith.addi %mul3A_69, %add3A_70 : i32
      %mul3A_72 = arith.constant 16 : i32
      %mul3A_73 = arith.muli %add3A_71, %mul3A_72 : i32
      %swap3A_74 = arith.index_cast %mul3A_73 : i32 to index
      %swap3A_75 = tpu.vector_load %arg4[%swap3A_74] {strides = array<i32>} : memref<32768xi32, #tpu.memory_space<vmem>>, vector<16xi32>,
      tpu.vector_store %arg4[%swap3A_74], %broadcast_in_dim3A_1 {strides = array<i32>} : memref<32768xi32, #tpu.memory_space<vmem>>, vector<16xi32>,
      %mul3A_76 = arith.constant 8 : i32
      %mul3A_77 = arith.muli %scan3A_28, %mul3A_76 : i32
      %add3A_78 = arith.constant 6 : i32
      %add3A_79 = arith.addi %mul3A_77, %add3A_78 : i32
      %mul3A_80 = arith.constant 16 : i32
      %mul3A_81 = arith.muli %add3A_79, %mul3A_80 : i32
      %swap3A_82 = arith.index_cast %mul3A_81 : i32 to index
      %swap3A_83 = tpu.vector_load %arg4[%swap3A_82] {strides = array<i32>} : memref<32768xi32, #tpu.memory_space<vmem>>, vector<16xi32>,
      tpu.vector_store %arg4[%swap3A_82], %broadcast_in_dim3A_1 {strides = array<i32>} : memref<32768xi32, #tpu.memory_space<vmem>>, vector<16xi32>,
      %mul3A_84 = arith.constant 8 : i32
      %mul3A_85 = arith.muli %scan3A_28, %mul3A_84 : i32
      %add3A_86 = arith.constant 7 : i32
      %add3A_87 = arith.addi %mul3A_85, %add3A_86 : i32
      %mul3A_88 = arith.constant 16 : i32
      %mul3A_89 = arith.muli %add3A_87, %mul3A_88 : i32
      %swap3A_90 = arith.index_cast %mul3A_89 : i32 to index
      %swap3A_91 = tpu.vector_load %arg4[%swap3A_90] {strides = array<i32>} : memref<32768xi32, #tpu.memory_space<vmem>>, vector<16xi32>,
      tpu.vector_store %arg4[%swap3A_90], %broadcast_in_dim3A_1 {strides = array<i32>} : memref<32768xi32, #tpu.memory_space<vmem>>, vector<16xi32>,
    }
    %scan3A_8 = arith.constant 256 : i32
    %mul3A_9 = arith.constant 262144 : i32
    %mul3A_10 = arith.muli %add3A, %mul3A_9 : i32
    %add3A_11 = arith.constant 0 : i32
    %add3A_12 = arith.addi %mul3A_10, %add3A_11 : i32
    %dma_start3A = tpu.memref_slice %arg2[%add3A_12] : memref<8388608xf32, #tpu.memory_space<hbm>> -> memref<16384xf32, #tpu.memory_space<hbm>>
    %dma_start3A_13 = tpu.memref_slice %arg2[%add3A_12] : memref<8388608xf32, #tpu.memory_space<hbm>> -> memref<16384xf32, #tpu.memory_space<hbm>>
    tpu.enqueue_dma source(%dma_start3A_13 : memref<16384xf32, #tpu.memory_space<hbm>>) target(%arg5 : memref<16384xf32, #tpu.memory_space<vmem>>) target_semaphore(%arg9 : memref<!tpu.dma_semaphore, #tpu.memory_space<semaphore_mem>>)
    %add3A_14 = arith.constant 16384 : i32
    %add3A_15 = arith.addi %mul3A_10, %add3A_14 : i32
    %dma_start3A_16 = tpu.memref_slice %arg2[%add3A_15] : memref<8388608xf32, #tpu.memory_space<hbm>> -> memref<16384xf32, #tpu.memory_space<hbm>>
    %dma_start3A_17 = tpu.memref_slice %arg2[%add3A_15] : memref<8388608xf32, #tpu.memory_space<hbm>> -> memref<16384xf32, #tpu.memory_space<hbm>>
    tpu.enqueue_dma source(%dma_start3A_17 : memref<16384xf32, #tpu.memory_space<hbm>>) target(%arg6 : memref<16384xf32, #tpu.memory_space<vmem>>) target_semaphore(%arg10 : memref<!tpu.dma_semaphore, #tpu.memory_space<semaphore_mem>>)
    %add3A_18 = arith.constant 32768 : i32
    %add3A_19 = arith.addi %mul3A_10, %add3A_18 : i32
    %dma_start3A_20 = tpu.memref_slice %arg2[%add3A_19] : memref<8388608xf32, #tpu.memory_space<hbm>> -> memref<16384xf32, #tpu.memory_space<hbm>>
    %dma_start3A_21 = tpu.memref_slice %arg2[%add3A_19] : memref<8388608xf32, #tpu.memory_space<hbm>> -> memref<16384xf32, #tpu.memory_space<hbm>>
    tpu.enqueue_dma source(%dma_start3A_21 : memref<16384xf32, #tpu.memory_space<hbm>>) target(%arg7 : memref<16384xf32, #tpu.memory_space<vmem>>) target_semaphore(%arg11 : memref<!tpu.dma_semaphore, #tpu.memory_space<semaphore_mem>>)
    %scan3A_22 = arith.constant 0 : i32
    %scan3A_23 = arith.constant 0 : i32
    %scan3A_24 = arith.constant 4 : i32
    %scan3A_25 = arith.addi %scan3A_23, %scan3A_24 : i32
    %scan3A_26 = arith.constant 1 : i32
    scf.for %scan3A_28 = %scan3A_23 to %scan3A_25 step %scan3A_26  : i32 {
      %mul3A_29 = arith.constant 4 : i32
      %mul3A_30 = arith.muli %scan3A_28, %mul3A_29 : i32
      %add3A_31 = arith.constant 0 : i32
      %add3A_32 = arith.addi %mul3A_30, %add3A_31 : i32
      %mul3A_33 = arith.constant 16384 : i32
      %mul3A_34 = arith.muli %add3A_32, %mul3A_33 : i32
      %add3A_35 = arith.addi %mul3A_10, %mul3A_34 : i32
      %dma_wait3A = tpu.memref_slice %arg2[%add3A_35] : memref<8388608xf32, #tpu.memory_space<hbm>> -> memref<16384xf32, #tpu.memory_space<hbm>>
      %dma_wait3A_36 = tpu.memref_slice %arg2[%add3A_35] : memref<8388608xf32, #tpu.memory_space<hbm>> -> memref<16384xf32, #tpu.memory_space<hbm>>
      tpu.wait_dma2 semaphore(%arg9 : memref<!tpu.dma_semaphore, #tpu.memory_space<semaphore_mem>>) src(%dma_wait3A_36 : memref<16384xf32, #tpu.memory_space<hbm>>) dst(%arg5 : memref<16384xf32, #tpu.memory_space<vmem>>)
      %add3A_37 = arith.constant 4 : i32
      %add3A_38 = arith.addi %add3A_32, %add3A_37 : i32
      %sub3A = arith.constant 1 : i32
      %sub3A_39 = arith.subi %add3A_38, %sub3A : i32
      %lt3A = arith.constant 16 : i32
      %lt3A_40 = arith.cmpi slt, %sub3A_39, %lt3A : i32
      %convert_element_type3A = arith.extui %lt3A_40 : i1 to i32
      %cond3A = arith.constant 0 : i32
      %cond3A_41 = arith.cmpi ne, %convert_element_type3A, %cond3A : i32
      scf.if %cond3A_41 {
        %mul3A_132 = arith.constant 16384 : i32
        %mul3A_133 = arith.muli %sub3A_39, %mul3A_132 : i32
        %add3A_134 = arith.addi %mul3A_10, %mul3A_133 : i32
        %dma_start3A_135 = tpu.memref_slice %arg2[%add3A_134] : memref<8388608xf32, #tpu.memory_space<hbm>> -> memref<16384xf32, #tpu.memory_space<hbm>>
        %dma_start3A_136 = tpu.memref_slice %arg2[%add3A_134] : memref<8388608xf32, #tpu.memory_space<hbm>> -> memref<16384xf32, #tpu.memory_space<hbm>>
        tpu.enqueue_dma source(%dma_start3A_136 : memref<16384xf32, #tpu.memory_space<hbm>>) target(%arg8 : memref<16384xf32, #tpu.memory_space<vmem>>) target_semaphore(%arg12 : memref<!tpu.dma_semaphore, #tpu.memory_space<semaphore_mem>>)
      } else {
      }
      %mul3A_42 = arith.constant 16384 : i32
      %mul3A_43 = arith.muli %add3A_32, %mul3A_42 : i32
      %add3A_44 = arith.addi %mul3A_10, %mul3A_43 : i32
      %scan3A_45 = arith.constant 0 : i32
      %scan3A_46 = arith.constant 0 : i32
      %scan3A_47 = arith.constant 128 : i32
      %scan3A_48 = arith.addi %scan3A_46, %scan3A_47 : i32
      %scan3A_49 = arith.constant 1 : i32
      scf.for %scan3A_132 = %scan3A_46 to %scan3A_48 step %scan3A_49  : i32 {
        %mul3A_133 = arith.constant 8 : i32
        %mul3A_134 = arith.muli %scan3A_132, %mul3A_133 : i32
        %add3A_135 = arith.constant 0 : i32
        %add3A_136 = arith.addi %mul3A_134, %add3A_135 : i32
        %mul3A_137 = arith.constant 16 : i32
        %mul3A_138 = arith.muli %add3A_136, %mul3A_137 : i32
        %get3A = arith.index_cast %mul3A_138 : i32 to index
        %get3A_139 = tpu.vector_load %arg5[%get3A] {strides = array<i32>} : memref<16384xf32, #tpu.memory_space<vmem>>, vector<16xf32>,
        %bitcast3A = vector.bitcast %get3A_139 : vector<16xf32> to vector<16xi32>
        %and3A = arith.constant 2147483647 : i32
        %and3A_140 = vector.broadcast %and3A : i32 to vector<16xi32>
        %and3A_141 = arith.andi %bitcast3A, %and3A_140 : vector<16xi32>
        %shift_right_logical3A = arith.constant 16 : i32
        %shift_right_logical3A_142 = vector.broadcast %shift_right_logical3A : i32 to vector<16xi32>
        %shift_right_logical3A_143 = arith.shrui %and3A_141, %shift_right_logical3A_142 : vector<16xi32>
        %mul3A_144 = arith.constant 8 : i32
        %mul3A_145 = arith.muli %scan3A_132, %mul3A_144 : i32
        %add3A_146 = arith.constant 1 : i32
        %add3A_147 = arith.addi %mul3A_145, %add3A_146 : i32
        %mul3A_148 = arith.constant 16 : i32
        %mul3A_149 = arith.muli %add3A_147, %mul3A_148 : i32
        %get3A_150 = arith.index_cast %mul3A_149 : i32 to index
        %get3A_151 = tpu.vector_load %arg5[%get3A_150] {strides = array<i32>} : memref<16384xf32, #tpu.memory_space<vmem>>, vector<16xf32>,
        %bitcast3A_152 = vector.bitcast %get3A_151 : vector<16xf32> to vector<16xi32>
        %and3A_153 = arith.constant 2147483647 : i32
        %and3A_154 = vector.broadcast %and3A_153 : i32 to vector<16xi32>
        %and3A_155 = arith.andi %bitcast3A_152, %and3A_154 : vector<16xi32>
        %shift_right_logical3A_156 = arith.constant 16 : i32
        %shift_right_logical3A_157 = vector.broadcast %shift_right_logical3A_156 : i32 to vector<16xi32>
        %shift_right_logical3A_158 = arith.shrui %and3A_155, %shift_right_logical3A_157 : vector<16xi32>
        %mul3A_159 = arith.constant 8 : i32
        %mul3A_160 = arith.muli %scan3A_132, %mul3A_159 : i32
        %add3A_161 = arith.constant 2 : i32
        %add3A_162 = arith.addi %mul3A_160, %add3A_161 : i32
        %mul3A_163 = arith.constant 16 : i32
        %mul3A_164 = arith.muli %add3A_162, %mul3A_163 : i32
        %get3A_165 = arith.index_cast %mul3A_164 : i32 to index
        %get3A_166 = tpu.vector_load %arg5[%get3A_165] {strides = array<i32>} : memref<16384xf32, #tpu.memory_space<vmem>>, vector<16xf32>,
        %bitcast3A_167 = vector.bitcast %get3A_166 : vector<16xf32> to vector<16xi32>
        %and3A_168 = arith.constant 2147483647 : i32
        %and3A_169 = vector.broadcast %and3A_168 : i32 to vector<16xi32>
        %and3A_170 = arith.andi %bitcast3A_167, %and3A_169 : vector<16xi32>
        %shift_right_logical3A_171 = arith.constant 16 : i32
        %shift_right_logical3A_172 = vector.broadcast %shift_right_logical3A_171 : i32 to vector<16xi32>
        %shift_right_logical3A_173 = arith.shrui %and3A_170, %shift_right_logical3A_172 : vector<16xi32>
        %mul3A_174 = arith.constant 8 : i32
        %mul3A_175 = arith.muli %scan3A_132, %mul3A_174 : i32
        %add3A_176 = arith.constant 3 : i32
        %add3A_177 = arith.addi %mul3A_175, %add3A_176 : i32
        %mul3A_178 = arith.constant 16 : i32
        %mul3A_179 = arith.muli %add3A_177, %mul3A_178 : i32
        %get3A_180 = arith.index_cast %mul3A_179 : i32 to index
        %get3A_181 = tpu.vector_load %arg5[%get3A_180] {strides = array<i32>} : memref<16384xf32, #tpu.memory_space<vmem>>, vector<16xf32>,
        %bitcast3A_182 = vector.bitcast %get3A_181 : vector<16xf32> to vector<16xi32>
        %and3A_183 = arith.constant 2147483647 : i32
        %and3A_184 = vector.broadcast %and3A_183 : i32 to vector<16xi32>
        %and3A_185 = arith.andi %bitcast3A_182, %and3A_184 : vector<16xi32>
        %shift_right_logical3A_186 = arith.constant 16 : i32
        %shift_right_logical3A_187 = vector.broadcast %shift_right_logical3A_186 : i32 to vector<16xi32>
        %shift_right_logical3A_188 = arith.shrui %and3A_185, %shift_right_logical3A_187 : vector<16xi32>
        %mul3A_189 = arith.constant 8 : i32
        %mul3A_190 = arith.muli %scan3A_132, %mul3A_189 : i32
        %add3A_191 = arith.constant 4 : i32
        %add3A_192 = arith.addi %mul3A_190, %add3A_191 : i32
        %mul3A_193 = arith.constant 16 : i32
        %mul3A_194 = arith.muli %add3A_192, %mul3A_193 : i32
        %get3A_195 = arith.index_cast %mul3A_194 : i32 to index
        %get3A_196 = tpu.vector_load %arg5[%get3A_195] {strides = array<i32>} : memref<16384xf32, #tpu.memory_space<vmem>>, vector<16xf32>,
        %bitcast3A_197 = vector.bitcast %get3A_196 : vector<16xf32> to vector<16xi32>
        %and3A_198 = arith.constant 2147483647 : i32
        %and3A_199 = vector.broadcast %and3A_198 : i32 to vector<16xi32>
        %and3A_200 = arith.andi %bitcast3A_197, %and3A_199 : vector<16xi32>
        %shift_right_logical3A_201 = arith.constant 16 : i32
        %shift_right_logical3A_202 = vector.broadcast %shift_right_logical3A_201 : i32 to vector<16xi32>
        %shift_right_logical3A_203 = arith.shrui %and3A_200, %shift_right_logical3A_202 : vector<16xi32>
        %mul3A_204 = arith.constant 8 : i32
        %mul3A_205 = arith.muli %scan3A_132, %mul3A_204 : i32
        %add3A_206 = arith.constant 5 : i32
        %add3A_207 = arith.addi %mul3A_205, %add3A_206 : i32
        %mul3A_208 = arith.constant 16 : i32
        %mul3A_209 = arith.muli %add3A_207, %mul3A_208 : i32
        %get3A_210 = arith.index_cast %mul3A_209 : i32 to index
        %get3A_211 = tpu.vector_load %arg5[%get3A_210] {strides = array<i32>} : memref<16384xf32, #tpu.memory_space<vmem>>, vector<16xf32>,
        %bitcast3A_212 = vector.bitcast %get3A_211 : vector<16xf32> to vector<16xi32>
        %and3A_213 = arith.constant 2147483647 : i32
        %and3A_214 = vector.broadcast %and3A_213 : i32 to vector<16xi32>
        %and3A_215 = arith.andi %bitcast3A_212, %and3A_214 : vector<16xi32>
        %shift_right_logical3A_216 = arith.constant 16 : i32
        %shift_right_logical3A_217 = vector.broadcast %shift_right_logical3A_216 : i32 to vector<16xi32>
        %shift_right_logical3A_218 = arith.shrui %and3A_215, %shift_right_logical3A_217 : vector<16xi32>
        %mul3A_219 = arith.constant 8 : i32
        %mul3A_220 = arith.muli %scan3A_132, %mul3A_219 : i32
        %add3A_221 = arith.constant 6 : i32
        %add3A_222 = arith.addi %mul3A_220, %add3A_221 : i32
        %mul3A_223 = arith.constant 16 : i32
        %mul3A_224 = arith.muli %add3A_222, %mul3A_223 : i32
        %get3A_225 = arith.index_cast %mul3A_224 : i32 to index
        %get3A_226 = tpu.vector_load %arg5[%get3A_225] {strides = array<i32>} : memref<16384xf32, #tpu.memory_space<vmem>>, vector<16xf32>,
        %bitcast3A_227 = vector.bitcast %get3A_226 : vector<16xf32> to vector<16xi32>
        %and3A_228 = arith.constant 2147483647 : i32
        %and3A_229 = vector.broadcast %and3A_228 : i32 to vector<16xi32>
        %and3A_230 = arith.andi %bitcast3A_227, %and3A_229 : vector<16xi32>
        %shift_right_logical3A_231 = arith.constant 16 : i32
        %shift_right_logical3A_232 = vector.broadcast %shift_right_logical3A_231 : i32 to vector<16xi32>
        %shift_right_logical3A_233 = arith.shrui %and3A_230, %shift_right_logical3A_232 : vector<16xi32>
        %mul3A_234 = arith.constant 8 : i32
        %mul3A_235 = arith.muli %scan3A_132, %mul3A_234 : i32
        %add3A_236 = arith.constant 7 : i32
        %add3A_237 = arith.addi %mul3A_235, %add3A_236 : i32
        %mul3A_238 = arith.constant 16 : i32
        %mul3A_239 = arith.muli %add3A_237, %mul3A_238 : i32
        %get3A_240 = arith.index_cast %mul3A_239 : i32 to index
        %get3A_241 = tpu.vector_load %arg5[%get3A_240] {strides = array<i32>} : memref<16384xf32, #tpu.memory_space<vmem>>, vector<16xf32>,
        %bitcast3A_242 = vector.bitcast %get3A_241 : vector<16xf32> to vector<16xi32>
        %and3A_243 = arith.constant 2147483647 : i32
        %and3A_244 = vector.broadcast %and3A_243 : i32 to vector<16xi32>
        %and3A_245 = arith.andi %bitcast3A_242, %and3A_244 : vector<16xi32>
        %shift_right_logical3A_246 = arith.constant 16 : i32
        %shift_right_logical3A_247 = vector.broadcast %shift_right_logical3A_246 : i32 to vector<16xi32>
        %shift_right_logical3A_248 = arith.shrui %and3A_245, %shift_right_logical3A_247 : vector<16xi32>
        tpu.vector_store_idx %arg4[%shift_right_logical3A_143], %broadcast_in_dim3A_3 {add = true} : memref<32768xi32, #tpu.memory_space<vmem>>[vector<16xi32>], vector<16xi32>,
        tpu.vector_store_idx %arg4[%shift_right_logical3A_158], %broadcast_in_dim3A_3 {add = true} : memref<32768xi32, #tpu.memory_space<vmem>>[vector<16xi32>], vector<16xi32>,
        tpu.vector_store_idx %arg4[%shift_right_logical3A_173], %broadcast_in_dim3A_3 {add = true} : memref<32768xi32, #tpu.memory_space<vmem>>[vector<16xi32>], vector<16xi32>,
        tpu.vector_store_idx %arg4[%shift_right_logical3A_188], %broadcast_in_dim3A_3 {add = true} : memref<32768xi32, #tpu.memory_space<vmem>>[vector<16xi32>], vector<16xi32>,
        tpu.vector_store_idx %arg4[%shift_right_logical3A_203], %broadcast_in_dim3A_3 {add = true} : memref<32768xi32, #tpu.memory_space<vmem>>[vector<16xi32>], vector<16xi32>,
        tpu.vector_store_idx %arg4[%shift_right_logical3A_218], %broadcast_in_dim3A_3 {add = true} : memref<32768xi32, #tpu.memory_space<vmem>>[vector<16xi32>], vector<16xi32>,
        tpu.vector_store_idx %arg4[%shift_right_logical3A_233], %broadcast_in_dim3A_3 {add = true} : memref<32768xi32, #tpu.memory_space<vmem>>[vector<16xi32>], vector<16xi32>,
        tpu.vector_store_idx %arg4[%shift_right_logical3A_248], %broadcast_in_dim3A_3 {add = true} : memref<32768xi32, #tpu.memory_space<vmem>>[vector<16xi32>], vector<16xi32>,
      }
      %scan3A_50 = arith.constant 128 : i32
      %mul3A_51 = arith.constant 4 : i32
      %mul3A_52 = arith.muli %scan3A_28, %mul3A_51 : i32
      %add3A_53 = arith.constant 1 : i32
      %add3A_54 = arith.addi %mul3A_52, %add3A_53 : i32
      %mul3A_55 = arith.constant 16384 : i32
      %mul3A_56 = arith.muli %add3A_54, %mul3A_55 : i32
      %add3A_57 = arith.addi %mul3A_10, %mul3A_56 : i32
      %dma_wait3A_58 = tpu.memref_slice %arg2[%add3A_57] : memref<8388608xf32, #tpu.memory_space<hbm>> -> memref<16384xf32, #tpu.memory_space<hbm>>
      %dma_wait3A_59 = tpu.memref_slice %arg2[%add3A_57] : memref<8388608xf32, #tpu.memory_space<hbm>> -> memref<16384xf32, #tpu.memory_space<hbm>>
      tpu.wait_dma2 semaphore(%arg10 : memref<!tpu.dma_semaphore, #tpu.memory_space<semaphore_mem>>) src(%dma_wait3A_59 : memref<16384xf32, #tpu.memory_space<hbm>>) dst(%arg6 : memref<16384xf32, #tpu.memory_space<vmem>>)
      %add3A_60 = arith.constant 4 : i32
      %add3A_61 = arith.addi %add3A_54, %add3A_60 : i32
      %sub3A_62 = arith.constant 1 : i32
      %sub3A_63 = arith.subi %add3A_61, %sub3A_62 : i32
      %lt3A_64 = arith.constant 16 : i32
      %lt3A_65 = arith.cmpi slt, %sub3A_63, %lt3A_64 : i32
      %convert_element_type3A_66 = arith.extui %lt3A_65 : i1 to i32
      %cond3A_67 = arith.constant 0 : i32
      %cond3A_68 = arith.cmpi ne, %convert_element_type3A_66, %cond3A_67 : i32
      scf.if %cond3A_68 {
        %mul3A_132 = arith.constant 16384 : i32
        %mul3A_133 = arith.muli %sub3A_63, %mul3A_132 : i32
        %add3A_134 = arith.addi %mul3A_10, %mul3A_133 : i32
        %dma_start3A_135 = tpu.memref_slice %arg2[%add3A_134] : memref<8388608xf32, #tpu.memory_space<hbm>> -> memref<16384xf32, #tpu.memory_space<hbm>>
        %dma_start3A_136 = tpu.memref_slice %arg2[%add3A_134] : memref<8388608xf32, #tpu.memory_space<hbm>> -> memref<16384xf32, #tpu.memory_space<hbm>>
        tpu.enqueue_dma source(%dma_start3A_136 : memref<16384xf32, #tpu.memory_space<hbm>>) target(%arg5 : memref<16384xf32, #tpu.memory_space<vmem>>) target_semaphore(%arg9 : memref<!tpu.dma_semaphore, #tpu.memory_space<semaphore_mem>>)
      } else {
      }
      %mul3A_69 = arith.constant 16384 : i32
      %mul3A_70 = arith.muli %add3A_54, %mul3A_69 : i32
      %add3A_71 = arith.addi %mul3A_10, %mul3A_70 : i32
      %scan3A_72 = arith.constant 0 : i32
      %scan3A_73 = arith.constant 0 : i32
      %scan3A_74 = arith.constant 128 : i32
      %scan3A_75 = arith.addi %scan3A_73, %scan3A_74 : i32
      %scan3A_76 = arith.constant 1 : i32
      scf.for %scan3A_132 = %scan3A_73 to %scan3A_75 step %scan3A_76  : i32 {
        %mul3A_133 = arith.constant 8 : i32
        %mul3A_134 = arith.muli %scan3A_132, %mul3A_133 : i32
        %add3A_135 = arith.constant 0 : i32
        %add3A_136 = arith.addi %mul3A_134, %add3A_135 : i32
        %mul3A_137 = arith.constant 16 : i32
        %mul3A_138 = arith.muli %add3A_136, %mul3A_137 : i32
        %get3A = arith.index_cast %mul3A_138 : i32 to index
        %get3A_139 = tpu.vector_load %arg6[%get3A] {strides = array<i32>} : memref<16384xf32, #tpu.memory_space<vmem>>, vector<16xf32>,
        %bitcast3A = vector.bitcast %get3A_139 : vector<16xf32> to vector<16xi32>
        %and3A = arith.constant 2147483647 : i32
        %and3A_140 = vector.broadcast %and3A : i32 to vector<16xi32>
        %and3A_141 = arith.andi %bitcast3A, %and3A_140 : vector<16xi32>
        %shift_right_logical3A = arith.constant 16 : i32
        %shift_right_logical3A_142 = vector.broadcast %shift_right_logical3A : i32 to vector<16xi32>
        %shift_right_logical3A_143 = arith.shrui %and3A_141, %shift_right_logical3A_142 : vector<16xi32>
        %mul3A_144 = arith.constant 8 : i32
        %mul3A_145 = arith.muli %scan3A_132, %mul3A_144 : i32
        %add3A_146 = arith.constant 1 : i32
        %add3A_147 = arith.addi %mul3A_145, %add3A_146 : i32
        %mul3A_148 = arith.constant 16 : i32
        %mul3A_149 = arith.muli %add3A_147, %mul3A_148 : i32
        %get3A_150 = arith.index_cast %mul3A_149 : i32 to index
        %get3A_151 = tpu.vector_load %arg6[%get3A_150] {strides = array<i32>} : memref<16384xf32, #tpu.memory_space<vmem>>, vector<16xf32>,
        %bitcast3A_152 = vector.bitcast %get3A_151 : vector<16xf32> to vector<16xi32>
        %and3A_153 = arith.constant 2147483647 : i32
        %and3A_154 = vector.broadcast %and3A_153 : i32 to vector<16xi32>
        %and3A_155 = arith.andi %bitcast3A_152, %and3A_154 : vector<16xi32>
        %shift_right_logical3A_156 = arith.constant 16 : i32
        %shift_right_logical3A_157 = vector.broadcast %shift_right_logical3A_156 : i32 to vector<16xi32>
        %shift_right_logical3A_158 = arith.shrui %and3A_155, %shift_right_logical3A_157 : vector<16xi32>
        %mul3A_159 = arith.constant 8 : i32
        %mul3A_160 = arith.muli %scan3A_132, %mul3A_159 : i32
        %add3A_161 = arith.constant 2 : i32
        %add3A_162 = arith.addi %mul3A_160, %add3A_161 : i32
        %mul3A_163 = arith.constant 16 : i32
        %mul3A_164 = arith.muli %add3A_162, %mul3A_163 : i32
        %get3A_165 = arith.index_cast %mul3A_164 : i32 to index
        %get3A_166 = tpu.vector_load %arg6[%get3A_165] {strides = array<i32>} : memref<16384xf32, #tpu.memory_space<vmem>>, vector<16xf32>,
        %bitcast3A_167 = vector.bitcast %get3A_166 : vector<16xf32> to vector<16xi32>
        %and3A_168 = arith.constant 2147483647 : i32
        %and3A_169 = vector.broadcast %and3A_168 : i32 to vector<16xi32>
        %and3A_170 = arith.andi %bitcast3A_167, %and3A_169 : vector<16xi32>
        %shift_right_logical3A_171 = arith.constant 16 : i32
        %shift_right_logical3A_172 = vector.broadcast %shift_right_logical3A_171 : i32 to vector<16xi32>
        %shift_right_logical3A_173 = arith.shrui %and3A_170, %shift_right_logical3A_172 : vector<16xi32>
        %mul3A_174 = arith.constant 8 : i32
        %mul3A_175 = arith.muli %scan3A_132, %mul3A_174 : i32
        %add3A_176 = arith.constant 3 : i32
        %add3A_177 = arith.addi %mul3A_175, %add3A_176 : i32
        %mul3A_178 = arith.constant 16 : i32
        %mul3A_179 = arith.muli %add3A_177, %mul3A_178 : i32
        %get3A_180 = arith.index_cast %mul3A_179 : i32 to index
        %get3A_181 = tpu.vector_load %arg6[%get3A_180] {strides = array<i32>} : memref<16384xf32, #tpu.memory_space<vmem>>, vector<16xf32>,
        %bitcast3A_182 = vector.bitcast %get3A_181 : vector<16xf32> to vector<16xi32>
        %and3A_183 = arith.constant 2147483647 : i32
        %and3A_184 = vector.broadcast %and3A_183 : i32 to vector<16xi32>
        %and3A_185 = arith.andi %bitcast3A_182, %and3A_184 : vector<16xi32>
        %shift_right_logical3A_186 = arith.constant 16 : i32
        %shift_right_logical3A_187 = vector.broadcast %shift_right_logical3A_186 : i32 to vector<16xi32>
        %shift_right_logical3A_188 = arith.shrui %and3A_185, %shift_right_logical3A_187 : vector<16xi32>
        %mul3A_189 = arith.constant 8 : i32
        %mul3A_190 = arith.muli %scan3A_132, %mul3A_189 : i32
        %add3A_191 = arith.constant 4 : i32
        %add3A_192 = arith.addi %mul3A_190, %add3A_191 : i32
        %mul3A_193 = arith.constant 16 : i32
        %mul3A_194 = arith.muli %add3A_192, %mul3A_193 : i32
        %get3A_195 = arith.index_cast %mul3A_194 : i32 to index
        %get3A_196 = tpu.vector_load %arg6[%get3A_195] {strides = array<i32>} : memref<16384xf32, #tpu.memory_space<vmem>>, vector<16xf32>,
        %bitcast3A_197 = vector.bitcast %get3A_196 : vector<16xf32> to vector<16xi32>
        %and3A_198 = arith.constant 2147483647 : i32
        %and3A_199 = vector.broadcast %and3A_198 : i32 to vector<16xi32>
        %and3A_200 = arith.andi %bitcast3A_197, %and3A_199 : vector<16xi32>
        %shift_right_logical3A_201 = arith.constant 16 : i32
        %shift_right_logical3A_202 = vector.broadcast %shift_right_logical3A_201 : i32 to vector<16xi32>
        %shift_right_logical3A_203 = arith.shrui %and3A_200, %shift_right_logical3A_202 : vector<16xi32>
        %mul3A_204 = arith.constant 8 : i32
        %mul3A_205 = arith.muli %scan3A_132, %mul3A_204 : i32
        %add3A_206 = arith.constant 5 : i32
        %add3A_207 = arith.addi %mul3A_205, %add3A_206 : i32
        %mul3A_208 = arith.constant 16 : i32
        %mul3A_209 = arith.muli %add3A_207, %mul3A_208 : i32
        %get3A_210 = arith.index_cast %mul3A_209 : i32 to index
        %get3A_211 = tpu.vector_load %arg6[%get3A_210] {strides = array<i32>} : memref<16384xf32, #tpu.memory_space<vmem>>, vector<16xf32>,
        %bitcast3A_212 = vector.bitcast %get3A_211 : vector<16xf32> to vector<16xi32>
        %and3A_213 = arith.constant 2147483647 : i32
        %and3A_214 = vector.broadcast %and3A_213 : i32 to vector<16xi32>
        %and3A_215 = arith.andi %bitcast3A_212, %and3A_214 : vector<16xi32>
        %shift_right_logical3A_216 = arith.constant 16 : i32
        %shift_right_logical3A_217 = vector.broadcast %shift_right_logical3A_216 : i32 to vector<16xi32>
        %shift_right_logical3A_218 = arith.shrui %and3A_215, %shift_right_logical3A_217 : vector<16xi32>
        %mul3A_219 = arith.constant 8 : i32
        %mul3A_220 = arith.muli %scan3A_132, %mul3A_219 : i32
        %add3A_221 = arith.constant 6 : i32
        %add3A_222 = arith.addi %mul3A_220, %add3A_221 : i32
        %mul3A_223 = arith.constant 16 : i32
        %mul3A_224 = arith.muli %add3A_222, %mul3A_223 : i32
        %get3A_225 = arith.index_cast %mul3A_224 : i32 to index
        %get3A_226 = tpu.vector_load %arg6[%get3A_225] {strides = array<i32>} : memref<16384xf32, #tpu.memory_space<vmem>>, vector<16xf32>,
        %bitcast3A_227 = vector.bitcast %get3A_226 : vector<16xf32> to vector<16xi32>
        %and3A_228 = arith.constant 2147483647 : i32
        %and3A_229 = vector.broadcast %and3A_228 : i32 to vector<16xi32>
        %and3A_230 = arith.andi %bitcast3A_227, %and3A_229 : vector<16xi32>
        %shift_right_logical3A_231 = arith.constant 16 : i32
        %shift_right_logical3A_232 = vector.broadcast %shift_right_logical3A_231 : i32 to vector<16xi32>
        %shift_right_logical3A_233 = arith.shrui %and3A_230, %shift_right_logical3A_232 : vector<16xi32>
        %mul3A_234 = arith.constant 8 : i32
        %mul3A_235 = arith.muli %scan3A_132, %mul3A_234 : i32
        %add3A_236 = arith.constant 7 : i32
        %add3A_237 = arith.addi %mul3A_235, %add3A_236 : i32
        %mul3A_238 = arith.constant 16 : i32
        %mul3A_239 = arith.muli %add3A_237, %mul3A_238 : i32
        %get3A_240 = arith.index_cast %mul3A_239 : i32 to index
        %get3A_241 = tpu.vector_load %arg6[%get3A_240] {strides = array<i32>} : memref<16384xf32, #tpu.memory_space<vmem>>, vector<16xf32>,
        %bitcast3A_242 = vector.bitcast %get3A_241 : vector<16xf32> to vector<16xi32>
        %and3A_243 = arith.constant 2147483647 : i32
        %and3A_244 = vector.broadcast %and3A_243 : i32 to vector<16xi32>
        %and3A_245 = arith.andi %bitcast3A_242, %and3A_244 : vector<16xi32>
        %shift_right_logical3A_246 = arith.constant 16 : i32
        %shift_right_logical3A_247 = vector.broadcast %shift_right_logical3A_246 : i32 to vector<16xi32>
        %shift_right_logical3A_248 = arith.shrui %and3A_245, %shift_right_logical3A_247 : vector<16xi32>
        tpu.vector_store_idx %arg4[%shift_right_logical3A_143], %broadcast_in_dim3A_3 {add = true} : memref<32768xi32, #tpu.memory_space<vmem>>[vector<16xi32>], vector<16xi32>,
        tpu.vector_store_idx %arg4[%shift_right_logical3A_158], %broadcast_in_dim3A_3 {add = true} : memref<32768xi32, #tpu.memory_space<vmem>>[vector<16xi32>], vector<16xi32>,
        tpu.vector_store_idx %arg4[%shift_right_logical3A_173], %broadcast_in_dim3A_3 {add = true} : memref<32768xi32, #tpu.memory_space<vmem>>[vector<16xi32>], vector<16xi32>,
        tpu.vector_store_idx %arg4[%shift_right_logical3A_188], %broadcast_in_dim3A_3 {add = true} : memref<32768xi32, #tpu.memory_space<vmem>>[vector<16xi32>], vector<16xi32>,
        tpu.vector_store_idx %arg4[%shift_right_logical3A_203], %broadcast_in_dim3A_3 {add = true} : memref<32768xi32, #tpu.memory_space<vmem>>[vector<16xi32>], vector<16xi32>,
        tpu.vector_store_idx %arg4[%shift_right_logical3A_218], %broadcast_in_dim3A_3 {add = true} : memref<32768xi32, #tpu.memory_space<vmem>>[vector<16xi32>], vector<16xi32>,
        tpu.vector_store_idx %arg4[%shift_right_logical3A_233], %broadcast_in_dim3A_3 {add = true} : memref<32768xi32, #tpu.memory_space<vmem>>[vector<16xi32>], vector<16xi32>,
        tpu.vector_store_idx %arg4[%shift_right_logical3A_248], %broadcast_in_dim3A_3 {add = true} : memref<32768xi32, #tpu.memory_space<vmem>>[vector<16xi32>], vector<16xi32>,
      }
      %scan3A_77 = arith.constant 128 : i32
      %mul3A_78 = arith.constant 4 : i32
      %mul3A_79 = arith.muli %scan3A_28, %mul3A_78 : i32
      %add3A_80 = arith.constant 2 : i32
      %add3A_81 = arith.addi %mul3A_79, %add3A_80 : i32
      %mul3A_82 = arith.constant 16384 : i32
      %mul3A_83 = arith.muli %add3A_81, %mul3A_82 : i32
      %add3A_84 = arith.addi %mul3A_10, %mul3A_83 : i32
      %dma_wait3A_85 = tpu.memref_slice %arg2[%add3A_84] : memref<8388608xf32, #tpu.memory_space<hbm>> -> memref<16384xf32, #tpu.memory_space<hbm>>
      %dma_wait3A_86 = tpu.memref_slice %arg2[%add3A_84] : memref<8388608xf32, #tpu.memory_space<hbm>> -> memref<16384xf32, #tpu.memory_space<hbm>>
      tpu.wait_dma2 semaphore(%arg11 : memref<!tpu.dma_semaphore, #tpu.memory_space<semaphore_mem>>) src(%dma_wait3A_86 : memref<16384xf32, #tpu.memory_space<hbm>>) dst(%arg7 : memref<16384xf32, #tpu.memory_space<vmem>>)
      %add3A_87 = arith.constant 4 : i32
      %add3A_88 = arith.addi %add3A_81, %add3A_87 : i32
      %sub3A_89 = arith.constant 1 : i32
      %sub3A_90 = arith.subi %add3A_88, %sub3A_89 : i32
      %lt3A_91 = arith.constant 16 : i32
      %lt3A_92 = arith.cmpi slt, %sub3A_90, %lt3A_91 : i32
      %convert_element_type3A_93 = arith.extui %lt3A_92 : i1 to i32
      %cond3A_94 = arith.constant 0 : i32
      %cond3A_95 = arith.cmpi ne, %convert_element_type3A_93, %cond3A_94 : i32
      scf.if %cond3A_95 {
        %mul3A_132 = arith.constant 16384 : i32
        %mul3A_133 = arith.muli %sub3A_90, %mul3A_132 : i32
        %add3A_134 = arith.addi %mul3A_10, %mul3A_133 : i32
        %dma_start3A_135 = tpu.memref_slice %arg2[%add3A_134] : memref<8388608xf32, #tpu.memory_space<hbm>> -> memref<16384xf32, #tpu.memory_space<hbm>>
        %dma_start3A_136 = tpu.memref_slice %arg2[%add3A_134] : memref<8388608xf32, #tpu.memory_space<hbm>> -> memref<16384xf32, #tpu.memory_space<hbm>>
        tpu.enqueue_dma source(%dma_start3A_136 : memref<16384xf32, #tpu.memory_space<hbm>>) target(%arg6 : memref<16384xf32, #tpu.memory_space<vmem>>) target_semaphore(%arg10 : memref<!tpu.dma_semaphore, #tpu.memory_space<semaphore_mem>>)
      } else {
      }
      %mul3A_96 = arith.constant 16384 : i32
      %mul3A_97 = arith.muli %add3A_81, %mul3A_96 : i32
      %add3A_98 = arith.addi %mul3A_10, %mul3A_97 : i32
      %scan3A_99 = arith.constant 0 : i32
      %scan3A_100 = arith.constant 0 : i32
      %scan3A_101 = arith.constant 128 : i32
      %scan3A_102 = arith.addi %scan3A_100, %scan3A_101 : i32
      %scan3A_103 = arith.constant 1 : i32
      scf.for %scan3A_132 = %scan3A_100 to %scan3A_102 step %scan3A_103  : i32 {
        %mul3A_133 = arith.constant 8 : i32
        %mul3A_134 = arith.muli %scan3A_132, %mul3A_133 : i32
        %add3A_135 = arith.constant 0 : i32
        %add3A_136 = arith.addi %mul3A_134, %add3A_135 : i32
        %mul3A_137 = arith.constant 16 : i32
        %mul3A_138 = arith.muli %add3A_136, %mul3A_137 : i32
        %get3A = arith.index_cast %mul3A_138 : i32 to index
        %get3A_139 = tpu.vector_load %arg7[%get3A] {strides = array<i32>} : memref<16384xf32, #tpu.memory_space<vmem>>, vector<16xf32>,
        %bitcast3A = vector.bitcast %get3A_139 : vector<16xf32> to vector<16xi32>
        %and3A = arith.constant 2147483647 : i32
        %and3A_140 = vector.broadcast %and3A : i32 to vector<16xi32>
        %and3A_141 = arith.andi %bitcast3A, %and3A_140 : vector<16xi32>
        %shift_right_logical3A = arith.constant 16 : i32
        %shift_right_logical3A_142 = vector.broadcast %shift_right_logical3A : i32 to vector<16xi32>
        %shift_right_logical3A_143 = arith.shrui %and3A_141, %shift_right_logical3A_142 : vector<16xi32>
        %mul3A_144 = arith.constant 8 : i32
        %mul3A_145 = arith.muli %scan3A_132, %mul3A_144 : i32
        %add3A_146 = arith.constant 1 : i32
        %add3A_147 = arith.addi %mul3A_145, %add3A_146 : i32
        %mul3A_148 = arith.constant 16 : i32
        %mul3A_149 = arith.muli %add3A_147, %mul3A_148 : i32
        %get3A_150 = arith.index_cast %mul3A_149 : i32 to index
        %get3A_151 = tpu.vector_load %arg7[%get3A_150] {strides = array<i32>} : memref<16384xf32, #tpu.memory_space<vmem>>, vector<16xf32>,
        %bitcast3A_152 = vector.bitcast %get3A_151 : vector<16xf32> to vector<16xi32>
        %and3A_153 = arith.constant 2147483647 : i32
        %and3A_154 = vector.broadcast %and3A_153 : i32 to vector<16xi32>
        %and3A_155 = arith.andi %bitcast3A_152, %and3A_154 : vector<16xi32>
        %shift_right_logical3A_156 = arith.constant 16 : i32
        %shift_right_logical3A_157 = vector.broadcast %shift_right_logical3A_156 : i32 to vector<16xi32>
        %shift_right_logical3A_158 = arith.shrui %and3A_155, %shift_right_logical3A_157 : vector<16xi32>
        %mul3A_159 = arith.constant 8 : i32
        %mul3A_160 = arith.muli %scan3A_132, %mul3A_159 : i32
        %add3A_161 = arith.constant 2 : i32
        %add3A_162 = arith.addi %mul3A_160, %add3A_161 : i32
        %mul3A_163 = arith.constant 16 : i32
        %mul3A_164 = arith.muli %add3A_162, %mul3A_163 : i32
        %get3A_165 = arith.index_cast %mul3A_164 : i32 to index
        %get3A_166 = tpu.vector_load %arg7[%get3A_165] {strides = array<i32>} : memref<16384xf32, #tpu.memory_space<vmem>>, vector<16xf32>,
        %bitcast3A_167 = vector.bitcast %get3A_166 : vector<16xf32> to vector<16xi32>
        %and3A_168 = arith.constant 2147483647 : i32
        %and3A_169 = vector.broadcast %and3A_168 : i32 to vector<16xi32>
        %and3A_170 = arith.andi %bitcast3A_167, %and3A_169 : vector<16xi32>
        %shift_right_logical3A_171 = arith.constant 16 : i32
        %shift_right_logical3A_172 = vector.broadcast %shift_right_logical3A_171 : i32 to vector<16xi32>
        %shift_right_logical3A_173 = arith.shrui %and3A_170, %shift_right_logical3A_172 : vector<16xi32>
        %mul3A_174 = arith.constant 8 : i32
        %mul3A_175 = arith.muli %scan3A_132, %mul3A_174 : i32
        %add3A_176 = arith.constant 3 : i32
        %add3A_177 = arith.addi %mul3A_175, %add3A_176 : i32
        %mul3A_178 = arith.constant 16 : i32
        %mul3A_179 = arith.muli %add3A_177, %mul3A_178 : i32
        %get3A_180 = arith.index_cast %mul3A_179 : i32 to index
        %get3A_181 = tpu.vector_load %arg7[%get3A_180] {strides = array<i32>} : memref<16384xf32, #tpu.memory_space<vmem>>, vector<16xf32>,
        %bitcast3A_182 = vector.bitcast %get3A_181 : vector<16xf32> to vector<16xi32>
        %and3A_183 = arith.constant 2147483647 : i32
        %and3A_184 = vector.broadcast %and3A_183 : i32 to vector<16xi32>
        %and3A_185 = arith.andi %bitcast3A_182, %and3A_184 : vector<16xi32>
        %shift_right_logical3A_186 = arith.constant 16 : i32
        %shift_right_logical3A_187 = vector.broadcast %shift_right_logical3A_186 : i32 to vector<16xi32>
        %shift_right_logical3A_188 = arith.shrui %and3A_185, %shift_right_logical3A_187 : vector<16xi32>
        %mul3A_189 = arith.constant 8 : i32
        %mul3A_190 = arith.muli %scan3A_132, %mul3A_189 : i32
        %add3A_191 = arith.constant 4 : i32
        %add3A_192 = arith.addi %mul3A_190, %add3A_191 : i32
        %mul3A_193 = arith.constant 16 : i32
        %mul3A_194 = arith.muli %add3A_192, %mul3A_193 : i32
        %get3A_195 = arith.index_cast %mul3A_194 : i32 to index
        %get3A_196 = tpu.vector_load %arg7[%get3A_195] {strides = array<i32>} : memref<16384xf32, #tpu.memory_space<vmem>>, vector<16xf32>,
        %bitcast3A_197 = vector.bitcast %get3A_196 : vector<16xf32> to vector<16xi32>
        %and3A_198 = arith.constant 2147483647 : i32
        %and3A_199 = vector.broadcast %and3A_198 : i32 to vector<16xi32>
        %and3A_200 = arith.andi %bitcast3A_197, %and3A_199 : vector<16xi32>
        %shift_right_logical3A_201 = arith.constant 16 : i32
        %shift_right_logical3A_202 = vector.broadcast %shift_right_logical3A_201 : i32 to vector<16xi32>
        %shift_right_logical3A_203 = arith.shrui %and3A_200, %shift_right_logical3A_202 : vector<16xi32>
        %mul3A_204 = arith.constant 8 : i32
        %mul3A_205 = arith.muli %scan3A_132, %mul3A_204 : i32
        %add3A_206 = arith.constant 5 : i32
        %add3A_207 = arith.addi %mul3A_205, %add3A_206 : i32
        %mul3A_208 = arith.constant 16 : i32
        %mul3A_209 = arith.muli %add3A_207, %mul3A_208 : i32
        %get3A_210 = arith.index_cast %mul3A_209 : i32 to index
        %get3A_211 = tpu.vector_load %arg7[%get3A_210] {strides = array<i32>} : memref<16384xf32, #tpu.memory_space<vmem>>, vector<16xf32>,
        %bitcast3A_212 = vector.bitcast %get3A_211 : vector<16xf32> to vector<16xi32>
        %and3A_213 = arith.constant 2147483647 : i32
        %and3A_214 = vector.broadcast %and3A_213 : i32 to vector<16xi32>
        %and3A_215 = arith.andi %bitcast3A_212, %and3A_214 : vector<16xi32>
        %shift_right_logical3A_216 = arith.constant 16 : i32
        %shift_right_logical3A_217 = vector.broadcast %shift_right_logical3A_216 : i32 to vector<16xi32>
        %shift_right_logical3A_218 = arith.shrui %and3A_215, %shift_right_logical3A_217 : vector<16xi32>
        %mul3A_219 = arith.constant 8 : i32
        %mul3A_220 = arith.muli %scan3A_132, %mul3A_219 : i32
        %add3A_221 = arith.constant 6 : i32
        %add3A_222 = arith.addi %mul3A_220, %add3A_221 : i32
        %mul3A_223 = arith.constant 16 : i32
        %mul3A_224 = arith.muli %add3A_222, %mul3A_223 : i32
        %get3A_225 = arith.index_cast %mul3A_224 : i32 to index
        %get3A_226 = tpu.vector_load %arg7[%get3A_225] {strides = array<i32>} : memref<16384xf32, #tpu.memory_space<vmem>>, vector<16xf32>,
        %bitcast3A_227 = vector.bitcast %get3A_226 : vector<16xf32> to vector<16xi32>
        %and3A_228 = arith.constant 2147483647 : i32
        %and3A_229 = vector.broadcast %and3A_228 : i32 to vector<16xi32>
        %and3A_230 = arith.andi %bitcast3A_227, %and3A_229 : vector<16xi32>
        %shift_right_logical3A_231 = arith.constant 16 : i32
        %shift_right_logical3A_232 = vector.broadcast %shift_right_logical3A_231 : i32 to vector<16xi32>
        %shift_right_logical3A_233 = arith.shrui %and3A_230, %shift_right_logical3A_232 : vector<16xi32>
        %mul3A_234 = arith.constant 8 : i32
        %mul3A_235 = arith.muli %scan3A_132, %mul3A_234 : i32
        %add3A_236 = arith.constant 7 : i32
        %add3A_237 = arith.addi %mul3A_235, %add3A_236 : i32
        %mul3A_238 = arith.constant 16 : i32
        %mul3A_239 = arith.muli %add3A_237, %mul3A_238 : i32
        %get3A_240 = arith.index_cast %mul3A_239 : i32 to index
        %get3A_241 = tpu.vector_load %arg7[%get3A_240] {strides = array<i32>} : memref<16384xf32, #tpu.memory_space<vmem>>, vector<16xf32>,
        %bitcast3A_242 = vector.bitcast %get3A_241 : vector<16xf32> to vector<16xi32>
        %and3A_243 = arith.constant 2147483647 : i32
        %and3A_244 = vector.broadcast %and3A_243 : i32 to vector<16xi32>
        %and3A_245 = arith.andi %bitcast3A_242, %and3A_244 : vector<16xi32>
        %shift_right_logical3A_246 = arith.constant 16 : i32
        %shift_right_logical3A_247 = vector.broadcast %shift_right_logical3A_246 : i32 to vector<16xi32>
        %shift_right_logical3A_248 = arith.shrui %and3A_245, %shift_right_logical3A_247 : vector<16xi32>
        tpu.vector_store_idx %arg4[%shift_right_logical3A_143], %broadcast_in_dim3A_3 {add = true} : memref<32768xi32, #tpu.memory_space<vmem>>[vector<16xi32>], vector<16xi32>,
        tpu.vector_store_idx %arg4[%shift_right_logical3A_158], %broadcast_in_dim3A_3 {add = true} : memref<32768xi32, #tpu.memory_space<vmem>>[vector<16xi32>], vector<16xi32>,
        tpu.vector_store_idx %arg4[%shift_right_logical3A_173], %broadcast_in_dim3A_3 {add = true} : memref<32768xi32, #tpu.memory_space<vmem>>[vector<16xi32>], vector<16xi32>,
        tpu.vector_store_idx %arg4[%shift_right_logical3A_188], %broadcast_in_dim3A_3 {add = true} : memref<32768xi32, #tpu.memory_space<vmem>>[vector<16xi32>], vector<16xi32>,
        tpu.vector_store_idx %arg4[%shift_right_logical3A_203], %broadcast_in_dim3A_3 {add = true} : memref<32768xi32, #tpu.memory_space<vmem>>[vector<16xi32>], vector<16xi32>,
        tpu.vector_store_idx %arg4[%shift_right_logical3A_218], %broadcast_in_dim3A_3 {add = true} : memref<32768xi32, #tpu.memory_space<vmem>>[vector<16xi32>], vector<16xi32>,
        tpu.vector_store_idx %arg4[%shift_right_logical3A_233], %broadcast_in_dim3A_3 {add = true} : memref<32768xi32, #tpu.memory_space<vmem>>[vector<16xi32>], vector<16xi32>,
        tpu.vector_store_idx %arg4[%shift_right_logical3A_248], %broadcast_in_dim3A_3 {add = true} : memref<32768xi32, #tpu.memory_space<vmem>>[vector<16xi32>], vector<16xi32>,
      }
      %scan3A_104 = arith.constant 128 : i32
      %mul3A_105 = arith.constant 4 : i32
      %mul3A_106 = arith.muli %scan3A_28, %mul3A_105 : i32
      %add3A_107 = arith.constant 3 : i32
      %add3A_108 = arith.addi %mul3A_106, %add3A_107 : i32
      %mul3A_109 = arith.constant 16384 : i32
      %mul3A_110 = arith.muli %add3A_108, %mul3A_109 : i32
      %add3A_111 = arith.addi %mul3A_10, %mul3A_110 : i32
      %dma_wait3A_112 = tpu.memref_slice %arg2[%add3A_111] : memref<8388608xf32, #tpu.memory_space<hbm>> -> memref<16384xf32, #tpu.memory_space<hbm>>
      %dma_wait3A_113 = tpu.memref_slice %arg2[%add3A_111] : memref<8388608xf32, #tpu.memory_space<hbm>> -> memref<16384xf32, #tpu.memory_space<hbm>>
      tpu.wait_dma2 semaphore(%arg12 : memref<!tpu.dma_semaphore, #tpu.memory_space<semaphore_mem>>) src(%dma_wait3A_113 : memref<16384xf32, #tpu.memory_space<hbm>>) dst(%arg8 : memref<16384xf32, #tpu.memory_space<vmem>>)
      %add3A_114 = arith.constant 4 : i32
      %add3A_115 = arith.addi %add3A_108, %add3A_114 : i32
      %sub3A_116 = arith.constant 1 : i32
      %sub3A_117 = arith.subi %add3A_115, %sub3A_116 : i32
      %lt3A_118 = arith.constant 16 : i32
      %lt3A_119 = arith.cmpi slt, %sub3A_117, %lt3A_118 : i32
      %convert_element_type3A_120 = arith.extui %lt3A_119 : i1 to i32
      %cond3A_121 = arith.constant 0 : i32
      %cond3A_122 = arith.cmpi ne, %convert_element_type3A_120, %cond3A_121 : i32
      scf.if %cond3A_122 {
        %mul3A_132 = arith.constant 16384 : i32
        %mul3A_133 = arith.muli %sub3A_117, %mul3A_132 : i32
        %add3A_134 = arith.addi %mul3A_10, %mul3A_133 : i32
        %dma_start3A_135 = tpu.memref_slice %arg2[%add3A_134] : memref<8388608xf32, #tpu.memory_space<hbm>> -> memref<16384xf32, #tpu.memory_space<hbm>>
        %dma_start3A_136 = tpu.memref_slice %arg2[%add3A_134] : memref<8388608xf32, #tpu.memory_space<hbm>> -> memref<16384xf32, #tpu.memory_space<hbm>>
        tpu.enqueue_dma source(%dma_start3A_136 : memref<16384xf32, #tpu.memory_space<hbm>>) target(%arg7 : memref<16384xf32, #tpu.memory_space<vmem>>) target_semaphore(%arg11 : memref<!tpu.dma_semaphore, #tpu.memory_space<semaphore_mem>>)
      } else {
      }
      %mul3A_123 = arith.constant 16384 : i32
      %mul3A_124 = arith.muli %add3A_108, %mul3A_123 : i32
      %add3A_125 = arith.addi %mul3A_10, %mul3A_124 : i32
      %scan3A_126 = arith.constant 0 : i32
      %scan3A_127 = arith.constant 0 : i32
      %scan3A_128 = arith.constant 128 : i32
      %scan3A_129 = arith.addi %scan3A_127, %scan3A_128 : i32
      %scan3A_130 = arith.constant 1 : i32
      scf.for %scan3A_132 = %scan3A_127 to %scan3A_129 step %scan3A_130  : i32 {
        %mul3A_133 = arith.constant 8 : i32
        %mul3A_134 = arith.muli %scan3A_132, %mul3A_133 : i32
        %add3A_135 = arith.constant 0 : i32
        %add3A_136 = arith.addi %mul3A_134, %add3A_135 : i32
        %mul3A_137 = arith.constant 16 : i32
        %mul3A_138 = arith.muli %add3A_136, %mul3A_137 : i32
        %get3A = arith.index_cast %mul3A_138 : i32 to index
        %get3A_139 = tpu.vector_load %arg8[%get3A] {strides = array<i32>} : memref<16384xf32, #tpu.memory_space<vmem>>, vector<16xf32>,
        %bitcast3A = vector.bitcast %get3A_139 : vector<16xf32> to vector<16xi32>
        %and3A = arith.constant 2147483647 : i32
        %and3A_140 = vector.broadcast %and3A : i32 to vector<16xi32>
        %and3A_141 = arith.andi %bitcast3A, %and3A_140 : vector<16xi32>
        %shift_right_logical3A = arith.constant 16 : i32
        %shift_right_logical3A_142 = vector.broadcast %shift_right_logical3A : i32 to vector<16xi32>
        %shift_right_logical3A_143 = arith.shrui %and3A_141, %shift_right_logical3A_142 : vector<16xi32>
        %mul3A_144 = arith.constant 8 : i32
        %mul3A_145 = arith.muli %scan3A_132, %mul3A_144 : i32
        %add3A_146 = arith.constant 1 : i32
        %add3A_147 = arith.addi %mul3A_145, %add3A_146 : i32
        %mul3A_148 = arith.constant 16 : i32
        %mul3A_149 = arith.muli %add3A_147, %mul3A_148 : i32
        %get3A_150 = arith.index_cast %mul3A_149 : i32 to index
        %get3A_151 = tpu.vector_load %arg8[%get3A_150] {strides = array<i32>} : memref<16384xf32, #tpu.memory_space<vmem>>, vector<16xf32>,
        %bitcast3A_152 = vector.bitcast %get3A_151 : vector<16xf32> to vector<16xi32>
        %and3A_153 = arith.constant 2147483647 : i32
        %and3A_154 = vector.broadcast %and3A_153 : i32 to vector<16xi32>
        %and3A_155 = arith.andi %bitcast3A_152, %and3A_154 : vector<16xi32>
        %shift_right_logical3A_156 = arith.constant 16 : i32
        %shift_right_logical3A_157 = vector.broadcast %shift_right_logical3A_156 : i32 to vector<16xi32>
        %shift_right_logical3A_158 = arith.shrui %and3A_155, %shift_right_logical3A_157 : vector<16xi32>
        %mul3A_159 = arith.constant 8 : i32
        %mul3A_160 = arith.muli %scan3A_132, %mul3A_159 : i32
        %add3A_161 = arith.constant 2 : i32
        %add3A_162 = arith.addi %mul3A_160, %add3A_161 : i32
        %mul3A_163 = arith.constant 16 : i32
        %mul3A_164 = arith.muli %add3A_162, %mul3A_163 : i32
        %get3A_165 = arith.index_cast %mul3A_164 : i32 to index
        %get3A_166 = tpu.vector_load %arg8[%get3A_165] {strides = array<i32>} : memref<16384xf32, #tpu.memory_space<vmem>>, vector<16xf32>,
        %bitcast3A_167 = vector.bitcast %get3A_166 : vector<16xf32> to vector<16xi32>
        %and3A_168 = arith.constant 2147483647 : i32
        %and3A_169 = vector.broadcast %and3A_168 : i32 to vector<16xi32>
        %and3A_170 = arith.andi %bitcast3A_167, %and3A_169 : vector<16xi32>
        %shift_right_logical3A_171 = arith.constant 16 : i32
        %shift_right_logical3A_172 = vector.broadcast %shift_right_logical3A_171 : i32 to vector<16xi32>
        %shift_right_logical3A_173 = arith.shrui %and3A_170, %shift_right_logical3A_172 : vector<16xi32>
        %mul3A_174 = arith.constant 8 : i32
        %mul3A_175 = arith.muli %scan3A_132, %mul3A_174 : i32
        %add3A_176 = arith.constant 3 : i32
        %add3A_177 = arith.addi %mul3A_175, %add3A_176 : i32
        %mul3A_178 = arith.constant 16 : i32
        %mul3A_179 = arith.muli %add3A_177, %mul3A_178 : i32
        %get3A_180 = arith.index_cast %mul3A_179 : i32 to index
        %get3A_181 = tpu.vector_load %arg8[%get3A_180] {strides = array<i32>} : memref<16384xf32, #tpu.memory_space<vmem>>, vector<16xf32>,
        %bitcast3A_182 = vector.bitcast %get3A_181 : vector<16xf32> to vector<16xi32>
        %and3A_183 = arith.constant 2147483647 : i32
        %and3A_184 = vector.broadcast %and3A_183 : i32 to vector<16xi32>
        %and3A_185 = arith.andi %bitcast3A_182, %and3A_184 : vector<16xi32>
        %shift_right_logical3A_186 = arith.constant 16 : i32
        %shift_right_logical3A_187 = vector.broadcast %shift_right_logical3A_186 : i32 to vector<16xi32>
        %shift_right_logical3A_188 = arith.shrui %and3A_185, %shift_right_logical3A_187 : vector<16xi32>
        %mul3A_189 = arith.constant 8 : i32
        %mul3A_190 = arith.muli %scan3A_132, %mul3A_189 : i32
        %add3A_191 = arith.constant 4 : i32
        %add3A_192 = arith.addi %mul3A_190, %add3A_191 : i32
        %mul3A_193 = arith.constant 16 : i32
        %mul3A_194 = arith.muli %add3A_192, %mul3A_193 : i32
        %get3A_195 = arith.index_cast %mul3A_194 : i32 to index
        %get3A_196 = tpu.vector_load %arg8[%get3A_195] {strides = array<i32>} : memref<16384xf32, #tpu.memory_space<vmem>>, vector<16xf32>,
        %bitcast3A_197 = vector.bitcast %get3A_196 : vector<16xf32> to vector<16xi32>
        %and3A_198 = arith.constant 2147483647 : i32
        %and3A_199 = vector.broadcast %and3A_198 : i32 to vector<16xi32>
        %and3A_200 = arith.andi %bitcast3A_197, %and3A_199 : vector<16xi32>
        %shift_right_logical3A_201 = arith.constant 16 : i32
        %shift_right_logical3A_202 = vector.broadcast %shift_right_logical3A_201 : i32 to vector<16xi32>
        %shift_right_logical3A_203 = arith.shrui %and3A_200, %shift_right_logical3A_202 : vector<16xi32>
        %mul3A_204 = arith.constant 8 : i32
        %mul3A_205 = arith.muli %scan3A_132, %mul3A_204 : i32
        %add3A_206 = arith.constant 5 : i32
        %add3A_207 = arith.addi %mul3A_205, %add3A_206 : i32
        %mul3A_208 = arith.constant 16 : i32
        %mul3A_209 = arith.muli %add3A_207, %mul3A_208 : i32
        %get3A_210 = arith.index_cast %mul3A_209 : i32 to index
        %get3A_211 = tpu.vector_load %arg8[%get3A_210] {strides = array<i32>} : memref<16384xf32, #tpu.memory_space<vmem>>, vector<16xf32>,
        %bitcast3A_212 = vector.bitcast %get3A_211 : vector<16xf32> to vector<16xi32>
        %and3A_213 = arith.constant 2147483647 : i32
        %and3A_214 = vector.broadcast %and3A_213 : i32 to vector<16xi32>
        %and3A_215 = arith.andi %bitcast3A_212, %and3A_214 : vector<16xi32>
        %shift_right_logical3A_216 = arith.constant 16 : i32
        %shift_right_logical3A_217 = vector.broadcast %shift_right_logical3A_216 : i32 to vector<16xi32>
        %shift_right_logical3A_218 = arith.shrui %and3A_215, %shift_right_logical3A_217 : vector<16xi32>
        %mul3A_219 = arith.constant 8 : i32
        %mul3A_220 = arith.muli %scan3A_132, %mul3A_219 : i32
        %add3A_221 = arith.constant 6 : i32
        %add3A_222 = arith.addi %mul3A_220, %add3A_221 : i32
        %mul3A_223 = arith.constant 16 : i32
        %mul3A_224 = arith.muli %add3A_222, %mul3A_223 : i32
        %get3A_225 = arith.index_cast %mul3A_224 : i32 to index
        %get3A_226 = tpu.vector_load %arg8[%get3A_225] {strides = array<i32>} : memref<16384xf32, #tpu.memory_space<vmem>>, vector<16xf32>,
        %bitcast3A_227 = vector.bitcast %get3A_226 : vector<16xf32> to vector<16xi32>
        %and3A_228 = arith.constant 2147483647 : i32
        %and3A_229 = vector.broadcast %and3A_228 : i32 to vector<16xi32>
        %and3A_230 = arith.andi %bitcast3A_227, %and3A_229 : vector<16xi32>
        %shift_right_logical3A_231 = arith.constant 16 : i32
        %shift_right_logical3A_232 = vector.broadcast %shift_right_logical3A_231 : i32 to vector<16xi32>
        %shift_right_logical3A_233 = arith.shrui %and3A_230, %shift_right_logical3A_232 : vector<16xi32>
        %mul3A_234 = arith.constant 8 : i32
        %mul3A_235 = arith.muli %scan3A_132, %mul3A_234 : i32
        %add3A_236 = arith.constant 7 : i32
        %add3A_237 = arith.addi %mul3A_235, %add3A_236 : i32
        %mul3A_238 = arith.constant 16 : i32
        %mul3A_239 = arith.muli %add3A_237, %mul3A_238 : i32
        %get3A_240 = arith.index_cast %mul3A_239 : i32 to index
        %get3A_241 = tpu.vector_load %arg8[%get3A_240] {strides = array<i32>} : memref<16384xf32, #tpu.memory_space<vmem>>, vector<16xf32>,
        %bitcast3A_242 = vector.bitcast %get3A_241 : vector<16xf32> to vector<16xi32>
        %and3A_243 = arith.constant 2147483647 : i32
        %and3A_244 = vector.broadcast %and3A_243 : i32 to vector<16xi32>
        %and3A_245 = arith.andi %bitcast3A_242, %and3A_244 : vector<16xi32>
        %shift_right_logical3A_246 = arith.constant 16 : i32
        %shift_right_logical3A_247 = vector.broadcast %shift_right_logical3A_246 : i32 to vector<16xi32>
        %shift_right_logical3A_248 = arith.shrui %and3A_245, %shift_right_logical3A_247 : vector<16xi32>
        tpu.vector_store_idx %arg4[%shift_right_logical3A_143], %broadcast_in_dim3A_3 {add = true} : memref<32768xi32, #tpu.memory_space<vmem>>[vector<16xi32>], vector<16xi32>,
        tpu.vector_store_idx %arg4[%shift_right_logical3A_158], %broadcast_in_dim3A_3 {add = true} : memref<32768xi32, #tpu.memory_space<vmem>>[vector<16xi32>], vector<16xi32>,
        tpu.vector_store_idx %arg4[%shift_right_logical3A_173], %broadcast_in_dim3A_3 {add = true} : memref<32768xi32, #tpu.memory_space<vmem>>[vector<16xi32>], vector<16xi32>,
        tpu.vector_store_idx %arg4[%shift_right_logical3A_188], %broadcast_in_dim3A_3 {add = true} : memref<32768xi32, #tpu.memory_space<vmem>>[vector<16xi32>], vector<16xi32>,
        tpu.vector_store_idx %arg4[%shift_right_logical3A_203], %broadcast_in_dim3A_3 {add = true} : memref<32768xi32, #tpu.memory_space<vmem>>[vector<16xi32>], vector<16xi32>,
        tpu.vector_store_idx %arg4[%shift_right_logical3A_218], %broadcast_in_dim3A_3 {add = true} : memref<32768xi32, #tpu.memory_space<vmem>>[vector<16xi32>], vector<16xi32>,
        tpu.vector_store_idx %arg4[%shift_right_logical3A_233], %broadcast_in_dim3A_3 {add = true} : memref<32768xi32, #tpu.memory_space<vmem>>[vector<16xi32>], vector<16xi32>,
        tpu.vector_store_idx %arg4[%shift_right_logical3A_248], %broadcast_in_dim3A_3 {add = true} : memref<32768xi32, #tpu.memory_space<vmem>>[vector<16xi32>], vector<16xi32>,
      }
      %scan3A_131 = arith.constant 128 : i32
    }
    %scan3A_27 = arith.constant 4 : i32
    "tpu.region"() ({
      %run_scoped3A = tpu.sem_alloc : memref<!tpu.dma_semaphore, #tpu.memory_space<semaphore_mem>>
      %dma_start3A_28 = arith.constant 0 : i32
      %dma_start3A_29 = tpu.memref_slice %arg3[%add3A, %dma_start3A_28] : memref<32x32768xi32, #tpu.memory_space<hbm>> -> memref<1x32768xi32, #tpu.memory_space<hbm>>
      %dma_start3A_30 = tpu.memref_squeeze %dma_start3A_29 : memref<1x32768xi32, #tpu.memory_space<hbm>> -> memref<32768xi32, #tpu.memory_space<hbm>>
      %dma_start3A_31 = arith.constant 0 : i32
      %dma_start3A_32 = tpu.memref_slice %arg3[%add3A, %dma_start3A_31] : memref<32x32768xi32, #tpu.memory_space<hbm>> -> memref<1x32768xi32, #tpu.memory_space<hbm>>
      %dma_start3A_33 = tpu.memref_squeeze %dma_start3A_32 : memref<1x32768xi32, #tpu.memory_space<hbm>> -> memref<32768xi32, #tpu.memory_space<hbm>>
      tpu.enqueue_dma source(%arg4 : memref<32768xi32, #tpu.memory_space<vmem>>) target(%dma_start3A_33 : memref<32768xi32, #tpu.memory_space<hbm>>) target_semaphore(%run_scoped3A : memref<!tpu.dma_semaphore, #tpu.memory_space<semaphore_mem>>)
      %dma_wait3A = arith.constant 0 : i32
      %dma_wait3A_34 = tpu.memref_slice %arg3[%add3A, %dma_wait3A] : memref<32x32768xi32, #tpu.memory_space<hbm>> -> memref<1x32768xi32, #tpu.memory_space<hbm>>
      %dma_wait3A_35 = tpu.memref_squeeze %dma_wait3A_34 : memref<1x32768xi32, #tpu.memory_space<hbm>> -> memref<32768xi32, #tpu.memory_space<hbm>>
      %dma_wait3A_36 = arith.constant 0 : i32
      %dma_wait3A_37 = tpu.memref_slice %arg3[%add3A, %dma_wait3A_36] : memref<32x32768xi32, #tpu.memory_space<hbm>> -> memref<1x32768xi32, #tpu.memory_space<hbm>>
      %dma_wait3A_38 = tpu.memref_squeeze %dma_wait3A_37 : memref<1x32768xi32, #tpu.memory_space<hbm>> -> memref<32768xi32, #tpu.memory_space<hbm>>
      tpu.wait_dma2 semaphore(%run_scoped3A : memref<!tpu.dma_semaphore, #tpu.memory_space<semaphore_mem>>) src(%arg4 : memref<32768xi32, #tpu.memory_space<vmem>>) dst(%dma_wait3A_38 : memref<32768xi32, #tpu.memory_space<hbm>>)
      tpu.yield
    }) : () -> ()
    return
  }
}

#map = affine_map<(d0, d1) -> (0)>
#map1 = affine_map<(d0, d1) -> (0, 0)>
module attributes {stable_mosaic.version = 14 : i64} {
  func.func @_sc_compact(%arg0: i32, %arg1: i32, %arg2: memref<8388608xf32, #tpu.memory_space<hbm>>, %arg3: memref<128xi32, #tpu.memory_space<hbm>>, %arg4: memref<32x1024xi32, #tpu.memory_space<hbm>>, %arg5: memref<32x1024xi32, #tpu.memory_space<hbm>>, %arg6: memref<1024xi32, #tpu.memory_space<vmem>>, %arg7: memref<1024xi32, #tpu.memory_space<vmem>>, %arg8: memref<16xi32, #tpu.memory_space<vmem>>, %arg9: memref<16384xf32, #tpu.memory_space<vmem>>, %arg10: memref<16384xf32, #tpu.memory_space<vmem>>, %arg11: memref<16384xf32, #tpu.memory_space<vmem>>, %arg12: memref<16384xf32, #tpu.memory_space<vmem>>, %arg13: memref<!tpu.dma_semaphore, #tpu.memory_space<semaphore_mem>>, %arg14: memref<!tpu.dma_semaphore, #tpu.memory_space<semaphore_mem>>, %arg15: memref<!tpu.dma_semaphore, #tpu.memory_space<semaphore_mem>>, %arg16: memref<!tpu.dma_semaphore, #tpu.memory_space<semaphore_mem>>) attributes {dimension_semantics = [#tpu.dimension_semantics<core_parallel>, #tpu.dimension_semantics<subcore_parallel>], iteration_bounds = array<i64: 2, 16>, scalar_prefetch = 0 : i64, scratch_operands = 11 : i64, tpu.core_type = #tpu.core_type<sc_vector_subcore>, window_params = [{transform_indices = #map}, {transform_indices = #map}, {transform_indices = #map1}, {transform_indices = #map1}]} {
    %mul3A = arith.constant 2 : i32
    %mul3A_0 = arith.muli %arg1, %mul3A : i32
    %add3A = arith.addi %mul3A_0, %arg0 : i32
    "tpu.region"() ({
      %run_scoped3A = tpu.sem_alloc : memref<!tpu.dma_semaphore, #tpu.memory_space<semaphore_mem>>
      %dma_start3A_29 = arith.constant 0 : i32
      %dma_start3A_30 = tpu.memref_slice %arg3[%dma_start3A_29] : memref<128xi32, #tpu.memory_space<hbm>> -> memref<16xi32, #tpu.memory_space<hbm>>
      %dma_start3A_31 = arith.constant 0 : i32
      %dma_start3A_32 = tpu.memref_slice %arg3[%dma_start3A_31] : memref<128xi32, #tpu.memory_space<hbm>> -> memref<16xi32, #tpu.memory_space<hbm>>
      tpu.enqueue_dma source(%dma_start3A_32 : memref<16xi32, #tpu.memory_space<hbm>>) target(%arg8 : memref<16xi32, #tpu.memory_space<vmem>>) target_semaphore(%run_scoped3A : memref<!tpu.dma_semaphore, #tpu.memory_space<semaphore_mem>>)
      %dma_wait3A = arith.constant 0 : i32
      %dma_wait3A_33 = tpu.memref_slice %arg3[%dma_wait3A] : memref<128xi32, #tpu.memory_space<hbm>> -> memref<16xi32, #tpu.memory_space<hbm>>
      %dma_wait3A_34 = arith.constant 0 : i32
      %dma_wait3A_35 = tpu.memref_slice %arg3[%dma_wait3A_34] : memref<128xi32, #tpu.memory_space<hbm>> -> memref<16xi32, #tpu.memory_space<hbm>>
      tpu.wait_dma2 semaphore(%run_scoped3A : memref<!tpu.dma_semaphore, #tpu.memory_space<semaphore_mem>>) src(%dma_wait3A_35 : memref<16xi32, #tpu.memory_space<hbm>>) dst(%arg8 : memref<16xi32, #tpu.memory_space<vmem>>)
      tpu.yield
    }) : () -> ()
    %get3A = arith.constant 0 : index
    %get3A_1 = tpu.vector_load %arg8[%get3A] {strides = array<i32>} : memref<16xi32, #tpu.memory_space<vmem>>, vector<16xi32>,
    %broadcast_in_dim3A = arith.constant -1 : i32
    %broadcast_in_dim3A_2 = vector.broadcast %broadcast_in_dim3A : i32 to vector<16xi32>
    %iota3A = tpu.iota {dimensions = array<i32: 0>} : vector<16xi32>
    %scan3A = arith.constant 0 : i32
    %scan3A_3 = arith.constant 0 : i32
    %scan3A_4 = arith.constant 8 : i32
    %scan3A_5 = arith.addi %scan3A_3, %scan3A_4 : i32
    %scan3A_6 = arith.constant 1 : i32
    scf.for %scan3A_29 = %scan3A_3 to %scan3A_5 step %scan3A_6  : i32 {
      %mul3A_30 = arith.constant 8 : i32
      %mul3A_31 = arith.muli %scan3A_29, %mul3A_30 : i32
      %add3A_32 = arith.constant 0 : i32
      %add3A_33 = arith.addi %mul3A_31, %add3A_32 : i32
      %mul3A_34 = arith.constant 16 : i32
      %mul3A_35 = arith.muli %add3A_33, %mul3A_34 : i32
      %swap3A = arith.index_cast %mul3A_35 : i32 to index
      %swap3A_36 = tpu.vector_load %arg6[%swap3A] {strides = array<i32>} : memref<1024xi32, #tpu.memory_space<vmem>>, vector<16xi32>,
      tpu.vector_store %arg6[%swap3A], %broadcast_in_dim3A_2 {strides = array<i32>} : memref<1024xi32, #tpu.memory_space<vmem>>, vector<16xi32>,
      %mul3A_37 = arith.constant 8 : i32
      %mul3A_38 = arith.muli %scan3A_29, %mul3A_37 : i32
      %add3A_39 = arith.constant 1 : i32
      %add3A_40 = arith.addi %mul3A_38, %add3A_39 : i32
      %mul3A_41 = arith.constant 16 : i32
      %mul3A_42 = arith.muli %add3A_40, %mul3A_41 : i32
      %swap3A_43 = arith.index_cast %mul3A_42 : i32 to index
      %swap3A_44 = tpu.vector_load %arg6[%swap3A_43] {strides = array<i32>} : memref<1024xi32, #tpu.memory_space<vmem>>, vector<16xi32>,
      tpu.vector_store %arg6[%swap3A_43], %broadcast_in_dim3A_2 {strides = array<i32>} : memref<1024xi32, #tpu.memory_space<vmem>>, vector<16xi32>,
      %mul3A_45 = arith.constant 8 : i32
      %mul3A_46 = arith.muli %scan3A_29, %mul3A_45 : i32
      %add3A_47 = arith.constant 2 : i32
      %add3A_48 = arith.addi %mul3A_46, %add3A_47 : i32
      %mul3A_49 = arith.constant 16 : i32
      %mul3A_50 = arith.muli %add3A_48, %mul3A_49 : i32
      %swap3A_51 = arith.index_cast %mul3A_50 : i32 to index
      %swap3A_52 = tpu.vector_load %arg6[%swap3A_51] {strides = array<i32>} : memref<1024xi32, #tpu.memory_space<vmem>>, vector<16xi32>,
      tpu.vector_store %arg6[%swap3A_51], %broadcast_in_dim3A_2 {strides = array<i32>} : memref<1024xi32, #tpu.memory_space<vmem>>, vector<16xi32>,
      %mul3A_53 = arith.constant 8 : i32
      %mul3A_54 = arith.muli %scan3A_29, %mul3A_53 : i32
      %add3A_55 = arith.constant 3 : i32
      %add3A_56 = arith.addi %mul3A_54, %add3A_55 : i32
      %mul3A_57 = arith.constant 16 : i32
      %mul3A_58 = arith.muli %add3A_56, %mul3A_57 : i32
      %swap3A_59 = arith.index_cast %mul3A_58 : i32 to index
      %swap3A_60 = tpu.vector_load %arg6[%swap3A_59] {strides = array<i32>} : memref<1024xi32, #tpu.memory_space<vmem>>, vector<16xi32>,
      tpu.vector_store %arg6[%swap3A_59], %broadcast_in_dim3A_2 {strides = array<i32>} : memref<1024xi32, #tpu.memory_space<vmem>>, vector<16xi32>,
      %mul3A_61 = arith.constant 8 : i32
      %mul3A_62 = arith.muli %scan3A_29, %mul3A_61 : i32
      %add3A_63 = arith.constant 4 : i32
      %add3A_64 = arith.addi %mul3A_62, %add3A_63 : i32
      %mul3A_65 = arith.constant 16 : i32
      %mul3A_66 = arith.muli %add3A_64, %mul3A_65 : i32
      %swap3A_67 = arith.index_cast %mul3A_66 : i32 to index
      %swap3A_68 = tpu.vector_load %arg6[%swap3A_67] {strides = array<i32>} : memref<1024xi32, #tpu.memory_space<vmem>>, vector<16xi32>,
      tpu.vector_store %arg6[%swap3A_67], %broadcast_in_dim3A_2 {strides = array<i32>} : memref<1024xi32, #tpu.memory_space<vmem>>, vector<16xi32>,
      %mul3A_69 = arith.constant 8 : i32
      %mul3A_70 = arith.muli %scan3A_29, %mul3A_69 : i32
      %add3A_71 = arith.constant 5 : i32
      %add3A_72 = arith.addi %mul3A_70, %add3A_71 : i32
      %mul3A_73 = arith.constant 16 : i32
      %mul3A_74 = arith.muli %add3A_72, %mul3A_73 : i32
      %swap3A_75 = arith.index_cast %mul3A_74 : i32 to index
      %swap3A_76 = tpu.vector_load %arg6[%swap3A_75] {strides = array<i32>} : memref<1024xi32, #tpu.memory_space<vmem>>, vector<16xi32>,
      tpu.vector_store %arg6[%swap3A_75], %broadcast_in_dim3A_2 {strides = array<i32>} : memref<1024xi32, #tpu.memory_space<vmem>>, vector<16xi32>,
      %mul3A_77 = arith.constant 8 : i32
      %mul3A_78 = arith.muli %scan3A_29, %mul3A_77 : i32
      %add3A_79 = arith.constant 6 : i32
      %add3A_80 = arith.addi %mul3A_78, %add3A_79 : i32
      %mul3A_81 = arith.constant 16 : i32
      %mul3A_82 = arith.muli %add3A_80, %mul3A_81 : i32
      %swap3A_83 = arith.index_cast %mul3A_82 : i32 to index
      %swap3A_84 = tpu.vector_load %arg6[%swap3A_83] {strides = array<i32>} : memref<1024xi32, #tpu.memory_space<vmem>>, vector<16xi32>,
      tpu.vector_store %arg6[%swap3A_83], %broadcast_in_dim3A_2 {strides = array<i32>} : memref<1024xi32, #tpu.memory_space<vmem>>, vector<16xi32>,
      %mul3A_85 = arith.constant 8 : i32
      %mul3A_86 = arith.muli %scan3A_29, %mul3A_85 : i32
      %add3A_87 = arith.constant 7 : i32
      %add3A_88 = arith.addi %mul3A_86, %add3A_87 : i32
      %mul3A_89 = arith.constant 16 : i32
      %mul3A_90 = arith.muli %add3A_88, %mul3A_89 : i32
      %swap3A_91 = arith.index_cast %mul3A_90 : i32 to index
      %swap3A_92 = tpu.vector_load %arg6[%swap3A_91] {strides = array<i32>} : memref<1024xi32, #tpu.memory_space<vmem>>, vector<16xi32>,
      tpu.vector_store %arg6[%swap3A_91], %broadcast_in_dim3A_2 {strides = array<i32>} : memref<1024xi32, #tpu.memory_space<vmem>>, vector<16xi32>,
    }
    %scan3A_7 = arith.constant 8 : i32
    %mul3A_8 = arith.constant 262144 : i32
    %mul3A_9 = arith.muli %add3A, %mul3A_8 : i32
    %broadcast_in_dim3A_10 = arith.constant 0 : i32
    %broadcast_in_dim3A_11 = vector.broadcast %broadcast_in_dim3A_10 : i32 to vector<16xi32>
    %add3A_12 = arith.constant 0 : i32
    %add3A_13 = arith.addi %mul3A_9, %add3A_12 : i32
    %dma_start3A = tpu.memref_slice %arg2[%add3A_13] : memref<8388608xf32, #tpu.memory_space<hbm>> -> memref<16384xf32, #tpu.memory_space<hbm>>
    %dma_start3A_14 = tpu.memref_slice %arg2[%add3A_13] : memref<8388608xf32, #tpu.memory_space<hbm>> -> memref<16384xf32, #tpu.memory_space<hbm>>
    tpu.enqueue_dma source(%dma_start3A_14 : memref<16384xf32, #tpu.memory_space<hbm>>) target(%arg9 : memref<16384xf32, #tpu.memory_space<vmem>>) target_semaphore(%arg13 : memref<!tpu.dma_semaphore, #tpu.memory_space<semaphore_mem>>)
    %add3A_15 = arith.constant 16384 : i32
    %add3A_16 = arith.addi %mul3A_9, %add3A_15 : i32
    %dma_start3A_17 = tpu.memref_slice %arg2[%add3A_16] : memref<8388608xf32, #tpu.memory_space<hbm>> -> memref<16384xf32, #tpu.memory_space<hbm>>
    %dma_start3A_18 = tpu.memref_slice %arg2[%add3A_16] : memref<8388608xf32, #tpu.memory_space<hbm>> -> memref<16384xf32, #tpu.memory_space<hbm>>
    tpu.enqueue_dma source(%dma_start3A_18 : memref<16384xf32, #tpu.memory_space<hbm>>) target(%arg10 : memref<16384xf32, #tpu.memory_space<vmem>>) target_semaphore(%arg14 : memref<!tpu.dma_semaphore, #tpu.memory_space<semaphore_mem>>)
    %add3A_19 = arith.constant 32768 : i32
    %add3A_20 = arith.addi %mul3A_9, %add3A_19 : i32
    %dma_start3A_21 = tpu.memref_slice %arg2[%add3A_20] : memref<8388608xf32, #tpu.memory_space<hbm>> -> memref<16384xf32, #tpu.memory_space<hbm>>
    %dma_start3A_22 = tpu.memref_slice %arg2[%add3A_20] : memref<8388608xf32, #tpu.memory_space<hbm>> -> memref<16384xf32, #tpu.memory_space<hbm>>
    tpu.enqueue_dma source(%dma_start3A_22 : memref<16384xf32, #tpu.memory_space<hbm>>) target(%arg11 : memref<16384xf32, #tpu.memory_space<vmem>>) target_semaphore(%arg15 : memref<!tpu.dma_semaphore, #tpu.memory_space<semaphore_mem>>)
    %scan3A_23 = arith.constant 0 : i32
    %scan3A_24 = arith.constant 4 : i32
    %scan3A_25 = arith.addi %scan3A_23, %scan3A_24 : i32
    %scan3A_26 = arith.constant 1 : i32
    %scan3A_27 = scf.for %scan3A_29 = %scan3A_23 to %scan3A_25 step %scan3A_26 iter_args(%scan3A_30 = %broadcast_in_dim3A_11) -> (vector<16xi32>)  : i32 {
      %mul3A_31 = arith.constant 4 : i32
      %mul3A_32 = arith.muli %scan3A_29, %mul3A_31 : i32
      %add3A_33 = arith.constant 0 : i32
      %add3A_34 = arith.addi %mul3A_32, %add3A_33 : i32
      %mul3A_35 = arith.constant 16384 : i32
      %mul3A_36 = arith.muli %add3A_34, %mul3A_35 : i32
      %add3A_37 = arith.addi %mul3A_9, %mul3A_36 : i32
      %dma_wait3A = tpu.memref_slice %arg2[%add3A_37] : memref<8388608xf32, #tpu.memory_space<hbm>> -> memref<16384xf32, #tpu.memory_space<hbm>>
      %dma_wait3A_38 = tpu.memref_slice %arg2[%add3A_37] : memref<8388608xf32, #tpu.memory_space<hbm>> -> memref<16384xf32, #tpu.memory_space<hbm>>
      tpu.wait_dma2 semaphore(%arg13 : memref<!tpu.dma_semaphore, #tpu.memory_space<semaphore_mem>>) src(%dma_wait3A_38 : memref<16384xf32, #tpu.memory_space<hbm>>) dst(%arg9 : memref<16384xf32, #tpu.memory_space<vmem>>)
      %add3A_39 = arith.constant 4 : i32
      %add3A_40 = arith.addi %add3A_34, %add3A_39 : i32
      %sub3A = arith.constant 1 : i32
      %sub3A_41 = arith.subi %add3A_40, %sub3A : i32
      %lt3A = arith.constant 16 : i32
      %lt3A_42 = arith.cmpi slt, %sub3A_41, %lt3A : i32
      %convert_element_type3A = arith.extui %lt3A_42 : i1 to i32
      %cond3A = arith.constant 0 : i32
      %cond3A_43 = arith.cmpi ne, %convert_element_type3A, %cond3A : i32
      scf.if %cond3A_43 {
        %mul3A_134 = arith.constant 16384 : i32
        %mul3A_135 = arith.muli %sub3A_41, %mul3A_134 : i32
        %add3A_136 = arith.addi %mul3A_9, %mul3A_135 : i32
        %dma_start3A_137 = tpu.memref_slice %arg2[%add3A_136] : memref<8388608xf32, #tpu.memory_space<hbm>> -> memref<16384xf32, #tpu.memory_space<hbm>>
        %dma_start3A_138 = tpu.memref_slice %arg2[%add3A_136] : memref<8388608xf32, #tpu.memory_space<hbm>> -> memref<16384xf32, #tpu.memory_space<hbm>>
        tpu.enqueue_dma source(%dma_start3A_138 : memref<16384xf32, #tpu.memory_space<hbm>>) target(%arg12 : memref<16384xf32, #tpu.memory_space<vmem>>) target_semaphore(%arg16 : memref<!tpu.dma_semaphore, #tpu.memory_space<semaphore_mem>>)
      } else {
      }
      %mul3A_44 = arith.constant 16384 : i32
      %mul3A_45 = arith.muli %add3A_34, %mul3A_44 : i32
      %add3A_46 = arith.addi %mul3A_9, %mul3A_45 : i32
      %scan3A_47 = arith.constant 0 : i32
      %scan3A_48 = arith.constant 128 : i32
      %scan3A_49 = arith.addi %scan3A_47, %scan3A_48 : i32
      %scan3A_50 = arith.constant 1 : i32
      %scan3A_51 = scf.for %scan3A_134 = %scan3A_47 to %scan3A_49 step %scan3A_50 iter_args(%scan3A_135 = %scan3A_30) -> (vector<16xi32>)  : i32 {
        %mul3A_136 = arith.constant 8 : i32
        %mul3A_137 = arith.muli %scan3A_134, %mul3A_136 : i32
        %add3A_138 = arith.constant 0 : i32
        %add3A_139 = arith.addi %mul3A_137, %add3A_138 : i32
        %mul3A_140 = arith.constant 16 : i32
        %mul3A_141 = arith.muli %add3A_139, %mul3A_140 : i32
        %get3A_142 = arith.index_cast %mul3A_141 : i32 to index
        %get3A_143 = tpu.vector_load %arg9[%get3A_142] {strides = array<i32>} : memref<16384xf32, #tpu.memory_space<vmem>>, vector<16xf32>,
        %bitcast3A = vector.bitcast %get3A_143 : vector<16xf32> to vector<16xi32>
        %and3A = arith.constant 2147483647 : i32
        %and3A_144 = vector.broadcast %and3A : i32 to vector<16xi32>
        %and3A_145 = arith.andi %bitcast3A, %and3A_144 : vector<16xi32>
        %shift_right_logical3A = arith.constant 16 : i32
        %shift_right_logical3A_146 = vector.broadcast %shift_right_logical3A : i32 to vector<16xi32>
        %shift_right_logical3A_147 = arith.shrui %and3A_145, %shift_right_logical3A_146 : vector<16xi32>
        %eq3A = arith.cmpi eq, %shift_right_logical3A_147, %get3A_1 : vector<16xi32>
        %add3A_148 = arith.addi %add3A_46, %mul3A_141 : i32
        %add3A_149 = vector.broadcast %add3A_148 : i32 to vector<16xi32>
        %add3A_150 = arith.addi %add3A_149, %iota3A : vector<16xi32>
        %mul3A_151 = arith.constant 8 : i32
        %mul3A_152 = arith.muli %scan3A_134, %mul3A_151 : i32
        %add3A_153 = arith.constant 1 : i32
        %add3A_154 = arith.addi %mul3A_152, %add3A_153 : i32
        %mul3A_155 = arith.constant 16 : i32
        %mul3A_156 = arith.muli %add3A_154, %mul3A_155 : i32
        %get3A_157 = arith.index_cast %mul3A_156 : i32 to index
        %get3A_158 = tpu.vector_load %arg9[%get3A_157] {strides = array<i32>} : memref<16384xf32, #tpu.memory_space<vmem>>, vector<16xf32>,
        %bitcast3A_159 = vector.bitcast %get3A_158 : vector<16xf32> to vector<16xi32>
        %and3A_160 = arith.constant 2147483647 : i32
        %and3A_161 = vector.broadcast %and3A_160 : i32 to vector<16xi32>
        %and3A_162 = arith.andi %bitcast3A_159, %and3A_161 : vector<16xi32>
        %shift_right_logical3A_163 = arith.constant 16 : i32
        %shift_right_logical3A_164 = vector.broadcast %shift_right_logical3A_163 : i32 to vector<16xi32>
        %shift_right_logical3A_165 = arith.shrui %and3A_162, %shift_right_logical3A_164 : vector<16xi32>
        %eq3A_166 = arith.cmpi eq, %shift_right_logical3A_165, %get3A_1 : vector<16xi32>
        %add3A_167 = arith.addi %add3A_46, %mul3A_156 : i32
        %add3A_168 = vector.broadcast %add3A_167 : i32 to vector<16xi32>
        %add3A_169 = arith.addi %add3A_168, %iota3A : vector<16xi32>
        %mul3A_170 = arith.constant 8 : i32
        %mul3A_171 = arith.muli %scan3A_134, %mul3A_170 : i32
        %add3A_172 = arith.constant 2 : i32
        %add3A_173 = arith.addi %mul3A_171, %add3A_172 : i32
        %mul3A_174 = arith.constant 16 : i32
        %mul3A_175 = arith.muli %add3A_173, %mul3A_174 : i32
        %get3A_176 = arith.index_cast %mul3A_175 : i32 to index
        %get3A_177 = tpu.vector_load %arg9[%get3A_176] {strides = array<i32>} : memref<16384xf32, #tpu.memory_space<vmem>>, vector<16xf32>,
        %bitcast3A_178 = vector.bitcast %get3A_177 : vector<16xf32> to vector<16xi32>
        %and3A_179 = arith.constant 2147483647 : i32
        %and3A_180 = vector.broadcast %and3A_179 : i32 to vector<16xi32>
        %and3A_181 = arith.andi %bitcast3A_178, %and3A_180 : vector<16xi32>
        %shift_right_logical3A_182 = arith.constant 16 : i32
        %shift_right_logical3A_183 = vector.broadcast %shift_right_logical3A_182 : i32 to vector<16xi32>
        %shift_right_logical3A_184 = arith.shrui %and3A_181, %shift_right_logical3A_183 : vector<16xi32>
        %eq3A_185 = arith.cmpi eq, %shift_right_logical3A_184, %get3A_1 : vector<16xi32>
        %add3A_186 = arith.addi %add3A_46, %mul3A_175 : i32
        %add3A_187 = vector.broadcast %add3A_186 : i32 to vector<16xi32>
        %add3A_188 = arith.addi %add3A_187, %iota3A : vector<16xi32>
        %mul3A_189 = arith.constant 8 : i32
        %mul3A_190 = arith.muli %scan3A_134, %mul3A_189 : i32
        %add3A_191 = arith.constant 3 : i32
        %add3A_192 = arith.addi %mul3A_190, %add3A_191 : i32
        %mul3A_193 = arith.constant 16 : i32
        %mul3A_194 = arith.muli %add3A_192, %mul3A_193 : i32
        %get3A_195 = arith.index_cast %mul3A_194 : i32 to index
        %get3A_196 = tpu.vector_load %arg9[%get3A_195] {strides = array<i32>} : memref<16384xf32, #tpu.memory_space<vmem>>, vector<16xf32>,
        %bitcast3A_197 = vector.bitcast %get3A_196 : vector<16xf32> to vector<16xi32>
        %and3A_198 = arith.constant 2147483647 : i32
        %and3A_199 = vector.broadcast %and3A_198 : i32 to vector<16xi32>
        %and3A_200 = arith.andi %bitcast3A_197, %and3A_199 : vector<16xi32>
        %shift_right_logical3A_201 = arith.constant 16 : i32
        %shift_right_logical3A_202 = vector.broadcast %shift_right_logical3A_201 : i32 to vector<16xi32>
        %shift_right_logical3A_203 = arith.shrui %and3A_200, %shift_right_logical3A_202 : vector<16xi32>
        %eq3A_204 = arith.cmpi eq, %shift_right_logical3A_203, %get3A_1 : vector<16xi32>
        %add3A_205 = arith.addi %add3A_46, %mul3A_194 : i32
        %add3A_206 = vector.broadcast %add3A_205 : i32 to vector<16xi32>
        %add3A_207 = arith.addi %add3A_206, %iota3A : vector<16xi32>
        %mul3A_208 = arith.constant 8 : i32
        %mul3A_209 = arith.muli %scan3A_134, %mul3A_208 : i32
        %add3A_210 = arith.constant 4 : i32
        %add3A_211 = arith.addi %mul3A_209, %add3A_210 : i32
        %mul3A_212 = arith.constant 16 : i32
        %mul3A_213 = arith.muli %add3A_211, %mul3A_212 : i32
        %get3A_214 = arith.index_cast %mul3A_213 : i32 to index
        %get3A_215 = tpu.vector_load %arg9[%get3A_214] {strides = array<i32>} : memref<16384xf32, #tpu.memory_space<vmem>>, vector<16xf32>,
        %bitcast3A_216 = vector.bitcast %get3A_215 : vector<16xf32> to vector<16xi32>
        %and3A_217 = arith.constant 2147483647 : i32
        %and3A_218 = vector.broadcast %and3A_217 : i32 to vector<16xi32>
        %and3A_219 = arith.andi %bitcast3A_216, %and3A_218 : vector<16xi32>
        %shift_right_logical3A_220 = arith.constant 16 : i32
        %shift_right_logical3A_221 = vector.broadcast %shift_right_logical3A_220 : i32 to vector<16xi32>
        %shift_right_logical3A_222 = arith.shrui %and3A_219, %shift_right_logical3A_221 : vector<16xi32>
        %eq3A_223 = arith.cmpi eq, %shift_right_logical3A_222, %get3A_1 : vector<16xi32>
        %add3A_224 = arith.addi %add3A_46, %mul3A_213 : i32
        %add3A_225 = vector.broadcast %add3A_224 : i32 to vector<16xi32>
        %add3A_226 = arith.addi %add3A_225, %iota3A : vector<16xi32>
        %mul3A_227 = arith.constant 8 : i32
        %mul3A_228 = arith.muli %scan3A_134, %mul3A_227 : i32
        %add3A_229 = arith.constant 5 : i32
        %add3A_230 = arith.addi %mul3A_228, %add3A_229 : i32
        %mul3A_231 = arith.constant 16 : i32
        %mul3A_232 = arith.muli %add3A_230, %mul3A_231 : i32
        %get3A_233 = arith.index_cast %mul3A_232 : i32 to index
        %get3A_234 = tpu.vector_load %arg9[%get3A_233] {strides = array<i32>} : memref<16384xf32, #tpu.memory_space<vmem>>, vector<16xf32>,
        %bitcast3A_235 = vector.bitcast %get3A_234 : vector<16xf32> to vector<16xi32>
        %and3A_236 = arith.constant 2147483647 : i32
        %and3A_237 = vector.broadcast %and3A_236 : i32 to vector<16xi32>
        %and3A_238 = arith.andi %bitcast3A_235, %and3A_237 : vector<16xi32>
        %shift_right_logical3A_239 = arith.constant 16 : i32
        %shift_right_logical3A_240 = vector.broadcast %shift_right_logical3A_239 : i32 to vector<16xi32>
        %shift_right_logical3A_241 = arith.shrui %and3A_238, %shift_right_logical3A_240 : vector<16xi32>
        %eq3A_242 = arith.cmpi eq, %shift_right_logical3A_241, %get3A_1 : vector<16xi32>
        %add3A_243 = arith.addi %add3A_46, %mul3A_232 : i32
        %add3A_244 = vector.broadcast %add3A_243 : i32 to vector<16xi32>
        %add3A_245 = arith.addi %add3A_244, %iota3A : vector<16xi32>
        %mul3A_246 = arith.constant 8 : i32
        %mul3A_247 = arith.muli %scan3A_134, %mul3A_246 : i32
        %add3A_248 = arith.constant 6 : i32
        %add3A_249 = arith.addi %mul3A_247, %add3A_248 : i32
        %mul3A_250 = arith.constant 16 : i32
        %mul3A_251 = arith.muli %add3A_249, %mul3A_250 : i32
        %get3A_252 = arith.index_cast %mul3A_251 : i32 to index
        %get3A_253 = tpu.vector_load %arg9[%get3A_252] {strides = array<i32>} : memref<16384xf32, #tpu.memory_space<vmem>>, vector<16xf32>,
        %bitcast3A_254 = vector.bitcast %get3A_253 : vector<16xf32> to vector<16xi32>
        %and3A_255 = arith.constant 2147483647 : i32
        %and3A_256 = vector.broadcast %and3A_255 : i32 to vector<16xi32>
        %and3A_257 = arith.andi %bitcast3A_254, %and3A_256 : vector<16xi32>
        %shift_right_logical3A_258 = arith.constant 16 : i32
        %shift_right_logical3A_259 = vector.broadcast %shift_right_logical3A_258 : i32 to vector<16xi32>
        %shift_right_logical3A_260 = arith.shrui %and3A_257, %shift_right_logical3A_259 : vector<16xi32>
        %eq3A_261 = arith.cmpi eq, %shift_right_logical3A_260, %get3A_1 : vector<16xi32>
        %add3A_262 = arith.addi %add3A_46, %mul3A_251 : i32
        %add3A_263 = vector.broadcast %add3A_262 : i32 to vector<16xi32>
        %add3A_264 = arith.addi %add3A_263, %iota3A : vector<16xi32>
        %mul3A_265 = arith.constant 8 : i32
        %mul3A_266 = arith.muli %scan3A_134, %mul3A_265 : i32
        %add3A_267 = arith.constant 7 : i32
        %add3A_268 = arith.addi %mul3A_266, %add3A_267 : i32
        %mul3A_269 = arith.constant 16 : i32
        %mul3A_270 = arith.muli %add3A_268, %mul3A_269 : i32
        %get3A_271 = arith.index_cast %mul3A_270 : i32 to index
        %get3A_272 = tpu.vector_load %arg9[%get3A_271] {strides = array<i32>} : memref<16384xf32, #tpu.memory_space<vmem>>, vector<16xf32>,
        %bitcast3A_273 = vector.bitcast %get3A_272 : vector<16xf32> to vector<16xi32>
        %and3A_274 = arith.constant 2147483647 : i32
        %and3A_275 = vector.broadcast %and3A_274 : i32 to vector<16xi32>
        %and3A_276 = arith.andi %bitcast3A_273, %and3A_275 : vector<16xi32>
        %shift_right_logical3A_277 = arith.constant 16 : i32
        %shift_right_logical3A_278 = vector.broadcast %shift_right_logical3A_277 : i32 to vector<16xi32>
        %shift_right_logical3A_279 = arith.shrui %and3A_276, %shift_right_logical3A_278 : vector<16xi32>
        %eq3A_280 = arith.cmpi eq, %shift_right_logical3A_279, %get3A_1 : vector<16xi32>
        %add3A_281 = arith.addi %add3A_46, %mul3A_270 : i32
        %add3A_282 = vector.broadcast %add3A_281 : i32 to vector<16xi32>
        %add3A_283 = arith.addi %add3A_282, %iota3A : vector<16xi32>
        %convert_element_type3A_284 = arith.extui %eq3A : vector<16xi1> to vector<16xi32>
        %broadcast_in_dim3A_285 = arith.constant true
        %broadcast_in_dim3A_286 = vector.broadcast %broadcast_in_dim3A_285 : i1 to vector<16xi1>
        %masked_cumsum3A = tpu.scan <sum>, %convert_element_type3A_284 masked %broadcast_in_dim3A_286 : vector<16xi32>, vector<16xi1> -> vector<16xi32>
        %convert_element_type3A_287 = arith.extui %eq3A_166 : vector<16xi1> to vector<16xi32>
        %broadcast_in_dim3A_288 = arith.constant true
        %broadcast_in_dim3A_289 = vector.broadcast %broadcast_in_dim3A_288 : i1 to vector<16xi1>
        %masked_cumsum3A_290 = tpu.scan <sum>, %convert_element_type3A_287 masked %broadcast_in_dim3A_289 : vector<16xi32>, vector<16xi1> -> vector<16xi32>
        %convert_element_type3A_291 = arith.extui %eq3A_185 : vector<16xi1> to vector<16xi32>
        %broadcast_in_dim3A_292 = arith.constant true
        %broadcast_in_dim3A_293 = vector.broadcast %broadcast_in_dim3A_292 : i1 to vector<16xi1>
        %masked_cumsum3A_294 = tpu.scan <sum>, %convert_element_type3A_291 masked %broadcast_in_dim3A_293 : vector<16xi32>, vector<16xi1> -> vector<16xi32>
        %convert_element_type3A_295 = arith.extui %eq3A_204 : vector<16xi1> to vector<16xi32>
        %broadcast_in_dim3A_296 = arith.constant true
        %broadcast_in_dim3A_297 = vector.broadcast %broadcast_in_dim3A_296 : i1 to vector<16xi1>
        %masked_cumsum3A_298 = tpu.scan <sum>, %convert_element_type3A_295 masked %broadcast_in_dim3A_297 : vector<16xi32>, vector<16xi1> -> vector<16xi32>
        %convert_element_type3A_299 = arith.extui %eq3A_223 : vector<16xi1> to vector<16xi32>
        %broadcast_in_dim3A_300 = arith.constant true
        %broadcast_in_dim3A_301 = vector.broadcast %broadcast_in_dim3A_300 : i1 to vector<16xi1>
        %masked_cumsum3A_302 = tpu.scan <sum>, %convert_element_type3A_299 masked %broadcast_in_dim3A_301 : vector<16xi32>, vector<16xi1> -> vector<16xi32>
        %convert_element_type3A_303 = arith.extui %eq3A_242 : vector<16xi1> to vector<16xi32>
        %broadcast_in_dim3A_304 = arith.constant true
        %broadcast_in_dim3A_305 = vector.broadcast %broadcast_in_dim3A_304 : i1 to vector<16xi1>
        %masked_cumsum3A_306 = tpu.scan <sum>, %convert_element_type3A_303 masked %broadcast_in_dim3A_305 : vector<16xi32>, vector<16xi1> -> vector<16xi32>
        %convert_element_type3A_307 = arith.extui %eq3A_261 : vector<16xi1> to vector<16xi32>
        %broadcast_in_dim3A_308 = arith.constant true
        %broadcast_in_dim3A_309 = vector.broadcast %broadcast_in_dim3A_308 : i1 to vector<16xi1>
        %masked_cumsum3A_310 = tpu.scan <sum>, %convert_element_type3A_307 masked %broadcast_in_dim3A_309 : vector<16xi32>, vector<16xi1> -> vector<16xi32>
        %convert_element_type3A_311 = arith.extui %eq3A_280 : vector<16xi1> to vector<16xi32>
        %broadcast_in_dim3A_312 = arith.constant true
        %broadcast_in_dim3A_313 = vector.broadcast %broadcast_in_dim3A_312 : i1 to vector<16xi1>
        %masked_cumsum3A_314 = tpu.scan <sum>, %convert_element_type3A_311 masked %broadcast_in_dim3A_313 : vector<16xi32>, vector<16xi1> -> vector<16xi32>
        %all_reduce_population_count3A = tpu.all_reduce %eq3A {dim = 0 : i64, kind = #tpu.reduction_kind<sum>} : vector<16xi1> -> vector<16xi32>
        %all_reduce_population_count3A_315 = tpu.all_reduce %eq3A_166 {dim = 0 : i64, kind = #tpu.reduction_kind<sum>} : vector<16xi1> -> vector<16xi32>
        %all_reduce_population_count3A_316 = tpu.all_reduce %eq3A_185 {dim = 0 : i64, kind = #tpu.reduction_kind<sum>} : vector<16xi1> -> vector<16xi32>
        %all_reduce_population_count3A_317 = tpu.all_reduce %eq3A_204 {dim = 0 : i64, kind = #tpu.reduction_kind<sum>} : vector<16xi1> -> vector<16xi32>
        %all_reduce_population_count3A_318 = tpu.all_reduce %eq3A_223 {dim = 0 : i64, kind = #tpu.reduction_kind<sum>} : vector<16xi1> -> vector<16xi32>
        %all_reduce_population_count3A_319 = tpu.all_reduce %eq3A_242 {dim = 0 : i64, kind = #tpu.reduction_kind<sum>} : vector<16xi1> -> vector<16xi32>
        %all_reduce_population_count3A_320 = tpu.all_reduce %eq3A_261 {dim = 0 : i64, kind = #tpu.reduction_kind<sum>} : vector<16xi1> -> vector<16xi32>
        %all_reduce_population_count3A_321 = tpu.all_reduce %eq3A_280 {dim = 0 : i64, kind = #tpu.reduction_kind<sum>} : vector<16xi1> -> vector<16xi32>
        %add3A_322 = arith.addi %scan3A_135, %all_reduce_population_count3A : vector<16xi32>
        %add3A_323 = arith.addi %add3A_322, %all_reduce_population_count3A_315 : vector<16xi32>
        %add3A_324 = arith.addi %add3A_323, %all_reduce_population_count3A_316 : vector<16xi32>
        %add3A_325 = arith.addi %add3A_324, %all_reduce_population_count3A_317 : vector<16xi32>
        %add3A_326 = arith.addi %add3A_325, %all_reduce_population_count3A_318 : vector<16xi32>
        %add3A_327 = arith.addi %add3A_326, %all_reduce_population_count3A_319 : vector<16xi32>
        %add3A_328 = arith.addi %add3A_327, %all_reduce_population_count3A_320 : vector<16xi32>
        %add3A_329 = arith.addi %scan3A_135, %masked_cumsum3A : vector<16xi32>
        %sub3A_330 = arith.constant 1 : i32
        %sub3A_331 = vector.broadcast %sub3A_330 : i32 to vector<16xi32>
        %sub3A_332 = arith.subi %add3A_329, %sub3A_331 : vector<16xi32>
        %lt3A_333 = arith.constant 1024 : i32
        %lt3A_334 = vector.broadcast %lt3A_333 : i32 to vector<16xi32>
        %lt3A_335 = arith.cmpi slt, %sub3A_332, %lt3A_334 : vector<16xi32>
        %and3A_336 = arith.andi %eq3A, %lt3A_335 : vector<16xi1>
        tpu.vector_store_idx %arg6[%sub3A_332], %and3A_145 masked %and3A_336 : memref<1024xi32, #tpu.memory_space<vmem>>[vector<16xi32>], vector<16xi32>, vector<16xi1>
        tpu.vector_store_idx %arg7[%sub3A_332], %add3A_150 masked %and3A_336 : memref<1024xi32, #tpu.memory_space<vmem>>[vector<16xi32>], vector<16xi32>, vector<16xi1>
        %add3A_337 = arith.addi %add3A_322, %masked_cumsum3A_290 : vector<16xi32>
        %sub3A_338 = arith.constant 1 : i32
        %sub3A_339 = vector.broadcast %sub3A_338 : i32 to vector<16xi32>
        %sub3A_340 = arith.subi %add3A_337, %sub3A_339 : vector<16xi32>
        %lt3A_341 = arith.constant 1024 : i32
        %lt3A_342 = vector.broadcast %lt3A_341 : i32 to vector<16xi32>
        %lt3A_343 = arith.cmpi slt, %sub3A_340, %lt3A_342 : vector<16xi32>
        %and3A_344 = arith.andi %eq3A_166, %lt3A_343 : vector<16xi1>
        tpu.vector_store_idx %arg6[%sub3A_340], %and3A_162 masked %and3A_344 : memref<1024xi32, #tpu.memory_space<vmem>>[vector<16xi32>], vector<16xi32>, vector<16xi1>
        tpu.vector_store_idx %arg7[%sub3A_340], %add3A_169 masked %and3A_344 : memref<1024xi32, #tpu.memory_space<vmem>>[vector<16xi32>], vector<16xi32>, vector<16xi1>
        %add3A_345 = arith.addi %add3A_323, %masked_cumsum3A_294 : vector<16xi32>
        %sub3A_346 = arith.constant 1 : i32
        %sub3A_347 = vector.broadcast %sub3A_346 : i32 to vector<16xi32>
        %sub3A_348 = arith.subi %add3A_345, %sub3A_347 : vector<16xi32>
        %lt3A_349 = arith.constant 1024 : i32
        %lt3A_350 = vector.broadcast %lt3A_349 : i32 to vector<16xi32>
        %lt3A_351 = arith.cmpi slt, %sub3A_348, %lt3A_350 : vector<16xi32>
        %and3A_352 = arith.andi %eq3A_185, %lt3A_351 : vector<16xi1>
        tpu.vector_store_idx %arg6[%sub3A_348], %and3A_181 masked %and3A_352 : memref<1024xi32, #tpu.memory_space<vmem>>[vector<16xi32>], vector<16xi32>, vector<16xi1>
        tpu.vector_store_idx %arg7[%sub3A_348], %add3A_188 masked %and3A_352 : memref<1024xi32, #tpu.memory_space<vmem>>[vector<16xi32>], vector<16xi32>, vector<16xi1>
        %add3A_353 = arith.addi %add3A_324, %masked_cumsum3A_298 : vector<16xi32>
        %sub3A_354 = arith.constant 1 : i32
        %sub3A_355 = vector.broadcast %sub3A_354 : i32 to vector<16xi32>
        %sub3A_356 = arith.subi %add3A_353, %sub3A_355 : vector<16xi32>
        %lt3A_357 = arith.constant 1024 : i32
        %lt3A_358 = vector.broadcast %lt3A_357 : i32 to vector<16xi32>
        %lt3A_359 = arith.cmpi slt, %sub3A_356, %lt3A_358 : vector<16xi32>
        %and3A_360 = arith.andi %eq3A_204, %lt3A_359 : vector<16xi1>
        tpu.vector_store_idx %arg6[%sub3A_356], %and3A_200 masked %and3A_360 : memref<1024xi32, #tpu.memory_space<vmem>>[vector<16xi32>], vector<16xi32>, vector<16xi1>
        tpu.vector_store_idx %arg7[%sub3A_356], %add3A_207 masked %and3A_360 : memref<1024xi32, #tpu.memory_space<vmem>>[vector<16xi32>], vector<16xi32>, vector<16xi1>
        %add3A_361 = arith.addi %add3A_325, %masked_cumsum3A_302 : vector<16xi32>
        %sub3A_362 = arith.constant 1 : i32
        %sub3A_363 = vector.broadcast %sub3A_362 : i32 to vector<16xi32>
        %sub3A_364 = arith.subi %add3A_361, %sub3A_363 : vector<16xi32>
        %lt3A_365 = arith.constant 1024 : i32
        %lt3A_366 = vector.broadcast %lt3A_365 : i32 to vector<16xi32>
        %lt3A_367 = arith.cmpi slt, %sub3A_364, %lt3A_366 : vector<16xi32>
        %and3A_368 = arith.andi %eq3A_223, %lt3A_367 : vector<16xi1>
        tpu.vector_store_idx %arg6[%sub3A_364], %and3A_219 masked %and3A_368 : memref<1024xi32, #tpu.memory_space<vmem>>[vector<16xi32>], vector<16xi32>, vector<16xi1>
        tpu.vector_store_idx %arg7[%sub3A_364], %add3A_226 masked %and3A_368 : memref<1024xi32, #tpu.memory_space<vmem>>[vector<16xi32>], vector<16xi32>, vector<16xi1>
        %add3A_369 = arith.addi %add3A_326, %masked_cumsum3A_306 : vector<16xi32>
        %sub3A_370 = arith.constant 1 : i32
        %sub3A_371 = vector.broadcast %sub3A_370 : i32 to vector<16xi32>
        %sub3A_372 = arith.subi %add3A_369, %sub3A_371 : vector<16xi32>
        %lt3A_373 = arith.constant 1024 : i32
        %lt3A_374 = vector.broadcast %lt3A_373 : i32 to vector<16xi32>
        %lt3A_375 = arith.cmpi slt, %sub3A_372, %lt3A_374 : vector<16xi32>
        %and3A_376 = arith.andi %eq3A_242, %lt3A_375 : vector<16xi1>
        tpu.vector_store_idx %arg6[%sub3A_372], %and3A_238 masked %and3A_376 : memref<1024xi32, #tpu.memory_space<vmem>>[vector<16xi32>], vector<16xi32>, vector<16xi1>
        tpu.vector_store_idx %arg7[%sub3A_372], %add3A_245 masked %and3A_376 : memref<1024xi32, #tpu.memory_space<vmem>>[vector<16xi32>], vector<16xi32>, vector<16xi1>
        %add3A_377 = arith.addi %add3A_327, %masked_cumsum3A_310 : vector<16xi32>
        %sub3A_378 = arith.constant 1 : i32
        %sub3A_379 = vector.broadcast %sub3A_378 : i32 to vector<16xi32>
        %sub3A_380 = arith.subi %add3A_377, %sub3A_379 : vector<16xi32>
        %lt3A_381 = arith.constant 1024 : i32
        %lt3A_382 = vector.broadcast %lt3A_381 : i32 to vector<16xi32>
        %lt3A_383 = arith.cmpi slt, %sub3A_380, %lt3A_382 : vector<16xi32>
        %and3A_384 = arith.andi %eq3A_261, %lt3A_383 : vector<16xi1>
        tpu.vector_store_idx %arg6[%sub3A_380], %and3A_257 masked %and3A_384 : memref<1024xi32, #tpu.memory_space<vmem>>[vector<16xi32>], vector<16xi32>, vector<16xi1>
        tpu.vector_store_idx %arg7[%sub3A_380], %add3A_264 masked %and3A_384 : memref<1024xi32, #tpu.memory_space<vmem>>[vector<16xi32>], vector<16xi32>, vector<16xi1>
        %add3A_385 = arith.addi %add3A_328, %masked_cumsum3A_314 : vector<16xi32>
        %sub3A_386 = arith.constant 1 : i32
        %sub3A_387 = vector.broadcast %sub3A_386 : i32 to vector<16xi32>
        %sub3A_388 = arith.subi %add3A_385, %sub3A_387 : vector<16xi32>
        %lt3A_389 = arith.constant 1024 : i32
        %lt3A_390 = vector.broadcast %lt3A_389 : i32 to vector<16xi32>
        %lt3A_391 = arith.cmpi slt, %sub3A_388, %lt3A_390 : vector<16xi32>
        %and3A_392 = arith.andi %eq3A_280, %lt3A_391 : vector<16xi1>
        tpu.vector_store_idx %arg6[%sub3A_388], %and3A_276 masked %and3A_392 : memref<1024xi32, #tpu.memory_space<vmem>>[vector<16xi32>], vector<16xi32>, vector<16xi1>
        tpu.vector_store_idx %arg7[%sub3A_388], %add3A_283 masked %and3A_392 : memref<1024xi32, #tpu.memory_space<vmem>>[vector<16xi32>], vector<16xi32>, vector<16xi1>
        %add3A_393 = arith.addi %add3A_328, %all_reduce_population_count3A_321 : vector<16xi32>
        scf.yield %add3A_393 : vector<16xi32>
      }
      %scan3A_52 = arith.constant 128 : i32
      %mul3A_53 = arith.constant 4 : i32
      %mul3A_54 = arith.muli %scan3A_29, %mul3A_53 : i32
      %add3A_55 = arith.constant 1 : i32
      %add3A_56 = arith.addi %mul3A_54, %add3A_55 : i32
      %mul3A_57 = arith.constant 16384 : i32
      %mul3A_58 = arith.muli %add3A_56, %mul3A_57 : i32
      %add3A_59 = arith.addi %mul3A_9, %mul3A_58 : i32
      %dma_wait3A_60 = tpu.memref_slice %arg2[%add3A_59] : memref<8388608xf32, #tpu.memory_space<hbm>> -> memref<16384xf32, #tpu.memory_space<hbm>>
      %dma_wait3A_61 = tpu.memref_slice %arg2[%add3A_59] : memref<8388608xf32, #tpu.memory_space<hbm>> -> memref<16384xf32, #tpu.memory_space<hbm>>
      tpu.wait_dma2 semaphore(%arg14 : memref<!tpu.dma_semaphore, #tpu.memory_space<semaphore_mem>>) src(%dma_wait3A_61 : memref<16384xf32, #tpu.memory_space<hbm>>) dst(%arg10 : memref<16384xf32, #tpu.memory_space<vmem>>)
      %add3A_62 = arith.constant 4 : i32
      %add3A_63 = arith.addi %add3A_56, %add3A_62 : i32
      %sub3A_64 = arith.constant 1 : i32
      %sub3A_65 = arith.subi %add3A_63, %sub3A_64 : i32
      %lt3A_66 = arith.constant 16 : i32
      %lt3A_67 = arith.cmpi slt, %sub3A_65, %lt3A_66 : i32
      %convert_element_type3A_68 = arith.extui %lt3A_67 : i1 to i32
      %cond3A_69 = arith.constant 0 : i32
      %cond3A_70 = arith.cmpi ne, %convert_element_type3A_68, %cond3A_69 : i32
      scf.if %cond3A_70 {
        %mul3A_134 = arith.constant 16384 : i32
        %mul3A_135 = arith.muli %sub3A_65, %mul3A_134 : i32
        %add3A_136 = arith.addi %mul3A_9, %mul3A_135 : i32
        %dma_start3A_137 = tpu.memref_slice %arg2[%add3A_136] : memref<8388608xf32, #tpu.memory_space<hbm>> -> memref<16384xf32, #tpu.memory_space<hbm>>
        %dma_start3A_138 = tpu.memref_slice %arg2[%add3A_136] : memref<8388608xf32, #tpu.memory_space<hbm>> -> memref<16384xf32, #tpu.memory_space<hbm>>
        tpu.enqueue_dma source(%dma_start3A_138 : memref<16384xf32, #tpu.memory_space<hbm>>) target(%arg9 : memref<16384xf32, #tpu.memory_space<vmem>>) target_semaphore(%arg13 : memref<!tpu.dma_semaphore, #tpu.memory_space<semaphore_mem>>)
      } else {
      }
      %mul3A_71 = arith.constant 16384 : i32
      %mul3A_72 = arith.muli %add3A_56, %mul3A_71 : i32
      %add3A_73 = arith.addi %mul3A_9, %mul3A_72 : i32
      %scan3A_74 = arith.constant 0 : i32
      %scan3A_75 = arith.constant 128 : i32
      %scan3A_76 = arith.addi %scan3A_74, %scan3A_75 : i32
      %scan3A_77 = arith.constant 1 : i32
      %scan3A_78 = scf.for %scan3A_134 = %scan3A_74 to %scan3A_76 step %scan3A_77 iter_args(%scan3A_135 = %scan3A_51) -> (vector<16xi32>)  : i32 {
        %mul3A_136 = arith.constant 8 : i32
        %mul3A_137 = arith.muli %scan3A_134, %mul3A_136 : i32
        %add3A_138 = arith.constant 0 : i32
        %add3A_139 = arith.addi %mul3A_137, %add3A_138 : i32
        %mul3A_140 = arith.constant 16 : i32
        %mul3A_141 = arith.muli %add3A_139, %mul3A_140 : i32
        %get3A_142 = arith.index_cast %mul3A_141 : i32 to index
        %get3A_143 = tpu.vector_load %arg10[%get3A_142] {strides = array<i32>} : memref<16384xf32, #tpu.memory_space<vmem>>, vector<16xf32>,
        %bitcast3A = vector.bitcast %get3A_143 : vector<16xf32> to vector<16xi32>
        %and3A = arith.constant 2147483647 : i32
        %and3A_144 = vector.broadcast %and3A : i32 to vector<16xi32>
        %and3A_145 = arith.andi %bitcast3A, %and3A_144 : vector<16xi32>
        %shift_right_logical3A = arith.constant 16 : i32
        %shift_right_logical3A_146 = vector.broadcast %shift_right_logical3A : i32 to vector<16xi32>
        %shift_right_logical3A_147 = arith.shrui %and3A_145, %shift_right_logical3A_146 : vector<16xi32>
        %eq3A = arith.cmpi eq, %shift_right_logical3A_147, %get3A_1 : vector<16xi32>
        %add3A_148 = arith.addi %add3A_73, %mul3A_141 : i32
        %add3A_149 = vector.broadcast %add3A_148 : i32 to vector<16xi32>
        %add3A_150 = arith.addi %add3A_149, %iota3A : vector<16xi32>
        %mul3A_151 = arith.constant 8 : i32
        %mul3A_152 = arith.muli %scan3A_134, %mul3A_151 : i32
        %add3A_153 = arith.constant 1 : i32
        %add3A_154 = arith.addi %mul3A_152, %add3A_153 : i32
        %mul3A_155 = arith.constant 16 : i32
        %mul3A_156 = arith.muli %add3A_154, %mul3A_155 : i32
        %get3A_157 = arith.index_cast %mul3A_156 : i32 to index
        %get3A_158 = tpu.vector_load %arg10[%get3A_157] {strides = array<i32>} : memref<16384xf32, #tpu.memory_space<vmem>>, vector<16xf32>,
        %bitcast3A_159 = vector.bitcast %get3A_158 : vector<16xf32> to vector<16xi32>
        %and3A_160 = arith.constant 2147483647 : i32
        %and3A_161 = vector.broadcast %and3A_160 : i32 to vector<16xi32>
        %and3A_162 = arith.andi %bitcast3A_159, %and3A_161 : vector<16xi32>
        %shift_right_logical3A_163 = arith.constant 16 : i32
        %shift_right_logical3A_164 = vector.broadcast %shift_right_logical3A_163 : i32 to vector<16xi32>
        %shift_right_logical3A_165 = arith.shrui %and3A_162, %shift_right_logical3A_164 : vector<16xi32>
        %eq3A_166 = arith.cmpi eq, %shift_right_logical3A_165, %get3A_1 : vector<16xi32>
        %add3A_167 = arith.addi %add3A_73, %mul3A_156 : i32
        %add3A_168 = vector.broadcast %add3A_167 : i32 to vector<16xi32>
        %add3A_169 = arith.addi %add3A_168, %iota3A : vector<16xi32>
        %mul3A_170 = arith.constant 8 : i32
        %mul3A_171 = arith.muli %scan3A_134, %mul3A_170 : i32
        %add3A_172 = arith.constant 2 : i32
        %add3A_173 = arith.addi %mul3A_171, %add3A_172 : i32
        %mul3A_174 = arith.constant 16 : i32
        %mul3A_175 = arith.muli %add3A_173, %mul3A_174 : i32
        %get3A_176 = arith.index_cast %mul3A_175 : i32 to index
        %get3A_177 = tpu.vector_load %arg10[%get3A_176] {strides = array<i32>} : memref<16384xf32, #tpu.memory_space<vmem>>, vector<16xf32>,
        %bitcast3A_178 = vector.bitcast %get3A_177 : vector<16xf32> to vector<16xi32>
        %and3A_179 = arith.constant 2147483647 : i32
        %and3A_180 = vector.broadcast %and3A_179 : i32 to vector<16xi32>
        %and3A_181 = arith.andi %bitcast3A_178, %and3A_180 : vector<16xi32>
        %shift_right_logical3A_182 = arith.constant 16 : i32
        %shift_right_logical3A_183 = vector.broadcast %shift_right_logical3A_182 : i32 to vector<16xi32>
        %shift_right_logical3A_184 = arith.shrui %and3A_181, %shift_right_logical3A_183 : vector<16xi32>
        %eq3A_185 = arith.cmpi eq, %shift_right_logical3A_184, %get3A_1 : vector<16xi32>
        %add3A_186 = arith.addi %add3A_73, %mul3A_175 : i32
        %add3A_187 = vector.broadcast %add3A_186 : i32 to vector<16xi32>
        %add3A_188 = arith.addi %add3A_187, %iota3A : vector<16xi32>
        %mul3A_189 = arith.constant 8 : i32
        %mul3A_190 = arith.muli %scan3A_134, %mul3A_189 : i32
        %add3A_191 = arith.constant 3 : i32
        %add3A_192 = arith.addi %mul3A_190, %add3A_191 : i32
        %mul3A_193 = arith.constant 16 : i32
        %mul3A_194 = arith.muli %add3A_192, %mul3A_193 : i32
        %get3A_195 = arith.index_cast %mul3A_194 : i32 to index
        %get3A_196 = tpu.vector_load %arg10[%get3A_195] {strides = array<i32>} : memref<16384xf32, #tpu.memory_space<vmem>>, vector<16xf32>,
        %bitcast3A_197 = vector.bitcast %get3A_196 : vector<16xf32> to vector<16xi32>
        %and3A_198 = arith.constant 2147483647 : i32
        %and3A_199 = vector.broadcast %and3A_198 : i32 to vector<16xi32>
        %and3A_200 = arith.andi %bitcast3A_197, %and3A_199 : vector<16xi32>
        %shift_right_logical3A_201 = arith.constant 16 : i32
        %shift_right_logical3A_202 = vector.broadcast %shift_right_logical3A_201 : i32 to vector<16xi32>
        %shift_right_logical3A_203 = arith.shrui %and3A_200, %shift_right_logical3A_202 : vector<16xi32>
        %eq3A_204 = arith.cmpi eq, %shift_right_logical3A_203, %get3A_1 : vector<16xi32>
        %add3A_205 = arith.addi %add3A_73, %mul3A_194 : i32
        %add3A_206 = vector.broadcast %add3A_205 : i32 to vector<16xi32>
        %add3A_207 = arith.addi %add3A_206, %iota3A : vector<16xi32>
        %mul3A_208 = arith.constant 8 : i32
        %mul3A_209 = arith.muli %scan3A_134, %mul3A_208 : i32
        %add3A_210 = arith.constant 4 : i32
        %add3A_211 = arith.addi %mul3A_209, %add3A_210 : i32
        %mul3A_212 = arith.constant 16 : i32
        %mul3A_213 = arith.muli %add3A_211, %mul3A_212 : i32
        %get3A_214 = arith.index_cast %mul3A_213 : i32 to index
        %get3A_215 = tpu.vector_load %arg10[%get3A_214] {strides = array<i32>} : memref<16384xf32, #tpu.memory_space<vmem>>, vector<16xf32>,
        %bitcast3A_216 = vector.bitcast %get3A_215 : vector<16xf32> to vector<16xi32>
        %and3A_217 = arith.constant 2147483647 : i32
        %and3A_218 = vector.broadcast %and3A_217 : i32 to vector<16xi32>
        %and3A_219 = arith.andi %bitcast3A_216, %and3A_218 : vector<16xi32>
        %shift_right_logical3A_220 = arith.constant 16 : i32
        %shift_right_logical3A_221 = vector.broadcast %shift_right_logical3A_220 : i32 to vector<16xi32>
        %shift_right_logical3A_222 = arith.shrui %and3A_219, %shift_right_logical3A_221 : vector<16xi32>
        %eq3A_223 = arith.cmpi eq, %shift_right_logical3A_222, %get3A_1 : vector<16xi32>
        %add3A_224 = arith.addi %add3A_73, %mul3A_213 : i32
        %add3A_225 = vector.broadcast %add3A_224 : i32 to vector<16xi32>
        %add3A_226 = arith.addi %add3A_225, %iota3A : vector<16xi32>
        %mul3A_227 = arith.constant 8 : i32
        %mul3A_228 = arith.muli %scan3A_134, %mul3A_227 : i32
        %add3A_229 = arith.constant 5 : i32
        %add3A_230 = arith.addi %mul3A_228, %add3A_229 : i32
        %mul3A_231 = arith.constant 16 : i32
        %mul3A_232 = arith.muli %add3A_230, %mul3A_231 : i32
        %get3A_233 = arith.index_cast %mul3A_232 : i32 to index
        %get3A_234 = tpu.vector_load %arg10[%get3A_233] {strides = array<i32>} : memref<16384xf32, #tpu.memory_space<vmem>>, vector<16xf32>,
        %bitcast3A_235 = vector.bitcast %get3A_234 : vector<16xf32> to vector<16xi32>
        %and3A_236 = arith.constant 2147483647 : i32
        %and3A_237 = vector.broadcast %and3A_236 : i32 to vector<16xi32>
        %and3A_238 = arith.andi %bitcast3A_235, %and3A_237 : vector<16xi32>
        %shift_right_logical3A_239 = arith.constant 16 : i32
        %shift_right_logical3A_240 = vector.broadcast %shift_right_logical3A_239 : i32 to vector<16xi32>
        %shift_right_logical3A_241 = arith.shrui %and3A_238, %shift_right_logical3A_240 : vector<16xi32>
        %eq3A_242 = arith.cmpi eq, %shift_right_logical3A_241, %get3A_1 : vector<16xi32>
        %add3A_243 = arith.addi %add3A_73, %mul3A_232 : i32
        %add3A_244 = vector.broadcast %add3A_243 : i32 to vector<16xi32>
        %add3A_245 = arith.addi %add3A_244, %iota3A : vector<16xi32>
        %mul3A_246 = arith.constant 8 : i32
        %mul3A_247 = arith.muli %scan3A_134, %mul3A_246 : i32
        %add3A_248 = arith.constant 6 : i32
        %add3A_249 = arith.addi %mul3A_247, %add3A_248 : i32
        %mul3A_250 = arith.constant 16 : i32
        %mul3A_251 = arith.muli %add3A_249, %mul3A_250 : i32
        %get3A_252 = arith.index_cast %mul3A_251 : i32 to index
        %get3A_253 = tpu.vector_load %arg10[%get3A_252] {strides = array<i32>} : memref<16384xf32, #tpu.memory_space<vmem>>, vector<16xf32>,
        %bitcast3A_254 = vector.bitcast %get3A_253 : vector<16xf32> to vector<16xi32>
        %and3A_255 = arith.constant 2147483647 : i32
        %and3A_256 = vector.broadcast %and3A_255 : i32 to vector<16xi32>
        %and3A_257 = arith.andi %bitcast3A_254, %and3A_256 : vector<16xi32>
        %shift_right_logical3A_258 = arith.constant 16 : i32
        %shift_right_logical3A_259 = vector.broadcast %shift_right_logical3A_258 : i32 to vector<16xi32>
        %shift_right_logical3A_260 = arith.shrui %and3A_257, %shift_right_logical3A_259 : vector<16xi32>
        %eq3A_261 = arith.cmpi eq, %shift_right_logical3A_260, %get3A_1 : vector<16xi32>
        %add3A_262 = arith.addi %add3A_73, %mul3A_251 : i32
        %add3A_263 = vector.broadcast %add3A_262 : i32 to vector<16xi32>
        %add3A_264 = arith.addi %add3A_263, %iota3A : vector<16xi32>
        %mul3A_265 = arith.constant 8 : i32
        %mul3A_266 = arith.muli %scan3A_134, %mul3A_265 : i32
        %add3A_267 = arith.constant 7 : i32
        %add3A_268 = arith.addi %mul3A_266, %add3A_267 : i32
        %mul3A_269 = arith.constant 16 : i32
        %mul3A_270 = arith.muli %add3A_268, %mul3A_269 : i32
        %get3A_271 = arith.index_cast %mul3A_270 : i32 to index
        %get3A_272 = tpu.vector_load %arg10[%get3A_271] {strides = array<i32>} : memref<16384xf32, #tpu.memory_space<vmem>>, vector<16xf32>,
        %bitcast3A_273 = vector.bitcast %get3A_272 : vector<16xf32> to vector<16xi32>
        %and3A_274 = arith.constant 2147483647 : i32
        %and3A_275 = vector.broadcast %and3A_274 : i32 to vector<16xi32>
        %and3A_276 = arith.andi %bitcast3A_273, %and3A_275 : vector<16xi32>
        %shift_right_logical3A_277 = arith.constant 16 : i32
        %shift_right_logical3A_278 = vector.broadcast %shift_right_logical3A_277 : i32 to vector<16xi32>
        %shift_right_logical3A_279 = arith.shrui %and3A_276, %shift_right_logical3A_278 : vector<16xi32>
        %eq3A_280 = arith.cmpi eq, %shift_right_logical3A_279, %get3A_1 : vector<16xi32>
        %add3A_281 = arith.addi %add3A_73, %mul3A_270 : i32
        %add3A_282 = vector.broadcast %add3A_281 : i32 to vector<16xi32>
        %add3A_283 = arith.addi %add3A_282, %iota3A : vector<16xi32>
        %convert_element_type3A_284 = arith.extui %eq3A : vector<16xi1> to vector<16xi32>
        %broadcast_in_dim3A_285 = arith.constant true
        %broadcast_in_dim3A_286 = vector.broadcast %broadcast_in_dim3A_285 : i1 to vector<16xi1>
        %masked_cumsum3A = tpu.scan <sum>, %convert_element_type3A_284 masked %broadcast_in_dim3A_286 : vector<16xi32>, vector<16xi1> -> vector<16xi32>
        %convert_element_type3A_287 = arith.extui %eq3A_166 : vector<16xi1> to vector<16xi32>
        %broadcast_in_dim3A_288 = arith.constant true
        %broadcast_in_dim3A_289 = vector.broadcast %broadcast_in_dim3A_288 : i1 to vector<16xi1>
        %masked_cumsum3A_290 = tpu.scan <sum>, %convert_element_type3A_287 masked %broadcast_in_dim3A_289 : vector<16xi32>, vector<16xi1> -> vector<16xi32>
        %convert_element_type3A_291 = arith.extui %eq3A_185 : vector<16xi1> to vector<16xi32>
        %broadcast_in_dim3A_292 = arith.constant true
        %broadcast_in_dim3A_293 = vector.broadcast %broadcast_in_dim3A_292 : i1 to vector<16xi1>
        %masked_cumsum3A_294 = tpu.scan <sum>, %convert_element_type3A_291 masked %broadcast_in_dim3A_293 : vector<16xi32>, vector<16xi1> -> vector<16xi32>
        %convert_element_type3A_295 = arith.extui %eq3A_204 : vector<16xi1> to vector<16xi32>
        %broadcast_in_dim3A_296 = arith.constant true
        %broadcast_in_dim3A_297 = vector.broadcast %broadcast_in_dim3A_296 : i1 to vector<16xi1>
        %masked_cumsum3A_298 = tpu.scan <sum>, %convert_element_type3A_295 masked %broadcast_in_dim3A_297 : vector<16xi32>, vector<16xi1> -> vector<16xi32>
        %convert_element_type3A_299 = arith.extui %eq3A_223 : vector<16xi1> to vector<16xi32>
        %broadcast_in_dim3A_300 = arith.constant true
        %broadcast_in_dim3A_301 = vector.broadcast %broadcast_in_dim3A_300 : i1 to vector<16xi1>
        %masked_cumsum3A_302 = tpu.scan <sum>, %convert_element_type3A_299 masked %broadcast_in_dim3A_301 : vector<16xi32>, vector<16xi1> -> vector<16xi32>
        %convert_element_type3A_303 = arith.extui %eq3A_242 : vector<16xi1> to vector<16xi32>
        %broadcast_in_dim3A_304 = arith.constant true
        %broadcast_in_dim3A_305 = vector.broadcast %broadcast_in_dim3A_304 : i1 to vector<16xi1>
        %masked_cumsum3A_306 = tpu.scan <sum>, %convert_element_type3A_303 masked %broadcast_in_dim3A_305 : vector<16xi32>, vector<16xi1> -> vector<16xi32>
        %convert_element_type3A_307 = arith.extui %eq3A_261 : vector<16xi1> to vector<16xi32>
        %broadcast_in_dim3A_308 = arith.constant true
        %broadcast_in_dim3A_309 = vector.broadcast %broadcast_in_dim3A_308 : i1 to vector<16xi1>
        %masked_cumsum3A_310 = tpu.scan <sum>, %convert_element_type3A_307 masked %broadcast_in_dim3A_309 : vector<16xi32>, vector<16xi1> -> vector<16xi32>
        %convert_element_type3A_311 = arith.extui %eq3A_280 : vector<16xi1> to vector<16xi32>
        %broadcast_in_dim3A_312 = arith.constant true
        %broadcast_in_dim3A_313 = vector.broadcast %broadcast_in_dim3A_312 : i1 to vector<16xi1>
        %masked_cumsum3A_314 = tpu.scan <sum>, %convert_element_type3A_311 masked %broadcast_in_dim3A_313 : vector<16xi32>, vector<16xi1> -> vector<16xi32>
        %all_reduce_population_count3A = tpu.all_reduce %eq3A {dim = 0 : i64, kind = #tpu.reduction_kind<sum>} : vector<16xi1> -> vector<16xi32>
        %all_reduce_population_count3A_315 = tpu.all_reduce %eq3A_166 {dim = 0 : i64, kind = #tpu.reduction_kind<sum>} : vector<16xi1> -> vector<16xi32>
        %all_reduce_population_count3A_316 = tpu.all_reduce %eq3A_185 {dim = 0 : i64, kind = #tpu.reduction_kind<sum>} : vector<16xi1> -> vector<16xi32>
        %all_reduce_population_count3A_317 = tpu.all_reduce %eq3A_204 {dim = 0 : i64, kind = #tpu.reduction_kind<sum>} : vector<16xi1> -> vector<16xi32>
        %all_reduce_population_count3A_318 = tpu.all_reduce %eq3A_223 {dim = 0 : i64, kind = #tpu.reduction_kind<sum>} : vector<16xi1> -> vector<16xi32>
        %all_reduce_population_count3A_319 = tpu.all_reduce %eq3A_242 {dim = 0 : i64, kind = #tpu.reduction_kind<sum>} : vector<16xi1> -> vector<16xi32>
        %all_reduce_population_count3A_320 = tpu.all_reduce %eq3A_261 {dim = 0 : i64, kind = #tpu.reduction_kind<sum>} : vector<16xi1> -> vector<16xi32>
        %all_reduce_population_count3A_321 = tpu.all_reduce %eq3A_280 {dim = 0 : i64, kind = #tpu.reduction_kind<sum>} : vector<16xi1> -> vector<16xi32>
        %add3A_322 = arith.addi %scan3A_135, %all_reduce_population_count3A : vector<16xi32>
        %add3A_323 = arith.addi %add3A_322, %all_reduce_population_count3A_315 : vector<16xi32>
        %add3A_324 = arith.addi %add3A_323, %all_reduce_population_count3A_316 : vector<16xi32>
        %add3A_325 = arith.addi %add3A_324, %all_reduce_population_count3A_317 : vector<16xi32>
        %add3A_326 = arith.addi %add3A_325, %all_reduce_population_count3A_318 : vector<16xi32>
        %add3A_327 = arith.addi %add3A_326, %all_reduce_population_count3A_319 : vector<16xi32>
        %add3A_328 = arith.addi %add3A_327, %all_reduce_population_count3A_320 : vector<16xi32>
        %add3A_329 = arith.addi %scan3A_135, %masked_cumsum3A : vector<16xi32>
        %sub3A_330 = arith.constant 1 : i32
        %sub3A_331 = vector.broadcast %sub3A_330 : i32 to vector<16xi32>
        %sub3A_332 = arith.subi %add3A_329, %sub3A_331 : vector<16xi32>
        %lt3A_333 = arith.constant 1024 : i32
        %lt3A_334 = vector.broadcast %lt3A_333 : i32 to vector<16xi32>
        %lt3A_335 = arith.cmpi slt, %sub3A_332, %lt3A_334 : vector<16xi32>
        %and3A_336 = arith.andi %eq3A, %lt3A_335 : vector<16xi1>
        tpu.vector_store_idx %arg6[%sub3A_332], %and3A_145 masked %and3A_336 : memref<1024xi32, #tpu.memory_space<vmem>>[vector<16xi32>], vector<16xi32>, vector<16xi1>
        tpu.vector_store_idx %arg7[%sub3A_332], %add3A_150 masked %and3A_336 : memref<1024xi32, #tpu.memory_space<vmem>>[vector<16xi32>], vector<16xi32>, vector<16xi1>
        %add3A_337 = arith.addi %add3A_322, %masked_cumsum3A_290 : vector<16xi32>
        %sub3A_338 = arith.constant 1 : i32
        %sub3A_339 = vector.broadcast %sub3A_338 : i32 to vector<16xi32>
        %sub3A_340 = arith.subi %add3A_337, %sub3A_339 : vector<16xi32>
        %lt3A_341 = arith.constant 1024 : i32
        %lt3A_342 = vector.broadcast %lt3A_341 : i32 to vector<16xi32>
        %lt3A_343 = arith.cmpi slt, %sub3A_340, %lt3A_342 : vector<16xi32>
        %and3A_344 = arith.andi %eq3A_166, %lt3A_343 : vector<16xi1>
        tpu.vector_store_idx %arg6[%sub3A_340], %and3A_162 masked %and3A_344 : memref<1024xi32, #tpu.memory_space<vmem>>[vector<16xi32>], vector<16xi32>, vector<16xi1>
        tpu.vector_store_idx %arg7[%sub3A_340], %add3A_169 masked %and3A_344 : memref<1024xi32, #tpu.memory_space<vmem>>[vector<16xi32>], vector<16xi32>, vector<16xi1>
        %add3A_345 = arith.addi %add3A_323, %masked_cumsum3A_294 : vector<16xi32>
        %sub3A_346 = arith.constant 1 : i32
        %sub3A_347 = vector.broadcast %sub3A_346 : i32 to vector<16xi32>
        %sub3A_348 = arith.subi %add3A_345, %sub3A_347 : vector<16xi32>
        %lt3A_349 = arith.constant 1024 : i32
        %lt3A_350 = vector.broadcast %lt3A_349 : i32 to vector<16xi32>
        %lt3A_351 = arith.cmpi slt, %sub3A_348, %lt3A_350 : vector<16xi32>
        %and3A_352 = arith.andi %eq3A_185, %lt3A_351 : vector<16xi1>
        tpu.vector_store_idx %arg6[%sub3A_348], %and3A_181 masked %and3A_352 : memref<1024xi32, #tpu.memory_space<vmem>>[vector<16xi32>], vector<16xi32>, vector<16xi1>
        tpu.vector_store_idx %arg7[%sub3A_348], %add3A_188 masked %and3A_352 : memref<1024xi32, #tpu.memory_space<vmem>>[vector<16xi32>], vector<16xi32>, vector<16xi1>
        %add3A_353 = arith.addi %add3A_324, %masked_cumsum3A_298 : vector<16xi32>
        %sub3A_354 = arith.constant 1 : i32
        %sub3A_355 = vector.broadcast %sub3A_354 : i32 to vector<16xi32>
        %sub3A_356 = arith.subi %add3A_353, %sub3A_355 : vector<16xi32>
        %lt3A_357 = arith.constant 1024 : i32
        %lt3A_358 = vector.broadcast %lt3A_357 : i32 to vector<16xi32>
        %lt3A_359 = arith.cmpi slt, %sub3A_356, %lt3A_358 : vector<16xi32>
        %and3A_360 = arith.andi %eq3A_204, %lt3A_359 : vector<16xi1>
        tpu.vector_store_idx %arg6[%sub3A_356], %and3A_200 masked %and3A_360 : memref<1024xi32, #tpu.memory_space<vmem>>[vector<16xi32>], vector<16xi32>, vector<16xi1>
        tpu.vector_store_idx %arg7[%sub3A_356], %add3A_207 masked %and3A_360 : memref<1024xi32, #tpu.memory_space<vmem>>[vector<16xi32>], vector<16xi32>, vector<16xi1>
        %add3A_361 = arith.addi %add3A_325, %masked_cumsum3A_302 : vector<16xi32>
        %sub3A_362 = arith.constant 1 : i32
        %sub3A_363 = vector.broadcast %sub3A_362 : i32 to vector<16xi32>
        %sub3A_364 = arith.subi %add3A_361, %sub3A_363 : vector<16xi32>
        %lt3A_365 = arith.constant 1024 : i32
        %lt3A_366 = vector.broadcast %lt3A_365 : i32 to vector<16xi32>
        %lt3A_367 = arith.cmpi slt, %sub3A_364, %lt3A_366 : vector<16xi32>
        %and3A_368 = arith.andi %eq3A_223, %lt3A_367 : vector<16xi1>
        tpu.vector_store_idx %arg6[%sub3A_364], %and3A_219 masked %and3A_368 : memref<1024xi32, #tpu.memory_space<vmem>>[vector<16xi32>], vector<16xi32>, vector<16xi1>
        tpu.vector_store_idx %arg7[%sub3A_364], %add3A_226 masked %and3A_368 : memref<1024xi32, #tpu.memory_space<vmem>>[vector<16xi32>], vector<16xi32>, vector<16xi1>
        %add3A_369 = arith.addi %add3A_326, %masked_cumsum3A_306 : vector<16xi32>
        %sub3A_370 = arith.constant 1 : i32
        %sub3A_371 = vector.broadcast %sub3A_370 : i32 to vector<16xi32>
        %sub3A_372 = arith.subi %add3A_369, %sub3A_371 : vector<16xi32>
        %lt3A_373 = arith.constant 1024 : i32
        %lt3A_374 = vector.broadcast %lt3A_373 : i32 to vector<16xi32>
        %lt3A_375 = arith.cmpi slt, %sub3A_372, %lt3A_374 : vector<16xi32>
        %and3A_376 = arith.andi %eq3A_242, %lt3A_375 : vector<16xi1>
        tpu.vector_store_idx %arg6[%sub3A_372], %and3A_238 masked %and3A_376 : memref<1024xi32, #tpu.memory_space<vmem>>[vector<16xi32>], vector<16xi32>, vector<16xi1>
        tpu.vector_store_idx %arg7[%sub3A_372], %add3A_245 masked %and3A_376 : memref<1024xi32, #tpu.memory_space<vmem>>[vector<16xi32>], vector<16xi32>, vector<16xi1>
        %add3A_377 = arith.addi %add3A_327, %masked_cumsum3A_310 : vector<16xi32>
        %sub3A_378 = arith.constant 1 : i32
        %sub3A_379 = vector.broadcast %sub3A_378 : i32 to vector<16xi32>
        %sub3A_380 = arith.subi %add3A_377, %sub3A_379 : vector<16xi32>
        %lt3A_381 = arith.constant 1024 : i32
        %lt3A_382 = vector.broadcast %lt3A_381 : i32 to vector<16xi32>
        %lt3A_383 = arith.cmpi slt, %sub3A_380, %lt3A_382 : vector<16xi32>
        %and3A_384 = arith.andi %eq3A_261, %lt3A_383 : vector<16xi1>
        tpu.vector_store_idx %arg6[%sub3A_380], %and3A_257 masked %and3A_384 : memref<1024xi32, #tpu.memory_space<vmem>>[vector<16xi32>], vector<16xi32>, vector<16xi1>
        tpu.vector_store_idx %arg7[%sub3A_380], %add3A_264 masked %and3A_384 : memref<1024xi32, #tpu.memory_space<vmem>>[vector<16xi32>], vector<16xi32>, vector<16xi1>
        %add3A_385 = arith.addi %add3A_328, %masked_cumsum3A_314 : vector<16xi32>
        %sub3A_386 = arith.constant 1 : i32
        %sub3A_387 = vector.broadcast %sub3A_386 : i32 to vector<16xi32>
        %sub3A_388 = arith.subi %add3A_385, %sub3A_387 : vector<16xi32>
        %lt3A_389 = arith.constant 1024 : i32
        %lt3A_390 = vector.broadcast %lt3A_389 : i32 to vector<16xi32>
        %lt3A_391 = arith.cmpi slt, %sub3A_388, %lt3A_390 : vector<16xi32>
        %and3A_392 = arith.andi %eq3A_280, %lt3A_391 : vector<16xi1>
        tpu.vector_store_idx %arg6[%sub3A_388], %and3A_276 masked %and3A_392 : memref<1024xi32, #tpu.memory_space<vmem>>[vector<16xi32>], vector<16xi32>, vector<16xi1>
        tpu.vector_store_idx %arg7[%sub3A_388], %add3A_283 masked %and3A_392 : memref<1024xi32, #tpu.memory_space<vmem>>[vector<16xi32>], vector<16xi32>, vector<16xi1>
        %add3A_393 = arith.addi %add3A_328, %all_reduce_population_count3A_321 : vector<16xi32>
        scf.yield %add3A_393 : vector<16xi32>
      }
      %scan3A_79 = arith.constant 128 : i32
      %mul3A_80 = arith.constant 4 : i32
      %mul3A_81 = arith.muli %scan3A_29, %mul3A_80 : i32
      %add3A_82 = arith.constant 2 : i32
      %add3A_83 = arith.addi %mul3A_81, %add3A_82 : i32
      %mul3A_84 = arith.constant 16384 : i32
      %mul3A_85 = arith.muli %add3A_83, %mul3A_84 : i32
      %add3A_86 = arith.addi %mul3A_9, %mul3A_85 : i32
      %dma_wait3A_87 = tpu.memref_slice %arg2[%add3A_86] : memref<8388608xf32, #tpu.memory_space<hbm>> -> memref<16384xf32, #tpu.memory_space<hbm>>
      %dma_wait3A_88 = tpu.memref_slice %arg2[%add3A_86] : memref<8388608xf32, #tpu.memory_space<hbm>> -> memref<16384xf32, #tpu.memory_space<hbm>>
      tpu.wait_dma2 semaphore(%arg15 : memref<!tpu.dma_semaphore, #tpu.memory_space<semaphore_mem>>) src(%dma_wait3A_88 : memref<16384xf32, #tpu.memory_space<hbm>>) dst(%arg11 : memref<16384xf32, #tpu.memory_space<vmem>>)
      %add3A_89 = arith.constant 4 : i32
      %add3A_90 = arith.addi %add3A_83, %add3A_89 : i32
      %sub3A_91 = arith.constant 1 : i32
      %sub3A_92 = arith.subi %add3A_90, %sub3A_91 : i32
      %lt3A_93 = arith.constant 16 : i32
      %lt3A_94 = arith.cmpi slt, %sub3A_92, %lt3A_93 : i32
      %convert_element_type3A_95 = arith.extui %lt3A_94 : i1 to i32
      %cond3A_96 = arith.constant 0 : i32
      %cond3A_97 = arith.cmpi ne, %convert_element_type3A_95, %cond3A_96 : i32
      scf.if %cond3A_97 {
        %mul3A_134 = arith.constant 16384 : i32
        %mul3A_135 = arith.muli %sub3A_92, %mul3A_134 : i32
        %add3A_136 = arith.addi %mul3A_9, %mul3A_135 : i32
        %dma_start3A_137 = tpu.memref_slice %arg2[%add3A_136] : memref<8388608xf32, #tpu.memory_space<hbm>> -> memref<16384xf32, #tpu.memory_space<hbm>>
        %dma_start3A_138 = tpu.memref_slice %arg2[%add3A_136] : memref<8388608xf32, #tpu.memory_space<hbm>> -> memref<16384xf32, #tpu.memory_space<hbm>>
        tpu.enqueue_dma source(%dma_start3A_138 : memref<16384xf32, #tpu.memory_space<hbm>>) target(%arg10 : memref<16384xf32, #tpu.memory_space<vmem>>) target_semaphore(%arg14 : memref<!tpu.dma_semaphore, #tpu.memory_space<semaphore_mem>>)
      } else {
      }
      %mul3A_98 = arith.constant 16384 : i32
      %mul3A_99 = arith.muli %add3A_83, %mul3A_98 : i32
      %add3A_100 = arith.addi %mul3A_9, %mul3A_99 : i32
      %scan3A_101 = arith.constant 0 : i32
      %scan3A_102 = arith.constant 128 : i32
      %scan3A_103 = arith.addi %scan3A_101, %scan3A_102 : i32
      %scan3A_104 = arith.constant 1 : i32
      %scan3A_105 = scf.for %scan3A_134 = %scan3A_101 to %scan3A_103 step %scan3A_104 iter_args(%scan3A_135 = %scan3A_78) -> (vector<16xi32>)  : i32 {
        %mul3A_136 = arith.constant 8 : i32
        %mul3A_137 = arith.muli %scan3A_134, %mul3A_136 : i32
        %add3A_138 = arith.constant 0 : i32
        %add3A_139 = arith.addi %mul3A_137, %add3A_138 : i32
        %mul3A_140 = arith.constant 16 : i32
        %mul3A_141 = arith.muli %add3A_139, %mul3A_140 : i32
        %get3A_142 = arith.index_cast %mul3A_141 : i32 to index
        %get3A_143 = tpu.vector_load %arg11[%get3A_142] {strides = array<i32>} : memref<16384xf32, #tpu.memory_space<vmem>>, vector<16xf32>,
        %bitcast3A = vector.bitcast %get3A_143 : vector<16xf32> to vector<16xi32>
        %and3A = arith.constant 2147483647 : i32
        %and3A_144 = vector.broadcast %and3A : i32 to vector<16xi32>
        %and3A_145 = arith.andi %bitcast3A, %and3A_144 : vector<16xi32>
        %shift_right_logical3A = arith.constant 16 : i32
        %shift_right_logical3A_146 = vector.broadcast %shift_right_logical3A : i32 to vector<16xi32>
        %shift_right_logical3A_147 = arith.shrui %and3A_145, %shift_right_logical3A_146 : vector<16xi32>
        %eq3A = arith.cmpi eq, %shift_right_logical3A_147, %get3A_1 : vector<16xi32>
        %add3A_148 = arith.addi %add3A_100, %mul3A_141 : i32
        %add3A_149 = vector.broadcast %add3A_148 : i32 to vector<16xi32>
        %add3A_150 = arith.addi %add3A_149, %iota3A : vector<16xi32>
        %mul3A_151 = arith.constant 8 : i32
        %mul3A_152 = arith.muli %scan3A_134, %mul3A_151 : i32
        %add3A_153 = arith.constant 1 : i32
        %add3A_154 = arith.addi %mul3A_152, %add3A_153 : i32
        %mul3A_155 = arith.constant 16 : i32
        %mul3A_156 = arith.muli %add3A_154, %mul3A_155 : i32
        %get3A_157 = arith.index_cast %mul3A_156 : i32 to index
        %get3A_158 = tpu.vector_load %arg11[%get3A_157] {strides = array<i32>} : memref<16384xf32, #tpu.memory_space<vmem>>, vector<16xf32>,
        %bitcast3A_159 = vector.bitcast %get3A_158 : vector<16xf32> to vector<16xi32>
        %and3A_160 = arith.constant 2147483647 : i32
        %and3A_161 = vector.broadcast %and3A_160 : i32 to vector<16xi32>
        %and3A_162 = arith.andi %bitcast3A_159, %and3A_161 : vector<16xi32>
        %shift_right_logical3A_163 = arith.constant 16 : i32
        %shift_right_logical3A_164 = vector.broadcast %shift_right_logical3A_163 : i32 to vector<16xi32>
        %shift_right_logical3A_165 = arith.shrui %and3A_162, %shift_right_logical3A_164 : vector<16xi32>
        %eq3A_166 = arith.cmpi eq, %shift_right_logical3A_165, %get3A_1 : vector<16xi32>
        %add3A_167 = arith.addi %add3A_100, %mul3A_156 : i32
        %add3A_168 = vector.broadcast %add3A_167 : i32 to vector<16xi32>
        %add3A_169 = arith.addi %add3A_168, %iota3A : vector<16xi32>
        %mul3A_170 = arith.constant 8 : i32
        %mul3A_171 = arith.muli %scan3A_134, %mul3A_170 : i32
        %add3A_172 = arith.constant 2 : i32
        %add3A_173 = arith.addi %mul3A_171, %add3A_172 : i32
        %mul3A_174 = arith.constant 16 : i32
        %mul3A_175 = arith.muli %add3A_173, %mul3A_174 : i32
        %get3A_176 = arith.index_cast %mul3A_175 : i32 to index
        %get3A_177 = tpu.vector_load %arg11[%get3A_176] {strides = array<i32>} : memref<16384xf32, #tpu.memory_space<vmem>>, vector<16xf32>,
        %bitcast3A_178 = vector.bitcast %get3A_177 : vector<16xf32> to vector<16xi32>
        %and3A_179 = arith.constant 2147483647 : i32
        %and3A_180 = vector.broadcast %and3A_179 : i32 to vector<16xi32>
        %and3A_181 = arith.andi %bitcast3A_178, %and3A_180 : vector<16xi32>
        %shift_right_logical3A_182 = arith.constant 16 : i32
        %shift_right_logical3A_183 = vector.broadcast %shift_right_logical3A_182 : i32 to vector<16xi32>
        %shift_right_logical3A_184 = arith.shrui %and3A_181, %shift_right_logical3A_183 : vector<16xi32>
        %eq3A_185 = arith.cmpi eq, %shift_right_logical3A_184, %get3A_1 : vector<16xi32>
        %add3A_186 = arith.addi %add3A_100, %mul3A_175 : i32
        %add3A_187 = vector.broadcast %add3A_186 : i32 to vector<16xi32>
        %add3A_188 = arith.addi %add3A_187, %iota3A : vector<16xi32>
        %mul3A_189 = arith.constant 8 : i32
        %mul3A_190 = arith.muli %scan3A_134, %mul3A_189 : i32
        %add3A_191 = arith.constant 3 : i32
        %add3A_192 = arith.addi %mul3A_190, %add3A_191 : i32
        %mul3A_193 = arith.constant 16 : i32
        %mul3A_194 = arith.muli %add3A_192, %mul3A_193 : i32
        %get3A_195 = arith.index_cast %mul3A_194 : i32 to index
        %get3A_196 = tpu.vector_load %arg11[%get3A_195] {strides = array<i32>} : memref<16384xf32, #tpu.memory_space<vmem>>, vector<16xf32>,
        %bitcast3A_197 = vector.bitcast %get3A_196 : vector<16xf32> to vector<16xi32>
        %and3A_198 = arith.constant 2147483647 : i32
        %and3A_199 = vector.broadcast %and3A_198 : i32 to vector<16xi32>
        %and3A_200 = arith.andi %bitcast3A_197, %and3A_199 : vector<16xi32>
        %shift_right_logical3A_201 = arith.constant 16 : i32
        %shift_right_logical3A_202 = vector.broadcast %shift_right_logical3A_201 : i32 to vector<16xi32>
        %shift_right_logical3A_203 = arith.shrui %and3A_200, %shift_right_logical3A_202 : vector<16xi32>
        %eq3A_204 = arith.cmpi eq, %shift_right_logical3A_203, %get3A_1 : vector<16xi32>
        %add3A_205 = arith.addi %add3A_100, %mul3A_194 : i32
        %add3A_206 = vector.broadcast %add3A_205 : i32 to vector<16xi32>
        %add3A_207 = arith.addi %add3A_206, %iota3A : vector<16xi32>
        %mul3A_208 = arith.constant 8 : i32
        %mul3A_209 = arith.muli %scan3A_134, %mul3A_208 : i32
        %add3A_210 = arith.constant 4 : i32
        %add3A_211 = arith.addi %mul3A_209, %add3A_210 : i32
        %mul3A_212 = arith.constant 16 : i32
        %mul3A_213 = arith.muli %add3A_211, %mul3A_212 : i32
        %get3A_214 = arith.index_cast %mul3A_213 : i32 to index
        %get3A_215 = tpu.vector_load %arg11[%get3A_214] {strides = array<i32>} : memref<16384xf32, #tpu.memory_space<vmem>>, vector<16xf32>,
        %bitcast3A_216 = vector.bitcast %get3A_215 : vector<16xf32> to vector<16xi32>
        %and3A_217 = arith.constant 2147483647 : i32
        %and3A_218 = vector.broadcast %and3A_217 : i32 to vector<16xi32>
        %and3A_219 = arith.andi %bitcast3A_216, %and3A_218 : vector<16xi32>
        %shift_right_logical3A_220 = arith.constant 16 : i32
        %shift_right_logical3A_221 = vector.broadcast %shift_right_logical3A_220 : i32 to vector<16xi32>
        %shift_right_logical3A_222 = arith.shrui %and3A_219, %shift_right_logical3A_221 : vector<16xi32>
        %eq3A_223 = arith.cmpi eq, %shift_right_logical3A_222, %get3A_1 : vector<16xi32>
        %add3A_224 = arith.addi %add3A_100, %mul3A_213 : i32
        %add3A_225 = vector.broadcast %add3A_224 : i32 to vector<16xi32>
        %add3A_226 = arith.addi %add3A_225, %iota3A : vector<16xi32>
        %mul3A_227 = arith.constant 8 : i32
        %mul3A_228 = arith.muli %scan3A_134, %mul3A_227 : i32
        %add3A_229 = arith.constant 5 : i32
        %add3A_230 = arith.addi %mul3A_228, %add3A_229 : i32
        %mul3A_231 = arith.constant 16 : i32
        %mul3A_232 = arith.muli %add3A_230, %mul3A_231 : i32
        %get3A_233 = arith.index_cast %mul3A_232 : i32 to index
        %get3A_234 = tpu.vector_load %arg11[%get3A_233] {strides = array<i32>} : memref<16384xf32, #tpu.memory_space<vmem>>, vector<16xf32>,
        %bitcast3A_235 = vector.bitcast %get3A_234 : vector<16xf32> to vector<16xi32>
        %and3A_236 = arith.constant 2147483647 : i32
        %and3A_237 = vector.broadcast %and3A_236 : i32 to vector<16xi32>
        %and3A_238 = arith.andi %bitcast3A_235, %and3A_237 : vector<16xi32>
        %shift_right_logical3A_239 = arith.constant 16 : i32
        %shift_right_logical3A_240 = vector.broadcast %shift_right_logical3A_239 : i32 to vector<16xi32>
        %shift_right_logical3A_241 = arith.shrui %and3A_238, %shift_right_logical3A_240 : vector<16xi32>
        %eq3A_242 = arith.cmpi eq, %shift_right_logical3A_241, %get3A_1 : vector<16xi32>
        %add3A_243 = arith.addi %add3A_100, %mul3A_232 : i32
        %add3A_244 = vector.broadcast %add3A_243 : i32 to vector<16xi32>
        %add3A_245 = arith.addi %add3A_244, %iota3A : vector<16xi32>
        %mul3A_246 = arith.constant 8 : i32
        %mul3A_247 = arith.muli %scan3A_134, %mul3A_246 : i32
        %add3A_248 = arith.constant 6 : i32
        %add3A_249 = arith.addi %mul3A_247, %add3A_248 : i32
        %mul3A_250 = arith.constant 16 : i32
        %mul3A_251 = arith.muli %add3A_249, %mul3A_250 : i32
        %get3A_252 = arith.index_cast %mul3A_251 : i32 to index
        %get3A_253 = tpu.vector_load %arg11[%get3A_252] {strides = array<i32>} : memref<16384xf32, #tpu.memory_space<vmem>>, vector<16xf32>,
        %bitcast3A_254 = vector.bitcast %get3A_253 : vector<16xf32> to vector<16xi32>
        %and3A_255 = arith.constant 2147483647 : i32
        %and3A_256 = vector.broadcast %and3A_255 : i32 to vector<16xi32>
        %and3A_257 = arith.andi %bitcast3A_254, %and3A_256 : vector<16xi32>
        %shift_right_logical3A_258 = arith.constant 16 : i32
        %shift_right_logical3A_259 = vector.broadcast %shift_right_logical3A_258 : i32 to vector<16xi32>
        %shift_right_logical3A_260 = arith.shrui %and3A_257, %shift_right_logical3A_259 : vector<16xi32>
        %eq3A_261 = arith.cmpi eq, %shift_right_logical3A_260, %get3A_1 : vector<16xi32>
        %add3A_262 = arith.addi %add3A_100, %mul3A_251 : i32
        %add3A_263 = vector.broadcast %add3A_262 : i32 to vector<16xi32>
        %add3A_264 = arith.addi %add3A_263, %iota3A : vector<16xi32>
        %mul3A_265 = arith.constant 8 : i32
        %mul3A_266 = arith.muli %scan3A_134, %mul3A_265 : i32
        %add3A_267 = arith.constant 7 : i32
        %add3A_268 = arith.addi %mul3A_266, %add3A_267 : i32
        %mul3A_269 = arith.constant 16 : i32
        %mul3A_270 = arith.muli %add3A_268, %mul3A_269 : i32
        %get3A_271 = arith.index_cast %mul3A_270 : i32 to index
        %get3A_272 = tpu.vector_load %arg11[%get3A_271] {strides = array<i32>} : memref<16384xf32, #tpu.memory_space<vmem>>, vector<16xf32>,
        %bitcast3A_273 = vector.bitcast %get3A_272 : vector<16xf32> to vector<16xi32>
        %and3A_274 = arith.constant 2147483647 : i32
        %and3A_275 = vector.broadcast %and3A_274 : i32 to vector<16xi32>
        %and3A_276 = arith.andi %bitcast3A_273, %and3A_275 : vector<16xi32>
        %shift_right_logical3A_277 = arith.constant 16 : i32
        %shift_right_logical3A_278 = vector.broadcast %shift_right_logical3A_277 : i32 to vector<16xi32>
        %shift_right_logical3A_279 = arith.shrui %and3A_276, %shift_right_logical3A_278 : vector<16xi32>
        %eq3A_280 = arith.cmpi eq, %shift_right_logical3A_279, %get3A_1 : vector<16xi32>
        %add3A_281 = arith.addi %add3A_100, %mul3A_270 : i32
        %add3A_282 = vector.broadcast %add3A_281 : i32 to vector<16xi32>
        %add3A_283 = arith.addi %add3A_282, %iota3A : vector<16xi32>
        %convert_element_type3A_284 = arith.extui %eq3A : vector<16xi1> to vector<16xi32>
        %broadcast_in_dim3A_285 = arith.constant true
        %broadcast_in_dim3A_286 = vector.broadcast %broadcast_in_dim3A_285 : i1 to vector<16xi1>
        %masked_cumsum3A = tpu.scan <sum>, %convert_element_type3A_284 masked %broadcast_in_dim3A_286 : vector<16xi32>, vector<16xi1> -> vector<16xi32>
        %convert_element_type3A_287 = arith.extui %eq3A_166 : vector<16xi1> to vector<16xi32>
        %broadcast_in_dim3A_288 = arith.constant true
        %broadcast_in_dim3A_289 = vector.broadcast %broadcast_in_dim3A_288 : i1 to vector<16xi1>
        %masked_cumsum3A_290 = tpu.scan <sum>, %convert_element_type3A_287 masked %broadcast_in_dim3A_289 : vector<16xi32>, vector<16xi1> -> vector<16xi32>
        %convert_element_type3A_291 = arith.extui %eq3A_185 : vector<16xi1> to vector<16xi32>
        %broadcast_in_dim3A_292 = arith.constant true
        %broadcast_in_dim3A_293 = vector.broadcast %broadcast_in_dim3A_292 : i1 to vector<16xi1>
        %masked_cumsum3A_294 = tpu.scan <sum>, %convert_element_type3A_291 masked %broadcast_in_dim3A_293 : vector<16xi32>, vector<16xi1> -> vector<16xi32>
        %convert_element_type3A_295 = arith.extui %eq3A_204 : vector<16xi1> to vector<16xi32>
        %broadcast_in_dim3A_296 = arith.constant true
        %broadcast_in_dim3A_297 = vector.broadcast %broadcast_in_dim3A_296 : i1 to vector<16xi1>
        %masked_cumsum3A_298 = tpu.scan <sum>, %convert_element_type3A_295 masked %broadcast_in_dim3A_297 : vector<16xi32>, vector<16xi1> -> vector<16xi32>
        %convert_element_type3A_299 = arith.extui %eq3A_223 : vector<16xi1> to vector<16xi32>
        %broadcast_in_dim3A_300 = arith.constant true
        %broadcast_in_dim3A_301 = vector.broadcast %broadcast_in_dim3A_300 : i1 to vector<16xi1>
        %masked_cumsum3A_302 = tpu.scan <sum>, %convert_element_type3A_299 masked %broadcast_in_dim3A_301 : vector<16xi32>, vector<16xi1> -> vector<16xi32>
        %convert_element_type3A_303 = arith.extui %eq3A_242 : vector<16xi1> to vector<16xi32>
        %broadcast_in_dim3A_304 = arith.constant true
        %broadcast_in_dim3A_305 = vector.broadcast %broadcast_in_dim3A_304 : i1 to vector<16xi1>
        %masked_cumsum3A_306 = tpu.scan <sum>, %convert_element_type3A_303 masked %broadcast_in_dim3A_305 : vector<16xi32>, vector<16xi1> -> vector<16xi32>
        %convert_element_type3A_307 = arith.extui %eq3A_261 : vector<16xi1> to vector<16xi32>
        %broadcast_in_dim3A_308 = arith.constant true
        %broadcast_in_dim3A_309 = vector.broadcast %broadcast_in_dim3A_308 : i1 to vector<16xi1>
        %masked_cumsum3A_310 = tpu.scan <sum>, %convert_element_type3A_307 masked %broadcast_in_dim3A_309 : vector<16xi32>, vector<16xi1> -> vector<16xi32>
        %convert_element_type3A_311 = arith.extui %eq3A_280 : vector<16xi1> to vector<16xi32>
        %broadcast_in_dim3A_312 = arith.constant true
        %broadcast_in_dim3A_313 = vector.broadcast %broadcast_in_dim3A_312 : i1 to vector<16xi1>
        %masked_cumsum3A_314 = tpu.scan <sum>, %convert_element_type3A_311 masked %broadcast_in_dim3A_313 : vector<16xi32>, vector<16xi1> -> vector<16xi32>
        %all_reduce_population_count3A = tpu.all_reduce %eq3A {dim = 0 : i64, kind = #tpu.reduction_kind<sum>} : vector<16xi1> -> vector<16xi32>
        %all_reduce_population_count3A_315 = tpu.all_reduce %eq3A_166 {dim = 0 : i64, kind = #tpu.reduction_kind<sum>} : vector<16xi1> -> vector<16xi32>
        %all_reduce_population_count3A_316 = tpu.all_reduce %eq3A_185 {dim = 0 : i64, kind = #tpu.reduction_kind<sum>} : vector<16xi1> -> vector<16xi32>
        %all_reduce_population_count3A_317 = tpu.all_reduce %eq3A_204 {dim = 0 : i64, kind = #tpu.reduction_kind<sum>} : vector<16xi1> -> vector<16xi32>
        %all_reduce_population_count3A_318 = tpu.all_reduce %eq3A_223 {dim = 0 : i64, kind = #tpu.reduction_kind<sum>} : vector<16xi1> -> vector<16xi32>
        %all_reduce_population_count3A_319 = tpu.all_reduce %eq3A_242 {dim = 0 : i64, kind = #tpu.reduction_kind<sum>} : vector<16xi1> -> vector<16xi32>
        %all_reduce_population_count3A_320 = tpu.all_reduce %eq3A_261 {dim = 0 : i64, kind = #tpu.reduction_kind<sum>} : vector<16xi1> -> vector<16xi32>
        %all_reduce_population_count3A_321 = tpu.all_reduce %eq3A_280 {dim = 0 : i64, kind = #tpu.reduction_kind<sum>} : vector<16xi1> -> vector<16xi32>
        %add3A_322 = arith.addi %scan3A_135, %all_reduce_population_count3A : vector<16xi32>
        %add3A_323 = arith.addi %add3A_322, %all_reduce_population_count3A_315 : vector<16xi32>
        %add3A_324 = arith.addi %add3A_323, %all_reduce_population_count3A_316 : vector<16xi32>
        %add3A_325 = arith.addi %add3A_324, %all_reduce_population_count3A_317 : vector<16xi32>
        %add3A_326 = arith.addi %add3A_325, %all_reduce_population_count3A_318 : vector<16xi32>
        %add3A_327 = arith.addi %add3A_326, %all_reduce_population_count3A_319 : vector<16xi32>
        %add3A_328 = arith.addi %add3A_327, %all_reduce_population_count3A_320 : vector<16xi32>
        %add3A_329 = arith.addi %scan3A_135, %masked_cumsum3A : vector<16xi32>
        %sub3A_330 = arith.constant 1 : i32
        %sub3A_331 = vector.broadcast %sub3A_330 : i32 to vector<16xi32>
        %sub3A_332 = arith.subi %add3A_329, %sub3A_331 : vector<16xi32>
        %lt3A_333 = arith.constant 1024 : i32
        %lt3A_334 = vector.broadcast %lt3A_333 : i32 to vector<16xi32>
        %lt3A_335 = arith.cmpi slt, %sub3A_332, %lt3A_334 : vector<16xi32>
        %and3A_336 = arith.andi %eq3A, %lt3A_335 : vector<16xi1>
        tpu.vector_store_idx %arg6[%sub3A_332], %and3A_145 masked %and3A_336 : memref<1024xi32, #tpu.memory_space<vmem>>[vector<16xi32>], vector<16xi32>, vector<16xi1>
        tpu.vector_store_idx %arg7[%sub3A_332], %add3A_150 masked %and3A_336 : memref<1024xi32, #tpu.memory_space<vmem>>[vector<16xi32>], vector<16xi32>, vector<16xi1>
        %add3A_337 = arith.addi %add3A_322, %masked_cumsum3A_290 : vector<16xi32>
        %sub3A_338 = arith.constant 1 : i32
        %sub3A_339 = vector.broadcast %sub3A_338 : i32 to vector<16xi32>
        %sub3A_340 = arith.subi %add3A_337, %sub3A_339 : vector<16xi32>
        %lt3A_341 = arith.constant 1024 : i32
        %lt3A_342 = vector.broadcast %lt3A_341 : i32 to vector<16xi32>
        %lt3A_343 = arith.cmpi slt, %sub3A_340, %lt3A_342 : vector<16xi32>
        %and3A_344 = arith.andi %eq3A_166, %lt3A_343 : vector<16xi1>
        tpu.vector_store_idx %arg6[%sub3A_340], %and3A_162 masked %and3A_344 : memref<1024xi32, #tpu.memory_space<vmem>>[vector<16xi32>], vector<16xi32>, vector<16xi1>
        tpu.vector_store_idx %arg7[%sub3A_340], %add3A_169 masked %and3A_344 : memref<1024xi32, #tpu.memory_space<vmem>>[vector<16xi32>], vector<16xi32>, vector<16xi1>
        %add3A_345 = arith.addi %add3A_323, %masked_cumsum3A_294 : vector<16xi32>
        %sub3A_346 = arith.constant 1 : i32
        %sub3A_347 = vector.broadcast %sub3A_346 : i32 to vector<16xi32>
        %sub3A_348 = arith.subi %add3A_345, %sub3A_347 : vector<16xi32>
        %lt3A_349 = arith.constant 1024 : i32
        %lt3A_350 = vector.broadcast %lt3A_349 : i32 to vector<16xi32>
        %lt3A_351 = arith.cmpi slt, %sub3A_348, %lt3A_350 : vector<16xi32>
        %and3A_352 = arith.andi %eq3A_185, %lt3A_351 : vector<16xi1>
        tpu.vector_store_idx %arg6[%sub3A_348], %and3A_181 masked %and3A_352 : memref<1024xi32, #tpu.memory_space<vmem>>[vector<16xi32>], vector<16xi32>, vector<16xi1>
        tpu.vector_store_idx %arg7[%sub3A_348], %add3A_188 masked %and3A_352 : memref<1024xi32, #tpu.memory_space<vmem>>[vector<16xi32>], vector<16xi32>, vector<16xi1>
        %add3A_353 = arith.addi %add3A_324, %masked_cumsum3A_298 : vector<16xi32>
        %sub3A_354 = arith.constant 1 : i32
        %sub3A_355 = vector.broadcast %sub3A_354 : i32 to vector<16xi32>
        %sub3A_356 = arith.subi %add3A_353, %sub3A_355 : vector<16xi32>
        %lt3A_357 = arith.constant 1024 : i32
        %lt3A_358 = vector.broadcast %lt3A_357 : i32 to vector<16xi32>
        %lt3A_359 = arith.cmpi slt, %sub3A_356, %lt3A_358 : vector<16xi32>
        %and3A_360 = arith.andi %eq3A_204, %lt3A_359 : vector<16xi1>
        tpu.vector_store_idx %arg6[%sub3A_356], %and3A_200 masked %and3A_360 : memref<1024xi32, #tpu.memory_space<vmem>>[vector<16xi32>], vector<16xi32>, vector<16xi1>
        tpu.vector_store_idx %arg7[%sub3A_356], %add3A_207 masked %and3A_360 : memref<1024xi32, #tpu.memory_space<vmem>>[vector<16xi32>], vector<16xi32>, vector<16xi1>
        %add3A_361 = arith.addi %add3A_325, %masked_cumsum3A_302 : vector<16xi32>
        %sub3A_362 = arith.constant 1 : i32
        %sub3A_363 = vector.broadcast %sub3A_362 : i32 to vector<16xi32>
        %sub3A_364 = arith.subi %add3A_361, %sub3A_363 : vector<16xi32>
        %lt3A_365 = arith.constant 1024 : i32
        %lt3A_366 = vector.broadcast %lt3A_365 : i32 to vector<16xi32>
        %lt3A_367 = arith.cmpi slt, %sub3A_364, %lt3A_366 : vector<16xi32>
        %and3A_368 = arith.andi %eq3A_223, %lt3A_367 : vector<16xi1>
        tpu.vector_store_idx %arg6[%sub3A_364], %and3A_219 masked %and3A_368 : memref<1024xi32, #tpu.memory_space<vmem>>[vector<16xi32>], vector<16xi32>, vector<16xi1>
        tpu.vector_store_idx %arg7[%sub3A_364], %add3A_226 masked %and3A_368 : memref<1024xi32, #tpu.memory_space<vmem>>[vector<16xi32>], vector<16xi32>, vector<16xi1>
        %add3A_369 = arith.addi %add3A_326, %masked_cumsum3A_306 : vector<16xi32>
        %sub3A_370 = arith.constant 1 : i32
        %sub3A_371 = vector.broadcast %sub3A_370 : i32 to vector<16xi32>
        %sub3A_372 = arith.subi %add3A_369, %sub3A_371 : vector<16xi32>
        %lt3A_373 = arith.constant 1024 : i32
        %lt3A_374 = vector.broadcast %lt3A_373 : i32 to vector<16xi32>
        %lt3A_375 = arith.cmpi slt, %sub3A_372, %lt3A_374 : vector<16xi32>
        %and3A_376 = arith.andi %eq3A_242, %lt3A_375 : vector<16xi1>
        tpu.vector_store_idx %arg6[%sub3A_372], %and3A_238 masked %and3A_376 : memref<1024xi32, #tpu.memory_space<vmem>>[vector<16xi32>], vector<16xi32>, vector<16xi1>
        tpu.vector_store_idx %arg7[%sub3A_372], %add3A_245 masked %and3A_376 : memref<1024xi32, #tpu.memory_space<vmem>>[vector<16xi32>], vector<16xi32>, vector<16xi1>
        %add3A_377 = arith.addi %add3A_327, %masked_cumsum3A_310 : vector<16xi32>
        %sub3A_378 = arith.constant 1 : i32
        %sub3A_379 = vector.broadcast %sub3A_378 : i32 to vector<16xi32>
        %sub3A_380 = arith.subi %add3A_377, %sub3A_379 : vector<16xi32>
        %lt3A_381 = arith.constant 1024 : i32
        %lt3A_382 = vector.broadcast %lt3A_381 : i32 to vector<16xi32>
        %lt3A_383 = arith.cmpi slt, %sub3A_380, %lt3A_382 : vector<16xi32>
        %and3A_384 = arith.andi %eq3A_261, %lt3A_383 : vector<16xi1>
        tpu.vector_store_idx %arg6[%sub3A_380], %and3A_257 masked %and3A_384 : memref<1024xi32, #tpu.memory_space<vmem>>[vector<16xi32>], vector<16xi32>, vector<16xi1>
        tpu.vector_store_idx %arg7[%sub3A_380], %add3A_264 masked %and3A_384 : memref<1024xi32, #tpu.memory_space<vmem>>[vector<16xi32>], vector<16xi32>, vector<16xi1>
        %add3A_385 = arith.addi %add3A_328, %masked_cumsum3A_314 : vector<16xi32>
        %sub3A_386 = arith.constant 1 : i32
        %sub3A_387 = vector.broadcast %sub3A_386 : i32 to vector<16xi32>
        %sub3A_388 = arith.subi %add3A_385, %sub3A_387 : vector<16xi32>
        %lt3A_389 = arith.constant 1024 : i32
        %lt3A_390 = vector.broadcast %lt3A_389 : i32 to vector<16xi32>
        %lt3A_391 = arith.cmpi slt, %sub3A_388, %lt3A_390 : vector<16xi32>
        %and3A_392 = arith.andi %eq3A_280, %lt3A_391 : vector<16xi1>
        tpu.vector_store_idx %arg6[%sub3A_388], %and3A_276 masked %and3A_392 : memref<1024xi32, #tpu.memory_space<vmem>>[vector<16xi32>], vector<16xi32>, vector<16xi1>
        tpu.vector_store_idx %arg7[%sub3A_388], %add3A_283 masked %and3A_392 : memref<1024xi32, #tpu.memory_space<vmem>>[vector<16xi32>], vector<16xi32>, vector<16xi1>
        %add3A_393 = arith.addi %add3A_328, %all_reduce_population_count3A_321 : vector<16xi32>
        scf.yield %add3A_393 : vector<16xi32>
      }
      %scan3A_106 = arith.constant 128 : i32
      %mul3A_107 = arith.constant 4 : i32
      %mul3A_108 = arith.muli %scan3A_29, %mul3A_107 : i32
      %add3A_109 = arith.constant 3 : i32
      %add3A_110 = arith.addi %mul3A_108, %add3A_109 : i32
      %mul3A_111 = arith.constant 16384 : i32
      %mul3A_112 = arith.muli %add3A_110, %mul3A_111 : i32
      %add3A_113 = arith.addi %mul3A_9, %mul3A_112 : i32
      %dma_wait3A_114 = tpu.memref_slice %arg2[%add3A_113] : memref<8388608xf32, #tpu.memory_space<hbm>> -> memref<16384xf32, #tpu.memory_space<hbm>>
      %dma_wait3A_115 = tpu.memref_slice %arg2[%add3A_113] : memref<8388608xf32, #tpu.memory_space<hbm>> -> memref<16384xf32, #tpu.memory_space<hbm>>
      tpu.wait_dma2 semaphore(%arg16 : memref<!tpu.dma_semaphore, #tpu.memory_space<semaphore_mem>>) src(%dma_wait3A_115 : memref<16384xf32, #tpu.memory_space<hbm>>) dst(%arg12 : memref<16384xf32, #tpu.memory_space<vmem>>)
      %add3A_116 = arith.constant 4 : i32
      %add3A_117 = arith.addi %add3A_110, %add3A_116 : i32
      %sub3A_118 = arith.constant 1 : i32
      %sub3A_119 = arith.subi %add3A_117, %sub3A_118 : i32
      %lt3A_120 = arith.constant 16 : i32
      %lt3A_121 = arith.cmpi slt, %sub3A_119, %lt3A_120 : i32
      %convert_element_type3A_122 = arith.extui %lt3A_121 : i1 to i32
      %cond3A_123 = arith.constant 0 : i32
      %cond3A_124 = arith.cmpi ne, %convert_element_type3A_122, %cond3A_123 : i32
      scf.if %cond3A_124 {
        %mul3A_134 = arith.constant 16384 : i32
        %mul3A_135 = arith.muli %sub3A_119, %mul3A_134 : i32
        %add3A_136 = arith.addi %mul3A_9, %mul3A_135 : i32
        %dma_start3A_137 = tpu.memref_slice %arg2[%add3A_136] : memref<8388608xf32, #tpu.memory_space<hbm>> -> memref<16384xf32, #tpu.memory_space<hbm>>
        %dma_start3A_138 = tpu.memref_slice %arg2[%add3A_136] : memref<8388608xf32, #tpu.memory_space<hbm>> -> memref<16384xf32, #tpu.memory_space<hbm>>
        tpu.enqueue_dma source(%dma_start3A_138 : memref<16384xf32, #tpu.memory_space<hbm>>) target(%arg11 : memref<16384xf32, #tpu.memory_space<vmem>>) target_semaphore(%arg15 : memref<!tpu.dma_semaphore, #tpu.memory_space<semaphore_mem>>)
      } else {
      }
      %mul3A_125 = arith.constant 16384 : i32
      %mul3A_126 = arith.muli %add3A_110, %mul3A_125 : i32
      %add3A_127 = arith.addi %mul3A_9, %mul3A_126 : i32
      %scan3A_128 = arith.constant 0 : i32
      %scan3A_129 = arith.constant 128 : i32
      %scan3A_130 = arith.addi %scan3A_128, %scan3A_129 : i32
      %scan3A_131 = arith.constant 1 : i32
      %scan3A_132 = scf.for %scan3A_134 = %scan3A_128 to %scan3A_130 step %scan3A_131 iter_args(%scan3A_135 = %scan3A_105) -> (vector<16xi32>)  : i32 {
        %mul3A_136 = arith.constant 8 : i32
        %mul3A_137 = arith.muli %scan3A_134, %mul3A_136 : i32
        %add3A_138 = arith.constant 0 : i32
        %add3A_139 = arith.addi %mul3A_137, %add3A_138 : i32
        %mul3A_140 = arith.constant 16 : i32
        %mul3A_141 = arith.muli %add3A_139, %mul3A_140 : i32
        %get3A_142 = arith.index_cast %mul3A_141 : i32 to index
        %get3A_143 = tpu.vector_load %arg12[%get3A_142] {strides = array<i32>} : memref<16384xf32, #tpu.memory_space<vmem>>, vector<16xf32>,
        %bitcast3A = vector.bitcast %get3A_143 : vector<16xf32> to vector<16xi32>
        %and3A = arith.constant 2147483647 : i32
        %and3A_144 = vector.broadcast %and3A : i32 to vector<16xi32>
        %and3A_145 = arith.andi %bitcast3A, %and3A_144 : vector<16xi32>
        %shift_right_logical3A = arith.constant 16 : i32
        %shift_right_logical3A_146 = vector.broadcast %shift_right_logical3A : i32 to vector<16xi32>
        %shift_right_logical3A_147 = arith.shrui %and3A_145, %shift_right_logical3A_146 : vector<16xi32>
        %eq3A = arith.cmpi eq, %shift_right_logical3A_147, %get3A_1 : vector<16xi32>
        %add3A_148 = arith.addi %add3A_127, %mul3A_141 : i32
        %add3A_149 = vector.broadcast %add3A_148 : i32 to vector<16xi32>
        %add3A_150 = arith.addi %add3A_149, %iota3A : vector<16xi32>
        %mul3A_151 = arith.constant 8 : i32
        %mul3A_152 = arith.muli %scan3A_134, %mul3A_151 : i32
        %add3A_153 = arith.constant 1 : i32
        %add3A_154 = arith.addi %mul3A_152, %add3A_153 : i32
        %mul3A_155 = arith.constant 16 : i32
        %mul3A_156 = arith.muli %add3A_154, %mul3A_155 : i32
        %get3A_157 = arith.index_cast %mul3A_156 : i32 to index
        %get3A_158 = tpu.vector_load %arg12[%get3A_157] {strides = array<i32>} : memref<16384xf32, #tpu.memory_space<vmem>>, vector<16xf32>,
        %bitcast3A_159 = vector.bitcast %get3A_158 : vector<16xf32> to vector<16xi32>
        %and3A_160 = arith.constant 2147483647 : i32
        %and3A_161 = vector.broadcast %and3A_160 : i32 to vector<16xi32>
        %and3A_162 = arith.andi %bitcast3A_159, %and3A_161 : vector<16xi32>
        %shift_right_logical3A_163 = arith.constant 16 : i32
        %shift_right_logical3A_164 = vector.broadcast %shift_right_logical3A_163 : i32 to vector<16xi32>
        %shift_right_logical3A_165 = arith.shrui %and3A_162, %shift_right_logical3A_164 : vector<16xi32>
        %eq3A_166 = arith.cmpi eq, %shift_right_logical3A_165, %get3A_1 : vector<16xi32>
        %add3A_167 = arith.addi %add3A_127, %mul3A_156 : i32
        %add3A_168 = vector.broadcast %add3A_167 : i32 to vector<16xi32>
        %add3A_169 = arith.addi %add3A_168, %iota3A : vector<16xi32>
        %mul3A_170 = arith.constant 8 : i32
        %mul3A_171 = arith.muli %scan3A_134, %mul3A_170 : i32
        %add3A_172 = arith.constant 2 : i32
        %add3A_173 = arith.addi %mul3A_171, %add3A_172 : i32
        %mul3A_174 = arith.constant 16 : i32
        %mul3A_175 = arith.muli %add3A_173, %mul3A_174 : i32
        %get3A_176 = arith.index_cast %mul3A_175 : i32 to index
        %get3A_177 = tpu.vector_load %arg12[%get3A_176] {strides = array<i32>} : memref<16384xf32, #tpu.memory_space<vmem>>, vector<16xf32>,
        %bitcast3A_178 = vector.bitcast %get3A_177 : vector<16xf32> to vector<16xi32>
        %and3A_179 = arith.constant 2147483647 : i32
        %and3A_180 = vector.broadcast %and3A_179 : i32 to vector<16xi32>
        %and3A_181 = arith.andi %bitcast3A_178, %and3A_180 : vector<16xi32>
        %shift_right_logical3A_182 = arith.constant 16 : i32
        %shift_right_logical3A_183 = vector.broadcast %shift_right_logical3A_182 : i32 to vector<16xi32>
        %shift_right_logical3A_184 = arith.shrui %and3A_181, %shift_right_logical3A_183 : vector<16xi32>
        %eq3A_185 = arith.cmpi eq, %shift_right_logical3A_184, %get3A_1 : vector<16xi32>
        %add3A_186 = arith.addi %add3A_127, %mul3A_175 : i32
        %add3A_187 = vector.broadcast %add3A_186 : i32 to vector<16xi32>
        %add3A_188 = arith.addi %add3A_187, %iota3A : vector<16xi32>
        %mul3A_189 = arith.constant 8 : i32
        %mul3A_190 = arith.muli %scan3A_134, %mul3A_189 : i32
        %add3A_191 = arith.constant 3 : i32
        %add3A_192 = arith.addi %mul3A_190, %add3A_191 : i32
        %mul3A_193 = arith.constant 16 : i32
        %mul3A_194 = arith.muli %add3A_192, %mul3A_193 : i32
        %get3A_195 = arith.index_cast %mul3A_194 : i32 to index
        %get3A_196 = tpu.vector_load %arg12[%get3A_195] {strides = array<i32>} : memref<16384xf32, #tpu.memory_space<vmem>>, vector<16xf32>,
        %bitcast3A_197 = vector.bitcast %get3A_196 : vector<16xf32> to vector<16xi32>
        %and3A_198 = arith.constant 2147483647 : i32
        %and3A_199 = vector.broadcast %and3A_198 : i32 to vector<16xi32>
        %and3A_200 = arith.andi %bitcast3A_197, %and3A_199 : vector<16xi32>
        %shift_right_logical3A_201 = arith.constant 16 : i32
        %shift_right_logical3A_202 = vector.broadcast %shift_right_logical3A_201 : i32 to vector<16xi32>
        %shift_right_logical3A_203 = arith.shrui %and3A_200, %shift_right_logical3A_202 : vector<16xi32>
        %eq3A_204 = arith.cmpi eq, %shift_right_logical3A_203, %get3A_1 : vector<16xi32>
        %add3A_205 = arith.addi %add3A_127, %mul3A_194 : i32
        %add3A_206 = vector.broadcast %add3A_205 : i32 to vector<16xi32>
        %add3A_207 = arith.addi %add3A_206, %iota3A : vector<16xi32>
        %mul3A_208 = arith.constant 8 : i32
        %mul3A_209 = arith.muli %scan3A_134, %mul3A_208 : i32
        %add3A_210 = arith.constant 4 : i32
        %add3A_211 = arith.addi %mul3A_209, %add3A_210 : i32
        %mul3A_212 = arith.constant 16 : i32
        %mul3A_213 = arith.muli %add3A_211, %mul3A_212 : i32
        %get3A_214 = arith.index_cast %mul3A_213 : i32 to index
        %get3A_215 = tpu.vector_load %arg12[%get3A_214] {strides = array<i32>} : memref<16384xf32, #tpu.memory_space<vmem>>, vector<16xf32>,
        %bitcast3A_216 = vector.bitcast %get3A_215 : vector<16xf32> to vector<16xi32>
        %and3A_217 = arith.constant 2147483647 : i32
        %and3A_218 = vector.broadcast %and3A_217 : i32 to vector<16xi32>
        %and3A_219 = arith.andi %bitcast3A_216, %and3A_218 : vector<16xi32>
        %shift_right_logical3A_220 = arith.constant 16 : i32
        %shift_right_logical3A_221 = vector.broadcast %shift_right_logical3A_220 : i32 to vector<16xi32>
        %shift_right_logical3A_222 = arith.shrui %and3A_219, %shift_right_logical3A_221 : vector<16xi32>
        %eq3A_223 = arith.cmpi eq, %shift_right_logical3A_222, %get3A_1 : vector<16xi32>
        %add3A_224 = arith.addi %add3A_127, %mul3A_213 : i32
        %add3A_225 = vector.broadcast %add3A_224 : i32 to vector<16xi32>
        %add3A_226 = arith.addi %add3A_225, %iota3A : vector<16xi32>
        %mul3A_227 = arith.constant 8 : i32
        %mul3A_228 = arith.muli %scan3A_134, %mul3A_227 : i32
        %add3A_229 = arith.constant 5 : i32
        %add3A_230 = arith.addi %mul3A_228, %add3A_229 : i32
        %mul3A_231 = arith.constant 16 : i32
        %mul3A_232 = arith.muli %add3A_230, %mul3A_231 : i32
        %get3A_233 = arith.index_cast %mul3A_232 : i32 to index
        %get3A_234 = tpu.vector_load %arg12[%get3A_233] {strides = array<i32>} : memref<16384xf32, #tpu.memory_space<vmem>>, vector<16xf32>,
        %bitcast3A_235 = vector.bitcast %get3A_234 : vector<16xf32> to vector<16xi32>
        %and3A_236 = arith.constant 2147483647 : i32
        %and3A_237 = vector.broadcast %and3A_236 : i32 to vector<16xi32>
        %and3A_238 = arith.andi %bitcast3A_235, %and3A_237 : vector<16xi32>
        %shift_right_logical3A_239 = arith.constant 16 : i32
        %shift_right_logical3A_240 = vector.broadcast %shift_right_logical3A_239 : i32 to vector<16xi32>
        %shift_right_logical3A_241 = arith.shrui %and3A_238, %shift_right_logical3A_240 : vector<16xi32>
        %eq3A_242 = arith.cmpi eq, %shift_right_logical3A_241, %get3A_1 : vector<16xi32>
        %add3A_243 = arith.addi %add3A_127, %mul3A_232 : i32
        %add3A_244 = vector.broadcast %add3A_243 : i32 to vector<16xi32>
        %add3A_245 = arith.addi %add3A_244, %iota3A : vector<16xi32>
        %mul3A_246 = arith.constant 8 : i32
        %mul3A_247 = arith.muli %scan3A_134, %mul3A_246 : i32
        %add3A_248 = arith.constant 6 : i32
        %add3A_249 = arith.addi %mul3A_247, %add3A_248 : i32
        %mul3A_250 = arith.constant 16 : i32
        %mul3A_251 = arith.muli %add3A_249, %mul3A_250 : i32
        %get3A_252 = arith.index_cast %mul3A_251 : i32 to index
        %get3A_253 = tpu.vector_load %arg12[%get3A_252] {strides = array<i32>} : memref<16384xf32, #tpu.memory_space<vmem>>, vector<16xf32>,
        %bitcast3A_254 = vector.bitcast %get3A_253 : vector<16xf32> to vector<16xi32>
        %and3A_255 = arith.constant 2147483647 : i32
        %and3A_256 = vector.broadcast %and3A_255 : i32 to vector<16xi32>
        %and3A_257 = arith.andi %bitcast3A_254, %and3A_256 : vector<16xi32>
        %shift_right_logical3A_258 = arith.constant 16 : i32
        %shift_right_logical3A_259 = vector.broadcast %shift_right_logical3A_258 : i32 to vector<16xi32>
        %shift_right_logical3A_260 = arith.shrui %and3A_257, %shift_right_logical3A_259 : vector<16xi32>
        %eq3A_261 = arith.cmpi eq, %shift_right_logical3A_260, %get3A_1 : vector<16xi32>
        %add3A_262 = arith.addi %add3A_127, %mul3A_251 : i32
        %add3A_263 = vector.broadcast %add3A_262 : i32 to vector<16xi32>
        %add3A_264 = arith.addi %add3A_263, %iota3A : vector<16xi32>
        %mul3A_265 = arith.constant 8 : i32
        %mul3A_266 = arith.muli %scan3A_134, %mul3A_265 : i32
        %add3A_267 = arith.constant 7 : i32
        %add3A_268 = arith.addi %mul3A_266, %add3A_267 : i32
        %mul3A_269 = arith.constant 16 : i32
        %mul3A_270 = arith.muli %add3A_268, %mul3A_269 : i32
        %get3A_271 = arith.index_cast %mul3A_270 : i32 to index
        %get3A_272 = tpu.vector_load %arg12[%get3A_271] {strides = array<i32>} : memref<16384xf32, #tpu.memory_space<vmem>>, vector<16xf32>,
        %bitcast3A_273 = vector.bitcast %get3A_272 : vector<16xf32> to vector<16xi32>
        %and3A_274 = arith.constant 2147483647 : i32
        %and3A_275 = vector.broadcast %and3A_274 : i32 to vector<16xi32>
        %and3A_276 = arith.andi %bitcast3A_273, %and3A_275 : vector<16xi32>
        %shift_right_logical3A_277 = arith.constant 16 : i32
        %shift_right_logical3A_278 = vector.broadcast %shift_right_logical3A_277 : i32 to vector<16xi32>
        %shift_right_logical3A_279 = arith.shrui %and3A_276, %shift_right_logical3A_278 : vector<16xi32>
        %eq3A_280 = arith.cmpi eq, %shift_right_logical3A_279, %get3A_1 : vector<16xi32>
        %add3A_281 = arith.addi %add3A_127, %mul3A_270 : i32
        %add3A_282 = vector.broadcast %add3A_281 : i32 to vector<16xi32>
        %add3A_283 = arith.addi %add3A_282, %iota3A : vector<16xi32>
        %convert_element_type3A_284 = arith.extui %eq3A : vector<16xi1> to vector<16xi32>
        %broadcast_in_dim3A_285 = arith.constant true
        %broadcast_in_dim3A_286 = vector.broadcast %broadcast_in_dim3A_285 : i1 to vector<16xi1>
        %masked_cumsum3A = tpu.scan <sum>, %convert_element_type3A_284 masked %broadcast_in_dim3A_286 : vector<16xi32>, vector<16xi1> -> vector<16xi32>
        %convert_element_type3A_287 = arith.extui %eq3A_166 : vector<16xi1> to vector<16xi32>
        %broadcast_in_dim3A_288 = arith.constant true
        %broadcast_in_dim3A_289 = vector.broadcast %broadcast_in_dim3A_288 : i1 to vector<16xi1>
        %masked_cumsum3A_290 = tpu.scan <sum>, %convert_element_type3A_287 masked %broadcast_in_dim3A_289 : vector<16xi32>, vector<16xi1> -> vector<16xi32>
        %convert_element_type3A_291 = arith.extui %eq3A_185 : vector<16xi1> to vector<16xi32>
        %broadcast_in_dim3A_292 = arith.constant true
        %broadcast_in_dim3A_293 = vector.broadcast %broadcast_in_dim3A_292 : i1 to vector<16xi1>
        %masked_cumsum3A_294 = tpu.scan <sum>, %convert_element_type3A_291 masked %broadcast_in_dim3A_293 : vector<16xi32>, vector<16xi1> -> vector<16xi32>
        %convert_element_type3A_295 = arith.extui %eq3A_204 : vector<16xi1> to vector<16xi32>
        %broadcast_in_dim3A_296 = arith.constant true
        %broadcast_in_dim3A_297 = vector.broadcast %broadcast_in_dim3A_296 : i1 to vector<16xi1>
        %masked_cumsum3A_298 = tpu.scan <sum>, %convert_element_type3A_295 masked %broadcast_in_dim3A_297 : vector<16xi32>, vector<16xi1> -> vector<16xi32>
        %convert_element_type3A_299 = arith.extui %eq3A_223 : vector<16xi1> to vector<16xi32>
        %broadcast_in_dim3A_300 = arith.constant true
        %broadcast_in_dim3A_301 = vector.broadcast %broadcast_in_dim3A_300 : i1 to vector<16xi1>
        %masked_cumsum3A_302 = tpu.scan <sum>, %convert_element_type3A_299 masked %broadcast_in_dim3A_301 : vector<16xi32>, vector<16xi1> -> vector<16xi32>
        %convert_element_type3A_303 = arith.extui %eq3A_242 : vector<16xi1> to vector<16xi32>
        %broadcast_in_dim3A_304 = arith.constant true
        %broadcast_in_dim3A_305 = vector.broadcast %broadcast_in_dim3A_304 : i1 to vector<16xi1>
        %masked_cumsum3A_306 = tpu.scan <sum>, %convert_element_type3A_303 masked %broadcast_in_dim3A_305 : vector<16xi32>, vector<16xi1> -> vector<16xi32>
        %convert_element_type3A_307 = arith.extui %eq3A_261 : vector<16xi1> to vector<16xi32>
        %broadcast_in_dim3A_308 = arith.constant true
        %broadcast_in_dim3A_309 = vector.broadcast %broadcast_in_dim3A_308 : i1 to vector<16xi1>
        %masked_cumsum3A_310 = tpu.scan <sum>, %convert_element_type3A_307 masked %broadcast_in_dim3A_309 : vector<16xi32>, vector<16xi1> -> vector<16xi32>
        %convert_element_type3A_311 = arith.extui %eq3A_280 : vector<16xi1> to vector<16xi32>
        %broadcast_in_dim3A_312 = arith.constant true
        %broadcast_in_dim3A_313 = vector.broadcast %broadcast_in_dim3A_312 : i1 to vector<16xi1>
        %masked_cumsum3A_314 = tpu.scan <sum>, %convert_element_type3A_311 masked %broadcast_in_dim3A_313 : vector<16xi32>, vector<16xi1> -> vector<16xi32>
        %all_reduce_population_count3A = tpu.all_reduce %eq3A {dim = 0 : i64, kind = #tpu.reduction_kind<sum>} : vector<16xi1> -> vector<16xi32>
        %all_reduce_population_count3A_315 = tpu.all_reduce %eq3A_166 {dim = 0 : i64, kind = #tpu.reduction_kind<sum>} : vector<16xi1> -> vector<16xi32>
        %all_reduce_population_count3A_316 = tpu.all_reduce %eq3A_185 {dim = 0 : i64, kind = #tpu.reduction_kind<sum>} : vector<16xi1> -> vector<16xi32>
        %all_reduce_population_count3A_317 = tpu.all_reduce %eq3A_204 {dim = 0 : i64, kind = #tpu.reduction_kind<sum>} : vector<16xi1> -> vector<16xi32>
        %all_reduce_population_count3A_318 = tpu.all_reduce %eq3A_223 {dim = 0 : i64, kind = #tpu.reduction_kind<sum>} : vector<16xi1> -> vector<16xi32>
        %all_reduce_population_count3A_319 = tpu.all_reduce %eq3A_242 {dim = 0 : i64, kind = #tpu.reduction_kind<sum>} : vector<16xi1> -> vector<16xi32>
        %all_reduce_population_count3A_320 = tpu.all_reduce %eq3A_261 {dim = 0 : i64, kind = #tpu.reduction_kind<sum>} : vector<16xi1> -> vector<16xi32>
        %all_reduce_population_count3A_321 = tpu.all_reduce %eq3A_280 {dim = 0 : i64, kind = #tpu.reduction_kind<sum>} : vector<16xi1> -> vector<16xi32>
        %add3A_322 = arith.addi %scan3A_135, %all_reduce_population_count3A : vector<16xi32>
        %add3A_323 = arith.addi %add3A_322, %all_reduce_population_count3A_315 : vector<16xi32>
        %add3A_324 = arith.addi %add3A_323, %all_reduce_population_count3A_316 : vector<16xi32>
        %add3A_325 = arith.addi %add3A_324, %all_reduce_population_count3A_317 : vector<16xi32>
        %add3A_326 = arith.addi %add3A_325, %all_reduce_population_count3A_318 : vector<16xi32>
        %add3A_327 = arith.addi %add3A_326, %all_reduce_population_count3A_319 : vector<16xi32>
        %add3A_328 = arith.addi %add3A_327, %all_reduce_population_count3A_320 : vector<16xi32>
        %add3A_329 = arith.addi %scan3A_135, %masked_cumsum3A : vector<16xi32>
        %sub3A_330 = arith.constant 1 : i32
        %sub3A_331 = vector.broadcast %sub3A_330 : i32 to vector<16xi32>
        %sub3A_332 = arith.subi %add3A_329, %sub3A_331 : vector<16xi32>
        %lt3A_333 = arith.constant 1024 : i32
        %lt3A_334 = vector.broadcast %lt3A_333 : i32 to vector<16xi32>
        %lt3A_335 = arith.cmpi slt, %sub3A_332, %lt3A_334 : vector<16xi32>
        %and3A_336 = arith.andi %eq3A, %lt3A_335 : vector<16xi1>
        tpu.vector_store_idx %arg6[%sub3A_332], %and3A_145 masked %and3A_336 : memref<1024xi32, #tpu.memory_space<vmem>>[vector<16xi32>], vector<16xi32>, vector<16xi1>
        tpu.vector_store_idx %arg7[%sub3A_332], %add3A_150 masked %and3A_336 : memref<1024xi32, #tpu.memory_space<vmem>>[vector<16xi32>], vector<16xi32>, vector<16xi1>
        %add3A_337 = arith.addi %add3A_322, %masked_cumsum3A_290 : vector<16xi32>
        %sub3A_338 = arith.constant 1 : i32
        %sub3A_339 = vector.broadcast %sub3A_338 : i32 to vector<16xi32>
        %sub3A_340 = arith.subi %add3A_337, %sub3A_339 : vector<16xi32>
        %lt3A_341 = arith.constant 1024 : i32
        %lt3A_342 = vector.broadcast %lt3A_341 : i32 to vector<16xi32>
        %lt3A_343 = arith.cmpi slt, %sub3A_340, %lt3A_342 : vector<16xi32>
        %and3A_344 = arith.andi %eq3A_166, %lt3A_343 : vector<16xi1>
        tpu.vector_store_idx %arg6[%sub3A_340], %and3A_162 masked %and3A_344 : memref<1024xi32, #tpu.memory_space<vmem>>[vector<16xi32>], vector<16xi32>, vector<16xi1>
        tpu.vector_store_idx %arg7[%sub3A_340], %add3A_169 masked %and3A_344 : memref<1024xi32, #tpu.memory_space<vmem>>[vector<16xi32>], vector<16xi32>, vector<16xi1>
        %add3A_345 = arith.addi %add3A_323, %masked_cumsum3A_294 : vector<16xi32>
        %sub3A_346 = arith.constant 1 : i32
        %sub3A_347 = vector.broadcast %sub3A_346 : i32 to vector<16xi32>
        %sub3A_348 = arith.subi %add3A_345, %sub3A_347 : vector<16xi32>
        %lt3A_349 = arith.constant 1024 : i32
        %lt3A_350 = vector.broadcast %lt3A_349 : i32 to vector<16xi32>
        %lt3A_351 = arith.cmpi slt, %sub3A_348, %lt3A_350 : vector<16xi32>
        %and3A_352 = arith.andi %eq3A_185, %lt3A_351 : vector<16xi1>
        tpu.vector_store_idx %arg6[%sub3A_348], %and3A_181 masked %and3A_352 : memref<1024xi32, #tpu.memory_space<vmem>>[vector<16xi32>], vector<16xi32>, vector<16xi1>
        tpu.vector_store_idx %arg7[%sub3A_348], %add3A_188 masked %and3A_352 : memref<1024xi32, #tpu.memory_space<vmem>>[vector<16xi32>], vector<16xi32>, vector<16xi1>
        %add3A_353 = arith.addi %add3A_324, %masked_cumsum3A_298 : vector<16xi32>
        %sub3A_354 = arith.constant 1 : i32
        %sub3A_355 = vector.broadcast %sub3A_354 : i32 to vector<16xi32>
        %sub3A_356 = arith.subi %add3A_353, %sub3A_355 : vector<16xi32>
        %lt3A_357 = arith.constant 1024 : i32
        %lt3A_358 = vector.broadcast %lt3A_357 : i32 to vector<16xi32>
        %lt3A_359 = arith.cmpi slt, %sub3A_356, %lt3A_358 : vector<16xi32>
        %and3A_360 = arith.andi %eq3A_204, %lt3A_359 : vector<16xi1>
        tpu.vector_store_idx %arg6[%sub3A_356], %and3A_200 masked %and3A_360 : memref<1024xi32, #tpu.memory_space<vmem>>[vector<16xi32>], vector<16xi32>, vector<16xi1>
        tpu.vector_store_idx %arg7[%sub3A_356], %add3A_207 masked %and3A_360 : memref<1024xi32, #tpu.memory_space<vmem>>[vector<16xi32>], vector<16xi32>, vector<16xi1>
        %add3A_361 = arith.addi %add3A_325, %masked_cumsum3A_302 : vector<16xi32>
        %sub3A_362 = arith.constant 1 : i32
        %sub3A_363 = vector.broadcast %sub3A_362 : i32 to vector<16xi32>
        %sub3A_364 = arith.subi %add3A_361, %sub3A_363 : vector<16xi32>
        %lt3A_365 = arith.constant 1024 : i32
        %lt3A_366 = vector.broadcast %lt3A_365 : i32 to vector<16xi32>
        %lt3A_367 = arith.cmpi slt, %sub3A_364, %lt3A_366 : vector<16xi32>
        %and3A_368 = arith.andi %eq3A_223, %lt3A_367 : vector<16xi1>
        tpu.vector_store_idx %arg6[%sub3A_364], %and3A_219 masked %and3A_368 : memref<1024xi32, #tpu.memory_space<vmem>>[vector<16xi32>], vector<16xi32>, vector<16xi1>
        tpu.vector_store_idx %arg7[%sub3A_364], %add3A_226 masked %and3A_368 : memref<1024xi32, #tpu.memory_space<vmem>>[vector<16xi32>], vector<16xi32>, vector<16xi1>
        %add3A_369 = arith.addi %add3A_326, %masked_cumsum3A_306 : vector<16xi32>
        %sub3A_370 = arith.constant 1 : i32
        %sub3A_371 = vector.broadcast %sub3A_370 : i32 to vector<16xi32>
        %sub3A_372 = arith.subi %add3A_369, %sub3A_371 : vector<16xi32>
        %lt3A_373 = arith.constant 1024 : i32
        %lt3A_374 = vector.broadcast %lt3A_373 : i32 to vector<16xi32>
        %lt3A_375 = arith.cmpi slt, %sub3A_372, %lt3A_374 : vector<16xi32>
        %and3A_376 = arith.andi %eq3A_242, %lt3A_375 : vector<16xi1>
        tpu.vector_store_idx %arg6[%sub3A_372], %and3A_238 masked %and3A_376 : memref<1024xi32, #tpu.memory_space<vmem>>[vector<16xi32>], vector<16xi32>, vector<16xi1>
        tpu.vector_store_idx %arg7[%sub3A_372], %add3A_245 masked %and3A_376 : memref<1024xi32, #tpu.memory_space<vmem>>[vector<16xi32>], vector<16xi32>, vector<16xi1>
        %add3A_377 = arith.addi %add3A_327, %masked_cumsum3A_310 : vector<16xi32>
        %sub3A_378 = arith.constant 1 : i32
        %sub3A_379 = vector.broadcast %sub3A_378 : i32 to vector<16xi32>
        %sub3A_380 = arith.subi %add3A_377, %sub3A_379 : vector<16xi32>
        %lt3A_381 = arith.constant 1024 : i32
        %lt3A_382 = vector.broadcast %lt3A_381 : i32 to vector<16xi32>
        %lt3A_383 = arith.cmpi slt, %sub3A_380, %lt3A_382 : vector<16xi32>
        %and3A_384 = arith.andi %eq3A_261, %lt3A_383 : vector<16xi1>
        tpu.vector_store_idx %arg6[%sub3A_380], %and3A_257 masked %and3A_384 : memref<1024xi32, #tpu.memory_space<vmem>>[vector<16xi32>], vector<16xi32>, vector<16xi1>
        tpu.vector_store_idx %arg7[%sub3A_380], %add3A_264 masked %and3A_384 : memref<1024xi32, #tpu.memory_space<vmem>>[vector<16xi32>], vector<16xi32>, vector<16xi1>
        %add3A_385 = arith.addi %add3A_328, %masked_cumsum3A_314 : vector<16xi32>
        %sub3A_386 = arith.constant 1 : i32
        %sub3A_387 = vector.broadcast %sub3A_386 : i32 to vector<16xi32>
        %sub3A_388 = arith.subi %add3A_385, %sub3A_387 : vector<16xi32>
        %lt3A_389 = arith.constant 1024 : i32
        %lt3A_390 = vector.broadcast %lt3A_389 : i32 to vector<16xi32>
        %lt3A_391 = arith.cmpi slt, %sub3A_388, %lt3A_390 : vector<16xi32>
        %and3A_392 = arith.andi %eq3A_280, %lt3A_391 : vector<16xi1>
        tpu.vector_store_idx %arg6[%sub3A_388], %and3A_276 masked %and3A_392 : memref<1024xi32, #tpu.memory_space<vmem>>[vector<16xi32>], vector<16xi32>, vector<16xi1>
        tpu.vector_store_idx %arg7[%sub3A_388], %add3A_283 masked %and3A_392 : memref<1024xi32, #tpu.memory_space<vmem>>[vector<16xi32>], vector<16xi32>, vector<16xi1>
        %add3A_393 = arith.addi %add3A_328, %all_reduce_population_count3A_321 : vector<16xi32>
        scf.yield %add3A_393 : vector<16xi32>
      }
      %scan3A_133 = arith.constant 128 : i32
      scf.yield %scan3A_132 : vector<16xi32>
    }
    %scan3A_28 = arith.constant 4 : i32
    "tpu.region"() ({
      %run_scoped3A = tpu.sem_alloc : memref<!tpu.dma_semaphore, #tpu.memory_space<semaphore_mem>>
      %dma_start3A_29 = arith.constant 0 : i32
      %dma_start3A_30 = tpu.memref_slice %arg4[%add3A, %dma_start3A_29] : memref<32x1024xi32, #tpu.memory_space<hbm>> -> memref<1x1024xi32, #tpu.memory_space<hbm>>
      %dma_start3A_31 = tpu.memref_squeeze %dma_start3A_30 : memref<1x1024xi32, #tpu.memory_space<hbm>> -> memref<1024xi32, #tpu.memory_space<hbm>>
      %dma_start3A_32 = arith.constant 0 : i32
      %dma_start3A_33 = tpu.memref_slice %arg4[%add3A, %dma_start3A_32] : memref<32x1024xi32, #tpu.memory_space<hbm>> -> memref<1x1024xi32, #tpu.memory_space<hbm>>
      %dma_start3A_34 = tpu.memref_squeeze %dma_start3A_33 : memref<1x1024xi32, #tpu.memory_space<hbm>> -> memref<1024xi32, #tpu.memory_space<hbm>>
      tpu.enqueue_dma source(%arg6 : memref<1024xi32, #tpu.memory_space<vmem>>) target(%dma_start3A_34 : memref<1024xi32, #tpu.memory_space<hbm>>) target_semaphore(%run_scoped3A : memref<!tpu.dma_semaphore, #tpu.memory_space<semaphore_mem>>)
      %dma_wait3A = arith.constant 0 : i32
      %dma_wait3A_35 = tpu.memref_slice %arg4[%add3A, %dma_wait3A] : memref<32x1024xi32, #tpu.memory_space<hbm>> -> memref<1x1024xi32, #tpu.memory_space<hbm>>
      %dma_wait3A_36 = tpu.memref_squeeze %dma_wait3A_35 : memref<1x1024xi32, #tpu.memory_space<hbm>> -> memref<1024xi32, #tpu.memory_space<hbm>>
      %dma_wait3A_37 = arith.constant 0 : i32
      %dma_wait3A_38 = tpu.memref_slice %arg4[%add3A, %dma_wait3A_37] : memref<32x1024xi32, #tpu.memory_space<hbm>> -> memref<1x1024xi32, #tpu.memory_space<hbm>>
      %dma_wait3A_39 = tpu.memref_squeeze %dma_wait3A_38 : memref<1x1024xi32, #tpu.memory_space<hbm>> -> memref<1024xi32, #tpu.memory_space<hbm>>
      tpu.wait_dma2 semaphore(%run_scoped3A : memref<!tpu.dma_semaphore, #tpu.memory_space<semaphore_mem>>) src(%arg6 : memref<1024xi32, #tpu.memory_space<vmem>>) dst(%dma_wait3A_39 : memref<1024xi32, #tpu.memory_space<hbm>>)
      tpu.yield
    }) : () -> ()
    "tpu.region"() ({
      %run_scoped3A = tpu.sem_alloc : memref<!tpu.dma_semaphore, #tpu.memory_space<semaphore_mem>>
      %dma_start3A_29 = arith.constant 0 : i32
      %dma_start3A_30 = tpu.memref_slice %arg5[%add3A, %dma_start3A_29] : memref<32x1024xi32, #tpu.memory_space<hbm>> -> memref<1x1024xi32, #tpu.memory_space<hbm>>
      %dma_start3A_31 = tpu.memref_squeeze %dma_start3A_30 : memref<1x1024xi32, #tpu.memory_space<hbm>> -> memref<1024xi32, #tpu.memory_space<hbm>>
      %dma_start3A_32 = arith.constant 0 : i32
      %dma_start3A_33 = tpu.memref_slice %arg5[%add3A, %dma_start3A_32] : memref<32x1024xi32, #tpu.memory_space<hbm>> -> memref<1x1024xi32, #tpu.memory_space<hbm>>
      %dma_start3A_34 = tpu.memref_squeeze %dma_start3A_33 : memref<1x1024xi32, #tpu.memory_space<hbm>> -> memref<1024xi32, #tpu.memory_space<hbm>>
      tpu.enqueue_dma source(%arg7 : memref<1024xi32, #tpu.memory_space<vmem>>) target(%dma_start3A_34 : memref<1024xi32, #tpu.memory_space<hbm>>) target_semaphore(%run_scoped3A : memref<!tpu.dma_semaphore, #tpu.memory_space<semaphore_mem>>)
      %dma_wait3A = arith.constant 0 : i32
      %dma_wait3A_35 = tpu.memref_slice %arg5[%add3A, %dma_wait3A] : memref<32x1024xi32, #tpu.memory_space<hbm>> -> memref<1x1024xi32, #tpu.memory_space<hbm>>
      %dma_wait3A_36 = tpu.memref_squeeze %dma_wait3A_35 : memref<1x1024xi32, #tpu.memory_space<hbm>> -> memref<1024xi32, #tpu.memory_space<hbm>>
      %dma_wait3A_37 = arith.constant 0 : i32
      %dma_wait3A_38 = tpu.memref_slice %arg5[%add3A, %dma_wait3A_37] : memref<32x1024xi32, #tpu.memory_space<hbm>> -> memref<1x1024xi32, #tpu.memory_space<hbm>>
      %dma_wait3A_39 = tpu.memref_squeeze %dma_wait3A_38 : memref<1x1024xi32, #tpu.memory_space<hbm>> -> memref<1024xi32, #tpu.memory_space<hbm>>
      tpu.wait_dma2 semaphore(%run_scoped3A : memref<!tpu.dma_semaphore, #tpu.memory_space<semaphore_mem>>) src(%arg7 : memref<1024xi32, #tpu.memory_space<vmem>>) dst(%dma_wait3A_39 : memref<1024xi32, #tpu.memory_space<hbm>>)
      tpu.yield
    }) : () -> ()
    return
  }
}

module attributes {stable_mosaic.version = 14 : i64} {
  func.func @_tc_scan_body(%arg0: memref<32x32768xi32, #tpu.memory_space<vmem>>, %arg1: memref<128xi32, #tpu.memory_space<vmem>>) attributes {dimension_semantics = [], scalar_prefetch = 0 : i64, scratch_operands = 0 : i64, tpu.core_type = #tpu.core_type<tc>} {
    %get3A = arith.constant 0 : index
    %get3A_0 = arith.constant 0 : index
    %get3A_1 = vector.load %arg0[%get3A, %get3A_0] : memref<32x32768xi32, #tpu.memory_space<vmem>>, vector<32x32768xi32>
    %reduce_sum3A = arith.constant dense<0> : vector<32768xi32>
    %reduce_sum3A_2 = vector.multi_reduction <add>, %get3A_1, %reduce_sum3A [0] : vector<32x32768xi32> to vector<32768xi32>
    %broadcast_in_dim3A = vector.shape_cast %reduce_sum3A_2 : vector<32768xi32> to vector<1x32768xi32>
    %iota3A = tpu.iota {dimensions = array<i32: 1>} : vector<1x32768xi32>
    %scan3A = arith.constant 0 : i32
    %scan3A_3 = arith.constant 0 : i32
    %scan3A_4 = arith.constant 15 : i32
    %scan3A_5 = arith.addi %scan3A_3, %scan3A_4 : i32
    %scan3A_6 = arith.constant 1 : i32
    %scan3A_7 = scf.for %scan3A_24 = %scan3A_3 to %scan3A_5 step %scan3A_6 iter_args(%scan3A_25 = %scan3A) -> (i32)  : i32 {
      %sub3A_26 = arith.constant 14 : i32
      %sub3A_27 = arith.subi %sub3A_26, %scan3A_24 : i32
      %shift_left3A = arith.constant 1 : i32
      %shift_left3A_28 = arith.shli %shift_left3A, %sub3A_27 : i32
      %or3A = arith.ori %scan3A_25, %shift_left3A_28 : i32
      %ge3A = vector.broadcast %or3A : i32 to vector<1x32768xi32>
      %ge3A_29 = arith.cmpi sge, %iota3A, %ge3A : vector<1x32768xi32>
      %jit3A_30 = arith.constant 0 : i32
      %broadcast_in_dim3A_31 = vector.broadcast %jit3A_30 : i32 to vector<1x32768xi32>
      %select_n3A_32 = arith.select %ge3A_29, %broadcast_in_dim3A, %broadcast_in_dim3A_31 : vector<1x32768xi1>, vector<1x32768xi32>
      %reduce_sum3A_33 = vector.shape_cast %select_n3A_32 : vector<1x32768xi32> to vector<1x1x32768xi32>
      %reduce_sum3A_34 = arith.constant dense<0> : vector<1xi32>
      %reduce_sum3A_35 = vector.multi_reduction <add>, %reduce_sum3A_33, %reduce_sum3A_34 [1, 2] : vector<1x1x32768xi32> to vector<1xi32>
      %reduce_sum3A_36 = vector.shape_cast %reduce_sum3A_35 : vector<1xi32> to vector<1x1x1xi32>
      %reduce_sum3A_37 = vector.extract %reduce_sum3A_36[0, 0, 0] : i32 from vector<1x1x1xi32>
      %ge3A_38 = arith.constant 83886 : i32
      %ge3A_39 = arith.cmpi sge, %reduce_sum3A_37, %ge3A_38 : i32
      %select_n3A_40 = arith.select %ge3A_39, %or3A, %scan3A_25 : i32
      scf.yield %select_n3A_40 : i32
    }
    %scan3A_8 = arith.constant 15 : i32
    %gt3A = vector.broadcast %scan3A_7 : i32 to vector<1x32768xi32>
    %gt3A_9 = arith.cmpi sgt, %iota3A, %gt3A : vector<1x32768xi32>
    %jit3A = arith.constant 0 : i32
    %broadcast_in_dim3A_10 = vector.broadcast %jit3A : i32 to vector<1x32768xi32>
    %select_n3A = arith.select %gt3A_9, %broadcast_in_dim3A, %broadcast_in_dim3A_10 : vector<1x32768xi1>, vector<1x32768xi32>
    %reduce_sum3A_11 = vector.shape_cast %select_n3A : vector<1x32768xi32> to vector<1x1x32768xi32>
    %reduce_sum3A_12 = arith.constant dense<0> : vector<1xi32>
    %reduce_sum3A_13 = vector.multi_reduction <add>, %reduce_sum3A_11, %reduce_sum3A_12 [1, 2] : vector<1x1x32768xi32> to vector<1xi32>
    %reduce_sum3A_14 = vector.shape_cast %reduce_sum3A_13 : vector<1xi32> to vector<1x1x1xi32>
    %reduce_sum3A_15 = vector.extract %reduce_sum3A_14[0, 0, 0] : i32 from vector<1x1x1xi32>
    %sub3A = arith.constant 83886 : i32
    %sub3A_16 = arith.subi %sub3A, %reduce_sum3A_15 : i32
    %iota3A_17 = tpu.iota {dimensions = array<i32: 1>} : vector<1x128xi32>
    %lt3A = arith.constant 16 : i32
    %lt3A_18 = vector.broadcast %lt3A : i32 to vector<1x128xi32>
    %lt3A_19 = arith.cmpi slt, %iota3A_17, %lt3A_18 : vector<1x128xi32>
    %broadcast_in_dim3A_20 = vector.broadcast %scan3A_7 : i32 to vector<1x128xi32>
    %broadcast_in_dim3A_21 = vector.broadcast %sub3A_16 : i32 to vector<1x128xi32>
    %select_n3A_22 = arith.select %lt3A_19, %broadcast_in_dim3A_20, %broadcast_in_dim3A_21 : vector<1x128xi1>, vector<1x128xi32>
    %reshape3A = vector.shape_cast %select_n3A_22 : vector<1x128xi32> to vector<128xi32>
    %swap3A = arith.constant 0 : index
    %swap3A_23 = vector.load %arg1[%swap3A] : memref<128xi32, #tpu.memory_space<vmem>>, vector<128xi32>
    tpu.vector_store %arg1[%swap3A], %reshape3A {strides = array<i32>} : memref<128xi32, #tpu.memory_space<vmem>>, vector<128xi32>,
    return
  }
}

module attributes {stable_mosaic.version = 14 : i64} {
  func.func @_tc_mask_body(%arg0: i32, %arg1: memref<128xi32, #tpu.memory_space<smem>>, %arg2: memref<128x2048xf32, #tpu.memory_space<vmem>>, %arg3: memref<32x1024xi32, #tpu.memory_space<vmem>>, %arg4: memref<32x1024xi32, #tpu.memory_space<vmem>>, %arg5: memref<128x2048xf32, #tpu.memory_space<vmem>>, %arg6: memref<2xi32, #tpu.memory_space<smem>>) attributes {dimension_semantics = [#tpu.dimension_semantics<arbitrary>], iteration_bounds = array<i64: 32>, scalar_prefetch = 0 : i64, scratch_operands = 1 : i64, tpu.core_type = #tpu.core_type<tc>, window_params = [{transform_indices = @transform_0, window_bounds = array<i64: 128>}, {transform_indices = @transform_1, window_bounds = array<i64: 128, 2048>}, {pipeline_mode = #tpu.pipeline_mode<synchronous>, transform_indices = @transform_2, window_bounds = array<i64: 32, 1024>}, {pipeline_mode = #tpu.pipeline_mode<synchronous>, transform_indices = @transform_3, window_bounds = array<i64: 32, 1024>}, {transform_indices = @transform_4, window_bounds = array<i64: 128, 2048>}]} {
    %eq3A = arith.constant 0 : i32
    %eq3A_0 = arith.cmpi eq, %arg0, %eq3A : i32
    %convert_element_type3A = arith.extui %eq3A_0 : i1 to i32
    %cond3A = arith.constant 0 : i32
    %cond3A_1 = arith.cmpi ne, %convert_element_type3A, %cond3A : i32
    scf.if %cond3A_1 {
      %get3A_24 = arith.constant 16 : index
      %get3A_25 = memref.load %arg1[%get3A_24] : memref<128xi32, #tpu.memory_space<smem>>
      %get3A_26 = arith.constant 0 : index
      %get3A_27 = arith.constant 0 : index
      %get3A_28 = vector.load %arg3[%get3A_26, %get3A_27] : memref<32x1024xi32, #tpu.memory_space<vmem>>, vector<32x1024xi32>
      %get3A_29 = arith.constant 0 : index
      %get3A_30 = arith.constant 0 : index
      %get3A_31 = vector.load %arg4[%get3A_29, %get3A_30] : memref<32x1024xi32, #tpu.memory_space<vmem>>, vector<32x1024xi32>
      %get3A_32 = arith.constant 0 : index
      %get3A_33 = memref.load %arg1[%get3A_32] : memref<128xi32, #tpu.memory_space<smem>>
      %shift_left3A = arith.constant 16 : i32
      %shift_left3A_34 = arith.shli %get3A_33, %shift_left3A : i32
      %scan3A = arith.constant 0 : i32
      %scan3A_35 = arith.constant 16 : i32
      %scan3A_36 = arith.addi %scan3A, %scan3A_35 : i32
      %scan3A_37 = arith.constant 1 : i32
      %scan3A_38 = scf.for %scan3A_60 = %scan3A to %scan3A_36 step %scan3A_37 iter_args(%scan3A_61 = %shift_left3A_34) -> (i32)  : i32 {
        %sub3A_62 = arith.constant 15 : i32
        %sub3A_63 = arith.subi %sub3A_62, %scan3A_60 : i32
        %shift_left3A_64 = arith.constant 1 : i32
        %shift_left3A_65 = arith.shli %shift_left3A_64, %sub3A_63 : i32
        %or3A_66 = arith.ori %scan3A_61, %shift_left3A_65 : i32
        %ge3A = vector.broadcast %or3A_66 : i32 to vector<32x1024xi32>
        %ge3A_67 = arith.cmpi sge, %get3A_28, %ge3A : vector<32x1024xi32>
        %convert_element_type3A_68 = arith.extui %ge3A_67 : vector<32x1024xi1> to vector<32x1024xi32>
        %reduce_sum3A_69 = vector.shape_cast %convert_element_type3A_68 : vector<32x1024xi32> to vector<1x32x1024xi32>
        %reduce_sum3A_70 = arith.constant dense<0> : vector<1xi32>
        %reduce_sum3A_71 = vector.multi_reduction <add>, %reduce_sum3A_69, %reduce_sum3A_70 [1, 2] : vector<1x32x1024xi32> to vector<1xi32>
        %reduce_sum3A_72 = vector.shape_cast %reduce_sum3A_71 : vector<1xi32> to vector<1x1x1xi32>
        %reduce_sum3A_73 = vector.extract %reduce_sum3A_72[0, 0, 0] : i32 from vector<1x1x1xi32>
        %ge3A_74 = arith.cmpi sge, %reduce_sum3A_73, %get3A_25 : i32
        %select_n3A_75 = arith.select %ge3A_74, %or3A_66, %scan3A_61 : i32
        scf.yield %select_n3A_75 : i32
      }
      %scan3A_39 = arith.constant 16 : i32
      %gt3A_40 = vector.broadcast %scan3A_38 : i32 to vector<32x1024xi32>
      %gt3A_41 = arith.cmpi sgt, %get3A_28, %gt3A_40 : vector<32x1024xi32>
      %convert_element_type3A_42 = arith.extui %gt3A_41 : vector<32x1024xi1> to vector<32x1024xi32>
      %reduce_sum3A = vector.shape_cast %convert_element_type3A_42 : vector<32x1024xi32> to vector<1x32x1024xi32>
      %reduce_sum3A_43 = arith.constant dense<0> : vector<1xi32>
      %reduce_sum3A_44 = vector.multi_reduction <add>, %reduce_sum3A, %reduce_sum3A_43 [1, 2] : vector<1x32x1024xi32> to vector<1xi32>
      %reduce_sum3A_45 = vector.shape_cast %reduce_sum3A_44 : vector<1xi32> to vector<1x1x1xi32>
      %reduce_sum3A_46 = vector.extract %reduce_sum3A_45[0, 0, 0] : i32 from vector<1x1x1xi32>
      %sub3A = arith.subi %get3A_25, %reduce_sum3A_46 : i32
      %eq3A_47 = vector.broadcast %scan3A_38 : i32 to vector<32x1024xi32>
      %eq3A_48 = arith.cmpi eq, %get3A_28, %eq3A_47 : vector<32x1024xi32>
      %swap3A_49 = arith.constant 0 : index
      %swap3A_50 = memref.load %arg6[%swap3A_49] : memref<2xi32, #tpu.memory_space<smem>>
      memref.store %scan3A_38, %arg6[%swap3A_49] : memref<2xi32, #tpu.memory_space<smem>>
      %scan3A_51 = arith.constant 0 : i32
      %scan3A_52 = arith.constant 0 : i32
      %scan3A_53 = arith.constant 24 : i32
      %scan3A_54 = arith.addi %scan3A_52, %scan3A_53 : i32
      %scan3A_55 = arith.constant 1 : i32
      %scan3A_56 = scf.for %scan3A_60 = %scan3A_52 to %scan3A_54 step %scan3A_55 iter_args(%scan3A_61 = %scan3A_51) -> (i32)  : i32 {
        %sub3A_62 = arith.constant 23 : i32
        %sub3A_63 = arith.subi %sub3A_62, %scan3A_60 : i32
        %shift_left3A_64 = arith.constant 1 : i32
        %shift_left3A_65 = arith.shli %shift_left3A_64, %sub3A_63 : i32
        %or3A_66 = arith.ori %scan3A_61, %shift_left3A_65 : i32
        %lt3A = vector.broadcast %or3A_66 : i32 to vector<32x1024xi32>
        %lt3A_67 = arith.cmpi slt, %get3A_31, %lt3A : vector<32x1024xi32>
        %and3A_68 = arith.andi %eq3A_48, %lt3A_67 : vector<32x1024xi1>
        %convert_element_type3A_69 = arith.extui %and3A_68 : vector<32x1024xi1> to vector<32x1024xi32>
        %reduce_sum3A_70 = vector.shape_cast %convert_element_type3A_69 : vector<32x1024xi32> to vector<1x32x1024xi32>
        %reduce_sum3A_71 = arith.constant dense<0> : vector<1xi32>
        %reduce_sum3A_72 = vector.multi_reduction <add>, %reduce_sum3A_70, %reduce_sum3A_71 [1, 2] : vector<1x32x1024xi32> to vector<1xi32>
        %reduce_sum3A_73 = vector.shape_cast %reduce_sum3A_72 : vector<1xi32> to vector<1x1x1xi32>
        %reduce_sum3A_74 = vector.extract %reduce_sum3A_73[0, 0, 0] : i32 from vector<1x1x1xi32>
        %sub3A_75 = arith.constant 1 : i32
        %sub3A_76 = arith.subi %sub3A, %sub3A_75 : i32
        %le3A_77 = arith.cmpi sle, %reduce_sum3A_74, %sub3A_76 : i32
        %select_n3A_78 = arith.select %le3A_77, %or3A_66, %scan3A_61 : i32
        scf.yield %select_n3A_78 : i32
      }
      %scan3A_57 = arith.constant 24 : i32
      %swap3A_58 = arith.constant 1 : index
      %swap3A_59 = memref.load %arg6[%swap3A_58] : memref<2xi32, #tpu.memory_space<smem>>
      memref.store %scan3A_56, %arg6[%swap3A_58] : memref<2xi32, #tpu.memory_space<smem>>
    } else {
    }
    %get3A = arith.constant 0 : index
    %get3A_2 = memref.load %arg6[%get3A] : memref<2xi32, #tpu.memory_space<smem>>
    %get3A_3 = arith.constant 1 : index
    %get3A_4 = memref.load %arg6[%get3A_3] : memref<2xi32, #tpu.memory_space<smem>>
    %get3A_5 = arith.constant 0 : index
    %get3A_6 = arith.constant 0 : index
    %get3A_7 = vector.load %arg2[%get3A_5, %get3A_6] : memref<128x2048xf32, #tpu.memory_space<vmem>>, vector<128x2048xf32>
    %bitcast_convert_type3A = tpu.bitcast %get3A_7 : vector<128x2048xf32> -> vector<128x2048xi32>
    %and3A = arith.constant 2147483647 : i32
    %and3A_8 = vector.broadcast %and3A : i32 to vector<128x2048xi32>
    %and3A_9 = arith.andi %bitcast_convert_type3A, %and3A_8 : vector<128x2048xi32>
    %mul3A = arith.constant 262144 : i32
    %mul3A_10 = arith.muli %arg0, %mul3A : i32
    %iota3A = tpu.iota {dimensions = array<i32: 0>} : vector<128x2048xi32>
    %mul3A_11 = arith.constant 2048 : i32
    %mul3A_12 = vector.broadcast %mul3A_11 : i32 to vector<128x2048xi32>
    %mul3A_13 = arith.muli %iota3A, %mul3A_12 : vector<128x2048xi32>
    %add3A = vector.broadcast %mul3A_10 : i32 to vector<128x2048xi32>
    %add3A_14 = arith.addi %add3A, %mul3A_13 : vector<128x2048xi32>
    %iota3A_15 = tpu.iota {dimensions = array<i32: 1>} : vector<128x2048xi32>
    %add3A_16 = arith.addi %add3A_14, %iota3A_15 : vector<128x2048xi32>
    %gt3A = vector.broadcast %get3A_2 : i32 to vector<128x2048xi32>
    %gt3A_17 = arith.cmpi sgt, %and3A_9, %gt3A : vector<128x2048xi32>
    %eq3A_18 = vector.broadcast %get3A_2 : i32 to vector<128x2048xi32>
    %eq3A_19 = arith.cmpi eq, %and3A_9, %eq3A_18 : vector<128x2048xi32>
    %le3A = vector.broadcast %get3A_4 : i32 to vector<128x2048xi32>
    %le3A_20 = arith.cmpi sle, %add3A_16, %le3A : vector<128x2048xi32>
    %and3A_21 = arith.andi %eq3A_19, %le3A_20 : vector<128x2048xi1>
    %or3A = arith.ori %gt3A_17, %and3A_21 : vector<128x2048xi1>
    %jit3A = arith.constant 0.000000e+00 : f32
    %broadcast_in_dim3A = vector.broadcast %jit3A : f32 to vector<128x2048xf32>
    %select_n3A = arith.select %or3A, %get3A_7, %broadcast_in_dim3A : vector<128x2048xi1>, vector<128x2048xf32>
    %swap3A = arith.constant 0 : index
    %swap3A_22 = arith.constant 0 : index
    %swap3A_23 = vector.load %arg5[%swap3A, %swap3A_22] : memref<128x2048xf32, #tpu.memory_space<vmem>>, vector<128x2048xf32>
    tpu.vector_store %arg5[%swap3A, %swap3A_22], %select_n3A {strides = array<i32>} : memref<128x2048xf32, #tpu.memory_space<vmem>>, vector<128x2048xf32>,
    return
  }
  func.func @transform_0(%arg0: i32) -> i32 {
    %c0_i32 = arith.constant 0 : i32
    %c0_i32_0 = arith.constant 0 : i32
    return %c0_i32 : i32
  }
  func.func @transform_1(%arg0: i32) -> (i32, i32) {
    %c0_i32 = arith.constant 0 : i32
    %c0_i32_0 = arith.constant 0 : i32
    return %arg0, %c0_i32 : i32, i32
  }
  func.func @transform_2(%arg0: i32) -> (i32, i32) {
    %c0_i32 = arith.constant 0 : i32
    %c0_i32_0 = arith.constant 0 : i32
    %c0_i32_1 = arith.constant 0 : i32
    return %c0_i32, %c0_i32_0 : i32, i32
  }
  func.func @transform_3(%arg0: i32) -> (i32, i32) {
    %c0_i32 = arith.constant 0 : i32
    %c0_i32_0 = arith.constant 0 : i32
    %c0_i32_1 = arith.constant 0 : i32
    return %c0_i32, %c0_i32_0 : i32, i32
  }
  func.func @transform_4(%arg0: i32) -> (i32, i32) {
    %c0_i32 = arith.constant 0 : i32
    %c0_i32_0 = arith.constant 0 : i32
    return %arg0, %c0_i32 : i32, i32
  }
}

</mosaic_0001>

<sc_bundles>
// kernel: kernel.6.cloned.1.call-start
scs
__scs_entry_jumppad:
0x0: {  	(pc) =	sbr.rel $0x88, $3  }
0x1: {  	(tag) =	ssettag $0x0;
	lr =	simm.s32 $0x1  }
0x2: {  	[smem:$0x3FA0] =	sst lr;
	_ =	strace $0xD0000000  }
0x3: {  	_ = 	snop  }
0x4: {  	_ = 	snop  }
0x5: {  	_ = 	snop  }
0x6: {  	_ = 	snop  }
0x7: {  	_ = 	snop  }
__scs_overlays_trampoline_lowered:
0x8: {  	[smem:$0x3FAF] =	sst s0  }
0x9: {  	[smem:$0x3FB0] =	sst s1  }
0xa: {  	[smem:$0x3FB1] =	sst s2  }
0xb: {  	[smem:$0x3FB2] =	sst s3  }
0xc: {  	[smem:$0x3FB3] =	sst s4  }
0xd: {  	[smem:$0x3FB4] =	sst s5  }
0xe: {  	[smem:$0x3FB5] =	sst s6  }
0xf: {  	[smem:$0x3FB6] =	sst s7  }
0x10: {  	[smem:$0x3FB7] =	sst s8  }
0x11: {  	[smem:$0x3FB8] =	sst s9;
	s0 =	simm.s32 @!p0 $0x0  }
0x12: {  	s1 =	sld [smem:$0x3F9E];
	s0 =	simm.s32 @p0 $0x1  }
0x13: {  	[smem:$0x3FB9] =	sst s0;
	s0 =	simm.s32 @!p1 $0x0  }
0x14: {  	s2 =	sld [smem:$0x3F9D];
	s0 =	simm.s32 @p1 $0x1  }
0x15: {  	[smem:$0x3FBA] =	sst s0;
	s0 =	simm.s32 @!p2 $0x0  }
0x16: {  	s3 =	sld [smem:$0x3FDB];
	s0 =	simm.s32 @p2 $0x1  }
0x17: {  	s4 =	simm.s32 $0x1BF5;
	[smem:$0x3FBC] =	sst s0  }
0x18: {  	s0 =	sld [smem:$0x3F9F];
	_ =	swait.ge [sflag:s4], $0x0  }
0x19: {  	s7 =	sld [smem:$0x3FA0]  }
0x1a: {  	s8 =	sadd.s32 $0xFFFFE003, lr  }
0x1b: {  	s9 =	sadd.s32 $0xFFFFFEF7, lr;
	s5 =	simm.s32 $0xFFFFFFFF;
	p2 =	slt.u32 s8, $0xFFFFF086  }
0x1c: {  	p1 =	slt.u32 s9, $0xF7A;
	s5 =	simm.s32 @!p2 $0x0  }
0x1d: {  	s5 =	simm.s32 @p1 $0x1;
	p0 =	seq.s32 s7, s2  }
0x1e: {  	s7 =	smul.u32 @!p0 $0xF7A, s2;
	p2 =	seq.s32 @!p0 s5, $0x0  }
0x1f: {  	s9 =	smul.u32 $0xF7A, s1;
	s8 =	simm.s32 @!p0 $0x1BF5;
	p2 =	por !p2, p0  }
0x20: {  	[sflag:s8] =	ssyncset.s32 @!p0 $0xFFFFF086;
	s6 =	sadd.s32 @!p0 s3, s7;
	s7 =	simm.s32 @!p0 $0x108  }
0x21: {  	s3 =	sadd.s32 s3, s9;
	s6 =	sadd.s32 @!p0 $0x88, s6;
	s7 =	simm.s32 @p2 $0x1082  }
0x22: {  	[simem:s7], [sflag:s8] =	dma.local @!p0 [hbm:s6], $0xF7A  }
0x23: {  	s9 =	sor.u32 $0xD0000000, s2;
	s6 =	simm.s32 $0x108;
	_ =	swait.ge @!p0 [sflag:s8], $0x0  }
0x24: {  	s3 =	sadd.s32 $0x88, s3;
	s6 =	simm.s32 @!p1 $0x1082;
	[sflag:s4] =	ssyncset.s32 $0xFFFFF086  }
0x25: {  	[simem:s6], [sflag:s4] =	dma.local [hbm:s3], $0xF7A  }
0x26: {  	[smem:$0x3FA0] =	sst s1;
	(tag) =	ssettag s2;
	_ =	strace s9  }
0x27: {  	s1 =	sld [smem:$0x3FB0]  }
0x28: {  	s2 =	sld [smem:$0x3FB1]  }
0x29: {  	s4 =	sld [smem:$0x3FB3]  }
0x2a: {  	p0 =	seq.s32 s5, $0x0;
	s5 =	sld [smem:$0x3FB4]  }
0x2b: {  	s6 =	sld [smem:$0x3FB5]  }
0x2c: {  	s7 =	sld [smem:$0x3FB6]  }
0x2d: {  	s3 =	simm.s32 $0x108;
	s8 =	sld [smem:$0x3FB7]  }
0x2e: {  	s3 =	simm.s32 @!p0 $0x1082;
	s9 =	sld [smem:$0x3FB8]  }
0x2f: {  	lr =	sadd.s32 s0, s3;
	s0 =	sld [smem:$0x3FAF]  }
0x30: {  	s3 =	sld [smem:$0x3FB2]  }
0x31: {  	[smem:$0x3FBB] =	sst s10  }
0x32: {  	s10 =	sld [smem:$0x3FB9];
	_ =	sdelay $0x3  }
0x33: {  	p0 =	seq.s32 s10, $0x1;
	s10 =	sld [smem:$0x3FBB];
	_ =	sdelay $0x3  }
0x34: {  	[smem:$0x3FBB] =	sst s10  }
0x35: {  	s10 =	sld [smem:$0x3FBA];
	_ =	sdelay $0x3  }
0x36: {  	p1 =	seq.s32 s10, $0x1;
	s10 =	sld [smem:$0x3FBB];
	_ =	sdelay $0x3  }
0x37: {  	[smem:$0x3FBB] =	sst s10  }
0x38: {  	s10 =	sld [smem:$0x3FBC]  }
0x39: {  	_ = 	snop;
	(pc) =	sbr.ind lr, $3  }
0x3a: {  	_ = 	snop  }
0x3b: {  	_ = 	snop  }
0x3c: {  	p2 =	seq.s32 s10, $0x1;
	s10 =	sld [smem:$0x3FBB]  }
0x3d: {  	_ =	shalt  }
0x3e: {  	_ =	shalt  }
0x3f: {  	_ =	shalt  }
0x40: {  	_ =	shalt  }
0x41: {  	_ =	shalt  }
0x42: {  	_ =	shalt  }
0x43: {  	_ =	shalt  }
0x44: {  	_ =	shalt  }
0x45: {  	_ =	shalt  }
0x46: {  	_ =	shalt  }
0x47: {  	_ =	shalt  }
0x48: {  	_ =	shalt  }
0x49: {  	_ =	shalt  }
0x4a: {  	_ =	shalt  }
0x4b: {  	_ =	shalt  }
0x4c: {  	_ =	shalt  }
0x4d: {  	_ =	shalt  }
0x4e: {  	_ =	shalt  }
0x4f: {  	_ =	shalt  }
0x50: {  	_ =	shalt  }
0x51: {  	_ =	shalt  }
0x52: {  	_ =	shalt  }
0x53: {  	_ =	shalt  }
0x54: {  	_ =	shalt  }
0x55: {  	_ =	shalt  }
0x56: {  	_ =	shalt  }
0x57: {  	_ =	shalt  }
0x58: {  	_ =	shalt  }
0x59: {  	_ =	shalt  }
0x5a: {  	_ =	shalt  }
0x5b: {  	_ =	shalt  }
0x5c: {  	_ =	shalt  }
0x5d: {  	_ =	shalt  }
0x5e: {  	_ =	shalt  }
0x5f: {  	_ =	shalt  }
0x60: {  	_ =	shalt  }
0x61: {  	_ =	shalt  }
0x62: {  	_ =	shalt  }
0x63: {  	_ =	shalt  }
0x64: {  	_ =	shalt  }
0x65: {  	_ =	shalt  }
0x66: {  	_ =	shalt  }
0x67: {  	_ =	shalt  }
0x68: {  	_ =	shalt  }
0x69: {  	_ =	shalt  }
0x6a: {  	_ =	shalt  }
0x6b: {  	_ =	shalt  }
0x6c: {  	_ =	shalt  }
0x6d: {  	_ =	shalt  }
0x6e: {  	_ =	shalt  }
0x6f: {  	_ =	shalt  }
0x70: {  	_ =	shalt  }
0x71: {  	_ =	shalt  }
0x72: {  	_ =	shalt  }
0x73: {  	_ =	shalt  }
0x74: {  	_ =	shalt  }
0x75: {  	_ =	shalt  }
0x76: {  	_ =	shalt  }
0x77: {  	_ =	shalt  }
0x78: {  	_ =	shalt  }
0x79: {  	_ =	shalt  }
0x7a: {  	_ =	shalt  }
0x7b: {  	_ =	shalt  }
0x7c: {  	_ =	shalt  }
0x7d: {  	_ =	shalt  }
0x7e: {  	_ =	shalt  }
0x7f: {  	_ =	shalt  }
0x80: {  	_ =	shalt  }
0x81: {  	_ =	shalt  }
0x82: {  	_ =	shalt  }
0x83: {  	_ =	shalt  }
0x84: {  	_ =	shalt  }
0x85: {  	_ =	shalt  }
0x86: {  	_ =	shalt  }
0x87: {  	_ =	shalt  }
.Lfunc_end0:
.L_simem_size_0:
called_computation.1_lowered:
.L_overlay_start_0:
0x88: {  	s2 =	sld [smem:$0x3FD9]  }
0x89: {  	s3 =	sld [smem:$0x3FFE];
	_ =	sdelay $0x1  }
0x8a: {  	s1 =	srdreg.scid  }
0x8b: {  	s0 =	sand.u32 $0x1, s1  }
0x8c: {  	s17 =	sshll.u32 s0, $0xA;
	s2 =	sadd.s32 s3, s2  }
0x8d: {  	s2 =	sadd.s32 s2, s17  }
0x8e: {  	[smem:$0x3FC7] =	sst s2  }
0x8f: {  	_ = 	snop  }
0x90: {  	s2 =	sld [smem:$0x3FD0];
	(tm) =	ssettm $0x1  }
0x91: {  	s18 =	sld [smem:$0x3FFB];
	_ =	sdelay $0x3  }
0x92: {  	_ =	strace s18  }
0x93: {  	s3 =	sld [smem:$0x3FFC];
	_ =	sdelay $0x3  }
0x94: {  	_ =	strace s3  }
0x95: {  	s3 =	sld [smem:$0x3FFD];
	_ =	sdelay $0x3  }
0x96: {  	_ =	strace s3  }
0x97: {  	_ =	strace $0x8FFFFFFF  }
0x98: {  	s19 =	sld [smem:$0x3FDB];
	_ =	sdelay $0x1  }
0x99: {  	s4 =	simm.s32 $_scs_section_size  }
0x9a: {  	s5 =	simm.s32 $_size__tile_overlayer_lowered;
	s6 =	simm.s32 $_tile_overlayer_lowered  }
0x9b: {  	s22 =	simm.s32 $0x1BFF;
	s21 =	sshll.u32 s6, $0x1;
	s3 =	sadd.s32 s4, s19  }
0x9c: {  	s7 =	simm.s32 $0x0;
	s20 =	sshll.u32 s5, $0x1;
	s5 =	sadd.s32 s21, s3  }
0x9d: {  	[timem:s7], [sflag:s22] =	dma.local [hbm:s5], s20  }
0x9e: {  	_ =	swait.ge [sflag:s22], s20  }
0x9f: {  	s4 =	ssub.s32 $0x0, s20;
	[sflag:s22] =	ssyncset.done $0x0  }
0xa0: {  	[sflag:s22] =	ssyncadd.s32 s4;
	_ =	sdelay $0x1  }
0xa1: {  	s23 =	simm.s32 $0x1B8B  }
0xa2: {  	_ =	swait.ge [sflag:s23], $0x1  }
0xa3: {  	[sflag:s23] =	ssyncset.done $0x0  }
0xa4: {  	s25 =	simm.s32 $0x1B8E;
	s24 =	sld [smem:$0x3FFE];
	[sflag:s23] =	ssyncadd.s32 $0xFFFFFFFF  }
0xa5: {  	s26 =	simm.s32 $execute0_lowered;
	[smem:$0x3FD2] =	sst s25  }
0xa6: {  	s5 =	sshll.u32 s26, $0x1;
	_ =	strace $0x80000049;
	[dreg:$0x1] =	wrdreg $0xFFFFFFFF  }
0xa7: {  	s28 =	simm.s32 $_size_execute0_lowered;
	s3 =	sadd.s32 s3, s5;
	[dreg:$0x0] =	wrdreg $0x0  }
0xa8: {  	s5 =	sshll.u32 s28, $0x1;
	[dreg:$0x2] =	wrdreg s3  }
0xa9: {  	[dreg:$0x3] =	wrdreg s5  }
0xaa: {  	[dreg:$0x4] =	wrdreg $0xC0  }
0xab: {  	_ =	task [dreg:s7], $0x5FFFF  }
0xac: {  	[dreg:$0x1] =	wrdreg $0xFFFFFFFF  }
0xad: {  	[dreg:$0x0] =	wrdreg $0x60  }
0xae: {  	[dreg:$0x2] =	wrdreg s2  }
0xaf: {  	[dreg:$0x3] =	wrdreg s24  }
0xb0: {  	[dreg:$0x4] =	wrdreg $0x9  }
0xb1: {  	_ =	task.clear_ibuf [dreg:s7], $0x5FFFF;
	_ =	strace $0x90000049  }
0xb2: {  	s29 =	simm.s32 $0x9;
	_ =	strace $0x8000004B  }
0xb3: {  	_ =	swait.ge [sflag:s29], $0x1  }
0xb4: {  	[sflag:s29] =	ssyncadd.s32 $0xFFFFFFFF  }
0xb5: {  	_ =	strace $0x9000004B  }
0xb6: {  	_ =	sfence  }
0xb7: {  	s30 =	sld [smem:$0x0];
	_ =	sdelay $0x2  }
0xb8: {  	s31 =	sshll.u32 s1, $0xD;
	s1 =	sshrl.u32 s1, $0x2  }
0xb9: {  	s3 =	sand.u32 $0x4000, s31;
	s1 =	sadd.s32 s1, s30  }
0xba: {  	s0 =	sor.u32 s3, s0;
	s1 =	sshll.u32 s1, $0x11  }
0xbb: {  	s0 =	sor.u32 s1, s0  }
0xbc: {  	s0 =	sadd.s32 $0x8F2B, s0  }
0xbd: {  	[sflag:s0] =	ssyncadd.remote.s32 $0x1  }
0xbe: {  	_ =	sfence.sel $0xFFFF  }
0xbf: {  	[dreg:$0x0] =	wrdreg $0xFFFFFFFF;
	(pc) =	sbr.abs _section_cstart, $3  }
0xc0: {  	[dreg:$0x1] =	wrdreg $0xFFFFFFFF  }
0xc1: {  	_ =	task.clear_ibuf [dreg:s7], $0x2FFFF;
	_ =	strace $0x9FFFFFFF  }
0xc2: {  	(tm) =	ssettm $0x7FFFFFFF  }
0xc3: {  	_ =	shalt  }
tec
execute0_lowered:
.L_overlay_start_1:
0x0: {  	(tag) =	ssettag $0x1  }
0x1: {  	s1 =	srdreg.scid;
	s2 =	rddreg [dreg:$0x0]  }
0x2: {  	s0 =	stileid.u32;
	s6 =	rddreg [dreg:$0x1];
	s3 =	simm.s32 $0x0  }
0x3: {  	s13 =	simm.s32 $0x8000;
	s14 =	simm.s32 $0xC000;
	s15 =	simm.s32 $0x10000  }
0x4: {  	s16 =	simm.s32 $0x1;
	s17 =	simm.s32 $0x14000;
	s18 =	simm.s32 $0x2  }
0x5: {  	s19 =	simm.s32 $0x3;
	s20 =	simm.s32 $0x4;
	s21 =	simm.s32 $0x80  }
0x6: {  	s22 =	simm.s32 $0x400;
	s23 =	simm.s32 $0x5;
	s24 =	simm.s32 $0x0  }
0x7: {  	s4 =	sand.u32 $0x1, s1;
	s30 =	sshll.u32 s0, $0x1;
	[smem:$0x7FF] =	sst s3  }
0x8: {  	s1 =	rddreg [dreg:$0x2];
	s5 =	sor.u32 s4, s30;
	_ =	strace $0x8000004A  }
0x9: {  	s9 =	ssub.s32 $0x2, s4;
	s7 =	sshll.u32 s5, $0xF;
	s8 =	sshll.u32 s5, $0x7  }
0xa: {  	s31 =	sshrl.u32 s9, $0x1;
	s5 =	sshll.u32 s5, $0x12;
	s8 =	sor.u32 s8, s7  }
0xb: {  	s4 =	sadd.s32 s2, s7;
	s12 =	ssub.s32 s9, s31;
	s8 =	sand.u32 $0xC0380, s8  }
0xc: {  	s9 =	sor.u32 $0x14000, s5;
	s10 =	sor.u32 $0x18000, s5;
	s8 =	sshrl.u32 s8, $0x3  }
0xd: {  	s7 =	sadd.s32 $0x1000, s4;
	s12 =	smax.u32 s12, $0x1;
	s11 =	sadd.s32 s8, s6  }
0xe: {  	v0 =	vimm.s32 $0x0;
	v1 =	vimm.s32 $0x1;
	s6 =	sadd.s32 $0x800, s4;
	s8 =	sor.u32 $0x10000, s5;
	s11 =	sadd.s32 $0x1A00, s11  }
.LBB2_1:
0xf: {  	s25 =	simm.s32 $0x0;
	s26 =	simm.s32 $0x200  }
.LBB2_2:
0x10: {  	p0 =	sne.s32 s26, $0x1FE00;
	[tilespmem:s25+$0x70] =	vst v0  }
0x11: {  	[tilespmem:s25+$0x0] =	vst v0  }
0x12: {  	[tilespmem:s25+$0x10] =	vst v0  }
.Ltmp0:
0x13: {  	[tilespmem:s25+$0x20] =	vst v0;
	(pc) =	sbr.rel @p0 .LBB2_2-.Ltmp0, $4  }
0x14: {  	[tilespmem:s25+$0x30] =	vst v0  }
0x15: {  	[tilespmem:s25+$0x40] =	vst v0  }
0x16: {  	[tilespmem:s25+$0x50] =	vst v0  }
0x17: {  	[tilespmem:s25+$0x60] =	vst v0;
	s25 =	sshra.s32 s26, $0x2;
	s26 =	sadd.s32 $0x200, s26  }
0x18: {  	[tilespmem:s25+$0x70] =	vst v0  }
0x19: {  	[tilespmem:s25+$0x0] =	vst v0  }
0x1a: {  	[tilespmem:s25+$0x10] =	vst v0  }
0x1b: {  	[tilespmem:s25+$0x20] =	vst v0  }
0x1c: {  	[tilespmem:s25+$0x30] =	vst v0  }
0x1d: {  	[tilespmem:s25+$0x40] =	vst v0  }
0x1e: {  	[tilespmem:s25+$0x50] =	vst v0  }
0x1f: {  	[tilespmem:s25+$0x60] =	vst v0;
	s25 =	simm.s32 $0x0  }
0x20: {  	[tilespmem:s13], [sflag:$0x1] =	stream.linear.gather [hbm4b:s4+s25], $0x4000, $0x38;
	[tilespmem:$0x18000] =	vst v63  }
0x21: {  	_ = 	snop  }
0x22: {  	[tilespmem:s14], [sflag:$0x2] =	stream.linear.gather [hbm4b:s6+s25], $0x4000, $0x38;
	[tilespmem:$0x18000] =	vst v63  }
0x23: {  	s26 =	simm.s32 $0x0  }
0x24: {  	[tilespmem:s15], [sflag:$0x3] =	stream.linear.gather [hbm4b:s7+s25], $0x4000, $0x38;
	[tilespmem:$0x18000] =	vst v63  }
.LBB2_4:
0x25: {  	s28 =	sshll.u32 s26, $0x10  }
0x26: {  	s29 =	sor.u32 s28, s5  }
0x27: {  	_ =	swait.ge [sflag:s16], $0x4000;
	s29 =	sshrl.u32 s29, $0x3  }
0x28: {  	[sflag:s16] =	ssyncset.done $0x0;
	s29 =	sadd.s32 s29, s2  }
0x29: {  	[sflag:s16] =	ssyncadd.s32 $0xFFFFC000;
	s29 =	sadd.s32 $0x1800, s29  }
0x2a: {  	[tilespmem:s17], [sflag:$0x4] =	stream.linear.gather [hbm4b:s29+s25], $0x4000, $0x38;
	[tilespmem:$0x18000] =	vst v63  }
0x2b: {  	s29 =	simm.s32 $0x0  }
0x2c: {  	v2 =	vld [tilespmem:s29+$0x8000]  }
0x2d: {  	v3 =	vld [tilespmem:s29+$0x8010]  }
0x2e: {  	v4 =	vld [tilespmem:s29+$0x8020]  }
0x2f: {  	v5 =	vld [tilespmem:s29+$0x8030]  }
0x30: {  	v6 =	vld [tilespmem:s29+$0x8040]  }
0x31: {  	v7 =	vld [tilespmem:s29+$0x8050];
	v2 =	vshrl.u32 v2, $0x10  }
0x32: {  	v3 =	vshrl.u32 v3, $0x10;
	v2 =	vand.u32 $0x7FFF, v2  }
0x33: {  	v4 =	vshrl.u32 v4, $0x10;
	v3 =	vand.u32 $0x7FFF, v3  }
0x34: {  	v8 =	vld [tilespmem:s29+$0x8060];
	v5 =	vshrl.u32 v5, $0x10;
	v4 =	vand.u32 $0x7FFF, v4  }
0x35: {  	v6 =	vshrl.u32 v6, $0x10;
	v5 =	vand.u32 $0x7FFF, v5  }
0x36: {  	v9 =	vld [tilespmem:s29+$0x8070];
	v7 =	vshrl.u32 v7, $0x10;
	v6 =	vand.u32 $0x7FFF, v6  }
0x37: {  	[tilespmem:v2+s3+$0x0] =	vst.idx.add.s32.msk $0xffff, v1;
	v2 =	vand.u32 $0x7FFF, v7  }
0x38: {  	[tilespmem:v3+s3+$0x0] =	vst.idx.add.s32.msk $0xffff, v1  }
0x39: {  	v8 =	vshrl.u32 v8, $0x10;
	[tilespmem:v4+s3+$0x0] =	vst.idx.add.s32.msk $0xffff, v1  }
0x3a: {  	v3 =	vand.u32 $0x7FFF, v8;
	[tilespmem:v5+s3+$0x0] =	vst.idx.add.s32.msk $0xffff, v1  }
0x3b: {  	v63 =	vshrl.u32 v9, $0x10;
	[tilespmem:v6+s3+$0x0] =	vst.idx.add.s32.msk $0xffff, v1  }
0x3c: {  	[tilespmem:v2+s3+$0x0] =	vst.idx.add.s32.msk $0xffff, v1;
	v2 =	vand.u32 $0x7FFF, v63;
	_ =	sdelay $0x2  }
0x3d: {  	s30 =	simm.s32 $0x400;
	s29 =	simm.s32 $0x200;
	[tilespmem:v3+s3+$0x0] =	vst.idx.add.s32.msk $0xffff, v1  }
.LBB2_5:
0x3e: {  	p0 =	sne.s32 s30, $0xFE00  }
0x3f: {  	s31 =	sshra.s32 s29, $0x2;
	[tilespmem:v2+s3+$0x0] =	vst.idx.add.s32.msk $0xffff, v1;
	s29 =	smov.u32 s30;
	s30 =	sadd.s32 $0x200, s30  }
0x40: {  	v2 =	vld [tilespmem:s31+$0x8000]  }
0x41: {  	v3 =	vld [tilespmem:s31+$0x8010]  }
0x42: {  	v4 =	vld [tilespmem:s31+$0x8020]  }
0x43: {  	v5 =	vld [tilespmem:s31+$0x8030]  }
0x44: {  	v6 =	vld [tilespmem:s31+$0x8040]  }
0x45: {  	v2 =	vshrl.u32 v2, $0x10;
	v7 =	vld [tilespmem:s31+$0x8050]  }
0x46: {  	v3 =	vshrl.u32 v3, $0x10;
	v8 =	vld [tilespmem:s31+$0x8060];
	v2 =	vand.u32 $0x7FFF, v2  }
0x47: {  	v4 =	vshrl.u32 v4, $0x10;
	v9 =	vld [tilespmem:s31+$0x8070];
	v3 =	vand.u32 $0x7FFF, v3  }
0x48: {  	v5 =	vshrl.u32 v5, $0x10;
	v4 =	vand.u32 $0x7FFF, v4  }
0x49: {  	v6 =	vshrl.u32 v6, $0x10;
	v5 =	vand.u32 $0x7FFF, v5  }
0x4a: {  	v7 =	vshrl.u32 v7, $0x10;
	v6 =	vand.u32 $0x7FFF, v6  }
0x4b: {  	v8 =	vshrl.u32 v8, $0x10;
	[tilespmem:v2+s3+$0x0] =	vst.idx.add.s32.msk $0xffff, v1;
	v7 =	vand.u32 $0x7FFF, v7  }
0x4c: {  	v2 =	vshrl.u32 v9, $0x10;
	[tilespmem:v3+s3+$0x0] =	vst.idx.add.s32.msk $0xffff, v1;
	v3 =	vand.u32 $0x7FFF, v8  }
.Ltmp1:
0x4d: {  	[tilespmem:v4+s3+$0x0] =	vst.idx.add.s32.msk $0xffff, v1;
	v2 =	vand.u32 $0x7FFF, v2;
	(pc) =	sbr.rel @p0 .LBB2_5-.Ltmp1, $4  }
0x4e: {  	[tilespmem:v5+s3+$0x0] =	vst.idx.add.s32.msk $0xffff, v1  }
0x4f: {  	[tilespmem:v6+s3+$0x0] =	vst.idx.add.s32.msk $0xffff, v1  }
0x50: {  	[tilespmem:v7+s3+$0x0] =	vst.idx.add.s32.msk $0xffff, v1  }
0x51: {  	[tilespmem:v3+s3+$0x0] =	vst.idx.add.s32.msk $0xffff, v1  }
0x52: {  	_ =	sdelay $0x3  }
0x53: {  	s29 =	sshra.s32 s29, $0x2;
	[tilespmem:v2+s3+$0x0] =	vst.idx.add.s32.msk $0xffff, v1  }
0x54: {  	v2 =	vld [tilespmem:s29+$0x8000]  }
0x55: {  	v3 =	vld [tilespmem:s29+$0x8010]  }
0x56: {  	v4 =	vld [tilespmem:s29+$0x8020]  }
0x57: {  	v5 =	vld [tilespmem:s29+$0x8030]  }
0x58: {  	v6 =	vld [tilespmem:s29+$0x8040]  }
0x59: {  	v7 =	vld [tilespmem:s29+$0x8050];
	v2 =	vshrl.u32 v2, $0x10  }
0x5a: {  	v8 =	vld [tilespmem:s29+$0x8060];
	v3 =	vshrl.u32 v3, $0x10;
	v2 =	vand.u32 $0x7FFF, v2  }
0x5b: {  	v9 =	vld [tilespmem:s29+$0x8070];
	v4 =	vshrl.u32 v4, $0x10;
	v3 =	vand.u32 $0x7FFF, v3  }
0x5c: {  	v5 =	vshrl.u32 v5, $0x10;
	v4 =	vand.u32 $0x7FFF, v4  }
0x5d: {  	v6 =	vshrl.u32 v6, $0x10;
	v5 =	vand.u32 $0x7FFF, v5  }
0x5e: {  	v7 =	vshrl.u32 v7, $0x10;
	v6 =	vand.u32 $0x7FFF, v6  }
0x5f: {  	v8 =	vshrl.u32 v8, $0x10;
	[tilespmem:v2+s3+$0x0] =	vst.idx.add.s32.msk $0xffff, v1;
	v2 =	vand.u32 $0x7FFF, v7  }
0x60: {  	v55 =	vshrl.u32 v9, $0x10;
	[tilespmem:v3+s3+$0x0] =	vst.idx.add.s32.msk $0xffff, v1;
	v3 =	vand.u32 $0x7FFF, v8  }
0x61: {  	v56 =	vand.u32 $0x7FFF, v55;
	[tilespmem:v4+s3+$0x0] =	vst.idx.add.s32.msk $0xffff, v1  }
0x62: {  	[tilespmem:v5+s3+$0x0] =	vst.idx.add.s32.msk $0xffff, v1  }
0x63: {  	[tilespmem:v6+s3+$0x0] =	vst.idx.add.s32.msk $0xffff, v1  }
0x64: {  	[tilespmem:v2+s3+$0x0] =	vst.idx.add.s32.msk $0xffff, v1  }
0x65: {  	[tilespmem:v3+s3+$0x0] =	vst.idx.add.s32.msk $0xffff, v1  }
0x66: {  	p0 =	seq.s32 s26, $0x3;
	[tilespmem:v56+s3+$0x0] =	vst.idx.add.s32.msk $0xffff, v1  }
0x67: {  	s29 =	sadd.s32 @!p0 s28, s8;
	_ =	swait.ge [sflag:s18], $0x4000  }
0x68: {  	s30 =	simm.s32 @!p0 $0x0;
	s29 =	sshrl.u32 @!p0 s29, $0x3;
	[sflag:s18] =	ssyncset.done $0x0  }
0x69: {  	s31 =	simm.s32 @!p0 $0x8000;
	s29 =	sadd.s32 @!p0 s2, s29;
	[sflag:s18] =	ssyncadd.s32 $0xFFFFC000  }
0x6a: {  	[tilespmem:s31], [sflag:$0x1] =	stream.linear.gather @!p0 [hbm4b:s29+s30], $0x4000, $0x38;
	[tilespmem:$0x18000] =	vst v63  }
0x6b: {  	s29 =	simm.s32 $0x0  }
0x6c: {  	v2 =	vld [tilespmem:s29+$0xC000]  }
0x6d: {  	v3 =	vld [tilespmem:s29+$0xC010]  }
0x6e: {  	v57 =	vld [tilespmem:s29+$0xC020]  }
0x6f: {  	v58 =	vld [tilespmem:s29+$0xC030]  }
0x70: {  	v59 =	vld [tilespmem:s29+$0xC040]  }
0x71: {  	v60 =	vld [tilespmem:s29+$0xC050];
	v2 =	vshrl.u32 v2, $0x10  }
0x72: {  	v3 =	vshrl.u32 v3, $0x10;
	v2 =	vand.u32 $0x7FFF, v2  }
0x73: {  	v4 =	vshrl.u32 v57, $0x10;
	v3 =	vand.u32 $0x7FFF, v3  }
0x74: {  	v61 =	vld [tilespmem:s29+$0xC060];
	v5 =	vshrl.u32 v58, $0x10;
	v4 =	vand.u32 $0x7FFF, v4  }
0x75: {  	v6 =	vshrl.u32 v59, $0x10;
	v5 =	vand.u32 $0x7FFF, v5  }
0x76: {  	v62 =	vld [tilespmem:s29+$0xC070];
	v7 =	vshrl.u32 v60, $0x10;
	v6 =	vand.u32 $0x7FFF, v6  }
0x77: {  	[tilespmem:v2+s3+$0x0] =	vst.idx.add.s32.msk $0xffff, v1;
	v2 =	vand.u32 $0x7FFF, v7  }
0x78: {  	[tilespmem:v3+s3+$0x0] =	vst.idx.add.s32.msk $0xffff, v1  }
0x79: {  	v8 =	vshrl.u32 v61, $0x10;
	[tilespmem:v4+s3+$0x0] =	vst.idx.add.s32.msk $0xffff, v1  }
0x7a: {  	v3 =	vand.u32 $0x7FFF, v8;
	[tilespmem:v5+s3+$0x0] =	vst.idx.add.s32.msk $0xffff, v1  }
0x7b: {  	v63 =	vshrl.u32 v62, $0x10;
	[tilespmem:v6+s3+$0x0] =	vst.idx.add.s32.msk $0xffff, v1  }
0x7c: {  	[tilespmem:v2+s3+$0x0] =	vst.idx.add.s32.msk $0xffff, v1;
	v2 =	vand.u32 $0x7FFF, v63;
	_ =	sdelay $0x2  }
0x7d: {  	s30 =	simm.s32 $0x400;
	s29 =	simm.s32 $0x200;
	[tilespmem:v3+s3+$0x0] =	vst.idx.add.s32.msk $0xffff, v1  }
.LBB2_7:
0x7e: {  	p1 =	sne.s32 s30, $0xFE00  }
0x7f: {  	s31 =	sshra.s32 s29, $0x2;
	[tilespmem:v2+s3+$0x0] =	vst.idx.add.s32.msk $0xffff, v1;
	s29 =	smov.u32 s30;
	s30 =	sadd.s32 $0x200, s30  }
0x80: {  	v2 =	vld [tilespmem:s31+$0xC000]  }
0x81: {  	v3 =	vld [tilespmem:s31+$0xC010]  }
0x82: {  	v4 =	vld [tilespmem:s31+$0xC020]  }
0x83: {  	v5 =	vld [tilespmem:s31+$0xC030]  }
0x84: {  	v6 =	vld [tilespmem:s31+$0xC040]  }
0x85: {  	v2 =	vshrl.u32 v2, $0x10;
	v7 =	vld [tilespmem:s31+$0xC050]  }
0x86: {  	v3 =	vshrl.u32 v3, $0x10;
	v8 =	vld [tilespmem:s31+$0xC060];
	v2 =	vand.u32 $0x7FFF, v2  }
0x87: {  	v4 =	vshrl.u32 v4, $0x10;
	v9 =	vld [tilespmem:s31+$0xC070];
	v3 =	vand.u32 $0x7FFF, v3  }
0x88: {  	v5 =	vshrl.u32 v5, $0x10;
	v4 =	vand.u32 $0x7FFF, v4  }
0x89: {  	v6 =	vshrl.u32 v6, $0x10;
	v5 =	vand.u32 $0x7FFF, v5  }
0x8a: {  	v7 =	vshrl.u32 v7, $0x10;
	v6 =	vand.u32 $0x7FFF, v6  }
0x8b: {  	v8 =	vshrl.u32 v8, $0x10;
	[tilespmem:v2+s3+$0x0] =	vst.idx.add.s32.msk $0xffff, v1;
	v7 =	vand.u32 $0x7FFF, v7  }
0x8c: {  	v2 =	vshrl.u32 v9, $0x10;
	[tilespmem:v3+s3+$0x0] =	vst.idx.add.s32.msk $0xffff, v1;
	v3 =	vand.u32 $0x7FFF, v8  }
.Ltmp2:
0x8d: {  	[tilespmem:v4+s3+$0x0] =	vst.idx.add.s32.msk $0xffff, v1;
	v2 =	vand.u32 $0x7FFF, v2;
	(pc) =	sbr.rel @p1 .LBB2_7-.Ltmp2, $4  }
0x8e: {  	[tilespmem:v5+s3+$0x0] =	vst.idx.add.s32.msk $0xffff, v1  }
0x8f: {  	[tilespmem:v6+s3+$0x0] =	vst.idx.add.s32.msk $0xffff, v1  }
0x90: {  	[tilespmem:v7+s3+$0x0] =	vst.idx.add.s32.msk $0xffff, v1  }
0x91: {  	[tilespmem:v3+s3+$0x0] =	vst.idx.add.s32.msk $0xffff, v1  }
0x92: {  	_ =	sdelay $0x3  }
0x93: {  	s29 =	sshra.s32 s29, $0x2;
	[tilespmem:v2+s3+$0x0] =	vst.idx.add.s32.msk $0xffff, v1  }
0x94: {  	v2 =	vld [tilespmem:s29+$0xC000]  }
0x95: {  	v3 =	vld [tilespmem:s29+$0xC010]  }
0x96: {  	v4 =	vld [tilespmem:s29+$0xC020]  }
0x97: {  	v5 =	vld [tilespmem:s29+$0xC030]  }
0x98: {  	v6 =	vld [tilespmem:s29+$0xC040]  }
0x99: {  	v7 =	vld [tilespmem:s29+$0xC050];
	v2 =	vshrl.u32 v2, $0x10  }
0x9a: {  	v8 =	vld [tilespmem:s29+$0xC060];
	v3 =	vshrl.u32 v3, $0x10;
	v2 =	vand.u32 $0x7FFF, v2  }
0x9b: {  	v9 =	vld [tilespmem:s29+$0xC070];
	v4 =	vshrl.u32 v4, $0x10;
	v3 =	vand.u32 $0x7FFF, v3  }
0x9c: {  	v5 =	vshrl.u32 v5, $0x10;
	v4 =	vand.u32 $0x7FFF, v4  }
0x9d: {  	v6 =	vshrl.u32 v6, $0x10;
	v5 =	vand.u32 $0x7FFF, v5  }
0x9e: {  	v7 =	vshrl.u32 v7, $0x10;
	v6 =	vand.u32 $0x7FFF, v6  }
0x9f: {  	v8 =	vshrl.u32 v8, $0x10;
	[tilespmem:v2+s3+$0x0] =	vst.idx.add.s32.msk $0xffff, v1;
	v2 =	vand.u32 $0x7FFF, v7  }
0xa0: {  	v55 =	vshrl.u32 v9, $0x10;
	[tilespmem:v3+s3+$0x0] =	vst.idx.add.s32.msk $0xffff, v1;
	v3 =	vand.u32 $0x7FFF, v8  }
0xa1: {  	v56 =	vand.u32 $0x7FFF, v55;
	[tilespmem:v4+s3+$0x0] =	vst.idx.add.s32.msk $0xffff, v1  }
0xa2: {  	[tilespmem:v5+s3+$0x0] =	vst.idx.add.s32.msk $0xffff, v1  }
0xa3: {  	[tilespmem:v6+s3+$0x0] =	vst.idx.add.s32.msk $0xffff, v1  }
0xa4: {  	[tilespmem:v2+s3+$0x0] =	vst.idx.add.s32.msk $0xffff, v1  }
0xa5: {  	[tilespmem:v3+s3+$0x0] =	vst.idx.add.s32.msk $0xffff, v1  }
0xa6: {  	[tilespmem:v56+s3+$0x0] =	vst.idx.add.s32.msk $0xffff, v1  }
0xa7: {  	s29 =	sadd.s32 @!p0 s28, s9;
	_ =	swait.ge [sflag:s19], $0x4000  }
0xa8: {  	s30 =	simm.s32 @!p0 $0x0;
	s29 =	sshrl.u32 @!p0 s29, $0x3;
	[sflag:s19] =	ssyncset.done $0x0  }
0xa9: {  	s31 =	simm.s32 @!p0 $0xC000;
	s29 =	sadd.s32 @!p0 s2, s29;
	[sflag:s19] =	ssyncadd.s32 $0xFFFFC000  }
0xaa: {  	[tilespmem:s31], [sflag:$0x2] =	stream.linear.gather @!p0 [hbm4b:s29+s30], $0x4000, $0x38;
	[tilespmem:$0x18000] =	vst v63  }
0xab: {  	s29 =	simm.s32 $0x0  }
0xac: {  	v2 =	vld [tilespmem:s29+$0x10000]  }
0xad: {  	v3 =	vld [tilespmem:s29+$0x10010]  }
0xae: {  	v57 =	vld [tilespmem:s29+$0x10020]  }
0xaf: {  	v58 =	vld [tilespmem:s29+$0x10030]  }
0xb0: {  	v59 =	vld [tilespmem:s29+$0x10040]  }
0xb1: {  	v60 =	vld [tilespmem:s29+$0x10050];
	v2 =	vshrl.u32 v2, $0x10  }
0xb2: {  	v3 =	vshrl.u32 v3, $0x10;
	v2 =	vand.u32 $0x7FFF, v2  }
0xb3: {  	v4 =	vshrl.u32 v57, $0x10;
	v3 =	vand.u32 $0x7FFF, v3  }
0xb4: {  	v61 =	vld [tilespmem:s29+$0x10060];
	v5 =	vshrl.u32 v58, $0x10;
	v4 =	vand.u32 $0x7FFF, v4  }
0xb5: {  	v6 =	vshrl.u32 v59, $0x10;
	v5 =	vand.u32 $0x7FFF, v5  }
0xb6: {  	v62 =	vld [tilespmem:s29+$0x10070];
	v7 =	vshrl.u32 v60, $0x10;
	v6 =	vand.u32 $0x7FFF, v6  }
0xb7: {  	[tilespmem:v2+s3+$0x0] =	vst.idx.add.s32.msk $0xffff, v1;
	v2 =	vand.u32 $0x7FFF, v7  }
0xb8: {  	[tilespmem:v3+s3+$0x0] =	vst.idx.add.s32.msk $0xffff, v1  }
0xb9: {  	v8 =	vshrl.u32 v61, $0x10;
	[tilespmem:v4+s3+$0x0] =	vst.idx.add.s32.msk $0xffff, v1  }
0xba: {  	v3 =	vand.u32 $0x7FFF, v8;
	[tilespmem:v5+s3+$0x0] =	vst.idx.add.s32.msk $0xffff, v1  }
0xbb: {  	v63 =	vshrl.u32 v62, $0x10;
	[tilespmem:v6+s3+$0x0] =	vst.idx.add.s32.msk $0xffff, v1  }
0xbc: {  	[tilespmem:v2+s3+$0x0] =	vst.idx.add.s32.msk $0xffff, v1;
	v2 =	vand.u32 $0x7FFF, v63;
	_ =	sdelay $0x2  }
0xbd: {  	s30 =	simm.s32 $0x400;
	s29 =	simm.s32 $0x200;
	[tilespmem:v3+s3+$0x0] =	vst.idx.add.s32.msk $0xffff, v1  }
.LBB2_9:
0xbe: {  	p1 =	sne.s32 s30, $0xFE00  }
0xbf: {  	s31 =	sshra.s32 s29, $0x2;
	[tilespmem:v2+s3+$0x0] =	vst.idx.add.s32.msk $0xffff, v1;
	s29 =	smov.u32 s30;
	s30 =	sadd.s32 $0x200, s30  }
0xc0: {  	v2 =	vld [tilespmem:s31+$0x10000]  }
0xc1: {  	v3 =	vld [tilespmem:s31+$0x10010]  }
0xc2: {  	v4 =	vld [tilespmem:s31+$0x10020]  }
0xc3: {  	v5 =	vld [tilespmem:s31+$0x10030]  }
0xc4: {  	v6 =	vld [tilespmem:s31+$0x10040]  }
0xc5: {  	v2 =	vshrl.u32 v2, $0x10;
	v7 =	vld [tilespmem:s31+$0x10050]  }
0xc6: {  	v3 =	vshrl.u32 v3, $0x10;
	v8 =	vld [tilespmem:s31+$0x10060];
	v2 =	vand.u32 $0x7FFF, v2  }
0xc7: {  	v4 =	vshrl.u32 v4, $0x10;
	v9 =	vld [tilespmem:s31+$0x10070];
	v3 =	vand.u32 $0x7FFF, v3  }
0xc8: {  	v5 =	vshrl.u32 v5, $0x10;
	v4 =	vand.u32 $0x7FFF, v4  }
0xc9: {  	v6 =	vshrl.u32 v6, $0x10;
	v5 =	vand.u32 $0x7FFF, v5  }
0xca: {  	v7 =	vshrl.u32 v7, $0x10;
	v6 =	vand.u32 $0x7FFF, v6  }
0xcb: {  	v8 =	vshrl.u32 v8, $0x10;
	[tilespmem:v2+s3+$0x0] =	vst.idx.add.s32.msk $0xffff, v1;
	v7 =	vand.u32 $0x7FFF, v7  }
0xcc: {  	v2 =	vshrl.u32 v9, $0x10;
	[tilespmem:v3+s3+$0x0] =	vst.idx.add.s32.msk $0xffff, v1;
	v3 =	vand.u32 $0x7FFF, v8  }
.Ltmp3:
0xcd: {  	[tilespmem:v4+s3+$0x0] =	vst.idx.add.s32.msk $0xffff, v1;
	v2 =	vand.u32 $0x7FFF, v2;
	(pc) =	sbr.rel @p1 .LBB2_9-.Ltmp3, $4  }
0xce: {  	[tilespmem:v5+s3+$0x0] =	vst.idx.add.s32.msk $0xffff, v1  }
0xcf: {  	[tilespmem:v6+s3+$0x0] =	vst.idx.add.s32.msk $0xffff, v1  }
0xd0: {  	[tilespmem:v7+s3+$0x0] =	vst.idx.add.s32.msk $0xffff, v1  }
0xd1: {  	[tilespmem:v3+s3+$0x0] =	vst.idx.add.s32.msk $0xffff, v1  }
0xd2: {  	_ =	sdelay $0x3  }
0xd3: {  	s29 =	sshra.s32 s29, $0x2;
	[tilespmem:v2+s3+$0x0] =	vst.idx.add.s32.msk $0xffff, v1  }
0xd4: {  	v2 =	vld [tilespmem:s29+$0x10000]  }
0xd5: {  	v3 =	vld [tilespmem:s29+$0x10010]  }
0xd6: {  	v4 =	vld [tilespmem:s29+$0x10020]  }
0xd7: {  	v5 =	vld [tilespmem:s29+$0x10030]  }
0xd8: {  	v6 =	vld [tilespmem:s29+$0x10040]  }
0xd9: {  	v7 =	vld [tilespmem:s29+$0x10050];
	v2 =	vshrl.u32 v2, $0x10  }
0xda: {  	v8 =	vld [tilespmem:s29+$0x10060];
	v3 =	vshrl.u32 v3, $0x10;
	v2 =	vand.u32 $0x7FFF, v2  }
0xdb: {  	v9 =	vld [tilespmem:s29+$0x10070];
	v4 =	vshrl.u32 v4, $0x10;
	v3 =	vand.u32 $0x7FFF, v3  }
0xdc: {  	v5 =	vshrl.u32 v5, $0x10;
	v4 =	vand.u32 $0x7FFF, v4  }
0xdd: {  	v6 =	vshrl.u32 v6, $0x10;
	v5 =	vand.u32 $0x7FFF, v5  }
0xde: {  	v7 =	vshrl.u32 v7, $0x10;
	v6 =	vand.u32 $0x7FFF, v6  }
0xdf: {  	v8 =	vshrl.u32 v8, $0x10;
	[tilespmem:v2+s3+$0x0] =	vst.idx.add.s32.msk $0xffff, v1;
	v2 =	vand.u32 $0x7FFF, v7  }
0xe0: {  	v55 =	vshrl.u32 v9, $0x10;
	[tilespmem:v3+s3+$0x0] =	vst.idx.add.s32.msk $0xffff, v1;
	v3 =	vand.u32 $0x7FFF, v8  }
0xe1: {  	v56 =	vand.u32 $0x7FFF, v55;
	[tilespmem:v4+s3+$0x0] =	vst.idx.add.s32.msk $0xffff, v1  }
0xe2: {  	[tilespmem:v5+s3+$0x0] =	vst.idx.add.s32.msk $0xffff, v1  }
0xe3: {  	[tilespmem:v6+s3+$0x0] =	vst.idx.add.s32.msk $0xffff, v1  }
0xe4: {  	[tilespmem:v2+s3+$0x0] =	vst.idx.add.s32.msk $0xffff, v1  }
0xe5: {  	[tilespmem:v3+s3+$0x0] =	vst.idx.add.s32.msk $0xffff, v1  }
0xe6: {  	[tilespmem:v56+s3+$0x0] =	vst.idx.add.s32.msk $0xffff, v1  }
0xe7: {  	s28 =	sadd.s32 @!p0 s28, s10;
	_ =	swait.ge [sflag:s20], $0x4000  }
0xe8: {  	s30 =	simm.s32 @!p0 $0x10000;
	s28 =	sshrl.u32 @!p0 s28, $0x3;
	[sflag:s20] =	ssyncset.done $0x0  }
0xe9: {  	s29 =	simm.s32 @!p0 $0x0;
	s28 =	sadd.s32 @!p0 s2, s28;
	[sflag:s20] =	ssyncadd.s32 $0xFFFFC000  }
0xea: {  	[tilespmem:s30], [sflag:$0x3] =	stream.linear.gather @!p0 [hbm4b:s28+s29], $0x4000, $0x38;
	[tilespmem:$0x18000] =	vst v63  }
0xeb: {  	s28 =	simm.s32 $0x0  }
0xec: {  	v2 =	vld [tilespmem:s28+$0x14000]  }
0xed: {  	v3 =	vld [tilespmem:s28+$0x14010]  }
0xee: {  	v57 =	vld [tilespmem:s28+$0x14020]  }
0xef: {  	v58 =	vld [tilespmem:s28+$0x14030]  }
0xf0: {  	v59 =	vld [tilespmem:s28+$0x14040]  }
0xf1: {  	v60 =	vld [tilespmem:s28+$0x14050];
	v2 =	vshrl.u32 v2, $0x10  }
0xf2: {  	v3 =	vshrl.u32 v3, $0x10;
	v2 =	vand.u32 $0x7FFF, v2  }
0xf3: {  	v4 =	vshrl.u32 v57, $0x10;
	v3 =	vand.u32 $0x7FFF, v3  }
0xf4: {  	v61 =	vld [tilespmem:s28+$0x14060];
	v5 =	vshrl.u32 v58, $0x10;
	v4 =	vand.u32 $0x7FFF, v4  }
0xf5: {  	v6 =	vshrl.u32 v59, $0x10;
	v5 =	vand.u32 $0x7FFF, v5  }
0xf6: {  	v62 =	vld [tilespmem:s28+$0x14070];
	v7 =	vshrl.u32 v60, $0x10;
	v6 =	vand.u32 $0x7FFF, v6  }
0xf7: {  	[tilespmem:v2+s3+$0x0] =	vst.idx.add.s32.msk $0xffff, v1;
	v2 =	vand.u32 $0x7FFF, v7  }
0xf8: {  	[tilespmem:v3+s3+$0x0] =	vst.idx.add.s32.msk $0xffff, v1  }
0xf9: {  	v8 =	vshrl.u32 v61, $0x10;
	[tilespmem:v4+s3+$0x0] =	vst.idx.add.s32.msk $0xffff, v1  }
0xfa: {  	v3 =	vand.u32 $0x7FFF, v8;
	[tilespmem:v5+s3+$0x0] =	vst.idx.add.s32.msk $0xffff, v1  }
0xfb: {  	v63 =	vshrl.u32 v62, $0x10;
	[tilespmem:v6+s3+$0x0] =	vst.idx.add.s32.msk $0xffff, v1  }
0xfc: {  	[tilespmem:v2+s3+$0x0] =	vst.idx.add.s32.msk $0xffff, v1;
	v2 =	vand.u32 $0x7FFF, v63;
	_ =	sdelay $0x2  }
0xfd: {  	s29 =	simm.s32 $0x400;
	s28 =	simm.s32 $0x200;
	[tilespmem:v3+s3+$0x0] =	vst.idx.add.s32.msk $0xffff, v1  }
.LBB2_11:
0xfe: {  	p0 =	sne.s32 s29, $0xFE00  }
0xff: {  	s30 =	sshra.s32 s28, $0x2;
	[tilespmem:v2+s3+$0x0] =	vst.idx.add.s32.msk $0xffff, v1;
	s28 =	smov.u32 s29;
	s29 =	sadd.s32 $0x200, s29  }
0x100: {  	v2 =	vld [tilespmem:s30+$0x14000]  }
0x101: {  	v3 =	vld [tilespmem:s30+$0x14010]  }
0x102: {  	v4 =	vld [tilespmem:s30+$0x14020]  }
0x103: {  	v5 =	vld [tilespmem:s30+$0x14030]  }
0x104: {  	v6 =	vld [tilespmem:s30+$0x14040]  }
0x105: {  	v2 =	vshrl.u32 v2, $0x10;
	v7 =	vld [tilespmem:s30+$0x14050]  }
0x106: {  	v3 =	vshrl.u32 v3, $0x10;
	v8 =	vld [tilespmem:s30+$0x14060];
	v2 =	vand.u32 $0x7FFF, v2  }
0x107: {  	v4 =	vshrl.u32 v4, $0x10;
	v9 =	vld [tilespmem:s30+$0x14070];
	v3 =	vand.u32 $0x7FFF, v3  }
0x108: {  	v5 =	vshrl.u32 v5, $0x10;
	v4 =	vand.u32 $0x7FFF, v4  }
0x109: {  	v6 =	vshrl.u32 v6, $0x10;
	v5 =	vand.u32 $0x7FFF, v5  }
0x10a: {  	v7 =	vshrl.u32 v7, $0x10;
	v6 =	vand.u32 $0x7FFF, v6  }
0x10b: {  	v8 =	vshrl.u32 v8, $0x10;
	[tilespmem:v2+s3+$0x0] =	vst.idx.add.s32.msk $0xffff, v1;
	v7 =	vand.u32 $0x7FFF, v7  }
0x10c: {  	v2 =	vshrl.u32 v9, $0x10;
	[tilespmem:v3+s3+$0x0] =	vst.idx.add.s32.msk $0xffff, v1;
	v3 =	vand.u32 $0x7FFF, v8  }
.Ltmp4:
0x10d: {  	[tilespmem:v4+s3+$0x0] =	vst.idx.add.s32.msk $0xffff, v1;
	v2 =	vand.u32 $0x7FFF, v2;
	(pc) =	sbr.rel @p0 .LBB2_11-.Ltmp4, $4  }
0x10e: {  	[tilespmem:v5+s3+$0x0] =	vst.idx.add.s32.msk $0xffff, v1  }
0x10f: {  	[tilespmem:v6+s3+$0x0] =	vst.idx.add.s32.msk $0xffff, v1  }
0x110: {  	[tilespmem:v7+s3+$0x0] =	vst.idx.add.s32.msk $0xffff, v1  }
0x111: {  	[tilespmem:v3+s3+$0x0] =	vst.idx.add.s32.msk $0xffff, v1  }
0x112: {  	_ =	sdelay $0x3  }
0x113: {  	s28 =	sshra.s32 s28, $0x2;
	[tilespmem:v2+s3+$0x0] =	vst.idx.add.s32.msk $0xffff, v1  }
0x114: {  	v2 =	vld [tilespmem:s28+$0x14000]  }
0x115: {  	v3 =	vld [tilespmem:s28+$0x14010]  }
0x116: {  	v4 =	vld [tilespmem:s28+$0x14020]  }
0x117: {  	v5 =	vld [tilespmem:s28+$0x14030]  }
0x118: {  	v6 =	vld [tilespmem:s28+$0x14040]  }
0x119: {  	v7 =	vld [tilespmem:s28+$0x14050];
	v2 =	vshrl.u32 v2, $0x10  }
0x11a: {  	v8 =	vld [tilespmem:s28+$0x14060];
	v3 =	vshrl.u32 v3, $0x10;
	v2 =	vand.u32 $0x7FFF, v2  }
0x11b: {  	v9 =	vld [tilespmem:s28+$0x14070];
	v4 =	vshrl.u32 v4, $0x10;
	v3 =	vand.u32 $0x7FFF, v3  }
0x11c: {  	v5 =	vshrl.u32 v5, $0x10;
	v4 =	vand.u32 $0x7FFF, v4  }
0x11d: {  	v6 =	vshrl.u32 v6, $0x10;
	v5 =	vand.u32 $0x7FFF, v5  }
0x11e: {  	v7 =	vshrl.u32 v7, $0x10;
	v6 =	vand.u32 $0x7FFF, v6  }
0x11f: {  	v8 =	vshrl.u32 v8, $0x10;
	[tilespmem:v2+s3+$0x0] =	vst.idx.add.s32.msk $0xffff, v1;
	v2 =	vand.u32 $0x7FFF, v7  }
0x120: {  	s26 =	sadd.s32 $0x1, s26;
	v62 =	vshrl.u32 v9, $0x10;
	[tilespmem:v3+s3+$0x0] =	vst.idx.add.s32.msk $0xffff, v1;
	v3 =	vand.u32 $0x7FFF, v8  }
0x121: {  	p0 =	sne.s32 s26, $0x4;
	v63 =	vand.u32 $0x7FFF, v62;
	[tilespmem:v4+s3+$0x0] =	vst.idx.add.s32.msk $0xffff, v1  }
.Ltmp5:
0x122: {  	[tilespmem:v5+s3+$0x0] =	vst.idx.add.s32.msk $0xffff, v1;
	(pc) =	sbr.rel @p0 .LBB2_4-.Ltmp5, $4  }
0x123: {  	[tilespmem:v6+s3+$0x0] =	vst.idx.add.s32.msk $0xffff, v1  }
0x124: {  	[tilespmem:v2+s3+$0x0] =	vst.idx.add.s32.msk $0xffff, v1  }
0x125: {  	[tilespmem:v3+s3+$0x0] =	vst.idx.add.s32.msk $0xffff, v1  }
0x126: {  	[tilespmem:v63+s3+$0x0] =	vst.idx.add.s32.msk $0xffff, v1  }
0x127: {  	s24 =	sadd.s32 $0x1, s24  }
0x128: {  	p0 =	sne.s32 s24, s12  }
.Ltmp6:
0x129: {  	_ = 	snop;
	(pc) =	sbr.rel @p0 .LBB2_1-.Ltmp6, $4  }
0x12a: {  	[hbm4b:s11+s21] =	stream.strided.scatter [tilespmem:s3], [sflag:$0x5], $0x8000, s22, s21, $0x38;
	[tilespmem:$0x18000] =	vst v63  }
0x12b: {  	_ =	swait.ge [sflag:s23], $0x8000  }
0x12c: {  	[sflag:s23] =	ssyncset.done $0x0  }
0x12d: {  	[sflag:s23] =	ssyncadd.s32 $0xFFFF8000  }
0x12e: {  	_ =	sfence.sel $0x180000  }
0x12f: {  	[bflag:$0x0] =	sbarrier.arrive $0xFFFF  }
0x130: {  	p0 =	sne.s32 s0, $0x0;
	_ =	strace $0x9000004A  }
0x131: {  	s0 =	sadd.s32 @!p0 $0x100000, s1;
	[bflag:$0x2] =	sbarrier.arrive $0xFFFF  }
0x132: {  	[sflag:s0] =	ssyncadd.tile.s32 @!p0 $0x1;
	_ =	shalt  }
.Lfunc_end2:
_tile_overlayer_lowered:
.L_overlay_start_2:
0x133: {  	(tag) =	ssettag $0x2  }
0x134: {  	s0 =	rddreg [dreg:$0x0];
	s2 =	stileid.u32  }
0x135: {  	s1 =	rddreg [dreg:$0x1];
	p0 =	sne.s32 s2, $0x0  }
0x136: {  	s3 =	rddreg [dreg:$0x2];
	[bflag:$0x3] =	sbarrier.arrive $0xFFFF;
	s2 =	simm.s32 @!p0 $0x1C05  }
0x137: {  	[timem:s3], [sflag:s2] =	dma.local @!p0 [hbm:s0], s1  }
0x138: {  	s0 =	simm.s32 @!p0 $0x5  }
0x139: {  	_ =	swait.ge @!p0 [sflag:s0], s1  }
0x13a: {  	s1 =	ssub.s32 @!p0 $0x0, s1;
	[sflag:s0] =	ssyncset.done @!p0 $0x0  }
0x13b: {  	[sflag:s0] =	ssyncadd.s32 @!p0 s1  }
0x13c: {  	[bflag:$0x3] =	sbarrier.arrive $0xFFFF  }
0x13d: {  	_ =	shalt  }

// kernel: kernel.9.cloned.1.call-start
scs
__scs_entry_jumppad:
0x0: {  	(pc) =	sbr.rel $0x88, $3  }
0x1: {  	(tag) =	ssettag $0x0;
	lr =	simm.s32 $0x1  }
0x2: {  	[smem:$0x3FA0] =	sst lr;
	_ =	strace $0xD0000000  }
0x3: {  	_ = 	snop  }
0x4: {  	_ = 	snop  }
0x5: {  	_ = 	snop  }
0x6: {  	_ = 	snop  }
0x7: {  	_ = 	snop  }
__scs_overlays_trampoline_lowered:
0x8: {  	[smem:$0x3FAF] =	sst s0  }
0x9: {  	[smem:$0x3FB0] =	sst s1  }
0xa: {  	[smem:$0x3FB1] =	sst s2  }
0xb: {  	[smem:$0x3FB2] =	sst s3  }
0xc: {  	[smem:$0x3FB3] =	sst s4  }
0xd: {  	[smem:$0x3FB4] =	sst s5  }
0xe: {  	[smem:$0x3FB5] =	sst s6  }
0xf: {  	[smem:$0x3FB6] =	sst s7  }
0x10: {  	[smem:$0x3FB7] =	sst s8  }
0x11: {  	[smem:$0x3FB8] =	sst s9;
	s0 =	simm.s32 @!p0 $0x0  }
0x12: {  	s1 =	sld [smem:$0x3F9E];
	s0 =	simm.s32 @p0 $0x1  }
0x13: {  	[smem:$0x3FB9] =	sst s0;
	s0 =	simm.s32 @!p1 $0x0  }
0x14: {  	s2 =	sld [smem:$0x3F9D];
	s0 =	simm.s32 @p1 $0x1  }
0x15: {  	[smem:$0x3FBA] =	sst s0;
	s0 =	simm.s32 @!p2 $0x0  }
0x16: {  	s3 =	sld [smem:$0x3FDB];
	s0 =	simm.s32 @p2 $0x1  }
0x17: {  	s4 =	simm.s32 $0x1BF5;
	[smem:$0x3FBC] =	sst s0  }
0x18: {  	s0 =	sld [smem:$0x3F9F];
	_ =	swait.ge [sflag:s4], $0x0  }
0x19: {  	s7 =	sld [smem:$0x3FA0]  }
0x1a: {  	s8 =	sadd.s32 $0xFFFFE003, lr  }
0x1b: {  	s9 =	sadd.s32 $0xFFFFFEF7, lr;
	s5 =	simm.s32 $0xFFFFFFFF;
	p2 =	slt.u32 s8, $0xFFFFF086  }
0x1c: {  	p1 =	slt.u32 s9, $0xF7A;
	s5 =	simm.s32 @!p2 $0x0  }
0x1d: {  	s5 =	simm.s32 @p1 $0x1;
	p0 =	seq.s32 s7, s2  }
0x1e: {  	s7 =	smul.u32 @!p0 $0xF7A, s2;
	p2 =	seq.s32 @!p0 s5, $0x0  }
0x1f: {  	s9 =	smul.u32 $0xF7A, s1;
	s8 =	simm.s32 @!p0 $0x1BF5;
	p2 =	por !p2, p0  }
0x20: {  	[sflag:s8] =	ssyncset.s32 @!p0 $0xFFFFF086;
	s6 =	sadd.s32 @!p0 s3, s7;
	s7 =	simm.s32 @!p0 $0x108  }
0x21: {  	s3 =	sadd.s32 s3, s9;
	s6 =	sadd.s32 @!p0 $0x88, s6;
	s7 =	simm.s32 @p2 $0x1082  }
0x22: {  	[simem:s7], [sflag:s8] =	dma.local @!p0 [hbm:s6], $0xF7A  }
0x23: {  	s9 =	sor.u32 $0xD0000000, s2;
	s6 =	simm.s32 $0x108;
	_ =	swait.ge @!p0 [sflag:s8], $0x0  }
0x24: {  	s3 =	sadd.s32 $0x88, s3;
	s6 =	simm.s32 @!p1 $0x1082;
	[sflag:s4] =	ssyncset.s32 $0xFFFFF086  }
0x25: {  	[simem:s6], [sflag:s4] =	dma.local [hbm:s3], $0xF7A  }
0x26: {  	[smem:$0x3FA0] =	sst s1;
	(tag) =	ssettag s2;
	_ =	strace s9  }
0x27: {  	s1 =	sld [smem:$0x3FB0]  }
0x28: {  	s2 =	sld [smem:$0x3FB1]  }
0x29: {  	s4 =	sld [smem:$0x3FB3]  }
0x2a: {  	p0 =	seq.s32 s5, $0x0;
	s5 =	sld [smem:$0x3FB4]  }
0x2b: {  	s6 =	sld [smem:$0x3FB5]  }
0x2c: {  	s7 =	sld [smem:$0x3FB6]  }
0x2d: {  	s3 =	simm.s32 $0x108;
	s8 =	sld [smem:$0x3FB7]  }
0x2e: {  	s3 =	simm.s32 @!p0 $0x1082;
	s9 =	sld [smem:$0x3FB8]  }
0x2f: {  	lr =	sadd.s32 s0, s3;
	s0 =	sld [smem:$0x3FAF]  }
0x30: {  	s3 =	sld [smem:$0x3FB2]  }
0x31: {  	[smem:$0x3FBB] =	sst s10  }
0x32: {  	s10 =	sld [smem:$0x3FB9];
	_ =	sdelay $0x3  }
0x33: {  	p0 =	seq.s32 s10, $0x1;
	s10 =	sld [smem:$0x3FBB];
	_ =	sdelay $0x3  }
0x34: {  	[smem:$0x3FBB] =	sst s10  }
0x35: {  	s10 =	sld [smem:$0x3FBA];
	_ =	sdelay $0x3  }
0x36: {  	p1 =	seq.s32 s10, $0x1;
	s10 =	sld [smem:$0x3FBB];
	_ =	sdelay $0x3  }
0x37: {  	[smem:$0x3FBB] =	sst s10  }
0x38: {  	s10 =	sld [smem:$0x3FBC]  }
0x39: {  	_ = 	snop;
	(pc) =	sbr.ind lr, $3  }
0x3a: {  	_ = 	snop  }
0x3b: {  	_ = 	snop  }
0x3c: {  	p2 =	seq.s32 s10, $0x1;
	s10 =	sld [smem:$0x3FBB]  }
0x3d: {  	_ =	shalt  }
0x3e: {  	_ =	shalt  }
0x3f: {  	_ =	shalt  }
0x40: {  	_ =	shalt  }
0x41: {  	_ =	shalt  }
0x42: {  	_ =	shalt  }
0x43: {  	_ =	shalt  }
0x44: {  	_ =	shalt  }
0x45: {  	_ =	shalt  }
0x46: {  	_ =	shalt  }
0x47: {  	_ =	shalt  }
0x48: {  	_ =	shalt  }
0x49: {  	_ =	shalt  }
0x4a: {  	_ =	shalt  }
0x4b: {  	_ =	shalt  }
0x4c: {  	_ =	shalt  }
0x4d: {  	_ =	shalt  }
0x4e: {  	_ =	shalt  }
0x4f: {  	_ =	shalt  }
0x50: {  	_ =	shalt  }
0x51: {  	_ =	shalt  }
0x52: {  	_ =	shalt  }
0x53: {  	_ =	shalt  }
0x54: {  	_ =	shalt  }
0x55: {  	_ =	shalt  }
0x56: {  	_ =	shalt  }
0x57: {  	_ =	shalt  }
0x58: {  	_ =	shalt  }
0x59: {  	_ =	shalt  }
0x5a: {  	_ =	shalt  }
0x5b: {  	_ =	shalt  }
0x5c: {  	_ =	shalt  }
0x5d: {  	_ =	shalt  }
0x5e: {  	_ =	shalt  }
0x5f: {  	_ =	shalt  }
0x60: {  	_ =	shalt  }
0x61: {  	_ =	shalt  }
0x62: {  	_ =	shalt  }
0x63: {  	_ =	shalt  }
0x64: {  	_ =	shalt  }
0x65: {  	_ =	shalt  }
0x66: {  	_ =	shalt  }
0x67: {  	_ =	shalt  }
0x68: {  	_ =	shalt  }
0x69: {  	_ =	shalt  }
0x6a: {  	_ =	shalt  }
0x6b: {  	_ =	shalt  }
0x6c: {  	_ =	shalt  }
0x6d: {  	_ =	shalt  }
0x6e: {  	_ =	shalt  }
0x6f: {  	_ =	shalt  }
0x70: {  	_ =	shalt  }
0x71: {  	_ =	shalt  }
0x72: {  	_ =	shalt  }
0x73: {  	_ =	shalt  }
0x74: {  	_ =	shalt  }
0x75: {  	_ =	shalt  }
0x76: {  	_ =	shalt  }
0x77: {  	_ =	shalt  }
0x78: {  	_ =	shalt  }
0x79: {  	_ =	shalt  }
0x7a: {  	_ =	shalt  }
0x7b: {  	_ =	shalt  }
0x7c: {  	_ =	shalt  }
0x7d: {  	_ =	shalt  }
0x7e: {  	_ =	shalt  }
0x7f: {  	_ =	shalt  }
0x80: {  	_ =	shalt  }
0x81: {  	_ =	shalt  }
0x82: {  	_ =	shalt  }
0x83: {  	_ =	shalt  }
0x84: {  	_ =	shalt  }
0x85: {  	_ =	shalt  }
0x86: {  	_ =	shalt  }
0x87: {  	_ =	shalt  }
.Lfunc_end0:
.L_simem_size_0:
called_computation.2_lowered:
.L_overlay_start_0:
0x88: {  	s2 =	sld [smem:$0x3FD9]  }
0x89: {  	s3 =	sld [smem:$0x3FFE];
	_ =	sdelay $0x1  }
0x8a: {  	s1 =	srdreg.scid  }
0x8b: {  	s0 =	sand.u32 $0x1, s1  }
0x8c: {  	s17 =	sshll.u32 s0, $0xA;
	s2 =	sadd.s32 s3, s2  }
0x8d: {  	s2 =	sadd.s32 s2, s17  }
0x8e: {  	[smem:$0x3FC7] =	sst s2  }
0x8f: {  	_ = 	snop  }
0x90: {  	s2 =	sld [smem:$0x3FD0];
	(tm) =	ssettm $0x1  }
0x91: {  	s18 =	sld [smem:$0x3FFB];
	_ =	sdelay $0x3  }
0x92: {  	_ =	strace s18  }
0x93: {  	s3 =	sld [smem:$0x3FFC];
	_ =	sdelay $0x3  }
0x94: {  	_ =	strace s3  }
0x95: {  	s3 =	sld [smem:$0x3FFD];
	_ =	sdelay $0x3  }
0x96: {  	_ =	strace s3  }
0x97: {  	_ =	strace $0x8FFFFFFF  }
0x98: {  	s19 =	sld [smem:$0x3FDB];
	_ =	sdelay $0x1  }
0x99: {  	s4 =	simm.s32 $_scs_section_size  }
0x9a: {  	s5 =	simm.s32 $_size__tile_overlayer_lowered;
	s6 =	simm.s32 $_tile_overlayer_lowered  }
0x9b: {  	s22 =	simm.s32 $0x1BFF;
	s21 =	sshll.u32 s6, $0x1;
	s3 =	sadd.s32 s4, s19  }
0x9c: {  	s7 =	simm.s32 $0x0;
	s20 =	sshll.u32 s5, $0x1;
	s5 =	sadd.s32 s21, s3  }
0x9d: {  	[timem:s7], [sflag:s22] =	dma.local [hbm:s5], s20  }
0x9e: {  	_ =	swait.ge [sflag:s22], s20  }
0x9f: {  	s4 =	ssub.s32 $0x0, s20;
	[sflag:s22] =	ssyncset.done $0x0  }
0xa0: {  	[sflag:s22] =	ssyncadd.s32 s4;
	_ =	sdelay $0x1  }
0xa1: {  	s23 =	simm.s32 $0x1B8B  }
0xa2: {  	_ =	swait.ge [sflag:s23], $0x1  }
0xa3: {  	[sflag:s23] =	ssyncset.done $0x0  }
0xa4: {  	s25 =	simm.s32 $0x1B8E;
	s24 =	sld [smem:$0x3FFE];
	[sflag:s23] =	ssyncadd.s32 $0xFFFFFFFF  }
0xa5: {  	s26 =	simm.s32 $execute0_lowered;
	[smem:$0x3FD2] =	sst s25  }
0xa6: {  	s5 =	sshll.u32 s26, $0x1;
	_ =	strace $0x8000004C;
	[dreg:$0x1] =	wrdreg $0xFFFFFFFF  }
0xa7: {  	s28 =	simm.s32 $_size_execute0_lowered;
	s3 =	sadd.s32 s3, s5;
	[dreg:$0x0] =	wrdreg $0x0  }
0xa8: {  	s5 =	sshll.u32 s28, $0x1;
	[dreg:$0x2] =	wrdreg s3  }
0xa9: {  	[dreg:$0x3] =	wrdreg s5  }
0xaa: {  	[dreg:$0x4] =	wrdreg $0xC0  }
0xab: {  	_ =	task [dreg:s7], $0x5FFFF  }
0xac: {  	[dreg:$0x1] =	wrdreg $0xFFFFFFFF  }
0xad: {  	[dreg:$0x0] =	wrdreg $0x60  }
0xae: {  	[dreg:$0x2] =	wrdreg s2  }
0xaf: {  	[dreg:$0x3] =	wrdreg s24  }
0xb0: {  	[dreg:$0x4] =	wrdreg $0x9  }
0xb1: {  	_ =	task.clear_ibuf [dreg:s7], $0x5FFFF;
	_ =	strace $0x9000004C  }
0xb2: {  	s29 =	simm.s32 $0x9;
	_ =	strace $0x8000004E  }
0xb3: {  	_ =	swait.ge [sflag:s29], $0x1  }
0xb4: {  	[sflag:s29] =	ssyncadd.s32 $0xFFFFFFFF  }
0xb5: {  	_ =	strace $0x9000004E  }
0xb6: {  	_ =	sfence  }
0xb7: {  	s30 =	sld [smem:$0x0];
	_ =	sdelay $0x2  }
0xb8: {  	s31 =	sshll.u32 s1, $0xD;
	s1 =	sshrl.u32 s1, $0x2  }
0xb9: {  	s3 =	sand.u32 $0x4000, s31;
	s1 =	sadd.s32 s1, s30  }
0xba: {  	s0 =	sor.u32 s3, s0;
	s1 =	sshll.u32 s1, $0x11  }
0xbb: {  	s0 =	sor.u32 s1, s0  }
0xbc: {  	s0 =	sadd.s32 $0x8F2B, s0  }
0xbd: {  	[sflag:s0] =	ssyncadd.remote.s32 $0x1  }
0xbe: {  	_ =	sfence.sel $0xFFFF  }
0xbf: {  	[dreg:$0x0] =	wrdreg $0xFFFFFFFF;
	(pc) =	sbr.abs _section_cstart, $3  }
0xc0: {  	[dreg:$0x1] =	wrdreg $0xFFFFFFFF  }
0xc1: {  	_ =	task.clear_ibuf [dreg:s7], $0x2FFFF;
	_ =	strace $0x9FFFFFFF  }
0xc2: {  	(tm) =	ssettm $0x7FFFFFFF  }
0xc3: {  	_ =	shalt  }
tec
execute0_lowered:
.L_overlay_start_1:
0x0: {  	(tag) =	ssettag $0x1  }
0x1: {  	s2 =	rddreg [dreg:$0x0];
	s0 =	srdreg.scid  }
0x2: {  	s12 =	stileid.u32;
	s1 =	rddreg [dreg:$0x1]  }
0x3: {  	s3 =	simm.s32 $0x0;
	s17 =	simm.s32 $0x5;
	s21 =	simm.s32 $0x1  }
0x4: {  	s22 =	simm.s32 $0xC880;
	s23 =	simm.s32 $0x400;
	s29 =	simm.s32 $0x0  }
0x5: {  	s0 =	sand.u32 $0x1, s0;
	s4 =	sshll.u32 s12, $0x1;
	[smem:$0x7FF] =	sst s3  }
0x6: {  	s5 =	sshll.u32 s12, $0x8;
	s24 =	sadd.s32 $0x1A00, s1;
	s31 =	sshll.u32 s12, $0x13  }
0x7: {  	s6 =	sor.u32 s0, s4;
	_ =	strace $0x8000004D;
	[dreg:$0x3] =	wrdreg s24  }
0x8: {  	s25 =	ssub.s32 $0x2, s0;
	s0 =	sshll.u32 s0, $0x12;
	s24 =	simm.s32 $0x2  }
0x9: {  	s7 =	sshll.u32 s6, $0x4;
	s8 =	sshll.u32 s6, $0xF;
	s9 =	sshrl.u32 s25, $0x1  }
0xa: {  	s11 =	sshll.u32 s6, $0x12;
	s15 =	sor.u32 s0, s31;
	s5 =	sor.u32 s5, s7  }
0xb: {  	s14 =	ssub.s32 s25, s9;
	s9 =	sor.u32 $0x10000, s11;
	s5 =	sand.u32 $0xC70, s5  }
0xc: {  	s10 =	sor.u32 $0x14000, s11;
	s1 =	sadd.s32 s5, s1;
	s5 =	sadd.s32 s2, s8  }
0xd: {  	s25 =	simm.s32 $0x3;
	s14 =	smax.u32 s14, $0x1;
	s26 =	sadd.s32 $0x800, s5  }
0xe: {  	s8 =	sor.u32 $0xC000, s11;
	s28 =	sadd.s32 $0x1000, s5;
	[dreg:$0x4] =	wrdreg s26  }
0xf: {  	s11 =	sor.u32 $0x18000, s11;
	s30 =	sadd.s32 $0x1C00, s1;
	[dreg:$0x5] =	wrdreg s28  }
0x10: {  	v0 =	vimm.s32 $0xFFFFFFFF;
	v1 =	vlaneseq.u32;
	v2 =	vimm.s32 $0x0;
	s13 =	sadd.s32 $0x2C00, s1;
	[dreg:$0x6] =	wrdreg s30;
	s26 =	simm.s32 $0x4  }
.LBB2_1:
0x11: {  	s0 =	rddreg [dreg:$0x3];
	s1 =	simm.s32 $0x800  }
0x12: {  	[tilespmem:s1], [sflag:$0x5] =	stream.linear.gather [hbm4b:s0+s3], $0x10, $0x38;
	[tilespmem:$0x10880] =	vst v63  }
0x13: {  	_ =	swait.ge [sflag:s17], $0x10  }
0x14: {  	[sflag:s17] =	ssyncset.done $0x0  }
0x15: {  	[sflag:s17] =	ssyncadd.s32 $0xFFFFFFF0  }
0x16: {  	[tilespmem:$0x0] =	vst v0  }
0x17: {  	[tilespmem:$0x10] =	vst v0  }
0x18: {  	[tilespmem:$0x20] =	vst v0  }
0x19: {  	[tilespmem:$0x30] =	vst v0  }
0x1a: {  	[tilespmem:$0x40] =	vst v0  }
0x1b: {  	[tilespmem:$0x50] =	vst v0  }
0x1c: {  	[tilespmem:$0x60] =	vst v0  }
0x1d: {  	[tilespmem:$0x70] =	vst v0  }
0x1e: {  	[tilespmem:$0x80] =	vst v0  }
0x1f: {  	[tilespmem:$0x90] =	vst v0  }
0x20: {  	[tilespmem:$0xA0] =	vst v0  }
0x21: {  	[tilespmem:$0xB0] =	vst v0  }
0x22: {  	[tilespmem:$0xC0] =	vst v0  }
0x23: {  	[tilespmem:$0xD0] =	vst v0  }
0x24: {  	[tilespmem:$0xE0] =	vst v0  }
0x25: {  	[tilespmem:$0xF0] =	vst v0  }
0x26: {  	[tilespmem:$0x100] =	vst v0  }
0x27: {  	[tilespmem:$0x110] =	vst v0  }
0x28: {  	[tilespmem:$0x120] =	vst v0  }
0x29: {  	[tilespmem:$0x130] =	vst v0  }
0x2a: {  	[tilespmem:$0x140] =	vst v0  }
0x2b: {  	[tilespmem:$0x150] =	vst v0  }
0x2c: {  	[tilespmem:$0x160] =	vst v0  }
0x2d: {  	[tilespmem:$0x170] =	vst v0  }
0x2e: {  	[tilespmem:$0x180] =	vst v0  }
0x2f: {  	[tilespmem:$0x190] =	vst v0  }
0x30: {  	[tilespmem:$0x1A0] =	vst v0  }
0x31: {  	[tilespmem:$0x1B0] =	vst v0  }
0x32: {  	[tilespmem:$0x1C0] =	vst v0  }
0x33: {  	[tilespmem:$0x1D0] =	vst v0  }
0x34: {  	[tilespmem:$0x1E0] =	vst v0  }
0x35: {  	[tilespmem:$0x1F0] =	vst v0  }
0x36: {  	[tilespmem:$0x200] =	vst v0  }
0x37: {  	[tilespmem:$0x210] =	vst v0  }
0x38: {  	[tilespmem:$0x220] =	vst v0  }
0x39: {  	[tilespmem:$0x230] =	vst v0  }
0x3a: {  	[tilespmem:$0x240] =	vst v0  }
0x3b: {  	[tilespmem:$0x250] =	vst v0  }
0x3c: {  	[tilespmem:$0x260] =	vst v0  }
0x3d: {  	[tilespmem:$0x270] =	vst v0  }
0x3e: {  	[tilespmem:$0x280] =	vst v0  }
0x3f: {  	[tilespmem:$0x290] =	vst v0  }
0x40: {  	[tilespmem:$0x2A0] =	vst v0  }
0x41: {  	[tilespmem:$0x2B0] =	vst v0  }
0x42: {  	[tilespmem:$0x2C0] =	vst v0  }
0x43: {  	[tilespmem:$0x2D0] =	vst v0  }
0x44: {  	[tilespmem:$0x2E0] =	vst v0  }
0x45: {  	[tilespmem:$0x2F0] =	vst v0  }
0x46: {  	[tilespmem:$0x300] =	vst v0  }
0x47: {  	[tilespmem:$0x310] =	vst v0  }
0x48: {  	[tilespmem:$0x320] =	vst v0  }
0x49: {  	[tilespmem:$0x330] =	vst v0  }
0x4a: {  	[tilespmem:$0x340] =	vst v0  }
0x4b: {  	[tilespmem:$0x350] =	vst v0  }
0x4c: {  	[tilespmem:$0x360] =	vst v0  }
0x4d: {  	[tilespmem:$0x370] =	vst v0  }
0x4e: {  	[tilespmem:$0x380] =	vst v0  }
0x4f: {  	[tilespmem:$0x390] =	vst v0  }
0x50: {  	[tilespmem:$0x3A0] =	vst v0  }
0x51: {  	[tilespmem:$0x3B0] =	vst v0  }
0x52: {  	[tilespmem:$0x3C0] =	vst v0  }
0x53: {  	[tilespmem:$0x3D0] =	vst v0  }
0x54: {  	[tilespmem:$0x3E0] =	vst v0  }
0x55: {  	s16 =	simm.s32 $0x880;
	[tilespmem:$0x3F0] =	vst v0  }
0x56: {  	v3 =	vld [tilespmem:$0x800];
	[tilespmem:s16], [sflag:$0x1] =	stream.linear.gather [hbm4b:s5+s3], $0x4000, $0x38  }
0x57: {  	s19 =	simm.s32 $0x4880;
	s28 =	simm.s32 $0x8880;
	s18 =	rddreg [dreg:$0x4]  }
0x58: {  	[tilespmem:s19], [sflag:$0x2] =	stream.linear.gather [hbm4b:s18+s3], $0x4000, $0x38;
	[tilespmem:$0x10880] =	vst v63  }
0x59: {  	s30 =	smov.u32 s15;
	s31 =	simm.s32 $0x0;
	s20 =	rddreg [dreg:$0x5]  }
0x5a: {  	v4 =	vimm.s32 $0x0;
	[tilespmem:s28], [sflag:$0x3] =	stream.linear.gather [hbm4b:s20+s3], $0x4000, $0x38;
	[tilespmem:$0x10880] =	vst v63  }
.LBB2_2:
0x5b: {  	s1 =	sshll.u32 s31, $0x10  }
0x5c: {  	_ =	swait.ge [sflag:s21], $0x4000;
	s0 =	sadd.s32 s8, s1  }
0x5d: {  	[sflag:s21] =	ssyncset.done $0x0;
	s0 =	sshrl.u32 s0, $0x3  }
0x5e: {  	[sflag:s21] =	ssyncadd.s32 $0xFFFFC000;
	s16 =	sadd.s32 s2, s0;
	s0 =	simm.s32 $0x0  }
0x5f: {  	[tilespmem:s22], [sflag:$0x4] =	stream.linear.gather [hbm4b:s16+s0], $0x4000, $0x38;
	[tilespmem:$0x10880] =	vst v63  }
0x60: {  	s16 =	simm.s32 $0x8C0  }
0x61: {  	v5 =	vld [tilespmem:s16+$0xFFFFFFC0]  }
0x62: {  	v6 =	vld [tilespmem:s16+$0xFFFFFFD0]  }
0x63: {  	v7 =	vld [tilespmem:s16+$0xFFFFFFE0];
	_ =	sdelay $0x1  }
0x64: {  	v11 =	vld [tilespmem:s16+$0xFFFFFFF0]  }
0x65: {  	v13 =	vld [tilespmem:s16+$0x0]  }
0x66: {  	v12 =	vld [tilespmem:s16+$0x10];
	v10 =	vand.u32 $0x7FFFFFFF, v5;
	v9 =	vand.u32 $0x7FFFFFFF, v6  }
0x67: {  	v8 =	vand.u32 $0x7FFFFFFF, v7;
	v5 =	vshrl.u32 v10, $0x10;
	v6 =	vshrl.u32 v9, $0x10  }
0x68: {  	vm3 =	veq.s32 v5, v3;
	vm1 =	veq.s32 v6, v3;
	v5 =	vshrl.u32 v8, $0x10  }
0x69: {  	v6 =	vand.u32 $0x7FFFFFFF, v11;
	v14 =	vmpcnt.ones.xlane vm3;
	v7 =	vsel vm3, $0x1, v2  }
0x6a: {  	vm2 =	veq.s32 v5, v3;
	v15 =	vshrl.u32 v6, $0x10;
	(xrf0) =	vadd.scan.msk.s32 $0xffff, v7;
	v7 =	vand.u32 $0x7FFFFFFF, v13;
	v13 =	vld [tilespmem:s16+$0x20]  }
0x6b: {  	v5 =	vand.u32 $0x7FFFFFFF, v12;
	v18 =	vsel vm1, $0x1, v2;
	v12 =	vsel vm2, $0x1, v2  }
0x6c: {  	vm0 =	veq.s32 v15, v3;
	v17 =	vshrl.u32 v5, $0x10;
	v11 =	vadd.s32 v4, v14;
	(xrf0) =	vadd.scan.msk.s32 $0xffff, v12  }
0x6d: {  	s18 =	simm.s32 $0x80;
	v16 =	vshrl.u32 v7, $0x10;
	v12 =	vld [tilespmem:s16+$0x30];
	v15 =	vsel vm0, $0x1, v2;
	v14 =	vmpcnt.ones.xlane vm1;
	(xrf0) =	vadd.scan.msk.s32 $0xffff, v18  }
.LBB2_3:
0x6e: {  	p0 =	sne.s32 s18, $0x3F80  }
0x6f: {  	vm5 =	veq.s32 v16, v3;
	vm4 =	veq.s32 v17, v3;
	v13 =	vand.u32 $0x7FFFFFFF, v13;
	s16 =	sadd.s32 $0x80, s16;
	(xrf0) =	vadd.scan.msk.s32 $0xffff, v15;
	s19 =	smov.u32 s18;
	s18 =	sadd.s32 $0x80, s18  }
0x70: {  	v15 =	vshrl.u32 v13, $0x10;
	v16 =	vsel vm5, $0x1, v2;
	v17 =	vmpcnt.ones.xlane vm5  }
0x71: {  	v19 =	vmpcnt.ones.xlane vm0;
	v21 =	vsel vm4, $0x1, v2;
	v14 =	vadd.s32 v14, v11;
	v20, _, _ =	vpop (xrf0);
	(xrf0) =	vadd.scan.msk.s32 $0xffff, v16  }
0x72: {  	v16 =	vmpcnt.ones.xlane vm2;
	v12 =	vand.u32 $0x7FFFFFFF, v12;
	v4 =	vadd.s32 v20, v4;
	v20, _, _ =	vpop (xrf0);
	(xrf0) =	vadd.scan.msk.s32 $0xffff, v21  }
0x73: {  	vm6 =	veq.s32 v15, v3;
	v4 =	vadd.s32 $0xFFFFFFFF, v4;
	v15 =	vadd.s32 v14, v20;
	v18, _, _ =	vpop (xrf0)  }
0x74: {  	vm7 =	vlt.s32 v4, $0x400;
	v11 =	vadd.s32 v11, v18;
	v15 =	vadd.s32 $0xFFFFFFFF, v15  }
0x75: {  	v23 =	vsel vm6, $0x1, v2;
	v20 =	vmpcnt.ones.xlane vm6;
	vm7 =	vmand vm3, vm7;
	v21, _, _ =	vpop (xrf0)  }
0x76: {  	v22 =	vshrl.u32 v12, $0x10;
	v11 =	vadd.s32 $0xFFFFFFFF, v11;
	(xrf0) =	vadd.scan.msk.s32 $0xffff, v23  }
0x77: {  	vm3 =	veq.s32 v22, v3;
	vm9 =	vlt.s32 v15, $0x400;
	vm8 =	vlt.s32 v11, $0x400;
	v18, _, _ =	vpop (xrf0)  }
0x78: {  	v14 =	vadd.s32 v16, v14;
	v22 =	vsel vm3, $0x1, v2;
	v23 =	vmpcnt.ones.xlane vm4;
	v16, _, _ =	vpop (xrf0)  }
0x79: {  	v21 =	vadd.s32 v14, v21;
	vm8 =	vmand vm1, vm8;
	vm1 =	vmand vm2, vm9;
	(xrf0) =	vadd.scan.msk.s32 $0xffff, v22  }
0x7a: {  	s20 =	sadd.s32 s0, s30;
	s0 =	smov.u32 s19;
	v14 =	vadd.s32 v19, v14  }
0x7b: {  	s19 =	sadd.s32 $0x10, s20;
	s4 =	sadd.s32 $0x20, s20;
	s6 =	sadd.s32 $0x30, s20;
	v19 =	vadd.s32 $0xFFFFFFFF, v21;
	v22 =	vadd.s32 v17, v14;
	v14 =	vadd.s32 v14, v18  }
0x7c: {  	s7 =	sadd.s32 $0x40, s20;
	s28 =	sadd.s32 $0x50, s20;
	s12 =	sadd.s32 $0x60, s20;
	vm2 =	vlt.s32 v19, $0x400;
	v18 =	vadd.s32 v23, v22;
	v16 =	vadd.s32 v22, v16;
	v17, _, _ =	vpop (xrf0)  }
0x7d: {  	v21 =	vor.u32 s20, v1;
	s20 =	sadd.s32 $0x70, s20;
	vm0 =	vmand vm0, vm2;
	[tilespmem:v4+s3+$0x0] =	vst.idx.msk vm7, v10;
	v10 =	vadd.s32 $0xFFFFFFFF, v14  }
0x7e: {  	v22 =	vmpcnt.ones.xlane vm3;
	v14 =	vor.u32 s19, v1;
	[tilespmem:v4+s23+$0x0] =	vst.idx.msk vm7, v21;
	vm2 =	vlt.s32 v10, $0x400  }
0x7f: {  	v4 =	vadd.s32 v20, v18;
	[tilespmem:v11+s3+$0x0] =	vst.idx.msk vm8, v9;
	vm2 =	vmand vm5, vm2;
	v9 =	vadd.s32 $0xFFFFFFFF, v16;
	v16, _, _ =	vpop (xrf0)  }
0x80: {  	[tilespmem:v11+s23+$0x0] =	vst.idx.msk vm8, v14;
	vm5 =	vlt.s32 v9, $0x400;
	v11 =	vadd.s32 v18, v17;
	v14 =	vadd.s32 v4, v16  }
0x81: {  	v16 =	vor.u32 s4, v1;
	[tilespmem:v15+s3+$0x0] =	vst.idx.msk vm1, v8;
	vm4 =	vmand vm4, vm5;
	v8 =	vadd.s32 $0xFFFFFFFF, v11  }
0x82: {  	v4 =	vadd.s32 v22, v4;
	[tilespmem:v15+s23+$0x0] =	vst.idx.msk vm1, v16;
	vm1 =	vlt.s32 v8, $0x400  }
0x83: {  	v11 =	vor.u32 s6, v1;
	[tilespmem:v19+s3+$0x0] =	vst.idx.msk vm0, v6;
	vm1 =	vmand vm6, vm1;
	v6 =	vadd.s32 $0xFFFFFFFF, v14  }
0x84: {  	[tilespmem:v19+s23+$0x0] =	vst.idx.msk vm0, v11;
	vm0 =	vlt.s32 v6, $0x400  }
0x85: {  	v11 =	vor.u32 s7, v1;
	[tilespmem:v10+s3+$0x0] =	vst.idx.msk vm2, v7;
	vm0 =	vmand vm3, vm0  }
0x86: {  	[tilespmem:v10+s23+$0x0] =	vst.idx.msk vm2, v11  }
0x87: {  	v7 =	vor.u32 s28, v1;
	[tilespmem:v9+s3+$0x0] =	vst.idx.msk vm4, v5  }
0x88: {  	[tilespmem:v9+s23+$0x0] =	vst.idx.msk vm4, v7  }
0x89: {  	v5 =	vor.u32 s12, v1;
	[tilespmem:v8+s3+$0x0] =	vst.idx.msk vm1, v13  }
0x8a: {  	[tilespmem:v8+s23+$0x0] =	vst.idx.msk vm1, v5  }
0x8b: {  	v5 =	vor.u32 s20, v1;
	[tilespmem:v6+s3+$0x0] =	vst.idx.msk vm0, v12  }
0x8c: {  	[tilespmem:v6+s23+$0x0] =	vst.idx.msk vm0, v5  }
0x8d: {  	v5 =	vld [tilespmem:s16+$0xFFFFFFC0]  }
0x8e: {  	v6 =	vld [tilespmem:s16+$0xFFFFFFD0]  }
0x8f: {  	v7 =	vld [tilespmem:s16+$0xFFFFFFE0];
	_ =	sdelay $0x1  }
0x90: {  	v11 =	vld [tilespmem:s16+$0xFFFFFFF0]  }
0x91: {  	v10 =	vand.u32 $0x7FFFFFFF, v5;
	v5 =	vld [tilespmem:s16+$0x10]  }
0x92: {  	v8 =	vshrl.u32 v10, $0x10;
	v9 =	vand.u32 $0x7FFFFFFF, v6;
	v12 =	vld [tilespmem:s16+$0x0]  }
0x93: {  	vm3 =	veq.s32 v8, v3;
	v6 =	vshrl.u32 v9, $0x10;
	v8 =	vand.u32 $0x7FFFFFFF, v7  }
0x94: {  	vm1 =	veq.s32 v6, v3;
	v6 =	vshrl.u32 v8, $0x10;
	v14 =	vmpcnt.ones.xlane vm3  }
.Ltmp0:
0x95: {  	v7 =	vsel vm3, $0x1, v2;
	vm2 =	veq.s32 v6, v3;
	v6 =	vand.u32 $0x7FFFFFFF, v11;
	v13 =	vld [tilespmem:s16+$0x20];
	(pc) =	sbr.rel @p0 .LBB2_3-.Ltmp0, $4  }
0x96: {  	v15 =	vshrl.u32 v6, $0x10;
	v5 =	vand.u32 $0x7FFFFFFF, v5;
	v16 =	vsel vm2, $0x1, v2;
	(xrf0) =	vadd.scan.msk.s32 $0xffff, v7  }
0x97: {  	v18 =	vsel vm1, $0x1, v2;
	v11 =	vadd.s32 v4, v14;
	v7 =	vand.u32 $0x7FFFFFFF, v12;
	(xrf0) =	vadd.scan.msk.s32 $0xffff, v16  }
0x98: {  	vm0 =	veq.s32 v15, v3;
	v17 =	vshrl.u32 v5, $0x10;
	v16 =	vshrl.u32 v7, $0x10;
	v12 =	vld [tilespmem:s16+$0x30];
	(xrf0) =	vadd.scan.msk.s32 $0xffff, v18  }
0x99: {  	v14 =	vmpcnt.ones.xlane vm1;
	v15 =	vsel vm0, $0x1, v2  }
0x9a: {  	v13 =	vand.u32 $0x7FFFFFFF, v13  }
0x9b: {  	vm6 =	veq.s32 v16, v3;
	vm4 =	veq.s32 v17, v3;
	v55 =	vmpcnt.ones.xlane vm0  }
0x9c: {  	v56 =	vmpcnt.ones.xlane vm2;
	v53 =	vshrl.u32 v13, $0x10;
	v54 =	vsel vm6, $0x1, v2  }
0x9d: {  	s0 =	sadd.s32 s0, s30;
	v18 =	vmpcnt.ones.xlane vm6;
	v19 =	vsel vm4, $0x1, v2;
	v14 =	vadd.s32 v14, v11;
	v20, _, _ =	vpop (xrf0);
	(xrf0) =	vadd.scan.msk.s32 $0xffff, v15  }
0x9e: {  	v24 =	vmpcnt.ones.xlane vm4;
	v28 =	vor.u32 s0, v1;
	v4 =	vadd.s32 v20, v4;
	v21, _, _ =	vpop (xrf0)  }
0x9f: {  	vm5 =	veq.s32 v53, v3;
	v12 =	vand.u32 $0x7FFFFFFF, v12;
	(xrf0) =	vadd.scan.msk.s32 $0xffff, v54;
	v4 =	vadd.s32 $0xFFFFFFFF, v4;
	v58, _, _ =	vpop (xrf0)  }
0xa0: {  	v59 =	vsel vm5, $0x1, v2;
	vm7 =	vlt.s32 v4, $0x400;
	v11 =	vadd.s32 v11, v58  }
0xa1: {  	v57 =	vadd.s32 v14, v21;
	(xrf0) =	vadd.scan.msk.s32 $0xffff, v19;
	vm7 =	vmand vm3, vm7;
	v11 =	vadd.s32 $0xFFFFFFFF, v11  }
0xa2: {  	v60 =	vshrl.u32 v12, $0x10;
	v14 =	vadd.s32 v56, v14;
	vm8 =	vlt.s32 v11, $0x400  }
0xa3: {  	v16 =	vadd.s32 $0xFFFFFFFF, v57;
	vm3 =	veq.s32 v60, v3;
	v62, _, _ =	vpop (xrf0);
	(xrf0) =	vadd.scan.msk.s32 $0xffff, v59;
	vm8 =	vmand vm1, vm8  }
0xa4: {  	vm9 =	vlt.s32 v16, $0x400;
	v63 =	vsel vm3, $0x1, v2;
	v19 =	vadd.s32 v14, v62  }
0xa5: {  	vm1 =	vmand vm2, vm9;
	v22, _, _ =	vpop (xrf0);
	(xrf0) =	vadd.scan.msk.s32 $0xffff, v63;
	v14 =	vadd.s32 v55, v14;
	v25 =	vadd.s32 $0xFFFFFFFF, v19  }
0xa6: {  	s4 =	sadd.s32 $0x10, s0;
	v26 =	vadd.s32 v18, v14;
	v14 =	vadd.s32 v14, v22;
	vm2 =	vlt.s32 v25, $0x400  }
0xa7: {  	v30 =	vor.u32 s4, v1;
	v27, _, _ =	vpop (xrf0);
	[tilespmem:v4+s3+$0x0] =	vst.idx.msk vm7, v10;
	vm0 =	vmand vm0, vm2;
	v10 =	vadd.s32 $0xFFFFFFFF, v14  }
0xa8: {  	v61 =	vmpcnt.ones.xlane vm5;
	v17 =	vadd.s32 v26, v27;
	[tilespmem:v4+s23+$0x0] =	vst.idx.msk vm7, v28;
	vm2 =	vlt.s32 v10, $0x400  }
0xa9: {  	s19 =	sadd.s32 $0x20, s0;
	v29 =	vadd.s32 v24, v26;
	v4, _, _ =	vpop (xrf0);
	[tilespmem:v11+s3+$0x0] =	vst.idx.msk vm8, v9;
	vm2 =	vmand vm6, vm2;
	v9 =	vadd.s32 $0xFFFFFFFF, v17  }
0xaa: {  	v32 =	vor.u32 s19, v1;
	[tilespmem:v11+s23+$0x0] =	vst.idx.msk vm8, v30;
	vm12 =	vlt.s32 v9, $0x400;
	v4 =	vadd.s32 v29, v4  }
0xab: {  	v31 =	vadd.s32 v61, v29;
	v11, _, _ =	vpop (xrf0);
	[tilespmem:v16+s3+$0x0] =	vst.idx.msk vm1, v8;
	vm4 =	vmand vm4, vm12;
	v4 =	vadd.s32 $0xFFFFFFFF, v4  }
0xac: {  	s20 =	sadd.s32 $0x30, s0;
	v8 =	vadd.s32 v31, v11;
	[tilespmem:v16+s23+$0x0] =	vst.idx.msk vm1, v32;
	vm1 =	vlt.s32 v4, $0x400  }
0xad: {  	v11 =	vor.u32 s20, v1;
	[tilespmem:v25+s3+$0x0] =	vst.idx.msk vm0, v6;
	vm1 =	vmand vm5, vm1;
	v6 =	vadd.s32 $0xFFFFFFFF, v8  }
0xae: {  	s28 =	sadd.s32 $0x40, s0;
	[tilespmem:v25+s23+$0x0] =	vst.idx.msk vm0, v11;
	vm0 =	vlt.s32 v6, $0x400  }
0xaf: {  	v8 =	vor.u32 s28, v1;
	[tilespmem:v10+s3+$0x0] =	vst.idx.msk vm2, v7;
	vm0 =	vmand vm3, vm0  }
0xb0: {  	s6 =	sadd.s32 $0x50, s0;
	[tilespmem:v10+s23+$0x0] =	vst.idx.msk vm2, v8  }
0xb1: {  	v7 =	vor.u32 s6, v1;
	[tilespmem:v9+s3+$0x0] =	vst.idx.msk vm4, v5  }
0xb2: {  	s7 =	sadd.s32 $0x60, s0;
	[tilespmem:v9+s23+$0x0] =	vst.idx.msk vm4, v7  }
0xb3: {  	v5 =	vor.u32 s7, v1;
	[tilespmem:v4+s3+$0x0] =	vst.idx.msk vm1, v13  }
0xb4: {  	s0 =	sadd.s32 $0x70, s0;
	[tilespmem:v4+s23+$0x0] =	vst.idx.msk vm1, v5  }
0xb5: {  	v4 =	vor.u32 s0, v1;
	[tilespmem:v6+s3+$0x0] =	vst.idx.msk vm0, v12  }
0xb6: {  	p0 =	seq.s32 s31, $0x3;
	[tilespmem:v6+s23+$0x0] =	vst.idx.msk vm0, v4  }
0xb7: {  	s0 =	sadd.s32 @!p0 s1, s9;
	_ =	swait.ge [sflag:s24], $0x4000  }
0xb8: {  	s4 =	simm.s32 @!p0 $0x0;
	s0 =	sshrl.u32 @!p0 s0, $0x3;
	[sflag:s24] =	ssyncset.done $0x0  }
0xb9: {  	s6 =	simm.s32 @!p0 $0x880;
	s0 =	sadd.s32 @!p0 s2, s0;
	[sflag:s24] =	ssyncadd.s32 $0xFFFFC000  }
0xba: {  	[tilespmem:s6], [sflag:$0x1] =	stream.linear.gather @!p0 [hbm4b:s0+s4], $0x4000, $0x38;
	[tilespmem:$0x10880] =	vst v63  }
0xbb: {  	s0 =	simm.s32 $0x48C0  }
0xbc: {  	v4 =	vld [tilespmem:s0+$0xFFFFFFD0]  }
0xbd: {  	v5 =	vld [tilespmem:s0+$0xFFFFFFC0];
	_ =	sdelay $0x3  }
0xbe: {  	v6 =	vld [tilespmem:s0+$0xFFFFFFE0];
	v8 =	vand.u32 $0x7FFFFFFF, v4  }
0xbf: {  	v33 =	vld [tilespmem:s0+$0x10];
	v9 =	vand.u32 $0x7FFFFFFF, v5;
	v5 =	vshrl.u32 v8, $0x10  }
0xc0: {  	v7 =	vld [tilespmem:s0+$0xFFFFFFF0];
	v11 =	vshrl.u32 v9, $0x10;
	vm2 =	veq.s32 v5, v3  }
0xc1: {  	v10 =	vmpcnt.ones.xlane vm3;
	vm13 =	veq.s32 v11, v3;
	v11 =	vsel vm2, $0x1, v2  }
0xc2: {  	s4 =	sadd.s32 $0x0, s30;
	v35 =	vsel vm13, $0x1, v2;
	(xrf0) =	vadd.scan.msk.s32 $0xffff, v11  }
0xc3: {  	v10 =	vadd.s32 v10, v31;
	s12 =	sadd.s32 $0x4000, s4;
	(xrf0) =	vadd.scan.msk.s32 $0xffff, v35  }
0xc4: {  	v58 =	vor.u32 s12, v1;
	v4 =	vld [tilespmem:s0+$0x0];
	v6 =	vand.u32 $0x7FFFFFFF, v6;
	v12 =	vand.u32 $0x7FFFFFFF, v33  }
0xc5: {  	v7 =	vand.u32 $0x7FFFFFFF, v7;
	v34 =	vshrl.u32 v6, $0x10;
	v41 =	vshrl.u32 v12, $0x10  }
0xc6: {  	v5 =	vld [tilespmem:s0+$0x20];
	vm14 =	veq.s32 v34, v3;
	vm1 =	veq.s32 v41, v3;
	v36 =	vmpcnt.ones.xlane vm13  }
0xc7: {  	v38 =	vsel vm14, $0x1, v2;
	v43 =	vsel vm1, $0x1, v2;
	v11 =	vshrl.u32 v7, $0x10  }
0xc8: {  	v45 =	vmpcnt.ones.xlane vm2;
	v46 =	vmpcnt.ones.xlane vm14;
	vm3 =	veq.s32 v11, v3;
	(xrf0) =	vadd.scan.msk.s32 $0xffff, v38;
	v44, _, _ =	vpop (xrf0)  }
0xc9: {  	v11 =	vand.u32 $0x7FFFFFFF, v4;
	v13 =	vadd.s32 v10, v36;
	v40 =	vsel vm3, $0x1, v2;
	v47, _, _ =	vpop (xrf0)  }
0xca: {  	v39 =	vshrl.u32 v11, $0x10;
	v17 =	vadd.s32 v45, v13;
	(xrf0) =	vadd.scan.msk.s32 $0xffff, v40;
	v10 =	vadd.s32 v47, v10  }
0xcb: {  	v37 =	vld [tilespmem:s0+$0x30];
	v49 =	vmpcnt.ones.xlane vm3;
	v4 =	vand.u32 $0x7FFFFFFF, v5;
	v10 =	vadd.s32 $0xFFFFFFFF, v10  }
0xcc: {  	vm15 =	veq.s32 v39, v3;
	v13 =	vadd.s32 v13, v44;
	vm10 =	vlt.s32 v10, $0x400  }
0xcd: {  	v42 =	vsel vm15, $0x1, v2;
	v13 =	vadd.s32 $0xFFFFFFFF, v13;
	vm6 =	vmand vm13, vm10  }
0xce: {  	v14 =	vadd.s32 v46, v17;
	v5 =	vshrl.u32 v4, $0x10;
	(xrf0) =	vadd.scan.msk.s32 $0xffff, v42;
	v50, _, _ =	vpop (xrf0);
	vm11 =	vlt.s32 v13, $0x400  }
0xcf: {  	v18 =	vadd.s32 v49, v14;
	v16 =	vadd.s32 v17, v50;
	vm7 =	vmand vm2, vm11  }
0xd0: {  	vm0 =	veq.s32 v5, v3;
	v5 =	vand.u32 $0x7FFFFFFF, v37;
	(xrf0) =	vadd.scan.msk.s32 $0xffff, v43;
	v53, _, _ =	vpop (xrf0);
	v16 =	vadd.s32 $0xFFFFFFFF, v16  }
0xd1: {  	v48 =	vsel vm0, $0x1, v2;
	v14 =	vadd.s32 v14, v53;
	vm12 =	vlt.s32 v16, $0x400  }
0xd2: {  	v51 =	vshrl.u32 v5, $0x10;
	v14 =	vadd.s32 $0xFFFFFFFF, v14;
	vm5 =	vmand vm14, vm12  }
0xd3: {  	(xrf0) =	vadd.scan.msk.s32 $0xffff, v48;
	vm2 =	veq.s32 v51, v3;
	vm13 =	vlt.s32 v14, $0x400;
	[tilespmem:v10+s3+$0x0] =	vst.idx.msk vm6, v9  }
0xd4: {  	s16 =	sadd.s32 $0x4010, s4;
	v52 =	vmpcnt.ones.xlane vm15;
	v56 =	vsel vm2, $0x1, v2;
	v54, _, _ =	vpop (xrf0);
	vm3 =	vmand vm3, vm13;
	[tilespmem:v10+s23+$0x0] =	vst.idx.msk vm6, v58  }
0xd5: {  	s18 =	sadd.s32 $0x4020, s4;
	(xrf0) =	vadd.scan.msk.s32 $0xffff, v56;
	v55 =	vadd.s32 v18, v54;
	v10 =	vor.u32 s16, v1;
	[tilespmem:v13+s3+$0x0] =	vst.idx.msk vm7, v8  }
0xd6: {  	v18 =	vadd.s32 v52, v18;
	v57, _, _ =	vpop (xrf0);
	v9 =	vadd.s32 $0xFFFFFFFF, v55;
	[tilespmem:v13+s23+$0x0] =	vst.idx.msk vm7, v10;
	v10 =	vor.u32 s18, v1  }
0xd7: {  	v59 =	vadd.s32 v18, v57;
	vm14 =	vlt.s32 v9, $0x400;
	v8 =	vmpcnt.ones.xlane vm1  }
0xd8: {  	v60 =	vadd.s32 $0xFFFFFFFF, v59;
	vm4 =	vmand vm15, vm14;
	[tilespmem:v16+s3+$0x0] =	vst.idx.msk vm5, v6  }
0xd9: {  	vm15 =	vlt.s32 v60, $0x400;
	v6 =	vmpcnt.ones.xlane vm0;
	v8 =	vadd.s32 v8, v18;
	[tilespmem:v16+s23+$0x0] =	vst.idx.msk vm5, v10;
	v10, _, _ =	vpop (xrf0)  }
0xda: {  	vm6 =	vmand vm1, vm15;
	[tilespmem:v14+s3+$0x0] =	vst.idx.msk vm3, v7;
	v7 =	vadd.s32 v8, v10  }
0xdb: {  	s19 =	sadd.s32 $0x4030, s4;
	v6 =	vadd.s32 v6, v8;
	v62, _, _ =	vpop (xrf0);
	v8 =	vadd.s32 $0xFFFFFFFF, v7  }
0xdc: {  	v61 =	vor.u32 s19, v1;
	v7 =	vadd.s32 v6, v62;
	vm1 =	vlt.s32 v8, $0x400  }
0xdd: {  	s20 =	sadd.s32 $0x4040, s4;
	[tilespmem:v14+s23+$0x0] =	vst.idx.msk vm3, v61;
	v7 =	vadd.s32 $0xFFFFFFFF, v7;
	vm0 =	vmand vm0, vm1  }
0xde: {  	v63 =	vor.u32 s20, v1;
	v10 =	vmpcnt.ones.xlane vm2;
	[tilespmem:v9+s3+$0x0] =	vst.idx.msk vm4, v11;
	vm3 =	vlt.s32 v7, $0x400  }
0xdf: {  	s28 =	sadd.s32 $0x4050, s4;
	[tilespmem:v9+s23+$0x0] =	vst.idx.msk vm4, v63;
	vm1 =	vmand vm2, vm3  }
0xe0: {  	s7 =	sadd.s32 $0x4060, s4;
	v6 =	vadd.s32 v10, v6;
	v10 =	vor.u32 s28, v1;
	[tilespmem:v60+s3+$0x0] =	vst.idx.msk vm6, v12  }
0xe1: {  	s19 =	sadd.s32 $0x4070, s4;
	s16 =	simm.s32 $0x80;
	v9 =	vor.u32 s7, v1;
	[tilespmem:v60+s23+$0x0] =	vst.idx.msk vm6, v10  }
.LBB2_5:
0xe2: {  	p1 =	sne.s32 s16, $0x3F80  }
0xe3: {  	[tilespmem:v8+s3+$0x0] =	vst.idx.msk vm0, v4;
	s0 =	sadd.s32 $0x80, s0;
	s18 =	smov.u32 s16;
	s16 =	sadd.s32 $0x80, s16  }
0xe4: {  	[tilespmem:v8+s23+$0x0] =	vst.idx.msk vm0, v9  }
0xe5: {  	v4 =	vor.u32 s19, v1;
	[tilespmem:v7+s3+$0x0] =	vst.idx.msk vm1, v5  }
0xe6: {  	[tilespmem:v7+s23+$0x0] =	vst.idx.msk vm1, v4  }
0xe7: {  	v4 =	vld [tilespmem:s0+$0xFFFFFFC0]  }
0xe8: {  	v5 =	vld [tilespmem:s0+$0xFFFFFFD0]  }
0xe9: {  	v7 =	vld [tilespmem:s0+$0xFFFFFFF0]  }
0xea: {  	v8 =	vld [tilespmem:s0+$0xFFFFFFE0];
	_ =	sdelay $0x1  }
0xeb: {  	v9 =	vld [tilespmem:s0+$0x0]  }
0xec: {  	v10 =	vand.u32 $0x7FFFFFFF, v4;
	v11 =	vand.u32 $0x7FFFFFFF, v5;
	v4 =	vld [tilespmem:s0+$0x20]  }
0xed: {  	v5 =	vshrl.u32 v10, $0x10;
	v12 =	vshrl.u32 v11, $0x10;
	v7 =	vand.u32 $0x7FFFFFFF, v7;
	v13 =	vld [tilespmem:s0+$0x10]  }
0xee: {  	vm7 =	veq.s32 v5, v3;
	vm6 =	veq.s32 v12, v3;
	v8 =	vand.u32 $0x7FFFFFFF, v8  }
0xef: {  	v12 =	vsel vm7, $0x1, v2;
	v5 =	vshrl.u32 v8, $0x10;
	v14 =	vsel vm6, $0x1, v2  }
0xf0: {  	v15 =	vmpcnt.ones.xlane vm7;
	vm5 =	veq.s32 v5, v3;
	v5 =	vshrl.u32 v7, $0x10;
	(xrf0) =	vadd.scan.msk.s32 $0xffff, v14  }
0xf1: {  	v14 =	vand.u32 $0x7FFFFFFF, v9;
	vm3 =	veq.s32 v5, v3;
	v5 =	vld [tilespmem:s0+$0x30];
	v9 =	vsel vm5, $0x1, v2;
	(xrf0) =	vadd.scan.msk.s32 $0xffff, v12  }
0xf2: {  	v12 =	vshrl.u32 v14, $0x10;
	v13 =	vand.u32 $0x7FFFFFFF, v13;
	v16 =	vsel vm3, $0x1, v2;
	(xrf0) =	vadd.scan.msk.s32 $0xffff, v9  }
0xf3: {  	v4 =	vand.u32 $0x7FFFFFFF, v4;
	vm2 =	veq.s32 v12, v3;
	v9 =	vshrl.u32 v13, $0x10;
	(xrf0) =	vadd.scan.msk.s32 $0xffff, v16  }
0xf4: {  	v12 =	vsel vm2, $0x1, v2;
	vm1 =	veq.s32 v9, v3;
	v9 =	vshrl.u32 v4, $0x10  }
0xf5: {  	v16 =	vmpcnt.ones.xlane vm6;
	vm0 =	veq.s32 v9, v3;
	v9 =	vsel vm1, $0x1, v2;
	(xrf0) =	vadd.scan.msk.s32 $0xffff, v12  }
0xf6: {  	v15 =	vadd.s32 v6, v15;
	v12 =	vmpcnt.ones.xlane vm5;
	v5 =	vand.u32 $0x7FFFFFFF, v5;
	v17, _, _ =	vpop (xrf0);
	(xrf0) =	vadd.scan.msk.s32 $0xffff, v9  }
0xf7: {  	v16 =	vadd.s32 v16, v15;
	v9 =	vsel vm0, $0x1, v2;
	v15 =	vadd.s32 v15, v17;
	v17, _, _ =	vpop (xrf0)  }
0xf8: {  	v18 =	vmpcnt.ones.xlane vm3;
	v12 =	vadd.s32 v12, v16;
	v6 =	vadd.s32 v17, v6;
	v17, _, _ =	vpop (xrf0);
	(xrf0) =	vadd.scan.msk.s32 $0xffff, v9  }
0xf9: {  	v19 =	vmpcnt.ones.xlane vm1;
	v9 =	vshrl.u32 v5, $0x10;
	v6 =	vadd.s32 $0xFFFFFFFF, v6;
	v20, _, _ =	vpop (xrf0)  }
0xfa: {  	v21 =	vmpcnt.ones.xlane vm2;
	v18 =	vadd.s32 v18, v12;
	vm8 =	vlt.s32 v6, $0x400  }
0xfb: {  	vm4 =	veq.s32 v9, v3;
	v9 =	vadd.s32 $0xFFFFFFFF, v15;
	vm7 =	vmand vm7, vm8;
	v15, _, _ =	vpop (xrf0)  }
0xfc: {  	v16 =	vadd.s32 v16, v17;
	vm8 =	vlt.s32 v9, $0x400;
	v15 =	vadd.s32 v18, v15;
	v17, _, _ =	vpop (xrf0)  }
0xfd: {  	v16 =	vadd.s32 $0xFFFFFFFF, v16;
	v12 =	vadd.s32 v12, v20;
	vm6 =	vmand vm6, vm8  }
0xfe: {  	v20 =	vsel vm4, $0x1, v2;
	v18 =	vadd.s32 v21, v18;
	vm8 =	vlt.s32 v16, $0x400;
	v21, _, _ =	vpop (xrf0)  }
0xff: {  	s4 =	sadd.s32 s18, s30;
	v12 =	vadd.s32 $0xFFFFFFFF, v12;
	vm5 =	vmand vm5, vm8;
	v17 =	vadd.s32 v18, v17;
	(xrf0) =	vadd.scan.msk.s32 $0xffff, v20  }
0x100: {  	s6 =	sadd.s32 $0x4000, s4;
	s7 =	sadd.s32 $0x4010, s4;
	s12 =	sadd.s32 $0x4020, s4;
	v18 =	vadd.s32 v19, v18;
	vm8 =	vlt.s32 v12, $0x400  }
0x101: {  	s18 =	sadd.s32 $0x4040, s4;
	s20 =	sadd.s32 $0x4050, s4;
	v19 =	vor.u32 s6, v1;
	s6 =	sadd.s32 $0x4030, s4;
	vm3 =	vmand vm3, vm8;
	[tilespmem:v6+s3+$0x0] =	vst.idx.msk vm7, v10;
	v10 =	vadd.s32 $0xFFFFFFFF, v15  }
0x102: {  	s19 =	sadd.s32 $0x4070, s4;
	v15 =	vor.u32 s7, v1;
	s7 =	sadd.s32 $0x4060, s4;
	[tilespmem:v6+s23+$0x0] =	vst.idx.msk vm7, v19;
	vm7 =	vlt.s32 v10, $0x400;
	v6 =	vadd.s32 v18, v21  }
0x103: {  	v19 =	vmpcnt.ones.xlane vm0;
	[tilespmem:v9+s3+$0x0] =	vst.idx.msk vm6, v11;
	vm2 =	vmand vm2, vm7;
	v11 =	vadd.s32 $0xFFFFFFFF, v17  }
0x104: {  	v20 =	vmpcnt.ones.xlane vm4;
	v17 =	vor.u32 s12, v1;
	[tilespmem:v9+s23+$0x0] =	vst.idx.msk vm6, v15;
	vm6 =	vlt.s32 v11, $0x400  }
0x105: {  	v9 =	vadd.s32 v19, v18;
	[tilespmem:v16+s3+$0x0] =	vst.idx.msk vm5, v8;
	vm6 =	vmand vm1, vm6;
	v8 =	vadd.s32 $0xFFFFFFFF, v6;
	v6, _, _ =	vpop (xrf0)  }
0x106: {  	[tilespmem:v16+s23+$0x0] =	vst.idx.msk vm5, v17;
	vm1 =	vlt.s32 v8, $0x400;
	v15 =	vadd.s32 v9, v6;
	v6 =	vadd.s32 v20, v9  }
0x107: {  	v16 =	vor.u32 s6, v1;
	[tilespmem:v12+s3+$0x0] =	vst.idx.msk vm3, v7;
	vm0 =	vmand vm0, vm1;
	v7 =	vadd.s32 $0xFFFFFFFF, v15  }
.Ltmp1:
0x108: {  	v9 =	vor.u32 s7, v1;
	[tilespmem:v12+s23+$0x0] =	vst.idx.msk vm3, v16;
	vm1 =	vlt.s32 v7, $0x400;
	(pc) =	sbr.rel @p1 .LBB2_5-.Ltmp1, $4  }
0x109: {  	v12 =	vor.u32 s18, v1;
	[tilespmem:v10+s3+$0x0] =	vst.idx.msk vm2, v14;
	vm1 =	vmand vm4, vm1  }
0x10a: {  	[tilespmem:v10+s23+$0x0] =	vst.idx.msk vm2, v12  }
0x10b: {  	v10 =	vor.u32 s20, v1;
	[tilespmem:v11+s3+$0x0] =	vst.idx.msk vm6, v13  }
0x10c: {  	[tilespmem:v11+s23+$0x0] =	vst.idx.msk vm6, v10  }
0x10d: {  	_ =	sdelay $0x4  }
0x10e: {  	[tilespmem:v8+s3+$0x0] =	vst.idx.msk vm0, v4  }
0x10f: {  	[tilespmem:v8+s23+$0x0] =	vst.idx.msk vm0, v9  }
0x110: {  	v4 =	vor.u32 s19, v1;
	[tilespmem:v7+s3+$0x0] =	vst.idx.msk vm1, v5  }
0x111: {  	[tilespmem:v7+s23+$0x0] =	vst.idx.msk vm1, v4  }
0x112: {  	s0 =	sadd.s32 @!p0 s1, s10;
	_ =	swait.ge [sflag:s25], $0x4000  }
0x113: {  	s4 =	simm.s32 @!p0 $0x0;
	s0 =	sshrl.u32 @!p0 s0, $0x3;
	[sflag:s25] =	ssyncset.done $0x0  }
0x114: {  	s6 =	simm.s32 @!p0 $0x4880;
	s0 =	sadd.s32 @!p0 s2, s0;
	[sflag:s25] =	ssyncadd.s32 $0xFFFFC000  }
0x115: {  	[tilespmem:s6], [sflag:$0x2] =	stream.linear.gather @!p0 [hbm4b:s0+s4], $0x4000, $0x38;
	[tilespmem:$0x10880] =	vst v63  }
0x116: {  	s0 =	simm.s32 $0x88C0  }
0x117: {  	v4 =	vld [tilespmem:s0+$0xFFFFFFD0]  }
0x118: {  	v5 =	vld [tilespmem:s0+$0xFFFFFFC0];
	_ =	sdelay $0x2  }
0x119: {  	v7 =	vld [tilespmem:s0+$0xFFFFFFE0]  }
0x11a: {  	v12 =	vld [tilespmem:s0+$0x10];
	v9 =	vand.u32 $0x7FFFFFFF, v4  }
0x11b: {  	v10 =	vand.u32 $0x7FFFFFFF, v5;
	v5 =	vshrl.u32 v9, $0x10  }
0x11c: {  	v8 =	vld [tilespmem:s0+$0xFFFFFFF0];
	v11 =	vshrl.u32 v10, $0x10;
	vm2 =	veq.s32 v5, v3  }
0x11d: {  	vm6 =	veq.s32 v11, v3;
	v11 =	vsel vm2, $0x1, v2  }
0x11e: {  	s4 =	sadd.s32 $0x0, s30;
	v14 =	vsel vm6, $0x1, v2;
	(xrf0) =	vadd.scan.msk.s32 $0xffff, v11  }
0x11f: {  	s12 =	sadd.s32 $0x8000, s4;
	v4 =	vld [tilespmem:s0+$0x0];
	v7 =	vand.u32 $0x7FFFFFFF, v7;
	v12 =	vand.u32 $0x7FFFFFFF, v12;
	(xrf0) =	vadd.scan.msk.s32 $0xffff, v14  }
0x120: {  	v59 =	vor.u32 s12, v1;
	v13 =	vshrl.u32 v7, $0x10;
	v18 =	vshrl.u32 v12, $0x10  }
0x121: {  	v8 =	vand.u32 $0x7FFFFFFF, v8;
	v5 =	vld [tilespmem:s0+$0x20];
	vm5 =	veq.s32 v13, v3;
	vm1 =	veq.s32 v18, v3  }
0x122: {  	v43 =	vmpcnt.ones.xlane vm6;
	v15 =	vsel vm5, $0x1, v2;
	v46 =	vsel vm1, $0x1, v2  }
0x123: {  	v48 =	vmpcnt.ones.xlane vm2;
	v49 =	vmpcnt.ones.xlane vm5;
	v11 =	vshrl.u32 v8, $0x10  }
0x124: {  	vm3 =	veq.s32 v11, v3;
	v11 =	vand.u32 $0x7FFFFFFF, v4;
	v13 =	vadd.s32 v6, v43;
	(xrf0) =	vadd.scan.msk.s32 $0xffff, v15;
	v47, _, _ =	vpop (xrf0)  }
0x125: {  	v44 =	vld [tilespmem:s0+$0x30];
	v16 =	vshrl.u32 v11, $0x10;
	v17 =	vsel vm3, $0x1, v2;
	v51 =	vmpcnt.ones.xlane vm3;
	v19, _, _ =	vpop (xrf0)  }
0x126: {  	v4 =	vand.u32 $0x7FFFFFFF, v5;
	vm4 =	veq.s32 v16, v3;
	(xrf0) =	vadd.scan.msk.s32 $0xffff, v17;
	v6 =	vadd.s32 v19, v6  }
0x127: {  	v5 =	vshrl.u32 v4, $0x10;
	v45 =	vsel vm4, $0x1, v2;
	v6 =	vadd.s32 $0xFFFFFFFF, v6  }
0x128: {  	v17 =	vadd.s32 v48, v13;
	v13 =	vadd.s32 v13, v47;
	vm7 =	vlt.s32 v6, $0x400  }
0x129: {  	v20 =	vmpcnt.ones.xlane vm4;
	v13 =	vadd.s32 $0xFFFFFFFF, v13;
	vm6 =	vmand vm6, vm7  }
0x12a: {  	vm0 =	veq.s32 v5, v3;
	v5 =	vand.u32 $0x7FFFFFFF, v44;
	(xrf0) =	vadd.scan.msk.s32 $0xffff, v45;
	v52, _, _ =	vpop (xrf0);
	vm12 =	vlt.s32 v13, $0x400  }
0x12b: {  	v50 =	vsel vm0, $0x1, v2;
	v16 =	vadd.s32 v17, v52;
	vm7 =	vmand vm2, vm12  }
0x12c: {  	v53 =	vshrl.u32 v5, $0x10;
	v14 =	vadd.s32 v49, v17;
	(xrf0) =	vadd.scan.msk.s32 $0xffff, v46;
	v16 =	vadd.s32 $0xFFFFFFFF, v16;
	v54, _, _ =	vpop (xrf0)  }
0x12d: {  	v18 =	vadd.s32 v51, v14;
	vm8 =	vlt.s32 v16, $0x400;
	v14 =	vadd.s32 v14, v54  }
0x12e: {  	vm2 =	veq.s32 v53, v3;
	vm5 =	vmand vm5, vm8;
	v14 =	vadd.s32 $0xFFFFFFFF, v14  }
0x12f: {  	(xrf0) =	vadd.scan.msk.s32 $0xffff, v50;
	v57 =	vsel vm2, $0x1, v2;
	vm13 =	vlt.s32 v14, $0x400;
	[tilespmem:v6+s3+$0x0] =	vst.idx.msk vm6, v10  }
0x130: {  	s16 =	sadd.s32 $0x8010, s4;
	v55, _, _ =	vpop (xrf0);
	(xrf0) =	vadd.scan.msk.s32 $0xffff, v57;
	vm3 =	vmand vm3, vm13;
	[tilespmem:v6+s23+$0x0] =	vst.idx.msk vm6, v59  }
0x131: {  	s18 =	sadd.s32 $0x8020, s4;
	v56 =	vadd.s32 v18, v55;
	v18 =	vadd.s32 v20, v18;
	v6 =	vor.u32 s16, v1;
	[tilespmem:v13+s3+$0x0] =	vst.idx.msk vm7, v9  }
0x132: {  	v58, _, _ =	vpop (xrf0);
	v10 =	vadd.s32 $0xFFFFFFFF, v56;
	v9 =	vor.u32 s18, v1;
	[tilespmem:v13+s23+$0x0] =	vst.idx.msk vm7, v6;
	v6 =	vmpcnt.ones.xlane vm1  }
0x133: {  	v60 =	vadd.s32 v18, v58;
	vm14 =	vlt.s32 v10, $0x400  }
0x134: {  	v61 =	vadd.s32 $0xFFFFFFFF, v60;
	vm4 =	vmand vm4, vm14;
	[tilespmem:v16+s3+$0x0] =	vst.idx.msk vm5, v7;
	v6 =	vadd.s32 v6, v18  }
0x135: {  	vm15 =	vlt.s32 v61, $0x400;
	v7 =	vmpcnt.ones.xlane vm0;
	[tilespmem:v16+s23+$0x0] =	vst.idx.msk vm5, v9;
	v9, _, _ =	vpop (xrf0)  }
0x136: {  	vm6 =	vmand vm1, vm15;
	[tilespmem:v14+s3+$0x0] =	vst.idx.msk vm3, v8;
	v8 =	vadd.s32 v6, v9  }
0x137: {  	s19 =	sadd.s32 $0x8030, s4;
	v7 =	vadd.s32 v7, v6;
	v8 =	vadd.s32 $0xFFFFFFFF, v8;
	v6, _, _ =	vpop (xrf0)  }
0x138: {  	v62 =	vor.u32 s19, v1;
	vm1 =	vlt.s32 v8, $0x400;
	v6 =	vadd.s32 v7, v6  }
0x139: {  	s20 =	sadd.s32 $0x8040, s4;
	[tilespmem:v14+s23+$0x0] =	vst.idx.msk vm3, v62;
	vm0 =	vmand vm0, vm1;
	v6 =	vadd.s32 $0xFFFFFFFF, v6  }
0x13a: {  	v63 =	vor.u32 s20, v1;
	[tilespmem:v10+s3+$0x0] =	vst.idx.msk vm4, v11;
	vm3 =	vlt.s32 v6, $0x400  }
0x13b: {  	s28 =	sadd.s32 $0x8050, s4;
	v9 =	vmpcnt.ones.xlane vm2;
	[tilespmem:v10+s23+$0x0] =	vst.idx.msk vm4, v63;
	vm1 =	vmand vm2, vm3  }
0x13c: {  	s7 =	sadd.s32 $0x8060, s4;
	v10 =	vor.u32 s28, v1;
	[tilespmem:v61+s3+$0x0] =	vst.idx.msk vm6, v12  }
0x13d: {  	s19 =	sadd.s32 $0x8070, s4;
	s16 =	simm.s32 $0x80;
	v7 =	vadd.s32 v9, v7;
	v9 =	vor.u32 s7, v1;
	[tilespmem:v61+s23+$0x0] =	vst.idx.msk vm6, v10  }
.LBB2_7:
0x13e: {  	p1 =	sne.s32 s16, $0x3F80  }
0x13f: {  	[tilespmem:v8+s3+$0x0] =	vst.idx.msk vm0, v4;
	s0 =	sadd.s32 $0x80, s0;
	s18 =	smov.u32 s16;
	s16 =	sadd.s32 $0x80, s16  }
0x140: {  	[tilespmem:v8+s23+$0x0] =	vst.idx.msk vm0, v9  }
0x141: {  	v4 =	vor.u32 s19, v1;
	[tilespmem:v6+s3+$0x0] =	vst.idx.msk vm1, v5  }
0x142: {  	[tilespmem:v6+s23+$0x0] =	vst.idx.msk vm1, v4  }
0x143: {  	v4 =	vld [tilespmem:s0+$0xFFFFFFC0]  }
0x144: {  	v5 =	vld [tilespmem:s0+$0xFFFFFFD0]  }
0x145: {  	v6 =	vld [tilespmem:s0+$0xFFFFFFF0]  }
0x146: {  	v8 =	vld [tilespmem:s0+$0xFFFFFFE0];
	_ =	sdelay $0x1  }
0x147: {  	v9 =	vld [tilespmem:s0+$0x0]  }
0x148: {  	v10 =	vand.u32 $0x7FFFFFFF, v4;
	v11 =	vand.u32 $0x7FFFFFFF, v5;
	v4 =	vld [tilespmem:s0+$0x20]  }
0x149: {  	v5 =	vshrl.u32 v10, $0x10;
	v12 =	vshrl.u32 v11, $0x10;
	v6 =	vand.u32 $0x7FFFFFFF, v6;
	v13 =	vld [tilespmem:s0+$0x10]  }
0x14a: {  	vm7 =	veq.s32 v5, v3;
	vm6 =	veq.s32 v12, v3;
	v8 =	vand.u32 $0x7FFFFFFF, v8  }
0x14b: {  	v12 =	vsel vm7, $0x1, v2;
	v5 =	vshrl.u32 v8, $0x10;
	v14 =	vsel vm6, $0x1, v2  }
0x14c: {  	v15 =	vmpcnt.ones.xlane vm7;
	vm5 =	veq.s32 v5, v3;
	v5 =	vshrl.u32 v6, $0x10;
	(xrf0) =	vadd.scan.msk.s32 $0xffff, v14  }
0x14d: {  	v14 =	vand.u32 $0x7FFFFFFF, v9;
	vm3 =	veq.s32 v5, v3;
	v5 =	vld [tilespmem:s0+$0x30];
	v9 =	vsel vm5, $0x1, v2;
	(xrf0) =	vadd.scan.msk.s32 $0xffff, v12  }
0x14e: {  	v12 =	vshrl.u32 v14, $0x10;
	v13 =	vand.u32 $0x7FFFFFFF, v13;
	v16 =	vsel vm3, $0x1, v2;
	(xrf0) =	vadd.scan.msk.s32 $0xffff, v9  }
0x14f: {  	v4 =	vand.u32 $0x7FFFFFFF, v4;
	vm2 =	veq.s32 v12, v3;
	v9 =	vshrl.u32 v13, $0x10;
	(xrf0) =	vadd.scan.msk.s32 $0xffff, v16  }
0x150: {  	v12 =	vsel vm2, $0x1, v2;
	vm1 =	veq.s32 v9, v3;
	v9 =	vshrl.u32 v4, $0x10  }
0x151: {  	v16 =	vmpcnt.ones.xlane vm6;
	vm0 =	veq.s32 v9, v3;
	v9 =	vsel vm1, $0x1, v2;
	(xrf0) =	vadd.scan.msk.s32 $0xffff, v12  }
0x152: {  	v15 =	vadd.s32 v7, v15;
	v12 =	vmpcnt.ones.xlane vm5;
	v5 =	vand.u32 $0x7FFFFFFF, v5;
	v17, _, _ =	vpop (xrf0);
	(xrf0) =	vadd.scan.msk.s32 $0xffff, v9  }
0x153: {  	v16 =	vadd.s32 v16, v15;
	v9 =	vsel vm0, $0x1, v2;
	v15 =	vadd.s32 v15, v17;
	v17, _, _ =	vpop (xrf0)  }
0x154: {  	v18 =	vmpcnt.ones.xlane vm3;
	v12 =	vadd.s32 v12, v16;
	v7 =	vadd.s32 v17, v7;
	v17, _, _ =	vpop (xrf0);
	(xrf0) =	vadd.scan.msk.s32 $0xffff, v9  }
0x155: {  	v19 =	vmpcnt.ones.xlane vm1;
	v9 =	vshrl.u32 v5, $0x10;
	v7 =	vadd.s32 $0xFFFFFFFF, v7;
	v20, _, _ =	vpop (xrf0)  }
0x156: {  	v21 =	vmpcnt.ones.xlane vm2;
	v18 =	vadd.s32 v18, v12;
	vm8 =	vlt.s32 v7, $0x400  }
0x157: {  	vm4 =	veq.s32 v9, v3;
	v9 =	vadd.s32 $0xFFFFFFFF, v15;
	vm7 =	vmand vm7, vm8;
	v15, _, _ =	vpop (xrf0)  }
0x158: {  	v16 =	vadd.s32 v16, v17;
	vm8 =	vlt.s32 v9, $0x400;
	v15 =	vadd.s32 v18, v15;
	v17, _, _ =	vpop (xrf0)  }
0x159: {  	v16 =	vadd.s32 $0xFFFFFFFF, v16;
	v12 =	vadd.s32 v12, v20;
	vm6 =	vmand vm6, vm8  }
0x15a: {  	v20 =	vsel vm4, $0x1, v2;
	v18 =	vadd.s32 v21, v18;
	vm8 =	vlt.s32 v16, $0x400;
	v21, _, _ =	vpop (xrf0)  }
0x15b: {  	s4 =	sadd.s32 s18, s30;
	v12 =	vadd.s32 $0xFFFFFFFF, v12;
	vm5 =	vmand vm5, vm8;
	v17 =	vadd.s32 v18, v17;
	(xrf0) =	vadd.scan.msk.s32 $0xffff, v20  }
0x15c: {  	s6 =	sadd.s32 $0x8000, s4;
	s7 =	sadd.s32 $0x8010, s4;
	s12 =	sadd.s32 $0x8020, s4;
	v18 =	vadd.s32 v19, v18;
	vm8 =	vlt.s32 v12, $0x400  }
0x15d: {  	s18 =	sadd.s32 $0x8040, s4;
	s20 =	sadd.s32 $0x8050, s4;
	v19 =	vor.u32 s6, v1;
	s6 =	sadd.s32 $0x8030, s4;
	vm3 =	vmand vm3, vm8;
	[tilespmem:v7+s3+$0x0] =	vst.idx.msk vm7, v10;
	v10 =	vadd.s32 $0xFFFFFFFF, v15  }
0x15e: {  	s19 =	sadd.s32 $0x8070, s4;
	v15 =	vor.u32 s7, v1;
	s7 =	sadd.s32 $0x8060, s4;
	[tilespmem:v7+s23+$0x0] =	vst.idx.msk vm7, v19;
	vm7 =	vlt.s32 v10, $0x400;
	v7 =	vadd.s32 v18, v21  }
0x15f: {  	v19 =	vmpcnt.ones.xlane vm0;
	[tilespmem:v9+s3+$0x0] =	vst.idx.msk vm6, v11;
	vm2 =	vmand vm2, vm7;
	v11 =	vadd.s32 $0xFFFFFFFF, v17  }
0x160: {  	v20 =	vmpcnt.ones.xlane vm4;
	v17 =	vor.u32 s12, v1;
	[tilespmem:v9+s23+$0x0] =	vst.idx.msk vm6, v15;
	vm6 =	vlt.s32 v11, $0x400  }
0x161: {  	v9 =	vadd.s32 v19, v18;
	[tilespmem:v16+s3+$0x0] =	vst.idx.msk vm5, v8;
	vm6 =	vmand vm1, vm6;
	v8 =	vadd.s32 $0xFFFFFFFF, v7;
	v7, _, _ =	vpop (xrf0)  }
0x162: {  	[tilespmem:v16+s23+$0x0] =	vst.idx.msk vm5, v17;
	vm1 =	vlt.s32 v8, $0x400;
	v15 =	vadd.s32 v9, v7;
	v7 =	vadd.s32 v20, v9  }
0x163: {  	v16 =	vor.u32 s6, v1;
	[tilespmem:v12+s3+$0x0] =	vst.idx.msk vm3, v6;
	vm0 =	vmand vm0, vm1;
	v6 =	vadd.s32 $0xFFFFFFFF, v15  }
.Ltmp2:
0x164: {  	v9 =	vor.u32 s7, v1;
	[tilespmem:v12+s23+$0x0] =	vst.idx.msk vm3, v16;
	vm1 =	vlt.s32 v6, $0x400;
	(pc) =	sbr.rel @p1 .LBB2_7-.Ltmp2, $4  }
0x165: {  	v12 =	vor.u32 s18, v1;
	[tilespmem:v10+s3+$0x0] =	vst.idx.msk vm2, v14;
	vm1 =	vmand vm4, vm1  }
0x166: {  	[tilespmem:v10+s23+$0x0] =	vst.idx.msk vm2, v12  }
0x167: {  	v10 =	vor.u32 s20, v1;
	[tilespmem:v11+s3+$0x0] =	vst.idx.msk vm6, v13  }
0x168: {  	[tilespmem:v11+s23+$0x0] =	vst.idx.msk vm6, v10  }
0x169: {  	_ =	sdelay $0x4  }
0x16a: {  	[tilespmem:v8+s3+$0x0] =	vst.idx.msk vm0, v4  }
0x16b: {  	[tilespmem:v8+s23+$0x0] =	vst.idx.msk vm0, v9  }
0x16c: {  	v4 =	vor.u32 s19, v1;
	[tilespmem:v6+s3+$0x0] =	vst.idx.msk vm1, v5  }
0x16d: {  	[tilespmem:v6+s23+$0x0] =	vst.idx.msk vm1, v4  }
0x16e: {  	s0 =	sadd.s32 @!p0 s1, s11;
	_ =	swait.ge [sflag:s26], $0x4000  }
0x16f: {  	s1 =	simm.s32 @!p0 $0x0;
	s0 =	sshrl.u32 @!p0 s0, $0x3;
	[sflag:s26] =	ssyncset.done $0x0  }
0x170: {  	s4 =	simm.s32 @!p0 $0x8880;
	s0 =	sadd.s32 @!p0 s2, s0;
	[sflag:s26] =	ssyncadd.s32 $0xFFFFC000  }
0x171: {  	[tilespmem:s4], [sflag:$0x3] =	stream.linear.gather @!p0 [hbm4b:s0+s1], $0x4000, $0x38;
	[tilespmem:$0x10880] =	vst v63  }
0x172: {  	s0 =	simm.s32 $0xC8C0  }
0x173: {  	v4 =	vld [tilespmem:s0+$0xFFFFFFD0]  }
0x174: {  	v5 =	vld [tilespmem:s0+$0xFFFFFFC0];
	_ =	sdelay $0x1  }
0x175: {  	v6 =	vld [tilespmem:s0+$0xFFFFFFE0];
	_ =	sdelay $0x1  }
0x176: {  	v8 =	vld [tilespmem:s0+$0xFFFFFFF0];
	v4 =	vand.u32 $0x7FFFFFFF, v4  }
0x177: {  	v9 =	vld [tilespmem:s0+$0x0];
	v10 =	vand.u32 $0x7FFFFFFF, v5;
	v5 =	vshrl.u32 v4, $0x10  }
0x178: {  	v12 =	vld [tilespmem:s0+$0x10];
	v11 =	vshrl.u32 v10, $0x10;
	vm2 =	veq.s32 v5, v3  }
0x179: {  	vm6 =	veq.s32 v11, v3;
	v11 =	vand.u32 $0x7FFFFFFF, v6;
	v6 =	vsel vm2, $0x1, v2  }
0x17a: {  	s7 =	sadd.s32 $0x0, s30;
	v14 =	vsel vm6, $0x1, v2;
	(xrf0) =	vadd.scan.msk.s32 $0xffff, v6  }
0x17b: {  	s12 =	sadd.s32 $0xC000, s7;
	(xrf0) =	vadd.scan.msk.s32 $0xffff, v14  }
0x17c: {  	v59 =	vor.u32 s12, v1;
	v8 =	vand.u32 $0x7FFFFFFF, v8;
	v13 =	vshrl.u32 v11, $0x10  }
0x17d: {  	v9 =	vand.u32 $0x7FFFFFFF, v9;
	v12 =	vand.u32 $0x7FFFFFFF, v12;
	vm5 =	veq.s32 v13, v3  }
0x17e: {  	v15 =	vshrl.u32 v9, $0x10;
	v17 =	vshrl.u32 v12, $0x10;
	v45 =	vsel vm5, $0x1, v2  }
0x17f: {  	vm4 =	veq.s32 v15, v3;
	vm1 =	veq.s32 v17, v3;
	v44 =	vmpcnt.ones.xlane vm6;
	(xrf0) =	vadd.scan.msk.s32 $0xffff, v45  }
0x180: {  	v5 =	vld [tilespmem:s0+$0x20];
	v15 =	vsel vm4, $0x1, v2;
	v47 =	vsel vm1, $0x1, v2;
	v6 =	vshrl.u32 v8, $0x10;
	v48, _, _ =	vpop (xrf0)  }
0x181: {  	v49 =	vmpcnt.ones.xlane vm2;
	v20 =	vmpcnt.ones.xlane vm4;
	vm3 =	veq.s32 v6, v3;
	v19, _, _ =	vpop (xrf0)  }
0x182: {  	v13 =	vadd.s32 v7, v44;
	v16 =	vsel vm3, $0x1, v2;
	v7 =	vadd.s32 v19, v7  }
0x183: {  	v6 =	vld [tilespmem:s0+$0x30];
	v18 =	vmpcnt.ones.xlane vm5;
	v51 =	vmpcnt.ones.xlane vm3;
	(xrf0) =	vadd.scan.msk.s32 $0xffff, v16;
	v7 =	vadd.s32 $0xFFFFFFFF, v7  }
0x184: {  	v16 =	vadd.s32 v49, v13;
	v13 =	vadd.s32 v13, v48;
	vm7 =	vlt.s32 v7, $0x400  }
0x185: {  	v5 =	vand.u32 $0x7FFFFFFF, v5;
	(xrf0) =	vadd.scan.msk.s32 $0xffff, v15;
	v52, _, _ =	vpop (xrf0);
	v13 =	vadd.s32 $0xFFFFFFFF, v13;
	vm6 =	vmand vm6, vm7  }
0x186: {  	v46 =	vshrl.u32 v5, $0x10;
	vm12 =	vlt.s32 v13, $0x400;
	v14 =	vadd.s32 v16, v52  }
0x187: {  	vm0 =	veq.s32 v46, v3;
	(xrf0) =	vadd.scan.msk.s32 $0xffff, v47;
	v14 =	vadd.s32 $0xFFFFFFFF, v14;
	vm7 =	vmand vm2, vm12  }
0x188: {  	v6 =	vand.u32 $0x7FFFFFFF, v6;
	v50 =	vsel vm0, $0x1, v2;
	vm8 =	vlt.s32 v14, $0x400  }
0x189: {  	v18 =	vadd.s32 v18, v16;
	v53 =	vshrl.u32 v6, $0x10;
	v54, _, _ =	vpop (xrf0);
	vm5 =	vmand vm5, vm8  }
0x18a: {  	v17 =	vadd.s32 v51, v18;
	vm2 =	veq.s32 v53, v3;
	v16 =	vadd.s32 v18, v54  }
0x18b: {  	(xrf0) =	vadd.scan.msk.s32 $0xffff, v50;
	v57 =	vsel vm2, $0x1, v2;
	v55, _, _ =	vpop (xrf0);
	v16 =	vadd.s32 $0xFFFFFFFF, v16;
	[tilespmem:v7+s3+$0x0] =	vst.idx.msk vm6, v10  }
0x18c: {  	s16 =	sadd.s32 $0xC010, s7;
	(xrf0) =	vadd.scan.msk.s32 $0xffff, v57;
	v56 =	vadd.s32 v17, v55;
	vm13 =	vlt.s32 v16, $0x400;
	[tilespmem:v7+s23+$0x0] =	vst.idx.msk vm6, v59  }
0x18d: {  	s18 =	sadd.s32 $0xC020, s7;
	v17 =	vadd.s32 v20, v17;
	v58, _, _ =	vpop (xrf0);
	vm3 =	vmand vm3, vm13;
	v7 =	vor.u32 s16, v1;
	[tilespmem:v13+s3+$0x0] =	vst.idx.msk vm7, v4  }
0x18e: {  	v60 =	vadd.s32 v17, v58;
	v10 =	vadd.s32 $0xFFFFFFFF, v56;
	[tilespmem:v13+s23+$0x0] =	vst.idx.msk vm7, v7;
	v7 =	vor.u32 s18, v1  }
0x18f: {  	vm14 =	vlt.s32 v10, $0x400;
	v4 =	vmpcnt.ones.xlane vm1;
	[tilespmem:v14+s3+$0x0] =	vst.idx.msk vm5, v11;
	v11 =	vmpcnt.ones.xlane vm0  }
0x190: {  	v61 =	vadd.s32 $0xFFFFFFFF, v60;
	vm4 =	vmand vm4, vm14  }
0x191: {  	vm15 =	vlt.s32 v61, $0x400;
	v4 =	vadd.s32 v4, v17;
	[tilespmem:v14+s23+$0x0] =	vst.idx.msk vm5, v7;
	v7, _, _ =	vpop (xrf0)  }
0x192: {  	vm6 =	vmand vm1, vm15;
	v7 =	vadd.s32 v4, v7  }
0x193: {  	s19 =	sadd.s32 $0xC030, s7;
	[tilespmem:v16+s3+$0x0] =	vst.idx.msk vm3, v8;
	v4 =	vadd.s32 v11, v4;
	v11, _, _ =	vpop (xrf0);
	v8 =	vadd.s32 $0xFFFFFFFF, v7  }
0x194: {  	v62 =	vor.u32 s19, v1;
	v7 =	vadd.s32 v4, v11;
	vm1 =	vlt.s32 v8, $0x400  }
0x195: {  	s20 =	sadd.s32 $0xC040, s7;
	[tilespmem:v16+s23+$0x0] =	vst.idx.msk vm3, v62;
	v7 =	vadd.s32 $0xFFFFFFFF, v7;
	vm0 =	vmand vm0, vm1  }
0x196: {  	[tilespmem:v10+s3+$0x0] =	vst.idx.msk vm4, v9;
	v11 =	vor.u32 s20, v1;
	vm3 =	vlt.s32 v7, $0x400  }
0x197: {  	s28 =	sadd.s32 $0xC050, s7;
	v63 =	vmpcnt.ones.xlane vm2;
	[tilespmem:v10+s23+$0x0] =	vst.idx.msk vm4, v11;
	vm1 =	vmand vm2, vm3  }
0x198: {  	s6 =	sadd.s32 $0xC060, s7;
	v10 =	vor.u32 s28, v1;
	[tilespmem:v61+s3+$0x0] =	vst.idx.msk vm6, v12  }
0x199: {  	s1 =	simm.s32 $0x80;
	s18 =	sadd.s32 $0xC070, s7;
	v9 =	vor.u32 s6, v1;
	v4 =	vadd.s32 v63, v4;
	[tilespmem:v61+s23+$0x0] =	vst.idx.msk vm6, v10  }
.LBB2_9:
0x19a: {  	p0 =	sne.s32 s1, $0x3F80  }
0x19b: {  	[tilespmem:v8+s3+$0x0] =	vst.idx.msk vm0, v5;
	s0 =	sadd.s32 $0x80, s0;
	s16 =	smov.u32 s1;
	s1 =	sadd.s32 $0x80, s1  }
0x19c: {  	[tilespmem:v8+s23+$0x0] =	vst.idx.msk vm0, v9  }
0x19d: {  	v5 =	vor.u32 s18, v1;
	[tilespmem:v7+s3+$0x0] =	vst.idx.msk vm1, v6  }
0x19e: {  	[tilespmem:v7+s23+$0x0] =	vst.idx.msk vm1, v5  }
0x19f: {  	v5 =	vld [tilespmem:s0+$0xFFFFFFC0]  }
0x1a0: {  	v6 =	vld [tilespmem:s0+$0xFFFFFFD0]  }
0x1a1: {  	v7 =	vld [tilespmem:s0+$0xFFFFFFF0]  }
0x1a2: {  	v8 =	vld [tilespmem:s0+$0xFFFFFFE0];
	_ =	sdelay $0x1  }
0x1a3: {  	v9 =	vld [tilespmem:s0+$0x0]  }
0x1a4: {  	v10 =	vand.u32 $0x7FFFFFFF, v5;
	v11 =	vand.u32 $0x7FFFFFFF, v6;
	v5 =	vld [tilespmem:s0+$0x20]  }
0x1a5: {  	v6 =	vshrl.u32 v10, $0x10;
	v12 =	vshrl.u32 v11, $0x10;
	v7 =	vand.u32 $0x7FFFFFFF, v7;
	v13 =	vld [tilespmem:s0+$0x10]  }
0x1a6: {  	vm7 =	veq.s32 v6, v3;
	vm6 =	veq.s32 v12, v3;
	v8 =	vand.u32 $0x7FFFFFFF, v8  }
0x1a7: {  	v12 =	vsel vm7, $0x1, v2;
	v6 =	vshrl.u32 v8, $0x10;
	v14 =	vsel vm6, $0x1, v2  }
0x1a8: {  	v15 =	vmpcnt.ones.xlane vm7;
	vm5 =	veq.s32 v6, v3;
	v6 =	vshrl.u32 v7, $0x10;
	(xrf0) =	vadd.scan.msk.s32 $0xffff, v14  }
0x1a9: {  	v14 =	vand.u32 $0x7FFFFFFF, v9;
	vm3 =	veq.s32 v6, v3;
	v6 =	vld [tilespmem:s0+$0x30];
	v9 =	vsel vm5, $0x1, v2;
	(xrf0) =	vadd.scan.msk.s32 $0xffff, v12  }
0x1aa: {  	v12 =	vshrl.u32 v14, $0x10;
	v13 =	vand.u32 $0x7FFFFFFF, v13;
	v16 =	vsel vm3, $0x1, v2;
	(xrf0) =	vadd.scan.msk.s32 $0xffff, v9  }
0x1ab: {  	v5 =	vand.u32 $0x7FFFFFFF, v5;
	vm2 =	veq.s32 v12, v3;
	v9 =	vshrl.u32 v13, $0x10;
	(xrf0) =	vadd.scan.msk.s32 $0xffff, v16  }
0x1ac: {  	v12 =	vsel vm2, $0x1, v2;
	vm1 =	veq.s32 v9, v3;
	v9 =	vshrl.u32 v5, $0x10  }
0x1ad: {  	v16 =	vmpcnt.ones.xlane vm6;
	vm0 =	veq.s32 v9, v3;
	v9 =	vsel vm1, $0x1, v2;
	(xrf0) =	vadd.scan.msk.s32 $0xffff, v12  }
0x1ae: {  	v15 =	vadd.s32 v4, v15;
	v12 =	vmpcnt.ones.xlane vm5;
	v6 =	vand.u32 $0x7FFFFFFF, v6;
	v17, _, _ =	vpop (xrf0);
	(xrf0) =	vadd.scan.msk.s32 $0xffff, v9  }
0x1af: {  	v16 =	vadd.s32 v16, v15;
	v9 =	vsel vm0, $0x1, v2;
	v15 =	vadd.s32 v15, v17;
	v17, _, _ =	vpop (xrf0)  }
0x1b0: {  	v18 =	vmpcnt.ones.xlane vm3;
	v12 =	vadd.s32 v12, v16;
	v4 =	vadd.s32 v17, v4;
	v17, _, _ =	vpop (xrf0);
	(xrf0) =	vadd.scan.msk.s32 $0xffff, v9  }
0x1b1: {  	v19 =	vmpcnt.ones.xlane vm1;
	v9 =	vshrl.u32 v6, $0x10;
	v4 =	vadd.s32 $0xFFFFFFFF, v4;
	v20, _, _ =	vpop (xrf0)  }
0x1b2: {  	v21 =	vmpcnt.ones.xlane vm2;
	v18 =	vadd.s32 v18, v12;
	vm8 =	vlt.s32 v4, $0x400  }
0x1b3: {  	vm4 =	veq.s32 v9, v3;
	v9 =	vadd.s32 $0xFFFFFFFF, v15;
	vm7 =	vmand vm7, vm8;
	v15, _, _ =	vpop (xrf0)  }
0x1b4: {  	v16 =	vadd.s32 v16, v17;
	vm8 =	vlt.s32 v9, $0x400;
	v15 =	vadd.s32 v18, v15;
	v17, _, _ =	vpop (xrf0)  }
0x1b5: {  	v16 =	vadd.s32 $0xFFFFFFFF, v16;
	v12 =	vadd.s32 v12, v20;
	vm6 =	vmand vm6, vm8  }
0x1b6: {  	v20 =	vsel vm4, $0x1, v2;
	v18 =	vadd.s32 v21, v18;
	vm8 =	vlt.s32 v16, $0x400;
	v21, _, _ =	vpop (xrf0)  }
0x1b7: {  	s4 =	sadd.s32 s16, s30;
	v12 =	vadd.s32 $0xFFFFFFFF, v12;
	vm5 =	vmand vm5, vm8;
	v17 =	vadd.s32 v18, v17;
	(xrf0) =	vadd.scan.msk.s32 $0xffff, v20  }
0x1b8: {  	s6 =	sadd.s32 $0xC000, s4;
	s7 =	sadd.s32 $0xC010, s4;
	s12 =	sadd.s32 $0xC020, s4;
	v18 =	vadd.s32 v19, v18;
	vm8 =	vlt.s32 v12, $0x400  }
0x1b9: {  	s16 =	sadd.s32 $0xC040, s4;
	s19 =	sadd.s32 $0xC050, s4;
	v19 =	vor.u32 s6, v1;
	s6 =	sadd.s32 $0xC030, s4;
	vm3 =	vmand vm3, vm8;
	[tilespmem:v4+s3+$0x0] =	vst.idx.msk vm7, v10;
	v10 =	vadd.s32 $0xFFFFFFFF, v15  }
0x1ba: {  	s18 =	sadd.s32 $0xC070, s4;
	v15 =	vor.u32 s7, v1;
	s7 =	sadd.s32 $0xC060, s4;
	[tilespmem:v4+s23+$0x0] =	vst.idx.msk vm7, v19;
	vm7 =	vlt.s32 v10, $0x400;
	v4 =	vadd.s32 v18, v21  }
0x1bb: {  	v19 =	vmpcnt.ones.xlane vm0;
	[tilespmem:v9+s3+$0x0] =	vst.idx.msk vm6, v11;
	vm2 =	vmand vm2, vm7;
	v11 =	vadd.s32 $0xFFFFFFFF, v17  }
0x1bc: {  	v20 =	vmpcnt.ones.xlane vm4;
	v17 =	vor.u32 s12, v1;
	[tilespmem:v9+s23+$0x0] =	vst.idx.msk vm6, v15;
	vm6 =	vlt.s32 v11, $0x400  }
0x1bd: {  	v9 =	vadd.s32 v19, v18;
	[tilespmem:v16+s3+$0x0] =	vst.idx.msk vm5, v8;
	vm6 =	vmand vm1, vm6;
	v8 =	vadd.s32 $0xFFFFFFFF, v4;
	v4, _, _ =	vpop (xrf0)  }
0x1be: {  	[tilespmem:v16+s23+$0x0] =	vst.idx.msk vm5, v17;
	vm1 =	vlt.s32 v8, $0x400;
	v15 =	vadd.s32 v9, v4;
	v4 =	vadd.s32 v20, v9  }
0x1bf: {  	v16 =	vor.u32 s6, v1;
	[tilespmem:v12+s3+$0x0] =	vst.idx.msk vm3, v7;
	vm0 =	vmand vm0, vm1;
	v7 =	vadd.s32 $0xFFFFFFFF, v15  }
.Ltmp3:
0x1c0: {  	v9 =	vor.u32 s7, v1;
	[tilespmem:v12+s23+$0x0] =	vst.idx.msk vm3, v16;
	vm1 =	vlt.s32 v7, $0x400;
	(pc) =	sbr.rel @p0 .LBB2_9-.Ltmp3, $4  }
0x1c1: {  	v12 =	vor.u32 s16, v1;
	[tilespmem:v10+s3+$0x0] =	vst.idx.msk vm2, v14;
	vm1 =	vmand vm4, vm1  }
0x1c2: {  	[tilespmem:v10+s23+$0x0] =	vst.idx.msk vm2, v12  }
0x1c3: {  	v10 =	vor.u32 s19, v1;
	[tilespmem:v11+s3+$0x0] =	vst.idx.msk vm6, v13  }
0x1c4: {  	[tilespmem:v11+s23+$0x0] =	vst.idx.msk vm6, v10  }
0x1c5: {  	_ =	sdelay $0x1  }
0x1c6: {  	s31 =	sadd.s32 $0x1, s31  }
0x1c7: {  	p0 =	sne.s32 s31, $0x4  }
.Ltmp4:
0x1c8: {  	_ = 	snop;
	(pc) =	sbr.rel @p0 .LBB2_2-.Ltmp4, $4  }
0x1c9: {  	[tilespmem:v8+s3+$0x0] =	vst.idx.msk vm0, v5  }
0x1ca: {  	[tilespmem:v8+s23+$0x0] =	vst.idx.msk vm0, v9  }
0x1cb: {  	v5 =	vor.u32 s18, v1;
	[tilespmem:v7+s3+$0x0] =	vst.idx.msk vm1, v6  }
0x1cc: {  	s30 =	sadd.s32 $0x10000, s30;
	[tilespmem:v7+s23+$0x0] =	vst.idx.msk vm1, v5  }
0x1cd: {  	s0 =	rddreg [dreg:$0x6];
	s1 =	simm.s32 $0x80  }
0x1ce: {  	[hbm4b:s0+s1] =	stream.strided.scatter [tilespmem:s3], [sflag:$0x5], $0x400, s23, s1, $0x38;
	[tilespmem:$0x10880] =	vst v63  }
0x1cf: {  	s29 =	sadd.s32 $0x1, s29;
	_ =	swait.ge [sflag:s17], $0x400  }
0x1d0: {  	p0 =	sne.s32 s29, s14;
	[sflag:s17] =	ssyncset.done $0x0  }
.Ltmp5:
0x1d1: {  	[sflag:s17] =	ssyncadd.s32 $0xFFFFFC00;
	(pc) =	sbr.rel @p0 .LBB2_1-.Ltmp5, $4  }
0x1d2: {  	[hbm4b:s13+s1] =	stream.strided.scatter [tilespmem:s23], [sflag:$0x5], $0x400, s23, s1, $0x38;
	[tilespmem:$0x10880] =	vst v63  }
0x1d3: {  	_ =	swait.ge [sflag:s17], $0x400  }
0x1d4: {  	[sflag:s17] =	ssyncset.done $0x0  }
0x1d5: {  	[sflag:s17] =	ssyncadd.s32 $0xFFFFFC00  }
0x1d6: {  	_ =	sfence.sel $0x180000  }
0x1d7: {  	[bflag:$0x0] =	sbarrier.arrive $0xFFFF  }
0x1d8: {  	_ =	strace $0x9000004D  }
0x1d9: {  	s0 =	stileid.u32;
	[bflag:$0x2] =	sbarrier.arrive $0xFFFF  }
0x1da: {  	p0 =	sne.s32 s0, $0x0;
	s0 =	rddreg [dreg:$0x2]  }
0x1db: {  	s0 =	sadd.s32 @!p0 $0x100000, s0  }
0x1dc: {  	[sflag:s0] =	ssyncadd.tile.s32 @!p0 $0x1;
	_ =	shalt  }
.Lfunc_end2:
_tile_overlayer_lowered:
.L_overlay_start_2:
0x1dd: {  	(tag) =	ssettag $0x2  }
0x1de: {  	s0 =	rddreg [dreg:$0x0];
	s2 =	stileid.u32  }
0x1df: {  	s1 =	rddreg [dreg:$0x1];
	p0 =	sne.s32 s2, $0x0  }
0x1e0: {  	s3 =	rddreg [dreg:$0x2];
	[bflag:$0x3] =	sbarrier.arrive $0xFFFF;
	s2 =	simm.s32 @!p0 $0x1C05  }
0x1e1: {  	[timem:s3], [sflag:s2] =	dma.local @!p0 [hbm:s0], s1  }
0x1e2: {  	s0 =	simm.s32 @!p0 $0x5  }
0x1e3: {  	_ =	swait.ge @!p0 [sflag:s0], s1  }
0x1e4: {  	s1 =	ssub.s32 @!p0 $0x0, s1;
	[sflag:s0] =	ssyncset.done @!p0 $0x0  }
0x1e5: {  	[sflag:s0] =	ssyncadd.s32 @!p0 s1  }
0x1e6: {  	[bflag:$0x3] =	sbarrier.arrive $0xFFFF  }
0x1e7: {  	_ =	shalt  }

// kernel: sparse-core-data-format-call.cloned.1.call-start
scs
called_computation_lowered:
.L_overlay_start_0:
0x0: {  	s2 =	sld [smem:$0x3FD9]  }
0x1: {  	s3 =	sld [smem:$0x3FFE];
	_ =	sdelay $0x1  }
0x2: {  	s1 =	srdreg.scid  }
0x3: {  	s0 =	sand.u32 $0x1, s1  }
0x4: {  	s19 =	sshll.u32 s0, $0xA;
	s2 =	sadd.s32 s3, s2  }
0x5: {  	s2 =	sadd.s32 s2, s19  }
0x6: {  	[smem:$0x3FC7] =	sst s2  }
0x7: {  	_ = 	snop  }
0x8: {  	s2 =	sld [smem:$0x3FC9]  }
0x9: {  	s20 =	sld [smem:$0x3FD0];
	(tm) =	ssettm $0x1  }
0xa: {  	s4 =	sld [smem:$0x3FFB];
	_ =	sdelay $0x3  }
0xb: {  	_ =	strace s4  }
0xc: {  	s4 =	sld [smem:$0x3FFC];
	_ =	sdelay $0x3  }
0xd: {  	_ =	strace s4  }
0xe: {  	s4 =	sld [smem:$0x3FFD];
	_ =	sdelay $0x3  }
0xf: {  	_ =	strace s4  }
0x10: {  	_ =	strace $0x8FFFFFFF  }
0x11: {  	s21 =	sld [smem:$0x3FDB];
	_ =	sdelay $0x1  }
0x12: {  	s5 =	simm.s32 $_scs_section_size  }
0x13: {  	s6 =	simm.s32 $_size__tile_overlayer_lowered;
	s7 =	simm.s32 $_tile_overlayer_lowered  }
0x14: {  	s24 =	simm.s32 $0x1BFF;
	s23 =	sshll.u32 s7, $0x1;
	s4 =	sadd.s32 s5, s21  }
0x15: {  	s8 =	simm.s32 $0x0;
	s22 =	sshll.u32 s6, $0x1;
	s6 =	sadd.s32 s23, s4  }
0x16: {  	[timem:s8], [sflag:s24] =	dma.local [hbm:s6], s22  }
0x17: {  	_ =	swait.ge [sflag:s24], s22  }
0x18: {  	s5 =	ssub.s32 $0x0, s22;
	[sflag:s24] =	ssyncset.done $0x0  }
0x19: {  	[sflag:s24] =	ssyncadd.s32 s5;
	_ =	sdelay $0x1  }
0x1a: {  	s25 =	simm.s32 $0x1B8B  }
0x1b: {  	_ =	swait.ge [sflag:s25], $0x1  }
0x1c: {  	[sflag:s25] =	ssyncset.done $0x0  }
0x1d: {  	s26 =	simm.s32 $0x1B8E;
	[sflag:s25] =	ssyncadd.s32 $0xFFFFFFFF  }
0x1e: {  	s27 =	simm.s32 $execute0_lowered;
	[smem:$0x3FD2] =	sst s26  }
0x1f: {  	s5 =	sshll.u32 s27, $0x1;
	_ =	strace $0x80000046;
	[dreg:$0x1] =	wrdreg $0xFFFFFFFF  }
0x20: {  	s28 =	simm.s32 $_size_execute0_lowered;
	s4 =	sadd.s32 s4, s5;
	[dreg:$0x0] =	wrdreg $0x0  }
0x21: {  	s5 =	sshll.u32 s28, $0x1;
	[dreg:$0x2] =	wrdreg s4  }
0x22: {  	[dreg:$0x3] =	wrdreg s5  }
0x23: {  	[dreg:$0x4] =	wrdreg $0xC0  }
0x24: {  	_ =	task [dreg:s8], $0x5FFFF  }
0x25: {  	[dreg:$0x1] =	wrdreg $0xFFFFFFFF  }
0x26: {  	[dreg:$0x0] =	wrdreg $0x60  }
0x27: {  	[dreg:$0x2] =	wrdreg s2  }
0x28: {  	[dreg:$0x3] =	wrdreg s20  }
0x29: {  	[dreg:$0x4] =	wrdreg $0x9  }
0x2a: {  	_ =	task.clear_ibuf [dreg:s8], $0x5FFFF;
	_ =	strace $0x90000046  }
0x2b: {  	s29 =	simm.s32 $0x9;
	_ =	strace $0x80000048  }
0x2c: {  	_ =	swait.ge [sflag:s29], $0x1  }
0x2d: {  	[sflag:s29] =	ssyncadd.s32 $0xFFFFFFFF  }
0x2e: {  	_ =	strace $0x90000048  }
0x2f: {  	_ =	sfence  }
0x30: {  	s30 =	sld [smem:$0x0];
	_ =	sdelay $0x2  }
0x31: {  	s31 =	sshll.u32 s1, $0xD;
	s1 =	sshrl.u32 s1, $0x2  }
0x32: {  	s3 =	sand.u32 $0x4000, s31;
	s1 =	sadd.s32 s1, s30  }
0x33: {  	s0 =	sor.u32 s3, s0;
	s1 =	sshll.u32 s1, $0x11  }
0x34: {  	s0 =	sor.u32 s1, s0  }
0x35: {  	s0 =	sadd.s32 $0x8F2B, s0  }
0x36: {  	[sflag:s0] =	ssyncadd.remote.s32 $0x1  }
0x37: {  	_ =	sfence.sel $0xFFFF  }
0x38: {  	[dreg:$0x0] =	wrdreg $0xFFFFFFFF;
	(pc) =	sbr.abs _section_cstart, $3  }
0x39: {  	[dreg:$0x1] =	wrdreg $0xFFFFFFFF  }
0x3a: {  	_ =	task.clear_ibuf [dreg:s8], $0x2FFFF;
	_ =	strace $0x9FFFFFFF  }
0x3b: {  	(tm) =	ssettm $0x7FFFFFFF  }
tec
execute0_lowered:
.L_overlay_start_1:
0x0: {  	(tag) =	ssettag $0x1  }
0x1: {  	s2 =	rddreg [dreg:$0x0]  }
0x2: {  	s3 =	rddreg [dreg:$0x1]  }
0x3: {  	s0 =	rddreg [dreg:$0x2];
	s4 =	srdreg.scid  }
.Ltmp0:
0x4: {  	_ =	strace $0x80000047;
	s1 =	stileid.u32;
	(pc) =	sbr.rel .LBB1_1-.Ltmp0, $4  }
0x5: {  	s6 =	simm.s32 $0x2;
	p0 =	por $0x0, $0x0;
	s5 =	sshll.u32 s4, $0x4  }
0x6: {  	s9 =	simm.s32 $0x0;
	s4 =	simm.s32 $0x1;
	s5 =	sand.u32 $0x10, s5  }
0x7: {  	s7 =	simm.s32 $0x0;
	[sflag:s4] =	ssyncpa.u1 $0x0;
	s5 =	sor.u32 s1, s5  }
0x8: {  	[sflag:s6] =	ssyncpa.u1 $0x0;
	s6 =	simm.s32 $0x0;
	s8 =	smov.u32 s5  }
.LBB1_7:
0x9: {  	s11 =	sadd.s32 $0x20, s8  }
0xa: {  	p1 =	slt.u32 s7, $0x2;
	s7 =	sadd.s32 $0x1, s7;
	p2 =	sgt.s32 s11, $0x1FF  }
0xb: {  	s11 =	smov.u32 @p2 s5;
	p2 =	sne.s32 s7, $0x12  }
.Ltmp1:
0xc: {  	_ = 	snop;
	(pc) =	sbr.rel @!p2 .LBB1_8-.Ltmp1, $4  }
0xd: {  	s10 =	simm.s32 @!p1 $0x2  }
0xe: {  	_ =	swait.ge @!p1 [sflag:s10], $0x4000  }
0xf: {  	s9 =	smov.u32 s8;
	[sflag:s10] =	ssyncset.done @!p1 $0x0  }
0x10: {  	p0 =	por !p0, !p0;
	s8 =	smov.u32 s11;
	[sflag:s10] =	ssyncadd.s32 @!p1 $0xFFFFC000  }
.LBB1_1:
0x11: {  	p1 =	sgt.u32 s7, $0xF  }
0x12: {  	s10 =	sxor.u32 @!p1 $0xFFFFFFFF, s7  }
0x13: {  	s11 =	sshll.u32 @!p1 s8, $0xB;
	s10 =	sshll.u32 @!p1 s10, $0xE  }
0x14: {  	s12 =	simm.s32 @!p1 $0x0;
	s11 =	sadd.s32 @!p1 s2, s11;
	s10 =	sand.u32 @!p1 $0x4000, s10  }
0x15: {  	[tilespmem:s10], [sflag:$0x1] =	stream.linear.gather @!p1 [hbm4b:s11+s12], $0x4000, $0x38;
	[tilespmem:$0x10000] =	vst v63  }
0x16: {  	p1 =	seq.s32 s7, $0x0  }
0x17: {  	p2 =	seq.s32 @!p1 s7, $0x11  }
0x18: {  	p1 =	por p1, p2  }
.Ltmp2:
0x19: {  	_ = 	snop;
	(pc) =	sbr.rel @p1 .LBB1_7-.Ltmp2, $1  }
0x1a: {  	_ =	sdelay $0x3  }
0x1b: {  	s10 =	simm.s32 $0x1;
	_ =	swait.ge [sflag:s4], $0x4000;
	s12 =	sshll.u32 s7, $0xE  }
0x1c: {  	s13 =	simm.s32 $0x0;
	s10 =	simm.s32 @!p0 $0x0;
	[sflag:s4] =	ssyncset.done $0x0  }
0x1d: {  	s12 =	sand.u32 $0x4000, s12;
	s11 =	sshll.u32 s10, $0xE;
	[sflag:s4] =	ssyncadd.s32 $0xFFFFC000  }
0x1e: {  	s12 =	sor.u32 $0x8000, s12;
	s10 =	sor.u32 $0x8040, s11;
	s11 =	sor.u32 $0x40, s11  }
.LBB1_3:
0x1f: {  	v0 =	vmov s11;
	_ =	sdelay $0x3  }
0x20: {  	s15 =	simm.s32 $0x0  }
0x21: {  	v6 =	vld.idx.msk [tilespmem:v0+s15+$0x30 ss:$0x1], $0xffff  }
0x22: {  	v7 =	vld.idx.msk [tilespmem:v0+s15+$0xFFFFFFC0 ss:$0x1], $0xffff  }
0x23: {  	v5 =	vld.idx.msk [tilespmem:v0+s15+$0xFFFFFFD0 ss:$0x1], $0xffff  }
0x24: {  	v4 =	vld.idx.msk [tilespmem:v0+s15+$0xFFFFFFE0 ss:$0x1], $0xffff  }
0x25: {  	v3 =	vld.idx.msk [tilespmem:v0+s15+$0xFFFFFFF0 ss:$0x1], $0xffff  }
0x26: {  	v1 =	vld.idx.msk [tilespmem:v0+s15+$0x0 ss:$0x1], $0xffff  }
0x27: {  	v2 =	vld.idx.msk [tilespmem:v0+s15+$0x10 ss:$0x1], $0xffff;
	[tilespmem:s10+$0x30] =	vst v6  }
0x28: {  	s14 =	simm.s32 $0x80;
	s16 =	simm.s32 $0x400;
	[tilespmem:s10+$0xFFFFFFC0] =	vst v7;
	v6 =	vld.idx.msk [tilespmem:v0+s15+$0x20 ss:$0x1], $0xffff;
	s15 =	smov.u32 s10  }
.LBB1_4:
0x29: {  	p1 =	sne.s32 s16, $0xE00;
	v7 =	vld.idx.msk [tilespmem:v0+s14+$0x30 ss:$0x1], $0xffff;
	[tilespmem:s15+$0xFFFFFFD0] =	vst v5  }
0x2a: {  	v8 =	vld.idx.msk [tilespmem:v0+s14+$0xFFFFFFC0 ss:$0x1], $0xffff;
	[tilespmem:s15+$0xFFFFFFE0] =	vst v4  }
0x2b: {  	v5 =	vld.idx.msk [tilespmem:v0+s14+$0xFFFFFFD0 ss:$0x1], $0xffff;
	[tilespmem:s15+$0xFFFFFFF0] =	vst v3  }
.Ltmp3:
0x2c: {  	v4 =	vld.idx.msk [tilespmem:v0+s14+$0xFFFFFFE0 ss:$0x1], $0xffff;
	[tilespmem:s15+$0x0] =	vst v1;
	(pc) =	sbr.rel @p1 .LBB1_4-.Ltmp3, $4  }
0x2d: {  	v3 =	vld.idx.msk [tilespmem:v0+s14+$0xFFFFFFF0 ss:$0x1], $0xffff;
	[tilespmem:s15+$0x10] =	vst v2  }
0x2e: {  	v1 =	vld.idx.msk [tilespmem:v0+s14+$0x0 ss:$0x1], $0xffff;
	[tilespmem:s15+$0x20] =	vst v6;
	s15 =	sadd.s32 $0x800, s15  }
0x2f: {  	v2 =	vld.idx.msk [tilespmem:v0+s14+$0x10 ss:$0x1], $0xffff;
	[tilespmem:s15+$0x30] =	vst v7  }
0x30: {  	[tilespmem:s15+$0xFFFFFFC0] =	vst v8;
	v6 =	vld.idx.msk [tilespmem:v0+s14+$0x20 ss:$0x1], $0xffff;
	s14 =	sshra.s32 s16, $0x2;
	s16 =	sadd.s32 $0x200, s16  }
0x31: {  	_ =	sdelay $0x2  }
0x32: {  	[tilespmem:s15+$0xFFFFFFD0] =	vst v5  }
0x33: {  	v56 =	vld.idx.msk [tilespmem:v0+s14+$0x30 ss:$0x1], $0xffff;
	[tilespmem:s15+$0xFFFFFFE0] =	vst v4  }
0x34: {  	v57 =	vld.idx.msk [tilespmem:v0+s14+$0xFFFFFFC0 ss:$0x1], $0xffff;
	[tilespmem:s15+$0xFFFFFFF0] =	vst v3  }
0x35: {  	v58 =	vld.idx.msk [tilespmem:v0+s14+$0xFFFFFFD0 ss:$0x1], $0xffff;
	[tilespmem:s15+$0x0] =	vst v1  }
0x36: {  	v59 =	vld.idx.msk [tilespmem:v0+s14+$0xFFFFFFE0 ss:$0x1], $0xffff;
	[tilespmem:s15+$0x10] =	vst v2  }
0x37: {  	v60 =	vld.idx.msk [tilespmem:v0+s14+$0xFFFFFFF0 ss:$0x1], $0xffff;
	s31 =	sadd.s32 $0x800, s15;
	[tilespmem:s15+$0x20] =	vst v6  }
0x38: {  	v61 =	vld.idx.msk [tilespmem:v0+s14+$0x0 ss:$0x1], $0xffff;
	[tilespmem:s31+$0x30] =	vst v56  }
0x39: {  	v62 =	vld.idx.msk [tilespmem:v0+s14+$0x10 ss:$0x1], $0xffff;
	s13 =	sadd.s32 $0x1, s13;
	[tilespmem:s31+$0xFFFFFFC0] =	vst v57  }
0x3a: {  	v63 =	vld.idx.msk [tilespmem:v0+s14+$0x20 ss:$0x1], $0xffff;
	p1 =	sne.s32 s13, $0x10;
	[tilespmem:s31+$0xFFFFFFD0] =	vst v58  }
.Ltmp4:
0x3b: {  	[tilespmem:s31+$0xFFFFFFE0] =	vst v59;
	(pc) =	sbr.rel @p1 .LBB1_3-.Ltmp4, $4  }
0x3c: {  	[tilespmem:s31+$0xFFFFFFF0] =	vst v60  }
0x3d: {  	[tilespmem:s31+$0x0] =	vst v61  }
0x3e: {  	[tilespmem:s31+$0x10] =	vst v62  }
0x3f: {  	s10 =	sadd.s32 $0x80, s10;
	s11 =	sadd.s32 $0x400, s11;
	[tilespmem:s31+$0x20] =	vst v63  }
.Ltmp5:
0x40: {  	(pc) =	sbr.rel .LBB1_7-.Ltmp5, $4  }
0x41: {  	_ = 	snop  }
0x42: {  	s9 =	sshll.u32 s9, $0xB  }
0x43: {  	s9 =	sadd.s32 s3, s9  }
0x44: {  	[hbm4b:s9+s6] =	stream.linear.scatter [tilespmem:s12], [sflag:$0x2], $0x4000, $0x38;
	[tilespmem:$0x10000] =	vst v63  }
.LBB1_8:
0x45: {  	_ =	sfence.sel $0x180000  }
0x46: {  	s2 =	simm.s32 $0x1;
	[bflag:$0x0] =	sbarrier.arrive $0xFFFF  }
0x47: {  	s31 =	simm.s32 $0x2;
	[sflag:s2] =	ssyncpa.u1 $0x1  }
0x48: {  	[sflag:s31] =	ssyncpa.u1 $0x1  }
0x49: {  	p0 =	sne.s32 s1, $0x0;
	_ =	strace $0x90000047  }
0x4a: {  	s0 =	sadd.s32 @!p0 $0x100000, s0;
	[bflag:$0x2] =	sbarrier.arrive $0xFFFF  }
0x4b: {  	[sflag:s0] =	ssyncadd.tile.s32 @!p0 $0x1;
	_ =	shalt  }
.Lfunc_end1:
_tile_overlayer_lowered:
.L_overlay_start_2:
0x4c: {  	(tag) =	ssettag $0x2  }
0x4d: {  	s0 =	rddreg [dreg:$0x0];
	s2 =	stileid.u32  }
0x4e: {  	s1 =	rddreg [dreg:$0x1];
	p0 =	sne.s32 s2, $0x0  }
0x4f: {  	s3 =	rddreg [dreg:$0x2];
	[bflag:$0x3] =	sbarrier.arrive $0xFFFF;
	s2 =	simm.s32 @!p0 $0x1C01  }
0x50: {  	[timem:s3], [sflag:s2] =	dma.local @!p0 [hbm:s0], s1  }
0x51: {  	s0 =	simm.s32 @!p0 $0x1  }
0x52: {  	_ =	swait.ge @!p0 [sflag:s0], s1  }
0x53: {  	s1 =	ssub.s32 @!p0 $0x0, s1;
	[sflag:s0] =	ssyncset.done @!p0 $0x0  }
0x54: {  	[sflag:s0] =	ssyncadd.s32 @!p0 s1  }
0x55: {  	[bflag:$0x3] =	sbarrier.arrive $0xFFFF  }
0x56: {  	_ =	shalt  }

</sc_bundles>
